<compile_context>
chip_gen: v7x
topology: tpu7x:2x2x1
jax: 0.10.2.dev20260603
libtpu: 0.0.44.dev20260713+nightly
codegen_flags: <defaults>
</compile_context>

<pallas_src>
import jax
import jax.numpy as jnp
from jax import lax
from jax.experimental import pallas as pl
from jax.experimental.pallas import tpu as pltpu
from jax.experimental.pallas import tpu_sc as plsc

N = 10000
E = 160000
D = 256
H = 8
C = 32
HD = 128
NC = 2
NS = 16
L = 16
NW = NC * NS
NP = 10240

CH = 128
EW2 = E // NW
NF2 = EW2 // CH
T2 = EW2 - NF2 * CH

CH3 = 96
EW3 = E // NS
NF3 = EW3 // CH3
T3 = EW3 - NF3 * CH3


def _dg(v, idx):
    return v.at[idx].get(mode="promise_in_bounds")


def _mm1_body(x_ref, w_ref, o_ref):
    o_ref[...] = jnp.dot(x_ref[...], w_ref[0],
                         preferred_element_type=jnp.float32)


def _project_xlc(x, Wst):
    BN = 2000
    return pl.pallas_call(
        _mm1_body,
        grid=(2, N // BN),
        in_specs=[
            pl.BlockSpec((BN, D), lambda j, i: (i, 0)),
            pl.BlockSpec((1, D, HD), lambda j, i: (j, 0, 0)),
        ],
        out_specs=pl.BlockSpec((BN, HD), lambda j, i: (j * (N // BN) + i, 0)),
        out_shape=jax.ShapeDtypeStruct((2 * N, HD), jnp.float32),
    )(x, Wst)


def _mm2_body(x_ref, w_ref, o_ref):
    o_ref[...] = jnp.dot(x_ref[...], w_ref[...],
                         preferred_element_type=jnp.float32)


def _project_xr(x, Wr):
    BN = 2000
    return pl.pallas_call(
        _mm2_body,
        grid=(N // BN,),
        in_specs=[
            pl.BlockSpec((BN, D), lambda i: (i, 0)),
            pl.BlockSpec((D, D), lambda i: (0, 0)),
        ],
        out_specs=pl.BlockSpec((BN, D), lambda i: (i, 0)),
        out_shape=jax.ShapeDtypeStruct((N, D), jnp.float32),
    )(x, Wr)


def _k2_body(xlc, xr, src, srcN, dst, ea, attw, wew,
             alpha_o, pmax_o,
             src_v, srcN_v, dst_v, src_t, srcN_t, dst_t,
             g0, g1, gr, att_v, we_v, al_vm, pm_vm, ea_vm):
    cid = lax.axis_index("c")
    sid = lax.axis_index("s")
    wid = sid * NC + cid
    wbase = wid * EW2

    pltpu.sync_copy(attw, att_v)
    pltpu.sync_copy(wew, we_v)
    attv = [att_v[pl.ds(L * k, L)] for k in range(16)]
    wev = [we_v[pl.ds(L * k, L)] for k in range(16)]

    lane = lax.iota(jnp.int32, L)
    ix8 = lane ^ 8
    ix4 = lane ^ 4
    ix2 = lane ^ 2
    ix1 = lane ^ 1
    lo8 = lane < 8
    m4 = (lane & 4) == 0
    ixm4 = lane & 11
    ixf = ((lane & 1) << 3) | ((lane & 2) << 1)

    def chunk(base, n, idxs, idxsN, idxd, mvec):
        pltpu.sync_copy(src.at[pl.ds(base, n)], idxs)
        pltpu.sync_copy(srcN.at[pl.ds(base, n)], idxsN)
        pltpu.sync_copy(dst.at[pl.ds(base, n)], idxd)
        pltpu.sync_copy(ea.at[pl.ds(base, n)], ea_vm.at[pl.ds(0, n)])
        pltpu.sync_copy(xlc.at[idxs], g0.at[pl.ds(0, n)])
        pltpu.sync_copy(xlc.at[idxsN], g1.at[pl.ds(0, n)])
        pltpu.sync_copy(xr.at[idxd], gr.at[pl.ds(0, n)])

        def edge_body(i, mvec_c):
            eav = _dg(ea_vm[pl.ds(i & ~15, L)],
                      jnp.broadcast_to(i & 15, (L,)))
            accs = []
            for h in range(H):
                acc = None
                for k in (2 * h, 2 * h + 1):
                    if k < 8:
                        gj = g0[i, pl.ds(L * k, L)]
                    else:
                        gj = g1[i, pl.ds(L * (k - 8), L)]
                    z = gj + gr[i, pl.ds(L * k, L)] + eav * wev[k]
                    a = jnp.maximum(z, 0.2 * z)
                    t = a * attv[k]
                    acc = t if acc is None else acc + t
                accs.append(acc)
            s = [a + _dg(a, ix8) for a in accs]
            t = [jnp.where(lo8, s[2 * j], s[2 * j + 1]) for j in range(4)]
            t = [a + _dg(a, ix4) for a in t]
            u0 = jnp.where(m4, t[0], _dg(t[1], ixm4))
            u1 = jnp.where(m4, t[2], _dg(t[3], ixm4))
            u0 = u0 + _dg(u0, ix2)
            u1 = u1 + _dg(u1, ix2)
            u0 = u0 + _dg(u0, ix1)
            u1 = u1 + _dg(u1, ix1)
            r = jnp.where(m4, _dg(u0, ixf), _dg(u1, ixf))
            al_vm[pl.ds(i * H, L)] = r
            return jnp.maximum(mvec_c, r)

        mvec = lax.fori_loop(0, n, edge_body, mvec)
        pltpu.sync_copy(al_vm.at[pl.ds(0, n * H)],
                        alpha_o.at[pl.ds(base * H, n * H)])
        return mvec

    mvec = jnp.full((L,), -1e30, jnp.float32)
    mvec = lax.fori_loop(
        0, NF2,
        lambda ci, m: chunk(wbase + ci * CH, CH, src_v, srcN_v, dst_v, m),
        mvec)
    mvec = chunk(wbase + NF2 * CH, T2, src_t, srcN_t, dst_t, mvec)

    pm_vm[pl.ds(0, L)] = mvec
    pltpu.sync_copy(pm_vm, pmax_o.at[pl.ds(wid * L, L)])


def _scores(xlc, xr, src, srcN, dst, eaf, attf, wef):
    mesh = plsc.VectorSubcoreMesh(core_axis_name="c", subcore_axis_name="s")
    return pl.kernel(
        _k2_body,
        out_type=[
            jax.ShapeDtypeStruct((E * H,), jnp.float32),
            jax.ShapeDtypeStruct((NW * L,), jnp.float32),
        ],
        mesh=mesh,
        scratch_types=[
            pltpu.VMEM((CH,), jnp.int32),
            pltpu.VMEM((CH,), jnp.int32),
            pltpu.VMEM((CH,), jnp.int32),
            pltpu.VMEM((T2,), jnp.int32),
            pltpu.VMEM((T2,), jnp.int32),
            pltpu.VMEM((T2,), jnp.int32),
            pltpu.VMEM((CH, HD), jnp.float32),
            pltpu.VMEM((CH, HD), jnp.float32),
            pltpu.VMEM((CH, D), jnp.float32),
            pltpu.VMEM((D,), jnp.float32),
            pltpu.VMEM((D,), jnp.float32),
            pltpu.VMEM(((CH + 1) * H,), jnp.float32),
            pltpu.VMEM((L,), jnp.float32),
            pltpu.VMEM((CH,), jnp.float32),
        ],
    )(xlc, xr, src, srcN, dst, eaf, attf, wef)


def _k3_body(xlc, src2, dst, alpha, pmax,
             num, den,
             src_v, dst_v, src_t, dst_t,
             gx, al_vm, ns, dstg, pm_v,
             numacc, denacc):
    cid = lax.axis_index("c")
    sid = lax.axis_index("s")

    zv = jnp.zeros((L,), jnp.float32)
    for r in range(80):
        for kk in range(HD // L):
            gx[r, pl.ds(L * kk, L)] = zv
        dstg[r] = zv

    def acc_pieces(body):
        for p in range(8):
            r0 = pl.multiple_of((sid * 8 + p) * 80, 8)
            body(r0)

    def init_piece(r0):
        pltpu.sync_copy(gx.at[pl.ds(0, 80)], numacc.at[pl.ds(r0, 80)])
        pltpu.sync_copy(dstg.at[pl.ds(0, 80)], denacc.at[pl.ds(r0, 80)])

    acc_pieces(init_piece)

    plsc.subcore_barrier()

    pltpu.sync_copy(pmax, pm_v)
    v = pm_v[pl.ds(0, L)]
    for j in range(1, NW):
        v = jnp.maximum(v, pm_v[pl.ds(L * j, L)])
    lane = lax.iota(jnp.int32, L)
    kvec = _dg(v, lane & 7)

    h0 = 4 * cid
    lo8 = lane < 8
    idx_hi8 = (lane & 7) + 8

    def chunk(base, n, idxs, idxd):
        pltpu.sync_copy(
            src2.at[pl.ds(pl.multiple_of(cid * E + base, 8), n)], idxs)
        pltpu.sync_copy(dst.at[pl.ds(base, n)], idxd)
        pltpu.sync_copy(xlc.at[idxs], gx.at[pl.ds(0, n)])
        pltpu.sync_copy(alpha.at[pl.ds(base * H, n * H)],
                        al_vm.at[pl.ds(0, n * H)])

        def pair_body(j, _):
            av = al_vm[pl.ds(L * j, L)]
            exv = jnp.exp(av - kvec)
            ia = 2 * j
            ib = 2 * j + 1
            dstg[ia] = jnp.where(lo8, exv, 0.0)
            dstg[ib] = jnp.where(lo8, _dg(exv, idx_hi8), 0.0)
            for ie, off in ((ia, 0), (ib, 8)):
                for hl in range(4):
                    idxv = jnp.broadcast_to(off + h0 + hl, (L,))
                    sp = _dg(exv, idxv)
                    for kk in (2 * hl, 2 * hl + 1):
                        ns[ie, pl.ds(L * kk, L)] = (
                            gx[ie, pl.ds(L * kk, L)] * sp)
            return 0

        lax.fori_loop(0, n // 2, pair_body, 0)
        pltpu.sync_copy(ns.at[pl.ds(0, n)], numacc.at[idxd], add=True)
        pltpu.sync_copy(dstg.at[pl.ds(0, n)], denacc.at[idxd], add=True)

    base0 = sid * EW3
    lax.fori_loop(0, NF3, lambda ci, _: (chunk(base0 + ci * CH3, CH3,
                                               src_v, dst_v), 0)[1], 0)
    chunk(base0 + NF3 * CH3, T3, src_t, dst_t)

    plsc.subcore_barrier()

    def out_piece(r0):
        ro = pl.multiple_of(cid * NP + r0, 8)
        pltpu.sync_copy(numacc.at[pl.ds(r0, 80)], gx.at[pl.ds(0, 80)])
        pltpu.sync_copy(gx.at[pl.ds(0, 80)], num.at[pl.ds(ro, 80)])
        pltpu.sync_copy(denacc.at[pl.ds(r0, 80)], dstg.at[pl.ds(0, 80)])
        pltpu.sync_copy(dstg.at[pl.ds(0, 80)], den.at[pl.ds(ro, 80)])

    acc_pieces(out_piece)


def _aggregate(xlc, src2, dst, alpha, pmax):
    mesh = plsc.VectorSubcoreMesh(core_axis_name="c", subcore_axis_name="s")
    return pl.kernel(
        _k3_body,
        out_type=[
            jax.ShapeDtypeStruct((NC * NP, HD), jnp.float32),
            jax.ShapeDtypeStruct((NC * NP, L), jnp.float32),
        ],
        mesh=mesh,
        scratch_types=[
            pltpu.VMEM((CH3,), jnp.int32),
            pltpu.VMEM((CH3,), jnp.int32),
            pltpu.VMEM((T3,), jnp.int32),
            pltpu.VMEM((T3,), jnp.int32),
            pltpu.VMEM((CH3, HD), jnp.float32),
            pltpu.VMEM((CH3 * H,), jnp.float32),
            pltpu.VMEM((CH3, HD), jnp.float32),
            pltpu.VMEM((CH3, L), jnp.float32),
            pltpu.VMEM((NW * L,), jnp.float32),
            pltpu.VMEM_SHARED((NP, HD), jnp.float32),
            pltpu.VMEM_SHARED((NP, L), jnp.float32),
        ],
    )(xlc, src2, dst, alpha, pmax)



def _ew_body(al_ref, pm_ref, o_ref):
    K = jnp.max(pm_ref[...][:, :H], axis=0)
    o_ref[...] = jnp.exp(al_ref[...] - K[None, :])


def _edge_weights(alpha, pmax):
    BE = 16000
    return pl.pallas_call(
        _ew_body,
        grid=(E // BE,),
        in_specs=[
            pl.BlockSpec((BE, H), lambda i: (i, 0)),
            pl.BlockSpec((NW, L), lambda i: (0, 0)),
        ],
        out_specs=pl.BlockSpec((BE, H), lambda i: (i, 0)),
        out_shape=jax.ShapeDtypeStruct((E, H), jnp.float32),
    )(alpha.reshape(E, H), pmax.reshape(NW, L))


def _ln_body(n0, n1, d_ref, x_ref, b_ref, g_ref, be_ref, o_ref):
    num = jnp.concatenate([n0[...], n1[...]], axis=1)
    den = d_ref[...][:, :H]
    dcol = jnp.repeat(den, C, axis=1)
    g = num / (dcol + 1e-16) + b_ref[...] + x_ref[...]
    mu = jnp.mean(g, axis=1, keepdims=True)
    var = jnp.mean((g - mu) ** 2, axis=1, keepdims=True)
    o_ref[...] = (g - mu) * lax.rsqrt(var + 1e-5) * g_ref[...] + be_ref[...]


def _finalize(num0, num1, den0, x, bias, gamma, beta):
    BN = 2000
    return pl.pallas_call(
        _ln_body,
        grid=(N // BN,),
        in_specs=[
            pl.BlockSpec((BN, HD), lambda i: (i, 0)),
            pl.BlockSpec((BN, HD), lambda i: (i, 0)),
            pl.BlockSpec((BN, L), lambda i: (i, 0)),
            pl.BlockSpec((BN, D), lambda i: (i, 0)),
            pl.BlockSpec((1, D), lambda i: (0, 0)),
            pl.BlockSpec((1, D), lambda i: (0, 0)),
            pl.BlockSpec((1, D), lambda i: (0, 0)),
        ],
        out_specs=pl.BlockSpec((BN, D), lambda i: (i, 0)),
        out_shape=jax.ShapeDtypeStruct((N, D), jnp.float32),
    )(num0, num1, den0, x, bias, gamma, beta)


def kernel(x, edge_index, edge_attr, Wl, Wr, We, att, bias, ln_gamma, ln_beta):
    src = edge_index[0]
    dst = edge_index[1]
    srcN = src + N
    src2 = jnp.concatenate([src, srcN])
    eaf = edge_attr.reshape(E)
    attf = att.reshape(H * C)
    wef = We.reshape(D)
    Wst = jnp.stack([Wl[:, :HD], Wl[:, HD:]])

    xlc = _project_xlc(x, Wst)
    xr = _project_xr(x, Wr)
    alpha, pmax = _scores(xlc, xr, src, srcN, dst, eaf, attf, wef)
    ex = _edge_weights(alpha, pmax)
    wcol = jnp.repeat(ex, C, axis=1)
    xlj = jnp.concatenate([xlc[:N], xlc[N:]], axis=1)
    num = jax.ops.segment_sum(xlj[src] * wcol, dst, num_segments=N)
    den = jax.ops.segment_sum(ex, dst, num_segments=N)
    den16 = jnp.pad(den, ((0, 0), (0, 8)))
    return _finalize(num[:, :HD], num[:, HD:], den16, x,
                     bias.reshape(1, D), ln_gamma.reshape(1, D),
                     ln_beta.reshape(1, D))

# --- scband reference (transcript-rebuilt; emitter-appended) ---
"""Pipeline reference for scband-enhanced-graph-attention-layer-81784767250591 (READ-ONLY COPY).

The authoritative reference and input builder live on the scoring server;
editing this copy changes nothing except your own understanding.
"""

import jax, jax.numpy as jnp
import numpy as np

N = 10000
E = 160000
D = 256
H = 8
C = D // H


def setup_inputs(seed: int = 0) -> dict:
    key = jax.random.key(seed)
    ks = jax.random.split(key, 10)
    x = jax.random.normal(ks[0], (N, D), dtype=jnp.float32)
    edge_index = jax.random.randint(ks[1], (2, E), 0, N, dtype=jnp.int32)
    edge_attr = jax.random.normal(ks[2], (E, 1), dtype=jnp.float32)
    Wl = jax.random.normal(ks[3], (D, D), dtype=jnp.float32) * (1.0 / np.sqrt(D))
    Wr = jax.random.normal(ks[4], (D, D), dtype=jnp.float32) * (1.0 / np.sqrt(D))
    We = jax.random.normal(ks[5], (1, D), dtype=jnp.float32)
    att = jax.random.normal(ks[6], (H, C), dtype=jnp.float32) * (1.0 / np.sqrt(C))
    bias = jnp.zeros((D,), dtype=jnp.float32)
    ln_gamma = jnp.ones((D,), dtype=jnp.float32)
    ln_beta = jnp.zeros((D,), dtype=jnp.float32)
    return {"x": x, "edge_index": edge_index, "edge_attr": edge_attr, "Wl": Wl, "Wr": Wr, "We": We, "att": att, "bias": bias, "ln_gamma": ln_gamma, "ln_beta": ln_beta}


def _gatv2(x, edge_index, edge_attr, Wl, Wr, We, att, bias):
    # GATv2Conv (PyG semantics): lin_l for source/messages, lin_r for target,
    # alpha = att . leaky_relu(x_i + x_j + lin_edge(edge_attr)), softmax over dst.
    src = edge_index[0]
    dst = edge_index[1]
    xl = (x @ Wl).reshape(N, H, C)
    xr = (x @ Wr).reshape(N, H, C)
    xj = jnp.take(xl, src, axis=0)            # [E, H, C] source (message) features
    xi = jnp.take(xr, dst, axis=0)            # [E, H, C] target features
    xe = (edge_attr @ We).reshape(E, H, C)    # [E, H, C] edge features
    e = jax.nn.leaky_relu(xi + xj + xe, negative_slope=0.2)
    alpha = jnp.sum(e * att[None, :, :], axis=-1)  # [E, H]
    # softmax over edges sharing the same destination node
    amax = jax.ops.segment_max(alpha, dst, num_segments=N)  # [N, H]
    amax = jax.lax.stop_gradient(amax)
    ex = jnp.exp(alpha - jnp.take(amax, dst, axis=0))
    denom = jax.ops.segment_sum(ex, dst, num_segments=N)    # [N, H]
    w = ex / (jnp.take(denom, dst, axis=0) + 1e-16)         # [E, H]
    out = jax.ops.segment_sum(xj * w[:, :, None], dst, num_segments=N)  # [N, H, C]
    return out.reshape(N, H * C) + bias


def _layernorm(x, gamma, beta, eps=1e-5):
    mu = jnp.mean(x, axis=-1, keepdims=True)
    var = jnp.mean((x - mu) ** 2, axis=-1, keepdims=True)
    return (x - mu) / jnp.sqrt(var + eps) * gamma + beta


def reference(x, edge_index, edge_attr, Wl, Wr, We, att, bias, ln_gamma, ln_beta):
    # eval mode: dropout / attention_dropout / edge_dropout are identity
    identity = x  # in_dim == out_dim -> proj is None
    h = _gatv2(x, edge_index, edge_attr, Wl, Wr, We, att, bias)
    h = h + identity
    return _layernorm(h, ln_gamma, ln_beta)

if __name__ == "__main__":
    import jax
    _d = setup_inputs()
    print(jax.jit(kernel)(*tuple(_d.values())))

</pallas_src>

<mosaic_0001>
#map = affine_map<(d0, d1) -> (0, 0)>
#map1 = affine_map<(d0, d1) -> (0)>
module attributes {stable_mosaic.version = 14 : i64} {
  func.func @_k2_body(%arg0: i32, %arg1: i32, %arg2: memref<20000x128xf32, #tpu.memory_space<hbm>>, %arg3: memref<10000x256xf32, #tpu.memory_space<hbm>>, %arg4: memref<160000xi32, #tpu.memory_space<hbm>>, %arg5: memref<160000xi32, #tpu.memory_space<hbm>>, %arg6: memref<160000xi32, #tpu.memory_space<hbm>>, %arg7: memref<160000xf32, #tpu.memory_space<hbm>>, %arg8: memref<256xf32, #tpu.memory_space<hbm>>, %arg9: memref<256xf32, #tpu.memory_space<hbm>>, %arg10: memref<1280000xf32, #tpu.memory_space<hbm>>, %arg11: memref<512xf32, #tpu.memory_space<hbm>>, %arg12: memref<128xi32, #tpu.memory_space<vmem>>, %arg13: memref<128xi32, #tpu.memory_space<vmem>>, %arg14: memref<128xi32, #tpu.memory_space<vmem>>, %arg15: memref<8xi32, #tpu.memory_space<vmem>>, %arg16: memref<8xi32, #tpu.memory_space<vmem>>, %arg17: memref<8xi32, #tpu.memory_space<vmem>>, %arg18: memref<128x128xf32, #tpu.memory_space<vmem>>, %arg19: memref<128x128xf32, #tpu.memory_space<vmem>>, %arg20: memref<128x256xf32, #tpu.memory_space<vmem>>, %arg21: memref<256xf32, #tpu.memory_space<vmem>>, %arg22: memref<256xf32, #tpu.memory_space<vmem>>, %arg23: memref<1032xf32, #tpu.memory_space<vmem>>, %arg24: memref<16xf32, #tpu.memory_space<vmem>>, %arg25: memref<128xf32, #tpu.memory_space<vmem>>) attributes {dimension_semantics = [#tpu.dimension_semantics<core_parallel>, #tpu.dimension_semantics<subcore_parallel>], iteration_bounds = array<i64: 2, 16>, scalar_prefetch = 0 : i64, scratch_operands = 14 : i64, tpu.core_type = #tpu.core_type<sc_vector_subcore>, window_params = [{transform_indices = #map}, {transform_indices = #map}, {transform_indices = #map1}, {transform_indices = #map1}, {transform_indices = #map1}, {transform_indices = #map1}, {transform_indices = #map1}, {transform_indices = #map1}, {transform_indices = #map1}, {transform_indices = #map1}]} {
    %mul3A = arith.constant 2 : i32
    %mul3A_0 = arith.muli %arg1, %mul3A : i32
    %add3A = arith.addi %mul3A_0, %arg0 : i32
    %mul3A_1 = arith.constant 5000 : i32
    %mul3A_2 = arith.muli %add3A, %mul3A_1 : i32
    "tpu.region"() ({
      %run_scoped3A = tpu.sem_alloc : memref<!tpu.dma_semaphore, #tpu.memory_space<semaphore_mem>>
      tpu.enqueue_dma source(%arg8 : memref<256xf32, #tpu.memory_space<hbm>>) target(%arg21 : memref<256xf32, #tpu.memory_space<vmem>>) target_semaphore(%run_scoped3A : memref<!tpu.dma_semaphore, #tpu.memory_space<semaphore_mem>>)
      tpu.wait_dma2 semaphore(%run_scoped3A : memref<!tpu.dma_semaphore, #tpu.memory_space<semaphore_mem>>) src(%arg8 : memref<256xf32, #tpu.memory_space<hbm>>) dst(%arg21 : memref<256xf32, #tpu.memory_space<vmem>>)
      tpu.yield
    }) : () -> ()
    "tpu.region"() ({
      %run_scoped3A = tpu.sem_alloc : memref<!tpu.dma_semaphore, #tpu.memory_space<semaphore_mem>>
      tpu.enqueue_dma source(%arg9 : memref<256xf32, #tpu.memory_space<hbm>>) target(%arg22 : memref<256xf32, #tpu.memory_space<vmem>>) target_semaphore(%run_scoped3A : memref<!tpu.dma_semaphore, #tpu.memory_space<semaphore_mem>>)
      tpu.wait_dma2 semaphore(%run_scoped3A : memref<!tpu.dma_semaphore, #tpu.memory_space<semaphore_mem>>) src(%arg9 : memref<256xf32, #tpu.memory_space<hbm>>) dst(%arg22 : memref<256xf32, #tpu.memory_space<vmem>>)
      tpu.yield
    }) : () -> ()
    %get3A = arith.constant 0 : index
    %get3A_3 = tpu.vector_load %arg21[%get3A] {strides = array<i32>} : memref<256xf32, #tpu.memory_space<vmem>>, vector<16xf32>,
    %get3A_4 = vector.shape_cast %get3A_3 : vector<16xf32> to vector<16xf32>
    %get3A_5 = arith.constant 16 : index
    %get3A_6 = tpu.vector_load %arg21[%get3A_5] {strides = array<i32>} : memref<256xf32, #tpu.memory_space<vmem>>, vector<16xf32>,
    %get3A_7 = vector.shape_cast %get3A_6 : vector<16xf32> to vector<16xf32>
    %get3A_8 = arith.constant 32 : index
    %get3A_9 = tpu.vector_load %arg21[%get3A_8] {strides = array<i32>} : memref<256xf32, #tpu.memory_space<vmem>>, vector<16xf32>,
    %get3A_10 = vector.shape_cast %get3A_9 : vector<16xf32> to vector<16xf32>
    %get3A_11 = arith.constant 48 : index
    %get3A_12 = tpu.vector_load %arg21[%get3A_11] {strides = array<i32>} : memref<256xf32, #tpu.memory_space<vmem>>, vector<16xf32>,
    %get3A_13 = vector.shape_cast %get3A_12 : vector<16xf32> to vector<16xf32>
    %get3A_14 = arith.constant 64 : index
    %get3A_15 = tpu.vector_load %arg21[%get3A_14] {strides = array<i32>} : memref<256xf32, #tpu.memory_space<vmem>>, vector<16xf32>,
    %get3A_16 = vector.shape_cast %get3A_15 : vector<16xf32> to vector<16xf32>
    %get3A_17 = arith.constant 80 : index
    %get3A_18 = tpu.vector_load %arg21[%get3A_17] {strides = array<i32>} : memref<256xf32, #tpu.memory_space<vmem>>, vector<16xf32>,
    %get3A_19 = vector.shape_cast %get3A_18 : vector<16xf32> to vector<16xf32>
    %get3A_20 = arith.constant 96 : index
    %get3A_21 = tpu.vector_load %arg21[%get3A_20] {strides = array<i32>} : memref<256xf32, #tpu.memory_space<vmem>>, vector<16xf32>,
    %get3A_22 = vector.shape_cast %get3A_21 : vector<16xf32> to vector<16xf32>
    %get3A_23 = arith.constant 112 : index
    %get3A_24 = tpu.vector_load %arg21[%get3A_23] {strides = array<i32>} : memref<256xf32, #tpu.memory_space<vmem>>, vector<16xf32>,
    %get3A_25 = vector.shape_cast %get3A_24 : vector<16xf32> to vector<16xf32>
    %get3A_26 = arith.constant 128 : index
    %get3A_27 = tpu.vector_load %arg21[%get3A_26] {strides = array<i32>} : memref<256xf32, #tpu.memory_space<vmem>>, vector<16xf32>,
    %get3A_28 = vector.shape_cast %get3A_27 : vector<16xf32> to vector<16xf32>
    %get3A_29 = arith.constant 144 : index
    %get3A_30 = tpu.vector_load %arg21[%get3A_29] {strides = array<i32>} : memref<256xf32, #tpu.memory_space<vmem>>, vector<16xf32>,
    %get3A_31 = vector.shape_cast %get3A_30 : vector<16xf32> to vector<16xf32>
    %get3A_32 = arith.constant 160 : index
    %get3A_33 = tpu.vector_load %arg21[%get3A_32] {strides = array<i32>} : memref<256xf32, #tpu.memory_space<vmem>>, vector<16xf32>,
    %get3A_34 = vector.shape_cast %get3A_33 : vector<16xf32> to vector<16xf32>
    %get3A_35 = arith.constant 176 : index
    %get3A_36 = tpu.vector_load %arg21[%get3A_35] {strides = array<i32>} : memref<256xf32, #tpu.memory_space<vmem>>, vector<16xf32>,
    %get3A_37 = vector.shape_cast %get3A_36 : vector<16xf32> to vector<16xf32>
    %get3A_38 = arith.constant 192 : index
    %get3A_39 = tpu.vector_load %arg21[%get3A_38] {strides = array<i32>} : memref<256xf32, #tpu.memory_space<vmem>>, vector<16xf32>,
    %get3A_40 = vector.shape_cast %get3A_39 : vector<16xf32> to vector<16xf32>
    %get3A_41 = arith.constant 208 : index
    %get3A_42 = tpu.vector_load %arg21[%get3A_41] {strides = array<i32>} : memref<256xf32, #tpu.memory_space<vmem>>, vector<16xf32>,
    %get3A_43 = vector.shape_cast %get3A_42 : vector<16xf32> to vector<16xf32>
    %get3A_44 = arith.constant 224 : index
    %get3A_45 = tpu.vector_load %arg21[%get3A_44] {strides = array<i32>} : memref<256xf32, #tpu.memory_space<vmem>>, vector<16xf32>,
    %get3A_46 = vector.shape_cast %get3A_45 : vector<16xf32> to vector<16xf32>
    %get3A_47 = arith.constant 240 : index
    %get3A_48 = tpu.vector_load %arg21[%get3A_47] {strides = array<i32>} : memref<256xf32, #tpu.memory_space<vmem>>, vector<16xf32>,
    %get3A_49 = vector.shape_cast %get3A_48 : vector<16xf32> to vector<16xf32>
    %get3A_50 = arith.constant 0 : index
    %get3A_51 = tpu.vector_load %arg22[%get3A_50] {strides = array<i32>} : memref<256xf32, #tpu.memory_space<vmem>>, vector<16xf32>,
    %get3A_52 = vector.shape_cast %get3A_51 : vector<16xf32> to vector<16xf32>
    %get3A_53 = arith.constant 16 : index
    %get3A_54 = tpu.vector_load %arg22[%get3A_53] {strides = array<i32>} : memref<256xf32, #tpu.memory_space<vmem>>, vector<16xf32>,
    %get3A_55 = vector.shape_cast %get3A_54 : vector<16xf32> to vector<16xf32>
    %get3A_56 = arith.constant 32 : index
    %get3A_57 = tpu.vector_load %arg22[%get3A_56] {strides = array<i32>} : memref<256xf32, #tpu.memory_space<vmem>>, vector<16xf32>,
    %get3A_58 = vector.shape_cast %get3A_57 : vector<16xf32> to vector<16xf32>
    %get3A_59 = arith.constant 48 : index
    %get3A_60 = tpu.vector_load %arg22[%get3A_59] {strides = array<i32>} : memref<256xf32, #tpu.memory_space<vmem>>, vector<16xf32>,
    %get3A_61 = vector.shape_cast %get3A_60 : vector<16xf32> to vector<16xf32>
    %get3A_62 = arith.constant 64 : index
    %get3A_63 = tpu.vector_load %arg22[%get3A_62] {strides = array<i32>} : memref<256xf32, #tpu.memory_space<vmem>>, vector<16xf32>,
    %get3A_64 = vector.shape_cast %get3A_63 : vector<16xf32> to vector<16xf32>
    %get3A_65 = arith.constant 80 : index
    %get3A_66 = tpu.vector_load %arg22[%get3A_65] {strides = array<i32>} : memref<256xf32, #tpu.memory_space<vmem>>, vector<16xf32>,
    %get3A_67 = vector.shape_cast %get3A_66 : vector<16xf32> to vector<16xf32>
    %get3A_68 = arith.constant 96 : index
    %get3A_69 = tpu.vector_load %arg22[%get3A_68] {strides = array<i32>} : memref<256xf32, #tpu.memory_space<vmem>>, vector<16xf32>,
    %get3A_70 = vector.shape_cast %get3A_69 : vector<16xf32> to vector<16xf32>
    %get3A_71 = arith.constant 112 : index
    %get3A_72 = tpu.vector_load %arg22[%get3A_71] {strides = array<i32>} : memref<256xf32, #tpu.memory_space<vmem>>, vector<16xf32>,
    %get3A_73 = vector.shape_cast %get3A_72 : vector<16xf32> to vector<16xf32>
    %get3A_74 = arith.constant 128 : index
    %get3A_75 = tpu.vector_load %arg22[%get3A_74] {strides = array<i32>} : memref<256xf32, #tpu.memory_space<vmem>>, vector<16xf32>,
    %get3A_76 = vector.shape_cast %get3A_75 : vector<16xf32> to vector<16xf32>
    %get3A_77 = arith.constant 144 : index
    %get3A_78 = tpu.vector_load %arg22[%get3A_77] {strides = array<i32>} : memref<256xf32, #tpu.memory_space<vmem>>, vector<16xf32>,
    %get3A_79 = vector.shape_cast %get3A_78 : vector<16xf32> to vector<16xf32>
    %get3A_80 = arith.constant 160 : index
    %get3A_81 = tpu.vector_load %arg22[%get3A_80] {strides = array<i32>} : memref<256xf32, #tpu.memory_space<vmem>>, vector<16xf32>,
    %get3A_82 = vector.shape_cast %get3A_81 : vector<16xf32> to vector<16xf32>
    %get3A_83 = arith.constant 176 : index
    %get3A_84 = tpu.vector_load %arg22[%get3A_83] {strides = array<i32>} : memref<256xf32, #tpu.memory_space<vmem>>, vector<16xf32>,
    %get3A_85 = vector.shape_cast %get3A_84 : vector<16xf32> to vector<16xf32>
    %get3A_86 = arith.constant 192 : index
    %get3A_87 = tpu.vector_load %arg22[%get3A_86] {strides = array<i32>} : memref<256xf32, #tpu.memory_space<vmem>>, vector<16xf32>,
    %get3A_88 = vector.shape_cast %get3A_87 : vector<16xf32> to vector<16xf32>
    %get3A_89 = arith.constant 208 : index
    %get3A_90 = tpu.vector_load %arg22[%get3A_89] {strides = array<i32>} : memref<256xf32, #tpu.memory_space<vmem>>, vector<16xf32>,
    %get3A_91 = vector.shape_cast %get3A_90 : vector<16xf32> to vector<16xf32>
    %get3A_92 = arith.constant 224 : index
    %get3A_93 = tpu.vector_load %arg22[%get3A_92] {strides = array<i32>} : memref<256xf32, #tpu.memory_space<vmem>>, vector<16xf32>,
    %get3A_94 = vector.shape_cast %get3A_93 : vector<16xf32> to vector<16xf32>
    %get3A_95 = arith.constant 240 : index
    %get3A_96 = tpu.vector_load %arg22[%get3A_95] {strides = array<i32>} : memref<256xf32, #tpu.memory_space<vmem>>, vector<16xf32>,
    %get3A_97 = vector.shape_cast %get3A_96 : vector<16xf32> to vector<16xf32>
    %iota3A = tpu.iota {dimensions = array<i32: 0>} : vector<16xi32>
    %xor3A = arith.constant 8 : i32
    %xor3A_98 = vector.broadcast %xor3A : i32 to vector<16xi32>
    %xor3A_99 = arith.xori %iota3A, %xor3A_98 : vector<16xi32>
    %xor3A_100 = arith.constant 4 : i32
    %xor3A_101 = vector.broadcast %xor3A_100 : i32 to vector<16xi32>
    %xor3A_102 = arith.xori %iota3A, %xor3A_101 : vector<16xi32>
    %xor3A_103 = arith.constant 2 : i32
    %xor3A_104 = vector.broadcast %xor3A_103 : i32 to vector<16xi32>
    %xor3A_105 = arith.xori %iota3A, %xor3A_104 : vector<16xi32>
    %xor3A_106 = arith.constant 1 : i32
    %xor3A_107 = vector.broadcast %xor3A_106 : i32 to vector<16xi32>
    %xor3A_108 = arith.xori %iota3A, %xor3A_107 : vector<16xi32>
    %lt3A = arith.constant 8 : i32
    %lt3A_109 = vector.broadcast %lt3A : i32 to vector<16xi32>
    %lt3A_110 = arith.cmpi slt, %iota3A, %lt3A_109 : vector<16xi32>
    %and3A = arith.constant 4 : i32
    %and3A_111 = vector.broadcast %and3A : i32 to vector<16xi32>
    %and3A_112 = arith.andi %iota3A, %and3A_111 : vector<16xi32>
    %eq3A = arith.constant 0 : i32
    %eq3A_113 = vector.broadcast %eq3A : i32 to vector<16xi32>
    %eq3A_114 = arith.cmpi eq, %and3A_112, %eq3A_113 : vector<16xi32>
    %and3A_115 = arith.constant 11 : i32
    %and3A_116 = vector.broadcast %and3A_115 : i32 to vector<16xi32>
    %and3A_117 = arith.andi %iota3A, %and3A_116 : vector<16xi32>
    %and3A_118 = arith.constant 1 : i32
    %and3A_119 = vector.broadcast %and3A_118 : i32 to vector<16xi32>
    %and3A_120 = arith.andi %iota3A, %and3A_119 : vector<16xi32>
    %shift_left3A = arith.constant 3 : i32
    %shift_left3A_121 = vector.broadcast %shift_left3A : i32 to vector<16xi32>
    %shift_left3A_122 = arith.shli %and3A_120, %shift_left3A_121 : vector<16xi32>
    %and3A_123 = arith.constant 2 : i32
    %and3A_124 = vector.broadcast %and3A_123 : i32 to vector<16xi32>
    %and3A_125 = arith.andi %iota3A, %and3A_124 : vector<16xi32>
    %shift_left3A_126 = arith.constant 1 : i32
    %shift_left3A_127 = vector.broadcast %shift_left3A_126 : i32 to vector<16xi32>
    %shift_left3A_128 = arith.shli %and3A_125, %shift_left3A_127 : vector<16xi32>
    %or3A = arith.ori %shift_left3A_122, %shift_left3A_128 : vector<16xi32>
    %broadcast_in_dim3A = arith.constant -1.000000e+30 : f32
    %broadcast_in_dim3A_129 = vector.broadcast %broadcast_in_dim3A : f32 to vector<16xf32>
    %scan3A = arith.constant 0 : i32
    %scan3A_130 = arith.constant 39 : i32
    %scan3A_131 = arith.addi %scan3A, %scan3A_130 : i32
    %scan3A_132 = arith.constant 1 : i32
    %scan3A_133 = scf.for %scan3A_150 = %scan3A to %scan3A_131 step %scan3A_132 iter_args(%scan3A_151 = %broadcast_in_dim3A_129) -> (vector<16xf32>)  : i32 {
      %mul3A_152 = arith.constant 128 : i32
      %mul3A_153 = arith.muli %scan3A_150, %mul3A_152 : i32
      %add3A_154 = arith.addi %mul3A_2, %mul3A_153 : i32
      "tpu.region"() ({
        %run_scoped3A = tpu.sem_alloc : memref<!tpu.dma_semaphore, #tpu.memory_space<semaphore_mem>>
        %dma_start3A = tpu.memref_slice %arg4[%add3A_154] : memref<160000xi32, #tpu.memory_space<hbm>> -> memref<128xi32, #tpu.memory_space<hbm>>
        %dma_start3A_163 = tpu.memref_slice %arg4[%add3A_154] : memref<160000xi32, #tpu.memory_space<hbm>> -> memref<128xi32, #tpu.memory_space<hbm>>
        tpu.enqueue_dma source(%dma_start3A_163 : memref<128xi32, #tpu.memory_space<hbm>>) target(%arg12 : memref<128xi32, #tpu.memory_space<vmem>>) target_semaphore(%run_scoped3A : memref<!tpu.dma_semaphore, #tpu.memory_space<semaphore_mem>>)
        %dma_wait3A = tpu.memref_slice %arg4[%add3A_154] : memref<160000xi32, #tpu.memory_space<hbm>> -> memref<128xi32, #tpu.memory_space<hbm>>
        %dma_wait3A_164 = tpu.memref_slice %arg4[%add3A_154] : memref<160000xi32, #tpu.memory_space<hbm>> -> memref<128xi32, #tpu.memory_space<hbm>>
        tpu.wait_dma2 semaphore(%run_scoped3A : memref<!tpu.dma_semaphore, #tpu.memory_space<semaphore_mem>>) src(%dma_wait3A_164 : memref<128xi32, #tpu.memory_space<hbm>>) dst(%arg12 : memref<128xi32, #tpu.memory_space<vmem>>)
        tpu.yield
      }) : () -> ()
      "tpu.region"() ({
        %run_scoped3A = tpu.sem_alloc : memref<!tpu.dma_semaphore, #tpu.memory_space<semaphore_mem>>
        %dma_start3A = tpu.memref_slice %arg5[%add3A_154] : memref<160000xi32, #tpu.memory_space<hbm>> -> memref<128xi32, #tpu.memory_space<hbm>>
        %dma_start3A_163 = tpu.memref_slice %arg5[%add3A_154] : memref<160000xi32, #tpu.memory_space<hbm>> -> memref<128xi32, #tpu.memory_space<hbm>>
        tpu.enqueue_dma source(%dma_start3A_163 : memref<128xi32, #tpu.memory_space<hbm>>) target(%arg13 : memref<128xi32, #tpu.memory_space<vmem>>) target_semaphore(%run_scoped3A : memref<!tpu.dma_semaphore, #tpu.memory_space<semaphore_mem>>)
        %dma_wait3A = tpu.memref_slice %arg5[%add3A_154] : memref<160000xi32, #tpu.memory_space<hbm>> -> memref<128xi32, #tpu.memory_space<hbm>>
        %dma_wait3A_164 = tpu.memref_slice %arg5[%add3A_154] : memref<160000xi32, #tpu.memory_space<hbm>> -> memref<128xi32, #tpu.memory_space<hbm>>
        tpu.wait_dma2 semaphore(%run_scoped3A : memref<!tpu.dma_semaphore, #tpu.memory_space<semaphore_mem>>) src(%dma_wait3A_164 : memref<128xi32, #tpu.memory_space<hbm>>) dst(%arg13 : memref<128xi32, #tpu.memory_space<vmem>>)
        tpu.yield
      }) : () -> ()
      "tpu.region"() ({
        %run_scoped3A = tpu.sem_alloc : memref<!tpu.dma_semaphore, #tpu.memory_space<semaphore_mem>>
        %dma_start3A = tpu.memref_slice %arg6[%add3A_154] : memref<160000xi32, #tpu.memory_space<hbm>> -> memref<128xi32, #tpu.memory_space<hbm>>
        %dma_start3A_163 = tpu.memref_slice %arg6[%add3A_154] : memref<160000xi32, #tpu.memory_space<hbm>> -> memref<128xi32, #tpu.memory_space<hbm>>
        tpu.enqueue_dma source(%dma_start3A_163 : memref<128xi32, #tpu.memory_space<hbm>>) target(%arg14 : memref<128xi32, #tpu.memory_space<vmem>>) target_semaphore(%run_scoped3A : memref<!tpu.dma_semaphore, #tpu.memory_space<semaphore_mem>>)
        %dma_wait3A = tpu.memref_slice %arg6[%add3A_154] : memref<160000xi32, #tpu.memory_space<hbm>> -> memref<128xi32, #tpu.memory_space<hbm>>
        %dma_wait3A_164 = tpu.memref_slice %arg6[%add3A_154] : memref<160000xi32, #tpu.memory_space<hbm>> -> memref<128xi32, #tpu.memory_space<hbm>>
        tpu.wait_dma2 semaphore(%run_scoped3A : memref<!tpu.dma_semaphore, #tpu.memory_space<semaphore_mem>>) src(%dma_wait3A_164 : memref<128xi32, #tpu.memory_space<hbm>>) dst(%arg14 : memref<128xi32, #tpu.memory_space<vmem>>)
        tpu.yield
      }) : () -> ()
      "tpu.region"() ({
        %run_scoped3A = tpu.sem_alloc : memref<!tpu.dma_semaphore, #tpu.memory_space<semaphore_mem>>
        %dma_start3A = arith.constant 0 : i32
        %dma_start3A_163 = tpu.memref_slice %arg25[%dma_start3A] : memref<128xf32, #tpu.memory_space<vmem>> -> memref<128xf32, #tpu.memory_space<vmem>>
        %dma_start3A_164 = tpu.memref_slice %arg7[%add3A_154] : memref<160000xf32, #tpu.memory_space<hbm>> -> memref<128xf32, #tpu.memory_space<hbm>>
        %dma_start3A_165 = arith.constant 0 : i32
        %dma_start3A_166 = tpu.memref_slice %arg25[%dma_start3A_165] : memref<128xf32, #tpu.memory_space<vmem>> -> memref<128xf32, #tpu.memory_space<vmem>>
        %dma_start3A_167 = tpu.memref_slice %arg7[%add3A_154] : memref<160000xf32, #tpu.memory_space<hbm>> -> memref<128xf32, #tpu.memory_space<hbm>>
        tpu.enqueue_dma source(%dma_start3A_167 : memref<128xf32, #tpu.memory_space<hbm>>) target(%dma_start3A_166 : memref<128xf32, #tpu.memory_space<vmem>>) target_semaphore(%run_scoped3A : memref<!tpu.dma_semaphore, #tpu.memory_space<semaphore_mem>>)
        %dma_wait3A = arith.constant 0 : i32
        %dma_wait3A_168 = tpu.memref_slice %arg25[%dma_wait3A] : memref<128xf32, #tpu.memory_space<vmem>> -> memref<128xf32, #tpu.memory_space<vmem>>
        %dma_wait3A_169 = tpu.memref_slice %arg7[%add3A_154] : memref<160000xf32, #tpu.memory_space<hbm>> -> memref<128xf32, #tpu.memory_space<hbm>>
        %dma_wait3A_170 = arith.constant 0 : i32
        %dma_wait3A_171 = tpu.memref_slice %arg25[%dma_wait3A_170] : memref<128xf32, #tpu.memory_space<vmem>> -> memref<128xf32, #tpu.memory_space<vmem>>
        %dma_wait3A_172 = tpu.memref_slice %arg7[%add3A_154] : memref<160000xf32, #tpu.memory_space<hbm>> -> memref<128xf32, #tpu.memory_space<hbm>>
        tpu.wait_dma2 semaphore(%run_scoped3A : memref<!tpu.dma_semaphore, #tpu.memory_space<semaphore_mem>>) src(%dma_wait3A_172 : memref<128xf32, #tpu.memory_space<hbm>>) dst(%dma_wait3A_171 : memref<128xf32, #tpu.memory_space<vmem>>)
        tpu.yield
      }) : () -> ()
      "tpu.region"() ({
        %run_scoped3A = tpu.sem_alloc : memref<!tpu.dma_semaphore, #tpu.memory_space<semaphore_mem>>
        %dma_start3A = arith.constant 0 : i32
        %dma_start3A_163 = arith.constant 0 : i32
        %dma_start3A_164 = tpu.memref_slice %arg18[%dma_start3A, %dma_start3A_163] : memref<128x128xf32, #tpu.memory_space<vmem>> -> memref<128x128xf32, #tpu.memory_space<vmem>>
        %dma_start3A_165 = arith.constant 0 : i32
        %dma_start3A_166 = arith.constant 0 : i32
        %dma_start3A_167 = tpu.memref_slice %arg2[%dma_start3A_165, %dma_start3A_166] : memref<20000x128xf32, #tpu.memory_space<hbm>> -> memref<20000x128xf32, #tpu.memory_space<hbm>>
        tpu.enqueue_indirect_dma source(%dma_start3A_167 : memref<20000x128xf32, #tpu.memory_space<hbm>>) target(%dma_start3A_164 : memref<128x128xf32, #tpu.memory_space<vmem>>) offsets(%arg12 : memref<128xi32, #tpu.memory_space<vmem>>) semaphore(%run_scoped3A : memref<!tpu.dma_semaphore, #tpu.memory_space<semaphore_mem>>)
        %dma_wait3A = arith.constant 0 : i32
        %dma_wait3A_168 = arith.constant 0 : i32
        %dma_wait3A_169 = tpu.memref_slice %arg18[%dma_wait3A, %dma_wait3A_168] : memref<128x128xf32, #tpu.memory_space<vmem>> -> memref<128x128xf32, #tpu.memory_space<vmem>>
        %dma_wait3A_170 = arith.constant 0 : i32
        %dma_wait3A_171 = arith.constant 0 : i32
        %dma_wait3A_172 = tpu.memref_slice %arg2[%dma_wait3A_170, %dma_wait3A_171] : memref<20000x128xf32, #tpu.memory_space<hbm>> -> memref<20000x128xf32, #tpu.memory_space<hbm>>
        tpu.wait_indirect_dma semaphore(%run_scoped3A : memref<!tpu.dma_semaphore, #tpu.memory_space<semaphore_mem>>) src(%dma_wait3A_172 : memref<20000x128xf32, #tpu.memory_space<hbm>>) dst(%dma_wait3A_169 : memref<128x128xf32, #tpu.memory_space<vmem>>)
        tpu.yield
      }) : () -> ()
      "tpu.region"() ({
        %run_scoped3A = tpu.sem_alloc : memref<!tpu.dma_semaphore, #tpu.memory_space<semaphore_mem>>
        %dma_start3A = arith.constant 0 : i32
        %dma_start3A_163 = arith.constant 0 : i32
        %dma_start3A_164 = tpu.memref_slice %arg19[%dma_start3A, %dma_start3A_163] : memref<128x128xf32, #tpu.memory_space<vmem>> -> memref<128x128xf32, #tpu.memory_space<vmem>>
        %dma_start3A_165 = arith.constant 0 : i32
        %dma_start3A_166 = arith.constant 0 : i32
        %dma_start3A_167 = tpu.memref_slice %arg2[%dma_start3A_165, %dma_start3A_166] : memref<20000x128xf32, #tpu.memory_space<hbm>> -> memref<20000x128xf32, #tpu.memory_space<hbm>>
        tpu.enqueue_indirect_dma source(%dma_start3A_167 : memref<20000x128xf32, #tpu.memory_space<hbm>>) target(%dma_start3A_164 : memref<128x128xf32, #tpu.memory_space<vmem>>) offsets(%arg13 : memref<128xi32, #tpu.memory_space<vmem>>) semaphore(%run_scoped3A : memref<!tpu.dma_semaphore, #tpu.memory_space<semaphore_mem>>)
        %dma_wait3A = arith.constant 0 : i32
        %dma_wait3A_168 = arith.constant 0 : i32
        %dma_wait3A_169 = tpu.memref_slice %arg19[%dma_wait3A, %dma_wait3A_168] : memref<128x128xf32, #tpu.memory_space<vmem>> -> memref<128x128xf32, #tpu.memory_space<vmem>>
        %dma_wait3A_170 = arith.constant 0 : i32
        %dma_wait3A_171 = arith.constant 0 : i32
        %dma_wait3A_172 = tpu.memref_slice %arg2[%dma_wait3A_170, %dma_wait3A_171] : memref<20000x128xf32, #tpu.memory_space<hbm>> -> memref<20000x128xf32, #tpu.memory_space<hbm>>
        tpu.wait_indirect_dma semaphore(%run_scoped3A : memref<!tpu.dma_semaphore, #tpu.memory_space<semaphore_mem>>) src(%dma_wait3A_172 : memref<20000x128xf32, #tpu.memory_space<hbm>>) dst(%dma_wait3A_169 : memref<128x128xf32, #tpu.memory_space<vmem>>)
        tpu.yield
      }) : () -> ()
      "tpu.region"() ({
        %run_scoped3A = tpu.sem_alloc : memref<!tpu.dma_semaphore, #tpu.memory_space<semaphore_mem>>
        %dma_start3A = arith.constant 0 : i32
        %dma_start3A_163 = arith.constant 0 : i32
        %dma_start3A_164 = tpu.memref_slice %arg20[%dma_start3A, %dma_start3A_163] : memref<128x256xf32, #tpu.memory_space<vmem>> -> memref<128x256xf32, #tpu.memory_space<vmem>>
        %dma_start3A_165 = arith.constant 0 : i32
        %dma_start3A_166 = arith.constant 0 : i32
        %dma_start3A_167 = tpu.memref_slice %arg3[%dma_start3A_165, %dma_start3A_166] : memref<10000x256xf32, #tpu.memory_space<hbm>> -> memref<10000x256xf32, #tpu.memory_space<hbm>>
        tpu.enqueue_indirect_dma source(%dma_start3A_167 : memref<10000x256xf32, #tpu.memory_space<hbm>>) target(%dma_start3A_164 : memref<128x256xf32, #tpu.memory_space<vmem>>) offsets(%arg14 : memref<128xi32, #tpu.memory_space<vmem>>) semaphore(%run_scoped3A : memref<!tpu.dma_semaphore, #tpu.memory_space<semaphore_mem>>)
        %dma_wait3A = arith.constant 0 : i32
        %dma_wait3A_168 = arith.constant 0 : i32
        %dma_wait3A_169 = tpu.memref_slice %arg20[%dma_wait3A, %dma_wait3A_168] : memref<128x256xf32, #tpu.memory_space<vmem>> -> memref<128x256xf32, #tpu.memory_space<vmem>>
        %dma_wait3A_170 = arith.constant 0 : i32
        %dma_wait3A_171 = arith.constant 0 : i32
        %dma_wait3A_172 = tpu.memref_slice %arg3[%dma_wait3A_170, %dma_wait3A_171] : memref<10000x256xf32, #tpu.memory_space<hbm>> -> memref<10000x256xf32, #tpu.memory_space<hbm>>
        tpu.wait_indirect_dma semaphore(%run_scoped3A : memref<!tpu.dma_semaphore, #tpu.memory_space<semaphore_mem>>) src(%dma_wait3A_172 : memref<10000x256xf32, #tpu.memory_space<hbm>>) dst(%dma_wait3A_169 : memref<128x256xf32, #tpu.memory_space<vmem>>)
        tpu.yield
      }) : () -> ()
      %scan3A_155 = arith.constant 0 : i32
      %scan3A_156 = arith.constant 128 : i32
      %scan3A_157 = arith.addi %scan3A_155, %scan3A_156 : i32
      %scan3A_158 = arith.constant 1 : i32
      %scan3A_159 = scf.for %scan3A_163 = %scan3A_155 to %scan3A_157 step %scan3A_158 iter_args(%scan3A_164 = %scan3A_151) -> (vector<16xf32>)  : i32 {
        %and3A_165 = arith.constant -16 : i32
        %and3A_166 = arith.andi %scan3A_163, %and3A_165 : i32
        %get3A_167 = arith.index_cast %and3A_166 : i32 to index
        %get3A_168 = tpu.vector_load %arg25[%get3A_167] {strides = array<i32>} : memref<128xf32, #tpu.memory_space<vmem>>, vector<16xf32>,
        %get3A_169 = vector.shape_cast %get3A_168 : vector<16xf32> to vector<16xf32>
        %and3A_170 = arith.constant 15 : i32
        %and3A_171 = arith.andi %scan3A_163, %and3A_170 : i32
        %broadcast_in_dim3A_172 = vector.broadcast %and3A_171 : i32 to vector<16xi32>
        %lt3A_173 = arith.constant 0 : i32
        %lt3A_174 = vector.broadcast %lt3A_173 : i32 to vector<16xi32>
        %lt3A_175 = arith.cmpi slt, %broadcast_in_dim3A_172, %lt3A_174 : vector<16xi32>
        %add3A_176 = arith.constant 16 : i32
        %add3A_177 = vector.broadcast %add3A_176 : i32 to vector<16xi32>
        %add3A_178 = arith.addi %broadcast_in_dim3A_172, %add3A_177 : vector<16xi32>
        %select_n3A = arith.select %lt3A_175, %add3A_178, %broadcast_in_dim3A_172 : vector<16xi1>, vector<16xi32>
        %broadcast_in_dim3A_179 = vector.shape_cast %select_n3A : vector<16xi32> to vector<16x1xi32>
        %gather3A = vector.shape_cast %broadcast_in_dim3A_179 : vector<16x1xi32> to vector<16xi32>
        %gather3A_180 = tpu.dynamic_gather %get3A_169[%gather3A] in [0] : vector<16xf32>, vector<16xi32> -> vector<16xf32>
        %get3A_181 = arith.index_cast %scan3A_163 : i32 to index
        %get3A_182 = arith.constant 0 : index
        %get3A_183 = tpu.vector_load %arg18[%get3A_181, %get3A_182] {strides = array<i32>} : memref<128x128xf32, #tpu.memory_space<vmem>>, vector<1x16xf32>,
        %get3A_184 = vector.shape_cast %get3A_183 : vector<1x16xf32> to vector<16xf32>
        %get3A_185 = arith.index_cast %scan3A_163 : i32 to index
        %get3A_186 = arith.constant 0 : index
        %get3A_187 = tpu.vector_load %arg20[%get3A_185, %get3A_186] {strides = array<i32>} : memref<128x256xf32, #tpu.memory_space<vmem>>, vector<1x16xf32>,
        %get3A_188 = vector.shape_cast %get3A_187 : vector<1x16xf32> to vector<16xf32>
        %add3A_189 = arith.addf %get3A_184, %get3A_188 : vector<16xf32>
        %mul3A_190 = arith.mulf %gather3A_180, %get3A_52 : vector<16xf32>
        %add3A_191 = arith.addf %add3A_189, %mul3A_190 : vector<16xf32>
        %mul3A_192 = arith.constant 2.000000e-01 : f32
        %mul3A_193 = vector.broadcast %mul3A_192 : f32 to vector<16xf32>
        %mul3A_194 = arith.mulf %mul3A_193, %add3A_191 : vector<16xf32>
        %max3A = arith.maximumf %add3A_191, %mul3A_194 : vector<16xf32>
        %mul3A_195 = arith.mulf %max3A, %get3A_4 : vector<16xf32>
        %get3A_196 = arith.index_cast %scan3A_163 : i32 to index
        %get3A_197 = arith.constant 16 : index
        %get3A_198 = tpu.vector_load %arg18[%get3A_196, %get3A_197] {strides = array<i32>} : memref<128x128xf32, #tpu.memory_space<vmem>>, vector<1x16xf32>,
        %get3A_199 = vector.shape_cast %get3A_198 : vector<1x16xf32> to vector<16xf32>
        %get3A_200 = arith.index_cast %scan3A_163 : i32 to index
        %get3A_201 = arith.constant 16 : index
        %get3A_202 = tpu.vector_load %arg20[%get3A_200, %get3A_201] {strides = array<i32>} : memref<128x256xf32, #tpu.memory_space<vmem>>, vector<1x16xf32>,
        %get3A_203 = vector.shape_cast %get3A_202 : vector<1x16xf32> to vector<16xf32>
        %add3A_204 = arith.addf %get3A_199, %get3A_203 : vector<16xf32>
        %mul3A_205 = arith.mulf %gather3A_180, %get3A_55 : vector<16xf32>
        %add3A_206 = arith.addf %add3A_204, %mul3A_205 : vector<16xf32>
        %mul3A_207 = arith.constant 2.000000e-01 : f32
        %mul3A_208 = vector.broadcast %mul3A_207 : f32 to vector<16xf32>
        %mul3A_209 = arith.mulf %mul3A_208, %add3A_206 : vector<16xf32>
        %max3A_210 = arith.maximumf %add3A_206, %mul3A_209 : vector<16xf32>
        %mul3A_211 = arith.mulf %max3A_210, %get3A_7 : vector<16xf32>
        %add3A_212 = arith.addf %mul3A_195, %mul3A_211 : vector<16xf32>
        %get3A_213 = arith.index_cast %scan3A_163 : i32 to index
        %get3A_214 = arith.constant 32 : index
        %get3A_215 = tpu.vector_load %arg18[%get3A_213, %get3A_214] {strides = array<i32>} : memref<128x128xf32, #tpu.memory_space<vmem>>, vector<1x16xf32>,
        %get3A_216 = vector.shape_cast %get3A_215 : vector<1x16xf32> to vector<16xf32>
        %get3A_217 = arith.index_cast %scan3A_163 : i32 to index
        %get3A_218 = arith.constant 32 : index
        %get3A_219 = tpu.vector_load %arg20[%get3A_217, %get3A_218] {strides = array<i32>} : memref<128x256xf32, #tpu.memory_space<vmem>>, vector<1x16xf32>,
        %get3A_220 = vector.shape_cast %get3A_219 : vector<1x16xf32> to vector<16xf32>
        %add3A_221 = arith.addf %get3A_216, %get3A_220 : vector<16xf32>
        %mul3A_222 = arith.mulf %gather3A_180, %get3A_58 : vector<16xf32>
        %add3A_223 = arith.addf %add3A_221, %mul3A_222 : vector<16xf32>
        %mul3A_224 = arith.constant 2.000000e-01 : f32
        %mul3A_225 = vector.broadcast %mul3A_224 : f32 to vector<16xf32>
        %mul3A_226 = arith.mulf %mul3A_225, %add3A_223 : vector<16xf32>
        %max3A_227 = arith.maximumf %add3A_223, %mul3A_226 : vector<16xf32>
        %mul3A_228 = arith.mulf %max3A_227, %get3A_10 : vector<16xf32>
        %get3A_229 = arith.index_cast %scan3A_163 : i32 to index
        %get3A_230 = arith.constant 48 : index
        %get3A_231 = tpu.vector_load %arg18[%get3A_229, %get3A_230] {strides = array<i32>} : memref<128x128xf32, #tpu.memory_space<vmem>>, vector<1x16xf32>,
        %get3A_232 = vector.shape_cast %get3A_231 : vector<1x16xf32> to vector<16xf32>
        %get3A_233 = arith.index_cast %scan3A_163 : i32 to index
        %get3A_234 = arith.constant 48 : index
        %get3A_235 = tpu.vector_load %arg20[%get3A_233, %get3A_234] {strides = array<i32>} : memref<128x256xf32, #tpu.memory_space<vmem>>, vector<1x16xf32>,
        %get3A_236 = vector.shape_cast %get3A_235 : vector<1x16xf32> to vector<16xf32>
        %add3A_237 = arith.addf %get3A_232, %get3A_236 : vector<16xf32>
        %mul3A_238 = arith.mulf %gather3A_180, %get3A_61 : vector<16xf32>
        %add3A_239 = arith.addf %add3A_237, %mul3A_238 : vector<16xf32>
        %mul3A_240 = arith.constant 2.000000e-01 : f32
        %mul3A_241 = vector.broadcast %mul3A_240 : f32 to vector<16xf32>
        %mul3A_242 = arith.mulf %mul3A_241, %add3A_239 : vector<16xf32>
        %max3A_243 = arith.maximumf %add3A_239, %mul3A_242 : vector<16xf32>
        %mul3A_244 = arith.mulf %max3A_243, %get3A_13 : vector<16xf32>
        %add3A_245 = arith.addf %mul3A_228, %mul3A_244 : vector<16xf32>
        %get3A_246 = arith.index_cast %scan3A_163 : i32 to index
        %get3A_247 = arith.constant 64 : index
        %get3A_248 = tpu.vector_load %arg18[%get3A_246, %get3A_247] {strides = array<i32>} : memref<128x128xf32, #tpu.memory_space<vmem>>, vector<1x16xf32>,
        %get3A_249 = vector.shape_cast %get3A_248 : vector<1x16xf32> to vector<16xf32>
        %get3A_250 = arith.index_cast %scan3A_163 : i32 to index
        %get3A_251 = arith.constant 64 : index
        %get3A_252 = tpu.vector_load %arg20[%get3A_250, %get3A_251] {strides = array<i32>} : memref<128x256xf32, #tpu.memory_space<vmem>>, vector<1x16xf32>,
        %get3A_253 = vector.shape_cast %get3A_252 : vector<1x16xf32> to vector<16xf32>
        %add3A_254 = arith.addf %get3A_249, %get3A_253 : vector<16xf32>
        %mul3A_255 = arith.mulf %gather3A_180, %get3A_64 : vector<16xf32>
        %add3A_256 = arith.addf %add3A_254, %mul3A_255 : vector<16xf32>
        %mul3A_257 = arith.constant 2.000000e-01 : f32
        %mul3A_258 = vector.broadcast %mul3A_257 : f32 to vector<16xf32>
        %mul3A_259 = arith.mulf %mul3A_258, %add3A_256 : vector<16xf32>
        %max3A_260 = arith.maximumf %add3A_256, %mul3A_259 : vector<16xf32>
        %mul3A_261 = arith.mulf %max3A_260, %get3A_16 : vector<16xf32>
        %get3A_262 = arith.index_cast %scan3A_163 : i32 to index
        %get3A_263 = arith.constant 80 : index
        %get3A_264 = tpu.vector_load %arg18[%get3A_262, %get3A_263] {strides = array<i32>} : memref<128x128xf32, #tpu.memory_space<vmem>>, vector<1x16xf32>,
        %get3A_265 = vector.shape_cast %get3A_264 : vector<1x16xf32> to vector<16xf32>
        %get3A_266 = arith.index_cast %scan3A_163 : i32 to index
        %get3A_267 = arith.constant 80 : index
        %get3A_268 = tpu.vector_load %arg20[%get3A_266, %get3A_267] {strides = array<i32>} : memref<128x256xf32, #tpu.memory_space<vmem>>, vector<1x16xf32>,
        %get3A_269 = vector.shape_cast %get3A_268 : vector<1x16xf32> to vector<16xf32>
        %add3A_270 = arith.addf %get3A_265, %get3A_269 : vector<16xf32>
        %mul3A_271 = arith.mulf %gather3A_180, %get3A_67 : vector<16xf32>
        %add3A_272 = arith.addf %add3A_270, %mul3A_271 : vector<16xf32>
        %mul3A_273 = arith.constant 2.000000e-01 : f32
        %mul3A_274 = vector.broadcast %mul3A_273 : f32 to vector<16xf32>
        %mul3A_275 = arith.mulf %mul3A_274, %add3A_272 : vector<16xf32>
        %max3A_276 = arith.maximumf %add3A_272, %mul3A_275 : vector<16xf32>
        %mul3A_277 = arith.mulf %max3A_276, %get3A_19 : vector<16xf32>
        %add3A_278 = arith.addf %mul3A_261, %mul3A_277 : vector<16xf32>
        %get3A_279 = arith.index_cast %scan3A_163 : i32 to index
        %get3A_280 = arith.constant 96 : index
        %get3A_281 = tpu.vector_load %arg18[%get3A_279, %get3A_280] {strides = array<i32>} : memref<128x128xf32, #tpu.memory_space<vmem>>, vector<1x16xf32>,
        %get3A_282 = vector.shape_cast %get3A_281 : vector<1x16xf32> to vector<16xf32>
        %get3A_283 = arith.index_cast %scan3A_163 : i32 to index
        %get3A_284 = arith.constant 96 : index
        %get3A_285 = tpu.vector_load %arg20[%get3A_283, %get3A_284] {strides = array<i32>} : memref<128x256xf32, #tpu.memory_space<vmem>>, vector<1x16xf32>,
        %get3A_286 = vector.shape_cast %get3A_285 : vector<1x16xf32> to vector<16xf32>
        %add3A_287 = arith.addf %get3A_282, %get3A_286 : vector<16xf32>
        %mul3A_288 = arith.mulf %gather3A_180, %get3A_70 : vector<16xf32>
        %add3A_289 = arith.addf %add3A_287, %mul3A_288 : vector<16xf32>
        %mul3A_290 = arith.constant 2.000000e-01 : f32
        %mul3A_291 = vector.broadcast %mul3A_290 : f32 to vector<16xf32>
        %mul3A_292 = arith.mulf %mul3A_291, %add3A_289 : vector<16xf32>
        %max3A_293 = arith.maximumf %add3A_289, %mul3A_292 : vector<16xf32>
        %mul3A_294 = arith.mulf %max3A_293, %get3A_22 : vector<16xf32>
        %get3A_295 = arith.index_cast %scan3A_163 : i32 to index
        %get3A_296 = arith.constant 112 : index
        %get3A_297 = tpu.vector_load %arg18[%get3A_295, %get3A_296] {strides = array<i32>} : memref<128x128xf32, #tpu.memory_space<vmem>>, vector<1x16xf32>,
        %get3A_298 = vector.shape_cast %get3A_297 : vector<1x16xf32> to vector<16xf32>
        %get3A_299 = arith.index_cast %scan3A_163 : i32 to index
        %get3A_300 = arith.constant 112 : index
        %get3A_301 = tpu.vector_load %arg20[%get3A_299, %get3A_300] {strides = array<i32>} : memref<128x256xf32, #tpu.memory_space<vmem>>, vector<1x16xf32>,
        %get3A_302 = vector.shape_cast %get3A_301 : vector<1x16xf32> to vector<16xf32>
        %add3A_303 = arith.addf %get3A_298, %get3A_302 : vector<16xf32>
        %mul3A_304 = arith.mulf %gather3A_180, %get3A_73 : vector<16xf32>
        %add3A_305 = arith.addf %add3A_303, %mul3A_304 : vector<16xf32>
        %mul3A_306 = arith.constant 2.000000e-01 : f32
        %mul3A_307 = vector.broadcast %mul3A_306 : f32 to vector<16xf32>
        %mul3A_308 = arith.mulf %mul3A_307, %add3A_305 : vector<16xf32>
        %max3A_309 = arith.maximumf %add3A_305, %mul3A_308 : vector<16xf32>
        %mul3A_310 = arith.mulf %max3A_309, %get3A_25 : vector<16xf32>
        %add3A_311 = arith.addf %mul3A_294, %mul3A_310 : vector<16xf32>
        %get3A_312 = arith.index_cast %scan3A_163 : i32 to index
        %get3A_313 = arith.constant 0 : index
        %get3A_314 = tpu.vector_load %arg19[%get3A_312, %get3A_313] {strides = array<i32>} : memref<128x128xf32, #tpu.memory_space<vmem>>, vector<1x16xf32>,
        %get3A_315 = vector.shape_cast %get3A_314 : vector<1x16xf32> to vector<16xf32>
        %get3A_316 = arith.index_cast %scan3A_163 : i32 to index
        %get3A_317 = arith.constant 128 : index
        %get3A_318 = tpu.vector_load %arg20[%get3A_316, %get3A_317] {strides = array<i32>} : memref<128x256xf32, #tpu.memory_space<vmem>>, vector<1x16xf32>,
        %get3A_319 = vector.shape_cast %get3A_318 : vector<1x16xf32> to vector<16xf32>
        %add3A_320 = arith.addf %get3A_315, %get3A_319 : vector<16xf32>
        %mul3A_321 = arith.mulf %gather3A_180, %get3A_76 : vector<16xf32>
        %add3A_322 = arith.addf %add3A_320, %mul3A_321 : vector<16xf32>
        %mul3A_323 = arith.constant 2.000000e-01 : f32
        %mul3A_324 = vector.broadcast %mul3A_323 : f32 to vector<16xf32>
        %mul3A_325 = arith.mulf %mul3A_324, %add3A_322 : vector<16xf32>
        %max3A_326 = arith.maximumf %add3A_322, %mul3A_325 : vector<16xf32>
        %mul3A_327 = arith.mulf %max3A_326, %get3A_28 : vector<16xf32>
        %get3A_328 = arith.index_cast %scan3A_163 : i32 to index
        %get3A_329 = arith.constant 16 : index
        %get3A_330 = tpu.vector_load %arg19[%get3A_328, %get3A_329] {strides = array<i32>} : memref<128x128xf32, #tpu.memory_space<vmem>>, vector<1x16xf32>,
        %get3A_331 = vector.shape_cast %get3A_330 : vector<1x16xf32> to vector<16xf32>
        %get3A_332 = arith.index_cast %scan3A_163 : i32 to index
        %get3A_333 = arith.constant 144 : index
        %get3A_334 = tpu.vector_load %arg20[%get3A_332, %get3A_333] {strides = array<i32>} : memref<128x256xf32, #tpu.memory_space<vmem>>, vector<1x16xf32>,
        %get3A_335 = vector.shape_cast %get3A_334 : vector<1x16xf32> to vector<16xf32>
        %add3A_336 = arith.addf %get3A_331, %get3A_335 : vector<16xf32>
        %mul3A_337 = arith.mulf %gather3A_180, %get3A_79 : vector<16xf32>
        %add3A_338 = arith.addf %add3A_336, %mul3A_337 : vector<16xf32>
        %mul3A_339 = arith.constant 2.000000e-01 : f32
        %mul3A_340 = vector.broadcast %mul3A_339 : f32 to vector<16xf32>
        %mul3A_341 = arith.mulf %mul3A_340, %add3A_338 : vector<16xf32>
        %max3A_342 = arith.maximumf %add3A_338, %mul3A_341 : vector<16xf32>
        %mul3A_343 = arith.mulf %max3A_342, %get3A_31 : vector<16xf32>
        %add3A_344 = arith.addf %mul3A_327, %mul3A_343 : vector<16xf32>
        %get3A_345 = arith.index_cast %scan3A_163 : i32 to index
        %get3A_346 = arith.constant 32 : index
        %get3A_347 = tpu.vector_load %arg19[%get3A_345, %get3A_346] {strides = array<i32>} : memref<128x128xf32, #tpu.memory_space<vmem>>, vector<1x16xf32>,
        %get3A_348 = vector.shape_cast %get3A_347 : vector<1x16xf32> to vector<16xf32>
        %get3A_349 = arith.index_cast %scan3A_163 : i32 to index
        %get3A_350 = arith.constant 160 : index
        %get3A_351 = tpu.vector_load %arg20[%get3A_349, %get3A_350] {strides = array<i32>} : memref<128x256xf32, #tpu.memory_space<vmem>>, vector<1x16xf32>,
        %get3A_352 = vector.shape_cast %get3A_351 : vector<1x16xf32> to vector<16xf32>
        %add3A_353 = arith.addf %get3A_348, %get3A_352 : vector<16xf32>
        %mul3A_354 = arith.mulf %gather3A_180, %get3A_82 : vector<16xf32>
        %add3A_355 = arith.addf %add3A_353, %mul3A_354 : vector<16xf32>
        %mul3A_356 = arith.constant 2.000000e-01 : f32
        %mul3A_357 = vector.broadcast %mul3A_356 : f32 to vector<16xf32>
        %mul3A_358 = arith.mulf %mul3A_357, %add3A_355 : vector<16xf32>
        %max3A_359 = arith.maximumf %add3A_355, %mul3A_358 : vector<16xf32>
        %mul3A_360 = arith.mulf %max3A_359, %get3A_34 : vector<16xf32>
        %get3A_361 = arith.index_cast %scan3A_163 : i32 to index
        %get3A_362 = arith.constant 48 : index
        %get3A_363 = tpu.vector_load %arg19[%get3A_361, %get3A_362] {strides = array<i32>} : memref<128x128xf32, #tpu.memory_space<vmem>>, vector<1x16xf32>,
        %get3A_364 = vector.shape_cast %get3A_363 : vector<1x16xf32> to vector<16xf32>
        %get3A_365 = arith.index_cast %scan3A_163 : i32 to index
        %get3A_366 = arith.constant 176 : index
        %get3A_367 = tpu.vector_load %arg20[%get3A_365, %get3A_366] {strides = array<i32>} : memref<128x256xf32, #tpu.memory_space<vmem>>, vector<1x16xf32>,
        %get3A_368 = vector.shape_cast %get3A_367 : vector<1x16xf32> to vector<16xf32>
        %add3A_369 = arith.addf %get3A_364, %get3A_368 : vector<16xf32>
        %mul3A_370 = arith.mulf %gather3A_180, %get3A_85 : vector<16xf32>
        %add3A_371 = arith.addf %add3A_369, %mul3A_370 : vector<16xf32>
        %mul3A_372 = arith.constant 2.000000e-01 : f32
        %mul3A_373 = vector.broadcast %mul3A_372 : f32 to vector<16xf32>
        %mul3A_374 = arith.mulf %mul3A_373, %add3A_371 : vector<16xf32>
        %max3A_375 = arith.maximumf %add3A_371, %mul3A_374 : vector<16xf32>
        %mul3A_376 = arith.mulf %max3A_375, %get3A_37 : vector<16xf32>
        %add3A_377 = arith.addf %mul3A_360, %mul3A_376 : vector<16xf32>
        %get3A_378 = arith.index_cast %scan3A_163 : i32 to index
        %get3A_379 = arith.constant 64 : index
        %get3A_380 = tpu.vector_load %arg19[%get3A_378, %get3A_379] {strides = array<i32>} : memref<128x128xf32, #tpu.memory_space<vmem>>, vector<1x16xf32>,
        %get3A_381 = vector.shape_cast %get3A_380 : vector<1x16xf32> to vector<16xf32>
        %get3A_382 = arith.index_cast %scan3A_163 : i32 to index
        %get3A_383 = arith.constant 192 : index
        %get3A_384 = tpu.vector_load %arg20[%get3A_382, %get3A_383] {strides = array<i32>} : memref<128x256xf32, #tpu.memory_space<vmem>>, vector<1x16xf32>,
        %get3A_385 = vector.shape_cast %get3A_384 : vector<1x16xf32> to vector<16xf32>
        %add3A_386 = arith.addf %get3A_381, %get3A_385 : vector<16xf32>
        %mul3A_387 = arith.mulf %gather3A_180, %get3A_88 : vector<16xf32>
        %add3A_388 = arith.addf %add3A_386, %mul3A_387 : vector<16xf32>
        %mul3A_389 = arith.constant 2.000000e-01 : f32
        %mul3A_390 = vector.broadcast %mul3A_389 : f32 to vector<16xf32>
        %mul3A_391 = arith.mulf %mul3A_390, %add3A_388 : vector<16xf32>
        %max3A_392 = arith.maximumf %add3A_388, %mul3A_391 : vector<16xf32>
        %mul3A_393 = arith.mulf %max3A_392, %get3A_40 : vector<16xf32>
        %get3A_394 = arith.index_cast %scan3A_163 : i32 to index
        %get3A_395 = arith.constant 80 : index
        %get3A_396 = tpu.vector_load %arg19[%get3A_394, %get3A_395] {strides = array<i32>} : memref<128x128xf32, #tpu.memory_space<vmem>>, vector<1x16xf32>,
        %get3A_397 = vector.shape_cast %get3A_396 : vector<1x16xf32> to vector<16xf32>
        %get3A_398 = arith.index_cast %scan3A_163 : i32 to index
        %get3A_399 = arith.constant 208 : index
        %get3A_400 = tpu.vector_load %arg20[%get3A_398, %get3A_399] {strides = array<i32>} : memref<128x256xf32, #tpu.memory_space<vmem>>, vector<1x16xf32>,
        %get3A_401 = vector.shape_cast %get3A_400 : vector<1x16xf32> to vector<16xf32>
        %add3A_402 = arith.addf %get3A_397, %get3A_401 : vector<16xf32>
        %mul3A_403 = arith.mulf %gather3A_180, %get3A_91 : vector<16xf32>
        %add3A_404 = arith.addf %add3A_402, %mul3A_403 : vector<16xf32>
        %mul3A_405 = arith.constant 2.000000e-01 : f32
        %mul3A_406 = vector.broadcast %mul3A_405 : f32 to vector<16xf32>
        %mul3A_407 = arith.mulf %mul3A_406, %add3A_404 : vector<16xf32>
        %max3A_408 = arith.maximumf %add3A_404, %mul3A_407 : vector<16xf32>
        %mul3A_409 = arith.mulf %max3A_408, %get3A_43 : vector<16xf32>
        %add3A_410 = arith.addf %mul3A_393, %mul3A_409 : vector<16xf32>
        %get3A_411 = arith.index_cast %scan3A_163 : i32 to index
        %get3A_412 = arith.constant 96 : index
        %get3A_413 = tpu.vector_load %arg19[%get3A_411, %get3A_412] {strides = array<i32>} : memref<128x128xf32, #tpu.memory_space<vmem>>, vector<1x16xf32>,
        %get3A_414 = vector.shape_cast %get3A_413 : vector<1x16xf32> to vector<16xf32>
        %get3A_415 = arith.index_cast %scan3A_163 : i32 to index
        %get3A_416 = arith.constant 224 : index
        %get3A_417 = tpu.vector_load %arg20[%get3A_415, %get3A_416] {strides = array<i32>} : memref<128x256xf32, #tpu.memory_space<vmem>>, vector<1x16xf32>,
        %get3A_418 = vector.shape_cast %get3A_417 : vector<1x16xf32> to vector<16xf32>
        %add3A_419 = arith.addf %get3A_414, %get3A_418 : vector<16xf32>
        %mul3A_420 = arith.mulf %gather3A_180, %get3A_94 : vector<16xf32>
        %add3A_421 = arith.addf %add3A_419, %mul3A_420 : vector<16xf32>
        %mul3A_422 = arith.constant 2.000000e-01 : f32
        %mul3A_423 = vector.broadcast %mul3A_422 : f32 to vector<16xf32>
        %mul3A_424 = arith.mulf %mul3A_423, %add3A_421 : vector<16xf32>
        %max3A_425 = arith.maximumf %add3A_421, %mul3A_424 : vector<16xf32>
        %mul3A_426 = arith.mulf %max3A_425, %get3A_46 : vector<16xf32>
        %get3A_427 = arith.index_cast %scan3A_163 : i32 to index
        %get3A_428 = arith.constant 112 : index
        %get3A_429 = tpu.vector_load %arg19[%get3A_427, %get3A_428] {strides = array<i32>} : memref<128x128xf32, #tpu.memory_space<vmem>>, vector<1x16xf32>,
        %get3A_430 = vector.shape_cast %get3A_429 : vector<1x16xf32> to vector<16xf32>
        %get3A_431 = arith.index_cast %scan3A_163 : i32 to index
        %get3A_432 = arith.constant 240 : index
        %get3A_433 = tpu.vector_load %arg20[%get3A_431, %get3A_432] {strides = array<i32>} : memref<128x256xf32, #tpu.memory_space<vmem>>, vector<1x16xf32>,
        %get3A_434 = vector.shape_cast %get3A_433 : vector<1x16xf32> to vector<16xf32>
        %add3A_435 = arith.addf %get3A_430, %get3A_434 : vector<16xf32>
        %mul3A_436 = arith.mulf %gather3A_180, %get3A_97 : vector<16xf32>
        %add3A_437 = arith.addf %add3A_435, %mul3A_436 : vector<16xf32>
        %mul3A_438 = arith.constant 2.000000e-01 : f32
        %mul3A_439 = vector.broadcast %mul3A_438 : f32 to vector<16xf32>
        %mul3A_440 = arith.mulf %mul3A_439, %add3A_437 : vector<16xf32>
        %max3A_441 = arith.maximumf %add3A_437, %mul3A_440 : vector<16xf32>
        %mul3A_442 = arith.mulf %max3A_441, %get3A_49 : vector<16xf32>
        %add3A_443 = arith.addf %mul3A_426, %mul3A_442 : vector<16xf32>
        %lt3A_444 = arith.constant 0 : i32
        %lt3A_445 = vector.broadcast %lt3A_444 : i32 to vector<16xi32>
        %lt3A_446 = arith.cmpi slt, %xor3A_99, %lt3A_445 : vector<16xi32>
        %add3A_447 = arith.constant 16 : i32
        %add3A_448 = vector.broadcast %add3A_447 : i32 to vector<16xi32>
        %add3A_449 = arith.addi %xor3A_99, %add3A_448 : vector<16xi32>
        %select_n3A_450 = arith.select %lt3A_446, %add3A_449, %xor3A_99 : vector<16xi1>, vector<16xi32>
        %broadcast_in_dim3A_451 = vector.shape_cast %select_n3A_450 : vector<16xi32> to vector<16x1xi32>
        %gather3A_452 = vector.shape_cast %broadcast_in_dim3A_451 : vector<16x1xi32> to vector<16xi32>
        %gather3A_453 = tpu.dynamic_gather %add3A_212[%gather3A_452] in [0] : vector<16xf32>, vector<16xi32> -> vector<16xf32>
        %add3A_454 = arith.addf %add3A_212, %gather3A_453 : vector<16xf32>
        %lt3A_455 = arith.constant 0 : i32
        %lt3A_456 = vector.broadcast %lt3A_455 : i32 to vector<16xi32>
        %lt3A_457 = arith.cmpi slt, %xor3A_99, %lt3A_456 : vector<16xi32>
        %add3A_458 = arith.constant 16 : i32
        %add3A_459 = vector.broadcast %add3A_458 : i32 to vector<16xi32>
        %add3A_460 = arith.addi %xor3A_99, %add3A_459 : vector<16xi32>
        %select_n3A_461 = arith.select %lt3A_457, %add3A_460, %xor3A_99 : vector<16xi1>, vector<16xi32>
        %broadcast_in_dim3A_462 = vector.shape_cast %select_n3A_461 : vector<16xi32> to vector<16x1xi32>
        %gather3A_463 = vector.shape_cast %broadcast_in_dim3A_462 : vector<16x1xi32> to vector<16xi32>
        %gather3A_464 = tpu.dynamic_gather %add3A_245[%gather3A_463] in [0] : vector<16xf32>, vector<16xi32> -> vector<16xf32>
        %add3A_465 = arith.addf %add3A_245, %gather3A_464 : vector<16xf32>
        %lt3A_466 = arith.constant 0 : i32
        %lt3A_467 = vector.broadcast %lt3A_466 : i32 to vector<16xi32>
        %lt3A_468 = arith.cmpi slt, %xor3A_99, %lt3A_467 : vector<16xi32>
        %add3A_469 = arith.constant 16 : i32
        %add3A_470 = vector.broadcast %add3A_469 : i32 to vector<16xi32>
        %add3A_471 = arith.addi %xor3A_99, %add3A_470 : vector<16xi32>
        %select_n3A_472 = arith.select %lt3A_468, %add3A_471, %xor3A_99 : vector<16xi1>, vector<16xi32>
        %broadcast_in_dim3A_473 = vector.shape_cast %select_n3A_472 : vector<16xi32> to vector<16x1xi32>
        %gather3A_474 = vector.shape_cast %broadcast_in_dim3A_473 : vector<16x1xi32> to vector<16xi32>
        %gather3A_475 = tpu.dynamic_gather %add3A_278[%gather3A_474] in [0] : vector<16xf32>, vector<16xi32> -> vector<16xf32>
        %add3A_476 = arith.addf %add3A_278, %gather3A_475 : vector<16xf32>
        %lt3A_477 = arith.constant 0 : i32
        %lt3A_478 = vector.broadcast %lt3A_477 : i32 to vector<16xi32>
        %lt3A_479 = arith.cmpi slt, %xor3A_99, %lt3A_478 : vector<16xi32>
        %add3A_480 = arith.constant 16 : i32
        %add3A_481 = vector.broadcast %add3A_480 : i32 to vector<16xi32>
        %add3A_482 = arith.addi %xor3A_99, %add3A_481 : vector<16xi32>
        %select_n3A_483 = arith.select %lt3A_479, %add3A_482, %xor3A_99 : vector<16xi1>, vector<16xi32>
        %broadcast_in_dim3A_484 = vector.shape_cast %select_n3A_483 : vector<16xi32> to vector<16x1xi32>
        %gather3A_485 = vector.shape_cast %broadcast_in_dim3A_484 : vector<16x1xi32> to vector<16xi32>
        %gather3A_486 = tpu.dynamic_gather %add3A_311[%gather3A_485] in [0] : vector<16xf32>, vector<16xi32> -> vector<16xf32>
        %add3A_487 = arith.addf %add3A_311, %gather3A_486 : vector<16xf32>
        %lt3A_488 = arith.constant 0 : i32
        %lt3A_489 = vector.broadcast %lt3A_488 : i32 to vector<16xi32>
        %lt3A_490 = arith.cmpi slt, %xor3A_99, %lt3A_489 : vector<16xi32>
        %add3A_491 = arith.constant 16 : i32
        %add3A_492 = vector.broadcast %add3A_491 : i32 to vector<16xi32>
        %add3A_493 = arith.addi %xor3A_99, %add3A_492 : vector<16xi32>
        %select_n3A_494 = arith.select %lt3A_490, %add3A_493, %xor3A_99 : vector<16xi1>, vector<16xi32>
        %broadcast_in_dim3A_495 = vector.shape_cast %select_n3A_494 : vector<16xi32> to vector<16x1xi32>
        %gather3A_496 = vector.shape_cast %broadcast_in_dim3A_495 : vector<16x1xi32> to vector<16xi32>
        %gather3A_497 = tpu.dynamic_gather %add3A_344[%gather3A_496] in [0] : vector<16xf32>, vector<16xi32> -> vector<16xf32>
        %add3A_498 = arith.addf %add3A_344, %gather3A_497 : vector<16xf32>
        %lt3A_499 = arith.constant 0 : i32
        %lt3A_500 = vector.broadcast %lt3A_499 : i32 to vector<16xi32>
        %lt3A_501 = arith.cmpi slt, %xor3A_99, %lt3A_500 : vector<16xi32>
        %add3A_502 = arith.constant 16 : i32
        %add3A_503 = vector.broadcast %add3A_502 : i32 to vector<16xi32>
        %add3A_504 = arith.addi %xor3A_99, %add3A_503 : vector<16xi32>
        %select_n3A_505 = arith.select %lt3A_501, %add3A_504, %xor3A_99 : vector<16xi1>, vector<16xi32>
        %broadcast_in_dim3A_506 = vector.shape_cast %select_n3A_505 : vector<16xi32> to vector<16x1xi32>
        %gather3A_507 = vector.shape_cast %broadcast_in_dim3A_506 : vector<16x1xi32> to vector<16xi32>
        %gather3A_508 = tpu.dynamic_gather %add3A_377[%gather3A_507] in [0] : vector<16xf32>, vector<16xi32> -> vector<16xf32>
        %add3A_509 = arith.addf %add3A_377, %gather3A_508 : vector<16xf32>
        %lt3A_510 = arith.constant 0 : i32
        %lt3A_511 = vector.broadcast %lt3A_510 : i32 to vector<16xi32>
        %lt3A_512 = arith.cmpi slt, %xor3A_99, %lt3A_511 : vector<16xi32>
        %add3A_513 = arith.constant 16 : i32
        %add3A_514 = vector.broadcast %add3A_513 : i32 to vector<16xi32>
        %add3A_515 = arith.addi %xor3A_99, %add3A_514 : vector<16xi32>
        %select_n3A_516 = arith.select %lt3A_512, %add3A_515, %xor3A_99 : vector<16xi1>, vector<16xi32>
        %broadcast_in_dim3A_517 = vector.shape_cast %select_n3A_516 : vector<16xi32> to vector<16x1xi32>
        %gather3A_518 = vector.shape_cast %broadcast_in_dim3A_517 : vector<16x1xi32> to vector<16xi32>
        %gather3A_519 = tpu.dynamic_gather %add3A_410[%gather3A_518] in [0] : vector<16xf32>, vector<16xi32> -> vector<16xf32>
        %add3A_520 = arith.addf %add3A_410, %gather3A_519 : vector<16xf32>
        %lt3A_521 = arith.constant 0 : i32
        %lt3A_522 = vector.broadcast %lt3A_521 : i32 to vector<16xi32>
        %lt3A_523 = arith.cmpi slt, %xor3A_99, %lt3A_522 : vector<16xi32>
        %add3A_524 = arith.constant 16 : i32
        %add3A_525 = vector.broadcast %add3A_524 : i32 to vector<16xi32>
        %add3A_526 = arith.addi %xor3A_99, %add3A_525 : vector<16xi32>
        %select_n3A_527 = arith.select %lt3A_523, %add3A_526, %xor3A_99 : vector<16xi1>, vector<16xi32>
        %broadcast_in_dim3A_528 = vector.shape_cast %select_n3A_527 : vector<16xi32> to vector<16x1xi32>
        %gather3A_529 = vector.shape_cast %broadcast_in_dim3A_528 : vector<16x1xi32> to vector<16xi32>
        %gather3A_530 = tpu.dynamic_gather %add3A_443[%gather3A_529] in [0] : vector<16xf32>, vector<16xi32> -> vector<16xf32>
        %add3A_531 = arith.addf %add3A_443, %gather3A_530 : vector<16xf32>
        %select_n3A_532 = arith.select %lt3A_110, %add3A_454, %add3A_465 : vector<16xi1>, vector<16xf32>
        %select_n3A_533 = arith.select %lt3A_110, %add3A_476, %add3A_487 : vector<16xi1>, vector<16xf32>
        %select_n3A_534 = arith.select %lt3A_110, %add3A_498, %add3A_509 : vector<16xi1>, vector<16xf32>
        %select_n3A_535 = arith.select %lt3A_110, %add3A_520, %add3A_531 : vector<16xi1>, vector<16xf32>
        %lt3A_536 = arith.constant 0 : i32
        %lt3A_537 = vector.broadcast %lt3A_536 : i32 to vector<16xi32>
        %lt3A_538 = arith.cmpi slt, %xor3A_102, %lt3A_537 : vector<16xi32>
        %add3A_539 = arith.constant 16 : i32
        %add3A_540 = vector.broadcast %add3A_539 : i32 to vector<16xi32>
        %add3A_541 = arith.addi %xor3A_102, %add3A_540 : vector<16xi32>
        %select_n3A_542 = arith.select %lt3A_538, %add3A_541, %xor3A_102 : vector<16xi1>, vector<16xi32>
        %broadcast_in_dim3A_543 = vector.shape_cast %select_n3A_542 : vector<16xi32> to vector<16x1xi32>
        %gather3A_544 = vector.shape_cast %broadcast_in_dim3A_543 : vector<16x1xi32> to vector<16xi32>
        %gather3A_545 = tpu.dynamic_gather %select_n3A_532[%gather3A_544] in [0] : vector<16xf32>, vector<16xi32> -> vector<16xf32>
        %add3A_546 = arith.addf %select_n3A_532, %gather3A_545 : vector<16xf32>
        %lt3A_547 = arith.constant 0 : i32
        %lt3A_548 = vector.broadcast %lt3A_547 : i32 to vector<16xi32>
        %lt3A_549 = arith.cmpi slt, %xor3A_102, %lt3A_548 : vector<16xi32>
        %add3A_550 = arith.constant 16 : i32
        %add3A_551 = vector.broadcast %add3A_550 : i32 to vector<16xi32>
        %add3A_552 = arith.addi %xor3A_102, %add3A_551 : vector<16xi32>
        %select_n3A_553 = arith.select %lt3A_549, %add3A_552, %xor3A_102 : vector<16xi1>, vector<16xi32>
        %broadcast_in_dim3A_554 = vector.shape_cast %select_n3A_553 : vector<16xi32> to vector<16x1xi32>
        %gather3A_555 = vector.shape_cast %broadcast_in_dim3A_554 : vector<16x1xi32> to vector<16xi32>
        %gather3A_556 = tpu.dynamic_gather %select_n3A_533[%gather3A_555] in [0] : vector<16xf32>, vector<16xi32> -> vector<16xf32>
        %add3A_557 = arith.addf %select_n3A_533, %gather3A_556 : vector<16xf32>
        %lt3A_558 = arith.constant 0 : i32
        %lt3A_559 = vector.broadcast %lt3A_558 : i32 to vector<16xi32>
        %lt3A_560 = arith.cmpi slt, %xor3A_102, %lt3A_559 : vector<16xi32>
        %add3A_561 = arith.constant 16 : i32
        %add3A_562 = vector.broadcast %add3A_561 : i32 to vector<16xi32>
        %add3A_563 = arith.addi %xor3A_102, %add3A_562 : vector<16xi32>
        %select_n3A_564 = arith.select %lt3A_560, %add3A_563, %xor3A_102 : vector<16xi1>, vector<16xi32>
        %broadcast_in_dim3A_565 = vector.shape_cast %select_n3A_564 : vector<16xi32> to vector<16x1xi32>
        %gather3A_566 = vector.shape_cast %broadcast_in_dim3A_565 : vector<16x1xi32> to vector<16xi32>
        %gather3A_567 = tpu.dynamic_gather %select_n3A_534[%gather3A_566] in [0] : vector<16xf32>, vector<16xi32> -> vector<16xf32>
        %add3A_568 = arith.addf %select_n3A_534, %gather3A_567 : vector<16xf32>
        %lt3A_569 = arith.constant 0 : i32
        %lt3A_570 = vector.broadcast %lt3A_569 : i32 to vector<16xi32>
        %lt3A_571 = arith.cmpi slt, %xor3A_102, %lt3A_570 : vector<16xi32>
        %add3A_572 = arith.constant 16 : i32
        %add3A_573 = vector.broadcast %add3A_572 : i32 to vector<16xi32>
        %add3A_574 = arith.addi %xor3A_102, %add3A_573 : vector<16xi32>
        %select_n3A_575 = arith.select %lt3A_571, %add3A_574, %xor3A_102 : vector<16xi1>, vector<16xi32>
        %broadcast_in_dim3A_576 = vector.shape_cast %select_n3A_575 : vector<16xi32> to vector<16x1xi32>
        %gather3A_577 = vector.shape_cast %broadcast_in_dim3A_576 : vector<16x1xi32> to vector<16xi32>
        %gather3A_578 = tpu.dynamic_gather %select_n3A_535[%gather3A_577] in [0] : vector<16xf32>, vector<16xi32> -> vector<16xf32>
        %add3A_579 = arith.addf %select_n3A_535, %gather3A_578 : vector<16xf32>
        %lt3A_580 = arith.constant 0 : i32
        %lt3A_581 = vector.broadcast %lt3A_580 : i32 to vector<16xi32>
        %lt3A_582 = arith.cmpi slt, %and3A_117, %lt3A_581 : vector<16xi32>
        %add3A_583 = arith.constant 16 : i32
        %add3A_584 = vector.broadcast %add3A_583 : i32 to vector<16xi32>
        %add3A_585 = arith.addi %and3A_117, %add3A_584 : vector<16xi32>
        %select_n3A_586 = arith.select %lt3A_582, %add3A_585, %and3A_117 : vector<16xi1>, vector<16xi32>
        %broadcast_in_dim3A_587 = vector.shape_cast %select_n3A_586 : vector<16xi32> to vector<16x1xi32>
        %gather3A_588 = vector.shape_cast %broadcast_in_dim3A_587 : vector<16x1xi32> to vector<16xi32>
        %gather3A_589 = tpu.dynamic_gather %add3A_557[%gather3A_588] in [0] : vector<16xf32>, vector<16xi32> -> vector<16xf32>
        %select_n3A_590 = arith.select %eq3A_114, %add3A_546, %gather3A_589 : vector<16xi1>, vector<16xf32>
        %lt3A_591 = arith.constant 0 : i32
        %lt3A_592 = vector.broadcast %lt3A_591 : i32 to vector<16xi32>
        %lt3A_593 = arith.cmpi slt, %and3A_117, %lt3A_592 : vector<16xi32>
        %add3A_594 = arith.constant 16 : i32
        %add3A_595 = vector.broadcast %add3A_594 : i32 to vector<16xi32>
        %add3A_596 = arith.addi %and3A_117, %add3A_595 : vector<16xi32>
        %select_n3A_597 = arith.select %lt3A_593, %add3A_596, %and3A_117 : vector<16xi1>, vector<16xi32>
        %broadcast_in_dim3A_598 = vector.shape_cast %select_n3A_597 : vector<16xi32> to vector<16x1xi32>
        %gather3A_599 = vector.shape_cast %broadcast_in_dim3A_598 : vector<16x1xi32> to vector<16xi32>
        %gather3A_600 = tpu.dynamic_gather %add3A_579[%gather3A_599] in [0] : vector<16xf32>, vector<16xi32> -> vector<16xf32>
        %select_n3A_601 = arith.select %eq3A_114, %add3A_568, %gather3A_600 : vector<16xi1>, vector<16xf32>
        %lt3A_602 = arith.constant 0 : i32
        %lt3A_603 = vector.broadcast %lt3A_602 : i32 to vector<16xi32>
        %lt3A_604 = arith.cmpi slt, %xor3A_105, %lt3A_603 : vector<16xi32>
        %add3A_605 = arith.constant 16 : i32
        %add3A_606 = vector.broadcast %add3A_605 : i32 to vector<16xi32>
        %add3A_607 = arith.addi %xor3A_105, %add3A_606 : vector<16xi32>
        %select_n3A_608 = arith.select %lt3A_604, %add3A_607, %xor3A_105 : vector<16xi1>, vector<16xi32>
        %broadcast_in_dim3A_609 = vector.shape_cast %select_n3A_608 : vector<16xi32> to vector<16x1xi32>
        %gather3A_610 = vector.shape_cast %broadcast_in_dim3A_609 : vector<16x1xi32> to vector<16xi32>
        %gather3A_611 = tpu.dynamic_gather %select_n3A_590[%gather3A_610] in [0] : vector<16xf32>, vector<16xi32> -> vector<16xf32>
        %add3A_612 = arith.addf %select_n3A_590, %gather3A_611 : vector<16xf32>
        %lt3A_613 = arith.constant 0 : i32
        %lt3A_614 = vector.broadcast %lt3A_613 : i32 to vector<16xi32>
        %lt3A_615 = arith.cmpi slt, %xor3A_105, %lt3A_614 : vector<16xi32>
        %add3A_616 = arith.constant 16 : i32
        %add3A_617 = vector.broadcast %add3A_616 : i32 to vector<16xi32>
        %add3A_618 = arith.addi %xor3A_105, %add3A_617 : vector<16xi32>
        %select_n3A_619 = arith.select %lt3A_615, %add3A_618, %xor3A_105 : vector<16xi1>, vector<16xi32>
        %broadcast_in_dim3A_620 = vector.shape_cast %select_n3A_619 : vector<16xi32> to vector<16x1xi32>
        %gather3A_621 = vector.shape_cast %broadcast_in_dim3A_620 : vector<16x1xi32> to vector<16xi32>
        %gather3A_622 = tpu.dynamic_gather %select_n3A_601[%gather3A_621] in [0] : vector<16xf32>, vector<16xi32> -> vector<16xf32>
        %add3A_623 = arith.addf %select_n3A_601, %gather3A_622 : vector<16xf32>
        %lt3A_624 = arith.constant 0 : i32
        %lt3A_625 = vector.broadcast %lt3A_624 : i32 to vector<16xi32>
        %lt3A_626 = arith.cmpi slt, %xor3A_108, %lt3A_625 : vector<16xi32>
        %add3A_627 = arith.constant 16 : i32
        %add3A_628 = vector.broadcast %add3A_627 : i32 to vector<16xi32>
        %add3A_629 = arith.addi %xor3A_108, %add3A_628 : vector<16xi32>
        %select_n3A_630 = arith.select %lt3A_626, %add3A_629, %xor3A_108 : vector<16xi1>, vector<16xi32>
        %broadcast_in_dim3A_631 = vector.shape_cast %select_n3A_630 : vector<16xi32> to vector<16x1xi32>
        %gather3A_632 = vector.shape_cast %broadcast_in_dim3A_631 : vector<16x1xi32> to vector<16xi32>
        %gather3A_633 = tpu.dynamic_gather %add3A_612[%gather3A_632] in [0] : vector<16xf32>, vector<16xi32> -> vector<16xf32>
        %add3A_634 = arith.addf %add3A_612, %gather3A_633 : vector<16xf32>
        %lt3A_635 = arith.constant 0 : i32
        %lt3A_636 = vector.broadcast %lt3A_635 : i32 to vector<16xi32>
        %lt3A_637 = arith.cmpi slt, %xor3A_108, %lt3A_636 : vector<16xi32>
        %add3A_638 = arith.constant 16 : i32
        %add3A_639 = vector.broadcast %add3A_638 : i32 to vector<16xi32>
        %add3A_640 = arith.addi %xor3A_108, %add3A_639 : vector<16xi32>
        %select_n3A_641 = arith.select %lt3A_637, %add3A_640, %xor3A_108 : vector<16xi1>, vector<16xi32>
        %broadcast_in_dim3A_642 = vector.shape_cast %select_n3A_641 : vector<16xi32> to vector<16x1xi32>
        %gather3A_643 = vector.shape_cast %broadcast_in_dim3A_642 : vector<16x1xi32> to vector<16xi32>
        %gather3A_644 = tpu.dynamic_gather %add3A_623[%gather3A_643] in [0] : vector<16xf32>, vector<16xi32> -> vector<16xf32>
        %add3A_645 = arith.addf %add3A_623, %gather3A_644 : vector<16xf32>
        %lt3A_646 = arith.constant 0 : i32
        %lt3A_647 = vector.broadcast %lt3A_646 : i32 to vector<16xi32>
        %lt3A_648 = arith.cmpi slt, %or3A, %lt3A_647 : vector<16xi32>
        %add3A_649 = arith.constant 16 : i32
        %add3A_650 = vector.broadcast %add3A_649 : i32 to vector<16xi32>
        %add3A_651 = arith.addi %or3A, %add3A_650 : vector<16xi32>
        %select_n3A_652 = arith.select %lt3A_648, %add3A_651, %or3A : vector<16xi1>, vector<16xi32>
        %broadcast_in_dim3A_653 = vector.shape_cast %select_n3A_652 : vector<16xi32> to vector<16x1xi32>
        %gather3A_654 = vector.shape_cast %broadcast_in_dim3A_653 : vector<16x1xi32> to vector<16xi32>
        %gather3A_655 = tpu.dynamic_gather %add3A_634[%gather3A_654] in [0] : vector<16xf32>, vector<16xi32> -> vector<16xf32>
        %lt3A_656 = arith.constant 0 : i32
        %lt3A_657 = vector.broadcast %lt3A_656 : i32 to vector<16xi32>
        %lt3A_658 = arith.cmpi slt, %or3A, %lt3A_657 : vector<16xi32>
        %add3A_659 = arith.constant 16 : i32
        %add3A_660 = vector.broadcast %add3A_659 : i32 to vector<16xi32>
        %add3A_661 = arith.addi %or3A, %add3A_660 : vector<16xi32>
        %select_n3A_662 = arith.select %lt3A_658, %add3A_661, %or3A : vector<16xi1>, vector<16xi32>
        %broadcast_in_dim3A_663 = vector.shape_cast %select_n3A_662 : vector<16xi32> to vector<16x1xi32>
        %gather3A_664 = vector.shape_cast %broadcast_in_dim3A_663 : vector<16x1xi32> to vector<16xi32>
        %gather3A_665 = tpu.dynamic_gather %add3A_645[%gather3A_664] in [0] : vector<16xf32>, vector<16xi32> -> vector<16xf32>
        %select_n3A_666 = arith.select %eq3A_114, %gather3A_655, %gather3A_665 : vector<16xi1>, vector<16xf32>
        %mul3A_667 = arith.constant 8 : i32
        %mul3A_668 = arith.muli %scan3A_163, %mul3A_667 : i32
        %swap3A_669 = arith.index_cast %mul3A_668 : i32 to index
        %swap3A_670 = tpu.vector_load %arg23[%swap3A_669] {strides = array<i32>} : memref<1032xf32, #tpu.memory_space<vmem>>, vector<16xf32>,
        %swap3A_671 = vector.shape_cast %swap3A_670 : vector<16xf32> to vector<16xf32>
        %swap3A_672 = vector.shape_cast %select_n3A_666 : vector<16xf32> to vector<16xf32>
        tpu.vector_store %arg23[%swap3A_669], %swap3A_672 {strides = array<i32>} : memref<1032xf32, #tpu.memory_space<vmem>>, vector<16xf32>,
        %max3A_673 = arith.maximumf %scan3A_164, %select_n3A_666 : vector<16xf32>
        scf.yield %max3A_673 : vector<16xf32>
      }
      %scan3A_160 = arith.constant 128 : i32
      %mul3A_161 = arith.constant 8 : i32
      %mul3A_162 = arith.muli %add3A_154, %mul3A_161 : i32
      "tpu.region"() ({
        %run_scoped3A = tpu.sem_alloc : memref<!tpu.dma_semaphore, #tpu.memory_space<semaphore_mem>>
        %dma_start3A = arith.constant 0 : i32
        %dma_start3A_163 = tpu.memref_slice %arg23[%dma_start3A] : memref<1032xf32, #tpu.memory_space<vmem>> -> memref<1024xf32, #tpu.memory_space<vmem>>
        %dma_start3A_164 = tpu.memref_slice %arg10[%mul3A_162] : memref<1280000xf32, #tpu.memory_space<hbm>> -> memref<1024xf32, #tpu.memory_space<hbm>>
        %dma_start3A_165 = tpu.memref_slice %arg10[%mul3A_162] : memref<1280000xf32, #tpu.memory_space<hbm>> -> memref<1024xf32, #tpu.memory_space<hbm>>
        %dma_start3A_166 = arith.constant 0 : i32
        %dma_start3A_167 = tpu.memref_slice %arg23[%dma_start3A_166] : memref<1032xf32, #tpu.memory_space<vmem>> -> memref<1024xf32, #tpu.memory_space<vmem>>
        tpu.enqueue_dma source(%dma_start3A_167 : memref<1024xf32, #tpu.memory_space<vmem>>) target(%dma_start3A_165 : memref<1024xf32, #tpu.memory_space<hbm>>) target_semaphore(%run_scoped3A : memref<!tpu.dma_semaphore, #tpu.memory_space<semaphore_mem>>)
        %dma_wait3A = arith.constant 0 : i32
        %dma_wait3A_168 = tpu.memref_slice %arg23[%dma_wait3A] : memref<1032xf32, #tpu.memory_space<vmem>> -> memref<1024xf32, #tpu.memory_space<vmem>>
        %dma_wait3A_169 = tpu.memref_slice %arg10[%mul3A_162] : memref<1280000xf32, #tpu.memory_space<hbm>> -> memref<1024xf32, #tpu.memory_space<hbm>>
        %dma_wait3A_170 = tpu.memref_slice %arg10[%mul3A_162] : memref<1280000xf32, #tpu.memory_space<hbm>> -> memref<1024xf32, #tpu.memory_space<hbm>>
        %dma_wait3A_171 = arith.constant 0 : i32
        %dma_wait3A_172 = tpu.memref_slice %arg23[%dma_wait3A_171] : memref<1032xf32, #tpu.memory_space<vmem>> -> memref<1024xf32, #tpu.memory_space<vmem>>
        tpu.wait_dma2 semaphore(%run_scoped3A : memref<!tpu.dma_semaphore, #tpu.memory_space<semaphore_mem>>) src(%dma_wait3A_172 : memref<1024xf32, #tpu.memory_space<vmem>>) dst(%dma_wait3A_170 : memref<1024xf32, #tpu.memory_space<hbm>>)
        tpu.yield
      }) : () -> ()
      scf.yield %scan3A_159 : vector<16xf32>
    }
    %scan3A_134 = arith.constant 39 : i32
    %add3A_135 = arith.constant 4992 : i32
    %add3A_136 = arith.addi %mul3A_2, %add3A_135 : i32
    "tpu.region"() ({
      %run_scoped3A = tpu.sem_alloc : memref<!tpu.dma_semaphore, #tpu.memory_space<semaphore_mem>>
      %dma_start3A = tpu.memref_slice %arg4[%add3A_136] : memref<160000xi32, #tpu.memory_space<hbm>> -> memref<8xi32, #tpu.memory_space<hbm>>
      %dma_start3A_150 = tpu.memref_slice %arg4[%add3A_136] : memref<160000xi32, #tpu.memory_space<hbm>> -> memref<8xi32, #tpu.memory_space<hbm>>
      tpu.enqueue_dma source(%dma_start3A_150 : memref<8xi32, #tpu.memory_space<hbm>>) target(%arg15 : memref<8xi32, #tpu.memory_space<vmem>>) target_semaphore(%run_scoped3A : memref<!tpu.dma_semaphore, #tpu.memory_space<semaphore_mem>>)
      %dma_wait3A = tpu.memref_slice %arg4[%add3A_136] : memref<160000xi32, #tpu.memory_space<hbm>> -> memref<8xi32, #tpu.memory_space<hbm>>
      %dma_wait3A_151 = tpu.memref_slice %arg4[%add3A_136] : memref<160000xi32, #tpu.memory_space<hbm>> -> memref<8xi32, #tpu.memory_space<hbm>>
      tpu.wait_dma2 semaphore(%run_scoped3A : memref<!tpu.dma_semaphore, #tpu.memory_space<semaphore_mem>>) src(%dma_wait3A_151 : memref<8xi32, #tpu.memory_space<hbm>>) dst(%arg15 : memref<8xi32, #tpu.memory_space<vmem>>)
      tpu.yield
    }) : () -> ()
    "tpu.region"() ({
      %run_scoped3A = tpu.sem_alloc : memref<!tpu.dma_semaphore, #tpu.memory_space<semaphore_mem>>
      %dma_start3A = tpu.memref_slice %arg5[%add3A_136] : memref<160000xi32, #tpu.memory_space<hbm>> -> memref<8xi32, #tpu.memory_space<hbm>>
      %dma_start3A_150 = tpu.memref_slice %arg5[%add3A_136] : memref<160000xi32, #tpu.memory_space<hbm>> -> memref<8xi32, #tpu.memory_space<hbm>>
      tpu.enqueue_dma source(%dma_start3A_150 : memref<8xi32, #tpu.memory_space<hbm>>) target(%arg16 : memref<8xi32, #tpu.memory_space<vmem>>) target_semaphore(%run_scoped3A : memref<!tpu.dma_semaphore, #tpu.memory_space<semaphore_mem>>)
      %dma_wait3A = tpu.memref_slice %arg5[%add3A_136] : memref<160000xi32, #tpu.memory_space<hbm>> -> memref<8xi32, #tpu.memory_space<hbm>>
      %dma_wait3A_151 = tpu.memref_slice %arg5[%add3A_136] : memref<160000xi32, #tpu.memory_space<hbm>> -> memref<8xi32, #tpu.memory_space<hbm>>
      tpu.wait_dma2 semaphore(%run_scoped3A : memref<!tpu.dma_semaphore, #tpu.memory_space<semaphore_mem>>) src(%dma_wait3A_151 : memref<8xi32, #tpu.memory_space<hbm>>) dst(%arg16 : memref<8xi32, #tpu.memory_space<vmem>>)
      tpu.yield
    }) : () -> ()
    "tpu.region"() ({
      %run_scoped3A = tpu.sem_alloc : memref<!tpu.dma_semaphore, #tpu.memory_space<semaphore_mem>>
      %dma_start3A = tpu.memref_slice %arg6[%add3A_136] : memref<160000xi32, #tpu.memory_space<hbm>> -> memref<8xi32, #tpu.memory_space<hbm>>
      %dma_start3A_150 = tpu.memref_slice %arg6[%add3A_136] : memref<160000xi32, #tpu.memory_space<hbm>> -> memref<8xi32, #tpu.memory_space<hbm>>
      tpu.enqueue_dma source(%dma_start3A_150 : memref<8xi32, #tpu.memory_space<hbm>>) target(%arg17 : memref<8xi32, #tpu.memory_space<vmem>>) target_semaphore(%run_scoped3A : memref<!tpu.dma_semaphore, #tpu.memory_space<semaphore_mem>>)
      %dma_wait3A = tpu.memref_slice %arg6[%add3A_136] : memref<160000xi32, #tpu.memory_space<hbm>> -> memref<8xi32, #tpu.memory_space<hbm>>
      %dma_wait3A_151 = tpu.memref_slice %arg6[%add3A_136] : memref<160000xi32, #tpu.memory_space<hbm>> -> memref<8xi32, #tpu.memory_space<hbm>>
      tpu.wait_dma2 semaphore(%run_scoped3A : memref<!tpu.dma_semaphore, #tpu.memory_space<semaphore_mem>>) src(%dma_wait3A_151 : memref<8xi32, #tpu.memory_space<hbm>>) dst(%arg17 : memref<8xi32, #tpu.memory_space<vmem>>)
      tpu.yield
    }) : () -> ()
    "tpu.region"() ({
      %run_scoped3A = tpu.sem_alloc : memref<!tpu.dma_semaphore, #tpu.memory_space<semaphore_mem>>
      %dma_start3A = arith.constant 0 : i32
      %dma_start3A_150 = tpu.memref_slice %arg25[%dma_start3A] : memref<128xf32, #tpu.memory_space<vmem>> -> memref<8xf32, #tpu.memory_space<vmem>>
      %dma_start3A_151 = tpu.memref_slice %arg7[%add3A_136] : memref<160000xf32, #tpu.memory_space<hbm>> -> memref<8xf32, #tpu.memory_space<hbm>>
      %dma_start3A_152 = arith.constant 0 : i32
      %dma_start3A_153 = tpu.memref_slice %arg25[%dma_start3A_152] : memref<128xf32, #tpu.memory_space<vmem>> -> memref<8xf32, #tpu.memory_space<vmem>>
      %dma_start3A_154 = tpu.memref_slice %arg7[%add3A_136] : memref<160000xf32, #tpu.memory_space<hbm>> -> memref<8xf32, #tpu.memory_space<hbm>>
      tpu.enqueue_dma source(%dma_start3A_154 : memref<8xf32, #tpu.memory_space<hbm>>) target(%dma_start3A_153 : memref<8xf32, #tpu.memory_space<vmem>>) target_semaphore(%run_scoped3A : memref<!tpu.dma_semaphore, #tpu.memory_space<semaphore_mem>>)
      %dma_wait3A = arith.constant 0 : i32
      %dma_wait3A_155 = tpu.memref_slice %arg25[%dma_wait3A] : memref<128xf32, #tpu.memory_space<vmem>> -> memref<8xf32, #tpu.memory_space<vmem>>
      %dma_wait3A_156 = tpu.memref_slice %arg7[%add3A_136] : memref<160000xf32, #tpu.memory_space<hbm>> -> memref<8xf32, #tpu.memory_space<hbm>>
      %dma_wait3A_157 = arith.constant 0 : i32
      %dma_wait3A_158 = tpu.memref_slice %arg25[%dma_wait3A_157] : memref<128xf32, #tpu.memory_space<vmem>> -> memref<8xf32, #tpu.memory_space<vmem>>
      %dma_wait3A_159 = tpu.memref_slice %arg7[%add3A_136] : memref<160000xf32, #tpu.memory_space<hbm>> -> memref<8xf32, #tpu.memory_space<hbm>>
      tpu.wait_dma2 semaphore(%run_scoped3A : memref<!tpu.dma_semaphore, #tpu.memory_space<semaphore_mem>>) src(%dma_wait3A_159 : memref<8xf32, #tpu.memory_space<hbm>>) dst(%dma_wait3A_158 : memref<8xf32, #tpu.memory_space<vmem>>)
      tpu.yield
    }) : () -> ()
    "tpu.region"() ({
      %run_scoped3A = tpu.sem_alloc : memref<!tpu.dma_semaphore, #tpu.memory_space<semaphore_mem>>
      %dma_start3A = arith.constant 0 : i32
      %dma_start3A_150 = arith.constant 0 : i32
      %dma_start3A_151 = tpu.memref_slice %arg18[%dma_start3A, %dma_start3A_150] : memref<128x128xf32, #tpu.memory_space<vmem>> -> memref<8x128xf32, #tpu.memory_space<vmem>>
      %dma_start3A_152 = arith.constant 0 : i32
      %dma_start3A_153 = arith.constant 0 : i32
      %dma_start3A_154 = tpu.memref_slice %arg2[%dma_start3A_152, %dma_start3A_153] : memref<20000x128xf32, #tpu.memory_space<hbm>> -> memref<20000x128xf32, #tpu.memory_space<hbm>>
      tpu.enqueue_indirect_dma source(%dma_start3A_154 : memref<20000x128xf32, #tpu.memory_space<hbm>>) target(%dma_start3A_151 : memref<8x128xf32, #tpu.memory_space<vmem>>) offsets(%arg15 : memref<8xi32, #tpu.memory_space<vmem>>) semaphore(%run_scoped3A : memref<!tpu.dma_semaphore, #tpu.memory_space<semaphore_mem>>)
      %dma_wait3A = arith.constant 0 : i32
      %dma_wait3A_155 = arith.constant 0 : i32
      %dma_wait3A_156 = tpu.memref_slice %arg18[%dma_wait3A, %dma_wait3A_155] : memref<128x128xf32, #tpu.memory_space<vmem>> -> memref<8x128xf32, #tpu.memory_space<vmem>>
      %dma_wait3A_157 = arith.constant 0 : i32
      %dma_wait3A_158 = arith.constant 0 : i32
      %dma_wait3A_159 = tpu.memref_slice %arg2[%dma_wait3A_157, %dma_wait3A_158] : memref<20000x128xf32, #tpu.memory_space<hbm>> -> memref<20000x128xf32, #tpu.memory_space<hbm>>
      tpu.wait_indirect_dma semaphore(%run_scoped3A : memref<!tpu.dma_semaphore, #tpu.memory_space<semaphore_mem>>) src(%dma_wait3A_159 : memref<20000x128xf32, #tpu.memory_space<hbm>>) dst(%dma_wait3A_156 : memref<8x128xf32, #tpu.memory_space<vmem>>)
      tpu.yield
    }) : () -> ()
    "tpu.region"() ({
      %run_scoped3A = tpu.sem_alloc : memref<!tpu.dma_semaphore, #tpu.memory_space<semaphore_mem>>
      %dma_start3A = arith.constant 0 : i32
      %dma_start3A_150 = arith.constant 0 : i32
      %dma_start3A_151 = tpu.memref_slice %arg19[%dma_start3A, %dma_start3A_150] : memref<128x128xf32, #tpu.memory_space<vmem>> -> memref<8x128xf32, #tpu.memory_space<vmem>>
      %dma_start3A_152 = arith.constant 0 : i32
      %dma_start3A_153 = arith.constant 0 : i32
      %dma_start3A_154 = tpu.memref_slice %arg2[%dma_start3A_152, %dma_start3A_153] : memref<20000x128xf32, #tpu.memory_space<hbm>> -> memref<20000x128xf32, #tpu.memory_space<hbm>>
      tpu.enqueue_indirect_dma source(%dma_start3A_154 : memref<20000x128xf32, #tpu.memory_space<hbm>>) target(%dma_start3A_151 : memref<8x128xf32, #tpu.memory_space<vmem>>) offsets(%arg16 : memref<8xi32, #tpu.memory_space<vmem>>) semaphore(%run_scoped3A : memref<!tpu.dma_semaphore, #tpu.memory_space<semaphore_mem>>)
      %dma_wait3A = arith.constant 0 : i32
      %dma_wait3A_155 = arith.constant 0 : i32
      %dma_wait3A_156 = tpu.memref_slice %arg19[%dma_wait3A, %dma_wait3A_155] : memref<128x128xf32, #tpu.memory_space<vmem>> -> memref<8x128xf32, #tpu.memory_space<vmem>>
      %dma_wait3A_157 = arith.constant 0 : i32
      %dma_wait3A_158 = arith.constant 0 : i32
      %dma_wait3A_159 = tpu.memref_slice %arg2[%dma_wait3A_157, %dma_wait3A_158] : memref<20000x128xf32, #tpu.memory_space<hbm>> -> memref<20000x128xf32, #tpu.memory_space<hbm>>
      tpu.wait_indirect_dma semaphore(%run_scoped3A : memref<!tpu.dma_semaphore, #tpu.memory_space<semaphore_mem>>) src(%dma_wait3A_159 : memref<20000x128xf32, #tpu.memory_space<hbm>>) dst(%dma_wait3A_156 : memref<8x128xf32, #tpu.memory_space<vmem>>)
      tpu.yield
    }) : () -> ()
    "tpu.region"() ({
      %run_scoped3A = tpu.sem_alloc : memref<!tpu.dma_semaphore, #tpu.memory_space<semaphore_mem>>
      %dma_start3A = arith.constant 0 : i32
      %dma_start3A_150 = arith.constant 0 : i32
      %dma_start3A_151 = tpu.memref_slice %arg20[%dma_start3A, %dma_start3A_150] : memref<128x256xf32, #tpu.memory_space<vmem>> -> memref<8x256xf32, #tpu.memory_space<vmem>>
      %dma_start3A_152 = arith.constant 0 : i32
      %dma_start3A_153 = arith.constant 0 : i32
      %dma_start3A_154 = tpu.memref_slice %arg3[%dma_start3A_152, %dma_start3A_153] : memref<10000x256xf32, #tpu.memory_space<hbm>> -> memref<10000x256xf32, #tpu.memory_space<hbm>>
      tpu.enqueue_indirect_dma source(%dma_start3A_154 : memref<10000x256xf32, #tpu.memory_space<hbm>>) target(%dma_start3A_151 : memref<8x256xf32, #tpu.memory_space<vmem>>) offsets(%arg17 : memref<8xi32, #tpu.memory_space<vmem>>) semaphore(%run_scoped3A : memref<!tpu.dma_semaphore, #tpu.memory_space<semaphore_mem>>)
      %dma_wait3A = arith.constant 0 : i32
      %dma_wait3A_155 = arith.constant 0 : i32
      %dma_wait3A_156 = tpu.memref_slice %arg20[%dma_wait3A, %dma_wait3A_155] : memref<128x256xf32, #tpu.memory_space<vmem>> -> memref<8x256xf32, #tpu.memory_space<vmem>>
      %dma_wait3A_157 = arith.constant 0 : i32
      %dma_wait3A_158 = arith.constant 0 : i32
      %dma_wait3A_159 = tpu.memref_slice %arg3[%dma_wait3A_157, %dma_wait3A_158] : memref<10000x256xf32, #tpu.memory_space<hbm>> -> memref<10000x256xf32, #tpu.memory_space<hbm>>
      tpu.wait_indirect_dma semaphore(%run_scoped3A : memref<!tpu.dma_semaphore, #tpu.memory_space<semaphore_mem>>) src(%dma_wait3A_159 : memref<10000x256xf32, #tpu.memory_space<hbm>>) dst(%dma_wait3A_156 : memref<8x256xf32, #tpu.memory_space<vmem>>)
      tpu.yield
    }) : () -> ()
    %scan3A_137 = arith.constant 0 : i32
    %scan3A_138 = arith.constant 8 : i32
    %scan3A_139 = arith.addi %scan3A_137, %scan3A_138 : i32
    %scan3A_140 = arith.constant 1 : i32
    %scan3A_141 = scf.for %scan3A_150 = %scan3A_137 to %scan3A_139 step %scan3A_140 iter_args(%scan3A_151 = %scan3A_133) -> (vector<16xf32>)  : i32 {
      %and3A_152 = arith.constant -16 : i32
      %and3A_153 = arith.andi %scan3A_150, %and3A_152 : i32
      %get3A_154 = arith.index_cast %and3A_153 : i32 to index
      %get3A_155 = tpu.vector_load %arg25[%get3A_154] {strides = array<i32>} : memref<128xf32, #tpu.memory_space<vmem>>, vector<16xf32>,
      %get3A_156 = vector.shape_cast %get3A_155 : vector<16xf32> to vector<16xf32>
      %and3A_157 = arith.constant 15 : i32
      %and3A_158 = arith.andi %scan3A_150, %and3A_157 : i32
      %broadcast_in_dim3A_159 = vector.broadcast %and3A_158 : i32 to vector<16xi32>
      %lt3A_160 = arith.constant 0 : i32
      %lt3A_161 = vector.broadcast %lt3A_160 : i32 to vector<16xi32>
      %lt3A_162 = arith.cmpi slt, %broadcast_in_dim3A_159, %lt3A_161 : vector<16xi32>
      %add3A_163 = arith.constant 16 : i32
      %add3A_164 = vector.broadcast %add3A_163 : i32 to vector<16xi32>
      %add3A_165 = arith.addi %broadcast_in_dim3A_159, %add3A_164 : vector<16xi32>
      %select_n3A = arith.select %lt3A_162, %add3A_165, %broadcast_in_dim3A_159 : vector<16xi1>, vector<16xi32>
      %broadcast_in_dim3A_166 = vector.shape_cast %select_n3A : vector<16xi32> to vector<16x1xi32>
      %gather3A = vector.shape_cast %broadcast_in_dim3A_166 : vector<16x1xi32> to vector<16xi32>
      %gather3A_167 = tpu.dynamic_gather %get3A_156[%gather3A] in [0] : vector<16xf32>, vector<16xi32> -> vector<16xf32>
      %get3A_168 = arith.index_cast %scan3A_150 : i32 to index
      %get3A_169 = arith.constant 0 : index
      %get3A_170 = tpu.vector_load %arg18[%get3A_168, %get3A_169] {strides = array<i32>} : memref<128x128xf32, #tpu.memory_space<vmem>>, vector<1x16xf32>,
      %get3A_171 = vector.shape_cast %get3A_170 : vector<1x16xf32> to vector<16xf32>
      %get3A_172 = arith.index_cast %scan3A_150 : i32 to index
      %get3A_173 = arith.constant 0 : index
      %get3A_174 = tpu.vector_load %arg20[%get3A_172, %get3A_173] {strides = array<i32>} : memref<128x256xf32, #tpu.memory_space<vmem>>, vector<1x16xf32>,
      %get3A_175 = vector.shape_cast %get3A_174 : vector<1x16xf32> to vector<16xf32>
      %add3A_176 = arith.addf %get3A_171, %get3A_175 : vector<16xf32>
      %mul3A_177 = arith.mulf %gather3A_167, %get3A_52 : vector<16xf32>
      %add3A_178 = arith.addf %add3A_176, %mul3A_177 : vector<16xf32>
      %mul3A_179 = arith.constant 2.000000e-01 : f32
      %mul3A_180 = vector.broadcast %mul3A_179 : f32 to vector<16xf32>
      %mul3A_181 = arith.mulf %mul3A_180, %add3A_178 : vector<16xf32>
      %max3A = arith.maximumf %add3A_178, %mul3A_181 : vector<16xf32>
      %mul3A_182 = arith.mulf %max3A, %get3A_4 : vector<16xf32>
      %get3A_183 = arith.index_cast %scan3A_150 : i32 to index
      %get3A_184 = arith.constant 16 : index
      %get3A_185 = tpu.vector_load %arg18[%get3A_183, %get3A_184] {strides = array<i32>} : memref<128x128xf32, #tpu.memory_space<vmem>>, vector<1x16xf32>,
      %get3A_186 = vector.shape_cast %get3A_185 : vector<1x16xf32> to vector<16xf32>
      %get3A_187 = arith.index_cast %scan3A_150 : i32 to index
      %get3A_188 = arith.constant 16 : index
      %get3A_189 = tpu.vector_load %arg20[%get3A_187, %get3A_188] {strides = array<i32>} : memref<128x256xf32, #tpu.memory_space<vmem>>, vector<1x16xf32>,
      %get3A_190 = vector.shape_cast %get3A_189 : vector<1x16xf32> to vector<16xf32>
      %add3A_191 = arith.addf %get3A_186, %get3A_190 : vector<16xf32>
      %mul3A_192 = arith.mulf %gather3A_167, %get3A_55 : vector<16xf32>
      %add3A_193 = arith.addf %add3A_191, %mul3A_192 : vector<16xf32>
      %mul3A_194 = arith.constant 2.000000e-01 : f32
      %mul3A_195 = vector.broadcast %mul3A_194 : f32 to vector<16xf32>
      %mul3A_196 = arith.mulf %mul3A_195, %add3A_193 : vector<16xf32>
      %max3A_197 = arith.maximumf %add3A_193, %mul3A_196 : vector<16xf32>
      %mul3A_198 = arith.mulf %max3A_197, %get3A_7 : vector<16xf32>
      %add3A_199 = arith.addf %mul3A_182, %mul3A_198 : vector<16xf32>
      %get3A_200 = arith.index_cast %scan3A_150 : i32 to index
      %get3A_201 = arith.constant 32 : index
      %get3A_202 = tpu.vector_load %arg18[%get3A_200, %get3A_201] {strides = array<i32>} : memref<128x128xf32, #tpu.memory_space<vmem>>, vector<1x16xf32>,
      %get3A_203 = vector.shape_cast %get3A_202 : vector<1x16xf32> to vector<16xf32>
      %get3A_204 = arith.index_cast %scan3A_150 : i32 to index
      %get3A_205 = arith.constant 32 : index
      %get3A_206 = tpu.vector_load %arg20[%get3A_204, %get3A_205] {strides = array<i32>} : memref<128x256xf32, #tpu.memory_space<vmem>>, vector<1x16xf32>,
      %get3A_207 = vector.shape_cast %get3A_206 : vector<1x16xf32> to vector<16xf32>
      %add3A_208 = arith.addf %get3A_203, %get3A_207 : vector<16xf32>
      %mul3A_209 = arith.mulf %gather3A_167, %get3A_58 : vector<16xf32>
      %add3A_210 = arith.addf %add3A_208, %mul3A_209 : vector<16xf32>
      %mul3A_211 = arith.constant 2.000000e-01 : f32
      %mul3A_212 = vector.broadcast %mul3A_211 : f32 to vector<16xf32>
      %mul3A_213 = arith.mulf %mul3A_212, %add3A_210 : vector<16xf32>
      %max3A_214 = arith.maximumf %add3A_210, %mul3A_213 : vector<16xf32>
      %mul3A_215 = arith.mulf %max3A_214, %get3A_10 : vector<16xf32>
      %get3A_216 = arith.index_cast %scan3A_150 : i32 to index
      %get3A_217 = arith.constant 48 : index
      %get3A_218 = tpu.vector_load %arg18[%get3A_216, %get3A_217] {strides = array<i32>} : memref<128x128xf32, #tpu.memory_space<vmem>>, vector<1x16xf32>,
      %get3A_219 = vector.shape_cast %get3A_218 : vector<1x16xf32> to vector<16xf32>
      %get3A_220 = arith.index_cast %scan3A_150 : i32 to index
      %get3A_221 = arith.constant 48 : index
      %get3A_222 = tpu.vector_load %arg20[%get3A_220, %get3A_221] {strides = array<i32>} : memref<128x256xf32, #tpu.memory_space<vmem>>, vector<1x16xf32>,
      %get3A_223 = vector.shape_cast %get3A_222 : vector<1x16xf32> to vector<16xf32>
      %add3A_224 = arith.addf %get3A_219, %get3A_223 : vector<16xf32>
      %mul3A_225 = arith.mulf %gather3A_167, %get3A_61 : vector<16xf32>
      %add3A_226 = arith.addf %add3A_224, %mul3A_225 : vector<16xf32>
      %mul3A_227 = arith.constant 2.000000e-01 : f32
      %mul3A_228 = vector.broadcast %mul3A_227 : f32 to vector<16xf32>
      %mul3A_229 = arith.mulf %mul3A_228, %add3A_226 : vector<16xf32>
      %max3A_230 = arith.maximumf %add3A_226, %mul3A_229 : vector<16xf32>
      %mul3A_231 = arith.mulf %max3A_230, %get3A_13 : vector<16xf32>
      %add3A_232 = arith.addf %mul3A_215, %mul3A_231 : vector<16xf32>
      %get3A_233 = arith.index_cast %scan3A_150 : i32 to index
      %get3A_234 = arith.constant 64 : index
      %get3A_235 = tpu.vector_load %arg18[%get3A_233, %get3A_234] {strides = array<i32>} : memref<128x128xf32, #tpu.memory_space<vmem>>, vector<1x16xf32>,
      %get3A_236 = vector.shape_cast %get3A_235 : vector<1x16xf32> to vector<16xf32>
      %get3A_237 = arith.index_cast %scan3A_150 : i32 to index
      %get3A_238 = arith.constant 64 : index
      %get3A_239 = tpu.vector_load %arg20[%get3A_237, %get3A_238] {strides = array<i32>} : memref<128x256xf32, #tpu.memory_space<vmem>>, vector<1x16xf32>,
      %get3A_240 = vector.shape_cast %get3A_239 : vector<1x16xf32> to vector<16xf32>
      %add3A_241 = arith.addf %get3A_236, %get3A_240 : vector<16xf32>
      %mul3A_242 = arith.mulf %gather3A_167, %get3A_64 : vector<16xf32>
      %add3A_243 = arith.addf %add3A_241, %mul3A_242 : vector<16xf32>
      %mul3A_244 = arith.constant 2.000000e-01 : f32
      %mul3A_245 = vector.broadcast %mul3A_244 : f32 to vector<16xf32>
      %mul3A_246 = arith.mulf %mul3A_245, %add3A_243 : vector<16xf32>
      %max3A_247 = arith.maximumf %add3A_243, %mul3A_246 : vector<16xf32>
      %mul3A_248 = arith.mulf %max3A_247, %get3A_16 : vector<16xf32>
      %get3A_249 = arith.index_cast %scan3A_150 : i32 to index
      %get3A_250 = arith.constant 80 : index
      %get3A_251 = tpu.vector_load %arg18[%get3A_249, %get3A_250] {strides = array<i32>} : memref<128x128xf32, #tpu.memory_space<vmem>>, vector<1x16xf32>,
      %get3A_252 = vector.shape_cast %get3A_251 : vector<1x16xf32> to vector<16xf32>
      %get3A_253 = arith.index_cast %scan3A_150 : i32 to index
      %get3A_254 = arith.constant 80 : index
      %get3A_255 = tpu.vector_load %arg20[%get3A_253, %get3A_254] {strides = array<i32>} : memref<128x256xf32, #tpu.memory_space<vmem>>, vector<1x16xf32>,
      %get3A_256 = vector.shape_cast %get3A_255 : vector<1x16xf32> to vector<16xf32>
      %add3A_257 = arith.addf %get3A_252, %get3A_256 : vector<16xf32>
      %mul3A_258 = arith.mulf %gather3A_167, %get3A_67 : vector<16xf32>
      %add3A_259 = arith.addf %add3A_257, %mul3A_258 : vector<16xf32>
      %mul3A_260 = arith.constant 2.000000e-01 : f32
      %mul3A_261 = vector.broadcast %mul3A_260 : f32 to vector<16xf32>
      %mul3A_262 = arith.mulf %mul3A_261, %add3A_259 : vector<16xf32>
      %max3A_263 = arith.maximumf %add3A_259, %mul3A_262 : vector<16xf32>
      %mul3A_264 = arith.mulf %max3A_263, %get3A_19 : vector<16xf32>
      %add3A_265 = arith.addf %mul3A_248, %mul3A_264 : vector<16xf32>
      %get3A_266 = arith.index_cast %scan3A_150 : i32 to index
      %get3A_267 = arith.constant 96 : index
      %get3A_268 = tpu.vector_load %arg18[%get3A_266, %get3A_267] {strides = array<i32>} : memref<128x128xf32, #tpu.memory_space<vmem>>, vector<1x16xf32>,
      %get3A_269 = vector.shape_cast %get3A_268 : vector<1x16xf32> to vector<16xf32>
      %get3A_270 = arith.index_cast %scan3A_150 : i32 to index
      %get3A_271 = arith.constant 96 : index
      %get3A_272 = tpu.vector_load %arg20[%get3A_270, %get3A_271] {strides = array<i32>} : memref<128x256xf32, #tpu.memory_space<vmem>>, vector<1x16xf32>,
      %get3A_273 = vector.shape_cast %get3A_272 : vector<1x16xf32> to vector<16xf32>
      %add3A_274 = arith.addf %get3A_269, %get3A_273 : vector<16xf32>
      %mul3A_275 = arith.mulf %gather3A_167, %get3A_70 : vector<16xf32>
      %add3A_276 = arith.addf %add3A_274, %mul3A_275 : vector<16xf32>
      %mul3A_277 = arith.constant 2.000000e-01 : f32
      %mul3A_278 = vector.broadcast %mul3A_277 : f32 to vector<16xf32>
      %mul3A_279 = arith.mulf %mul3A_278, %add3A_276 : vector<16xf32>
      %max3A_280 = arith.maximumf %add3A_276, %mul3A_279 : vector<16xf32>
      %mul3A_281 = arith.mulf %max3A_280, %get3A_22 : vector<16xf32>
      %get3A_282 = arith.index_cast %scan3A_150 : i32 to index
      %get3A_283 = arith.constant 112 : index
      %get3A_284 = tpu.vector_load %arg18[%get3A_282, %get3A_283] {strides = array<i32>} : memref<128x128xf32, #tpu.memory_space<vmem>>, vector<1x16xf32>,
      %get3A_285 = vector.shape_cast %get3A_284 : vector<1x16xf32> to vector<16xf32>
      %get3A_286 = arith.index_cast %scan3A_150 : i32 to index
      %get3A_287 = arith.constant 112 : index
      %get3A_288 = tpu.vector_load %arg20[%get3A_286, %get3A_287] {strides = array<i32>} : memref<128x256xf32, #tpu.memory_space<vmem>>, vector<1x16xf32>,
      %get3A_289 = vector.shape_cast %get3A_288 : vector<1x16xf32> to vector<16xf32>
      %add3A_290 = arith.addf %get3A_285, %get3A_289 : vector<16xf32>
      %mul3A_291 = arith.mulf %gather3A_167, %get3A_73 : vector<16xf32>
      %add3A_292 = arith.addf %add3A_290, %mul3A_291 : vector<16xf32>
      %mul3A_293 = arith.constant 2.000000e-01 : f32
      %mul3A_294 = vector.broadcast %mul3A_293 : f32 to vector<16xf32>
      %mul3A_295 = arith.mulf %mul3A_294, %add3A_292 : vector<16xf32>
      %max3A_296 = arith.maximumf %add3A_292, %mul3A_295 : vector<16xf32>
      %mul3A_297 = arith.mulf %max3A_296, %get3A_25 : vector<16xf32>
      %add3A_298 = arith.addf %mul3A_281, %mul3A_297 : vector<16xf32>
      %get3A_299 = arith.index_cast %scan3A_150 : i32 to index
      %get3A_300 = arith.constant 0 : index
      %get3A_301 = tpu.vector_load %arg19[%get3A_299, %get3A_300] {strides = array<i32>} : memref<128x128xf32, #tpu.memory_space<vmem>>, vector<1x16xf32>,
      %get3A_302 = vector.shape_cast %get3A_301 : vector<1x16xf32> to vector<16xf32>
      %get3A_303 = arith.index_cast %scan3A_150 : i32 to index
      %get3A_304 = arith.constant 128 : index
      %get3A_305 = tpu.vector_load %arg20[%get3A_303, %get3A_304] {strides = array<i32>} : memref<128x256xf32, #tpu.memory_space<vmem>>, vector<1x16xf32>,
      %get3A_306 = vector.shape_cast %get3A_305 : vector<1x16xf32> to vector<16xf32>
      %add3A_307 = arith.addf %get3A_302, %get3A_306 : vector<16xf32>
      %mul3A_308 = arith.mulf %gather3A_167, %get3A_76 : vector<16xf32>
      %add3A_309 = arith.addf %add3A_307, %mul3A_308 : vector<16xf32>
      %mul3A_310 = arith.constant 2.000000e-01 : f32
      %mul3A_311 = vector.broadcast %mul3A_310 : f32 to vector<16xf32>
      %mul3A_312 = arith.mulf %mul3A_311, %add3A_309 : vector<16xf32>
      %max3A_313 = arith.maximumf %add3A_309, %mul3A_312 : vector<16xf32>
      %mul3A_314 = arith.mulf %max3A_313, %get3A_28 : vector<16xf32>
      %get3A_315 = arith.index_cast %scan3A_150 : i32 to index
      %get3A_316 = arith.constant 16 : index
      %get3A_317 = tpu.vector_load %arg19[%get3A_315, %get3A_316] {strides = array<i32>} : memref<128x128xf32, #tpu.memory_space<vmem>>, vector<1x16xf32>,
      %get3A_318 = vector.shape_cast %get3A_317 : vector<1x16xf32> to vector<16xf32>
      %get3A_319 = arith.index_cast %scan3A_150 : i32 to index
      %get3A_320 = arith.constant 144 : index
      %get3A_321 = tpu.vector_load %arg20[%get3A_319, %get3A_320] {strides = array<i32>} : memref<128x256xf32, #tpu.memory_space<vmem>>, vector<1x16xf32>,
      %get3A_322 = vector.shape_cast %get3A_321 : vector<1x16xf32> to vector<16xf32>
      %add3A_323 = arith.addf %get3A_318, %get3A_322 : vector<16xf32>
      %mul3A_324 = arith.mulf %gather3A_167, %get3A_79 : vector<16xf32>
      %add3A_325 = arith.addf %add3A_323, %mul3A_324 : vector<16xf32>
      %mul3A_326 = arith.constant 2.000000e-01 : f32
      %mul3A_327 = vector.broadcast %mul3A_326 : f32 to vector<16xf32>
      %mul3A_328 = arith.mulf %mul3A_327, %add3A_325 : vector<16xf32>
      %max3A_329 = arith.maximumf %add3A_325, %mul3A_328 : vector<16xf32>
      %mul3A_330 = arith.mulf %max3A_329, %get3A_31 : vector<16xf32>
      %add3A_331 = arith.addf %mul3A_314, %mul3A_330 : vector<16xf32>
      %get3A_332 = arith.index_cast %scan3A_150 : i32 to index
      %get3A_333 = arith.constant 32 : index
      %get3A_334 = tpu.vector_load %arg19[%get3A_332, %get3A_333] {strides = array<i32>} : memref<128x128xf32, #tpu.memory_space<vmem>>, vector<1x16xf32>,
      %get3A_335 = vector.shape_cast %get3A_334 : vector<1x16xf32> to vector<16xf32>
      %get3A_336 = arith.index_cast %scan3A_150 : i32 to index
      %get3A_337 = arith.constant 160 : index
      %get3A_338 = tpu.vector_load %arg20[%get3A_336, %get3A_337] {strides = array<i32>} : memref<128x256xf32, #tpu.memory_space<vmem>>, vector<1x16xf32>,
      %get3A_339 = vector.shape_cast %get3A_338 : vector<1x16xf32> to vector<16xf32>
      %add3A_340 = arith.addf %get3A_335, %get3A_339 : vector<16xf32>
      %mul3A_341 = arith.mulf %gather3A_167, %get3A_82 : vector<16xf32>
      %add3A_342 = arith.addf %add3A_340, %mul3A_341 : vector<16xf32>
      %mul3A_343 = arith.constant 2.000000e-01 : f32
      %mul3A_344 = vector.broadcast %mul3A_343 : f32 to vector<16xf32>
      %mul3A_345 = arith.mulf %mul3A_344, %add3A_342 : vector<16xf32>
      %max3A_346 = arith.maximumf %add3A_342, %mul3A_345 : vector<16xf32>
      %mul3A_347 = arith.mulf %max3A_346, %get3A_34 : vector<16xf32>
      %get3A_348 = arith.index_cast %scan3A_150 : i32 to index
      %get3A_349 = arith.constant 48 : index
      %get3A_350 = tpu.vector_load %arg19[%get3A_348, %get3A_349] {strides = array<i32>} : memref<128x128xf32, #tpu.memory_space<vmem>>, vector<1x16xf32>,
      %get3A_351 = vector.shape_cast %get3A_350 : vector<1x16xf32> to vector<16xf32>
      %get3A_352 = arith.index_cast %scan3A_150 : i32 to index
      %get3A_353 = arith.constant 176 : index
      %get3A_354 = tpu.vector_load %arg20[%get3A_352, %get3A_353] {strides = array<i32>} : memref<128x256xf32, #tpu.memory_space<vmem>>, vector<1x16xf32>,
      %get3A_355 = vector.shape_cast %get3A_354 : vector<1x16xf32> to vector<16xf32>
      %add3A_356 = arith.addf %get3A_351, %get3A_355 : vector<16xf32>
      %mul3A_357 = arith.mulf %gather3A_167, %get3A_85 : vector<16xf32>
      %add3A_358 = arith.addf %add3A_356, %mul3A_357 : vector<16xf32>
      %mul3A_359 = arith.constant 2.000000e-01 : f32
      %mul3A_360 = vector.broadcast %mul3A_359 : f32 to vector<16xf32>
      %mul3A_361 = arith.mulf %mul3A_360, %add3A_358 : vector<16xf32>
      %max3A_362 = arith.maximumf %add3A_358, %mul3A_361 : vector<16xf32>
      %mul3A_363 = arith.mulf %max3A_362, %get3A_37 : vector<16xf32>
      %add3A_364 = arith.addf %mul3A_347, %mul3A_363 : vector<16xf32>
      %get3A_365 = arith.index_cast %scan3A_150 : i32 to index
      %get3A_366 = arith.constant 64 : index
      %get3A_367 = tpu.vector_load %arg19[%get3A_365, %get3A_366] {strides = array<i32>} : memref<128x128xf32, #tpu.memory_space<vmem>>, vector<1x16xf32>,
      %get3A_368 = vector.shape_cast %get3A_367 : vector<1x16xf32> to vector<16xf32>
      %get3A_369 = arith.index_cast %scan3A_150 : i32 to index
      %get3A_370 = arith.constant 192 : index
      %get3A_371 = tpu.vector_load %arg20[%get3A_369, %get3A_370] {strides = array<i32>} : memref<128x256xf32, #tpu.memory_space<vmem>>, vector<1x16xf32>,
      %get3A_372 = vector.shape_cast %get3A_371 : vector<1x16xf32> to vector<16xf32>
      %add3A_373 = arith.addf %get3A_368, %get3A_372 : vector<16xf32>
      %mul3A_374 = arith.mulf %gather3A_167, %get3A_88 : vector<16xf32>
      %add3A_375 = arith.addf %add3A_373, %mul3A_374 : vector<16xf32>
      %mul3A_376 = arith.constant 2.000000e-01 : f32
      %mul3A_377 = vector.broadcast %mul3A_376 : f32 to vector<16xf32>
      %mul3A_378 = arith.mulf %mul3A_377, %add3A_375 : vector<16xf32>
      %max3A_379 = arith.maximumf %add3A_375, %mul3A_378 : vector<16xf32>
      %mul3A_380 = arith.mulf %max3A_379, %get3A_40 : vector<16xf32>
      %get3A_381 = arith.index_cast %scan3A_150 : i32 to index
      %get3A_382 = arith.constant 80 : index
      %get3A_383 = tpu.vector_load %arg19[%get3A_381, %get3A_382] {strides = array<i32>} : memref<128x128xf32, #tpu.memory_space<vmem>>, vector<1x16xf32>,
      %get3A_384 = vector.shape_cast %get3A_383 : vector<1x16xf32> to vector<16xf32>
      %get3A_385 = arith.index_cast %scan3A_150 : i32 to index
      %get3A_386 = arith.constant 208 : index
      %get3A_387 = tpu.vector_load %arg20[%get3A_385, %get3A_386] {strides = array<i32>} : memref<128x256xf32, #tpu.memory_space<vmem>>, vector<1x16xf32>,
      %get3A_388 = vector.shape_cast %get3A_387 : vector<1x16xf32> to vector<16xf32>
      %add3A_389 = arith.addf %get3A_384, %get3A_388 : vector<16xf32>
      %mul3A_390 = arith.mulf %gather3A_167, %get3A_91 : vector<16xf32>
      %add3A_391 = arith.addf %add3A_389, %mul3A_390 : vector<16xf32>
      %mul3A_392 = arith.constant 2.000000e-01 : f32
      %mul3A_393 = vector.broadcast %mul3A_392 : f32 to vector<16xf32>
      %mul3A_394 = arith.mulf %mul3A_393, %add3A_391 : vector<16xf32>
      %max3A_395 = arith.maximumf %add3A_391, %mul3A_394 : vector<16xf32>
      %mul3A_396 = arith.mulf %max3A_395, %get3A_43 : vector<16xf32>
      %add3A_397 = arith.addf %mul3A_380, %mul3A_396 : vector<16xf32>
      %get3A_398 = arith.index_cast %scan3A_150 : i32 to index
      %get3A_399 = arith.constant 96 : index
      %get3A_400 = tpu.vector_load %arg19[%get3A_398, %get3A_399] {strides = array<i32>} : memref<128x128xf32, #tpu.memory_space<vmem>>, vector<1x16xf32>,
      %get3A_401 = vector.shape_cast %get3A_400 : vector<1x16xf32> to vector<16xf32>
      %get3A_402 = arith.index_cast %scan3A_150 : i32 to index
      %get3A_403 = arith.constant 224 : index
      %get3A_404 = tpu.vector_load %arg20[%get3A_402, %get3A_403] {strides = array<i32>} : memref<128x256xf32, #tpu.memory_space<vmem>>, vector<1x16xf32>,
      %get3A_405 = vector.shape_cast %get3A_404 : vector<1x16xf32> to vector<16xf32>
      %add3A_406 = arith.addf %get3A_401, %get3A_405 : vector<16xf32>
      %mul3A_407 = arith.mulf %gather3A_167, %get3A_94 : vector<16xf32>
      %add3A_408 = arith.addf %add3A_406, %mul3A_407 : vector<16xf32>
      %mul3A_409 = arith.constant 2.000000e-01 : f32
      %mul3A_410 = vector.broadcast %mul3A_409 : f32 to vector<16xf32>
      %mul3A_411 = arith.mulf %mul3A_410, %add3A_408 : vector<16xf32>
      %max3A_412 = arith.maximumf %add3A_408, %mul3A_411 : vector<16xf32>
      %mul3A_413 = arith.mulf %max3A_412, %get3A_46 : vector<16xf32>
      %get3A_414 = arith.index_cast %scan3A_150 : i32 to index
      %get3A_415 = arith.constant 112 : index
      %get3A_416 = tpu.vector_load %arg19[%get3A_414, %get3A_415] {strides = array<i32>} : memref<128x128xf32, #tpu.memory_space<vmem>>, vector<1x16xf32>,
      %get3A_417 = vector.shape_cast %get3A_416 : vector<1x16xf32> to vector<16xf32>
      %get3A_418 = arith.index_cast %scan3A_150 : i32 to index
      %get3A_419 = arith.constant 240 : index
      %get3A_420 = tpu.vector_load %arg20[%get3A_418, %get3A_419] {strides = array<i32>} : memref<128x256xf32, #tpu.memory_space<vmem>>, vector<1x16xf32>,
      %get3A_421 = vector.shape_cast %get3A_420 : vector<1x16xf32> to vector<16xf32>
      %add3A_422 = arith.addf %get3A_417, %get3A_421 : vector<16xf32>
      %mul3A_423 = arith.mulf %gather3A_167, %get3A_97 : vector<16xf32>
      %add3A_424 = arith.addf %add3A_422, %mul3A_423 : vector<16xf32>
      %mul3A_425 = arith.constant 2.000000e-01 : f32
      %mul3A_426 = vector.broadcast %mul3A_425 : f32 to vector<16xf32>
      %mul3A_427 = arith.mulf %mul3A_426, %add3A_424 : vector<16xf32>
      %max3A_428 = arith.maximumf %add3A_424, %mul3A_427 : vector<16xf32>
      %mul3A_429 = arith.mulf %max3A_428, %get3A_49 : vector<16xf32>
      %add3A_430 = arith.addf %mul3A_413, %mul3A_429 : vector<16xf32>
      %lt3A_431 = arith.constant 0 : i32
      %lt3A_432 = vector.broadcast %lt3A_431 : i32 to vector<16xi32>
      %lt3A_433 = arith.cmpi slt, %xor3A_99, %lt3A_432 : vector<16xi32>
      %add3A_434 = arith.constant 16 : i32
      %add3A_435 = vector.broadcast %add3A_434 : i32 to vector<16xi32>
      %add3A_436 = arith.addi %xor3A_99, %add3A_435 : vector<16xi32>
      %select_n3A_437 = arith.select %lt3A_433, %add3A_436, %xor3A_99 : vector<16xi1>, vector<16xi32>
      %broadcast_in_dim3A_438 = vector.shape_cast %select_n3A_437 : vector<16xi32> to vector<16x1xi32>
      %gather3A_439 = vector.shape_cast %broadcast_in_dim3A_438 : vector<16x1xi32> to vector<16xi32>
      %gather3A_440 = tpu.dynamic_gather %add3A_199[%gather3A_439] in [0] : vector<16xf32>, vector<16xi32> -> vector<16xf32>
      %add3A_441 = arith.addf %add3A_199, %gather3A_440 : vector<16xf32>
      %lt3A_442 = arith.constant 0 : i32
      %lt3A_443 = vector.broadcast %lt3A_442 : i32 to vector<16xi32>
      %lt3A_444 = arith.cmpi slt, %xor3A_99, %lt3A_443 : vector<16xi32>
      %add3A_445 = arith.constant 16 : i32
      %add3A_446 = vector.broadcast %add3A_445 : i32 to vector<16xi32>
      %add3A_447 = arith.addi %xor3A_99, %add3A_446 : vector<16xi32>
      %select_n3A_448 = arith.select %lt3A_444, %add3A_447, %xor3A_99 : vector<16xi1>, vector<16xi32>
      %broadcast_in_dim3A_449 = vector.shape_cast %select_n3A_448 : vector<16xi32> to vector<16x1xi32>
      %gather3A_450 = vector.shape_cast %broadcast_in_dim3A_449 : vector<16x1xi32> to vector<16xi32>
      %gather3A_451 = tpu.dynamic_gather %add3A_232[%gather3A_450] in [0] : vector<16xf32>, vector<16xi32> -> vector<16xf32>
      %add3A_452 = arith.addf %add3A_232, %gather3A_451 : vector<16xf32>
      %lt3A_453 = arith.constant 0 : i32
      %lt3A_454 = vector.broadcast %lt3A_453 : i32 to vector<16xi32>
      %lt3A_455 = arith.cmpi slt, %xor3A_99, %lt3A_454 : vector<16xi32>
      %add3A_456 = arith.constant 16 : i32
      %add3A_457 = vector.broadcast %add3A_456 : i32 to vector<16xi32>
      %add3A_458 = arith.addi %xor3A_99, %add3A_457 : vector<16xi32>
      %select_n3A_459 = arith.select %lt3A_455, %add3A_458, %xor3A_99 : vector<16xi1>, vector<16xi32>
      %broadcast_in_dim3A_460 = vector.shape_cast %select_n3A_459 : vector<16xi32> to vector<16x1xi32>
      %gather3A_461 = vector.shape_cast %broadcast_in_dim3A_460 : vector<16x1xi32> to vector<16xi32>
      %gather3A_462 = tpu.dynamic_gather %add3A_265[%gather3A_461] in [0] : vector<16xf32>, vector<16xi32> -> vector<16xf32>
      %add3A_463 = arith.addf %add3A_265, %gather3A_462 : vector<16xf32>
      %lt3A_464 = arith.constant 0 : i32
      %lt3A_465 = vector.broadcast %lt3A_464 : i32 to vector<16xi32>
      %lt3A_466 = arith.cmpi slt, %xor3A_99, %lt3A_465 : vector<16xi32>
      %add3A_467 = arith.constant 16 : i32
      %add3A_468 = vector.broadcast %add3A_467 : i32 to vector<16xi32>
      %add3A_469 = arith.addi %xor3A_99, %add3A_468 : vector<16xi32>
      %select_n3A_470 = arith.select %lt3A_466, %add3A_469, %xor3A_99 : vector<16xi1>, vector<16xi32>
      %broadcast_in_dim3A_471 = vector.shape_cast %select_n3A_470 : vector<16xi32> to vector<16x1xi32>
      %gather3A_472 = vector.shape_cast %broadcast_in_dim3A_471 : vector<16x1xi32> to vector<16xi32>
      %gather3A_473 = tpu.dynamic_gather %add3A_298[%gather3A_472] in [0] : vector<16xf32>, vector<16xi32> -> vector<16xf32>
      %add3A_474 = arith.addf %add3A_298, %gather3A_473 : vector<16xf32>
      %lt3A_475 = arith.constant 0 : i32
      %lt3A_476 = vector.broadcast %lt3A_475 : i32 to vector<16xi32>
      %lt3A_477 = arith.cmpi slt, %xor3A_99, %lt3A_476 : vector<16xi32>
      %add3A_478 = arith.constant 16 : i32
      %add3A_479 = vector.broadcast %add3A_478 : i32 to vector<16xi32>
      %add3A_480 = arith.addi %xor3A_99, %add3A_479 : vector<16xi32>
      %select_n3A_481 = arith.select %lt3A_477, %add3A_480, %xor3A_99 : vector<16xi1>, vector<16xi32>
      %broadcast_in_dim3A_482 = vector.shape_cast %select_n3A_481 : vector<16xi32> to vector<16x1xi32>
      %gather3A_483 = vector.shape_cast %broadcast_in_dim3A_482 : vector<16x1xi32> to vector<16xi32>
      %gather3A_484 = tpu.dynamic_gather %add3A_331[%gather3A_483] in [0] : vector<16xf32>, vector<16xi32> -> vector<16xf32>
      %add3A_485 = arith.addf %add3A_331, %gather3A_484 : vector<16xf32>
      %lt3A_486 = arith.constant 0 : i32
      %lt3A_487 = vector.broadcast %lt3A_486 : i32 to vector<16xi32>
      %lt3A_488 = arith.cmpi slt, %xor3A_99, %lt3A_487 : vector<16xi32>
      %add3A_489 = arith.constant 16 : i32
      %add3A_490 = vector.broadcast %add3A_489 : i32 to vector<16xi32>
      %add3A_491 = arith.addi %xor3A_99, %add3A_490 : vector<16xi32>
      %select_n3A_492 = arith.select %lt3A_488, %add3A_491, %xor3A_99 : vector<16xi1>, vector<16xi32>
      %broadcast_in_dim3A_493 = vector.shape_cast %select_n3A_492 : vector<16xi32> to vector<16x1xi32>
      %gather3A_494 = vector.shape_cast %broadcast_in_dim3A_493 : vector<16x1xi32> to vector<16xi32>
      %gather3A_495 = tpu.dynamic_gather %add3A_364[%gather3A_494] in [0] : vector<16xf32>, vector<16xi32> -> vector<16xf32>
      %add3A_496 = arith.addf %add3A_364, %gather3A_495 : vector<16xf32>
      %lt3A_497 = arith.constant 0 : i32
      %lt3A_498 = vector.broadcast %lt3A_497 : i32 to vector<16xi32>
      %lt3A_499 = arith.cmpi slt, %xor3A_99, %lt3A_498 : vector<16xi32>
      %add3A_500 = arith.constant 16 : i32
      %add3A_501 = vector.broadcast %add3A_500 : i32 to vector<16xi32>
      %add3A_502 = arith.addi %xor3A_99, %add3A_501 : vector<16xi32>
      %select_n3A_503 = arith.select %lt3A_499, %add3A_502, %xor3A_99 : vector<16xi1>, vector<16xi32>
      %broadcast_in_dim3A_504 = vector.shape_cast %select_n3A_503 : vector<16xi32> to vector<16x1xi32>
      %gather3A_505 = vector.shape_cast %broadcast_in_dim3A_504 : vector<16x1xi32> to vector<16xi32>
      %gather3A_506 = tpu.dynamic_gather %add3A_397[%gather3A_505] in [0] : vector<16xf32>, vector<16xi32> -> vector<16xf32>
      %add3A_507 = arith.addf %add3A_397, %gather3A_506 : vector<16xf32>
      %lt3A_508 = arith.constant 0 : i32
      %lt3A_509 = vector.broadcast %lt3A_508 : i32 to vector<16xi32>
      %lt3A_510 = arith.cmpi slt, %xor3A_99, %lt3A_509 : vector<16xi32>
      %add3A_511 = arith.constant 16 : i32
      %add3A_512 = vector.broadcast %add3A_511 : i32 to vector<16xi32>
      %add3A_513 = arith.addi %xor3A_99, %add3A_512 : vector<16xi32>
      %select_n3A_514 = arith.select %lt3A_510, %add3A_513, %xor3A_99 : vector<16xi1>, vector<16xi32>
      %broadcast_in_dim3A_515 = vector.shape_cast %select_n3A_514 : vector<16xi32> to vector<16x1xi32>
      %gather3A_516 = vector.shape_cast %broadcast_in_dim3A_515 : vector<16x1xi32> to vector<16xi32>
      %gather3A_517 = tpu.dynamic_gather %add3A_430[%gather3A_516] in [0] : vector<16xf32>, vector<16xi32> -> vector<16xf32>
      %add3A_518 = arith.addf %add3A_430, %gather3A_517 : vector<16xf32>
      %select_n3A_519 = arith.select %lt3A_110, %add3A_441, %add3A_452 : vector<16xi1>, vector<16xf32>
      %select_n3A_520 = arith.select %lt3A_110, %add3A_463, %add3A_474 : vector<16xi1>, vector<16xf32>
      %select_n3A_521 = arith.select %lt3A_110, %add3A_485, %add3A_496 : vector<16xi1>, vector<16xf32>
      %select_n3A_522 = arith.select %lt3A_110, %add3A_507, %add3A_518 : vector<16xi1>, vector<16xf32>
      %lt3A_523 = arith.constant 0 : i32
      %lt3A_524 = vector.broadcast %lt3A_523 : i32 to vector<16xi32>
      %lt3A_525 = arith.cmpi slt, %xor3A_102, %lt3A_524 : vector<16xi32>
      %add3A_526 = arith.constant 16 : i32
      %add3A_527 = vector.broadcast %add3A_526 : i32 to vector<16xi32>
      %add3A_528 = arith.addi %xor3A_102, %add3A_527 : vector<16xi32>
      %select_n3A_529 = arith.select %lt3A_525, %add3A_528, %xor3A_102 : vector<16xi1>, vector<16xi32>
      %broadcast_in_dim3A_530 = vector.shape_cast %select_n3A_529 : vector<16xi32> to vector<16x1xi32>
      %gather3A_531 = vector.shape_cast %broadcast_in_dim3A_530 : vector<16x1xi32> to vector<16xi32>
      %gather3A_532 = tpu.dynamic_gather %select_n3A_519[%gather3A_531] in [0] : vector<16xf32>, vector<16xi32> -> vector<16xf32>
      %add3A_533 = arith.addf %select_n3A_519, %gather3A_532 : vector<16xf32>
      %lt3A_534 = arith.constant 0 : i32
      %lt3A_535 = vector.broadcast %lt3A_534 : i32 to vector<16xi32>
      %lt3A_536 = arith.cmpi slt, %xor3A_102, %lt3A_535 : vector<16xi32>
      %add3A_537 = arith.constant 16 : i32
      %add3A_538 = vector.broadcast %add3A_537 : i32 to vector<16xi32>
      %add3A_539 = arith.addi %xor3A_102, %add3A_538 : vector<16xi32>
      %select_n3A_540 = arith.select %lt3A_536, %add3A_539, %xor3A_102 : vector<16xi1>, vector<16xi32>
      %broadcast_in_dim3A_541 = vector.shape_cast %select_n3A_540 : vector<16xi32> to vector<16x1xi32>
      %gather3A_542 = vector.shape_cast %broadcast_in_dim3A_541 : vector<16x1xi32> to vector<16xi32>
      %gather3A_543 = tpu.dynamic_gather %select_n3A_520[%gather3A_542] in [0] : vector<16xf32>, vector<16xi32> -> vector<16xf32>
      %add3A_544 = arith.addf %select_n3A_520, %gather3A_543 : vector<16xf32>
      %lt3A_545 = arith.constant 0 : i32
      %lt3A_546 = vector.broadcast %lt3A_545 : i32 to vector<16xi32>
      %lt3A_547 = arith.cmpi slt, %xor3A_102, %lt3A_546 : vector<16xi32>
      %add3A_548 = arith.constant 16 : i32
      %add3A_549 = vector.broadcast %add3A_548 : i32 to vector<16xi32>
      %add3A_550 = arith.addi %xor3A_102, %add3A_549 : vector<16xi32>
      %select_n3A_551 = arith.select %lt3A_547, %add3A_550, %xor3A_102 : vector<16xi1>, vector<16xi32>
      %broadcast_in_dim3A_552 = vector.shape_cast %select_n3A_551 : vector<16xi32> to vector<16x1xi32>
      %gather3A_553 = vector.shape_cast %broadcast_in_dim3A_552 : vector<16x1xi32> to vector<16xi32>
      %gather3A_554 = tpu.dynamic_gather %select_n3A_521[%gather3A_553] in [0] : vector<16xf32>, vector<16xi32> -> vector<16xf32>
      %add3A_555 = arith.addf %select_n3A_521, %gather3A_554 : vector<16xf32>
      %lt3A_556 = arith.constant 0 : i32
      %lt3A_557 = vector.broadcast %lt3A_556 : i32 to vector<16xi32>
      %lt3A_558 = arith.cmpi slt, %xor3A_102, %lt3A_557 : vector<16xi32>
      %add3A_559 = arith.constant 16 : i32
      %add3A_560 = vector.broadcast %add3A_559 : i32 to vector<16xi32>
      %add3A_561 = arith.addi %xor3A_102, %add3A_560 : vector<16xi32>
      %select_n3A_562 = arith.select %lt3A_558, %add3A_561, %xor3A_102 : vector<16xi1>, vector<16xi32>
      %broadcast_in_dim3A_563 = vector.shape_cast %select_n3A_562 : vector<16xi32> to vector<16x1xi32>
      %gather3A_564 = vector.shape_cast %broadcast_in_dim3A_563 : vector<16x1xi32> to vector<16xi32>
      %gather3A_565 = tpu.dynamic_gather %select_n3A_522[%gather3A_564] in [0] : vector<16xf32>, vector<16xi32> -> vector<16xf32>
      %add3A_566 = arith.addf %select_n3A_522, %gather3A_565 : vector<16xf32>
      %lt3A_567 = arith.constant 0 : i32
      %lt3A_568 = vector.broadcast %lt3A_567 : i32 to vector<16xi32>
      %lt3A_569 = arith.cmpi slt, %and3A_117, %lt3A_568 : vector<16xi32>
      %add3A_570 = arith.constant 16 : i32
      %add3A_571 = vector.broadcast %add3A_570 : i32 to vector<16xi32>
      %add3A_572 = arith.addi %and3A_117, %add3A_571 : vector<16xi32>
      %select_n3A_573 = arith.select %lt3A_569, %add3A_572, %and3A_117 : vector<16xi1>, vector<16xi32>
      %broadcast_in_dim3A_574 = vector.shape_cast %select_n3A_573 : vector<16xi32> to vector<16x1xi32>
      %gather3A_575 = vector.shape_cast %broadcast_in_dim3A_574 : vector<16x1xi32> to vector<16xi32>
      %gather3A_576 = tpu.dynamic_gather %add3A_544[%gather3A_575] in [0] : vector<16xf32>, vector<16xi32> -> vector<16xf32>
      %select_n3A_577 = arith.select %eq3A_114, %add3A_533, %gather3A_576 : vector<16xi1>, vector<16xf32>
      %lt3A_578 = arith.constant 0 : i32
      %lt3A_579 = vector.broadcast %lt3A_578 : i32 to vector<16xi32>
      %lt3A_580 = arith.cmpi slt, %and3A_117, %lt3A_579 : vector<16xi32>
      %add3A_581 = arith.constant 16 : i32
      %add3A_582 = vector.broadcast %add3A_581 : i32 to vector<16xi32>
      %add3A_583 = arith.addi %and3A_117, %add3A_582 : vector<16xi32>
      %select_n3A_584 = arith.select %lt3A_580, %add3A_583, %and3A_117 : vector<16xi1>, vector<16xi32>
      %broadcast_in_dim3A_585 = vector.shape_cast %select_n3A_584 : vector<16xi32> to vector<16x1xi32>
      %gather3A_586 = vector.shape_cast %broadcast_in_dim3A_585 : vector<16x1xi32> to vector<16xi32>
      %gather3A_587 = tpu.dynamic_gather %add3A_566[%gather3A_586] in [0] : vector<16xf32>, vector<16xi32> -> vector<16xf32>
      %select_n3A_588 = arith.select %eq3A_114, %add3A_555, %gather3A_587 : vector<16xi1>, vector<16xf32>
      %lt3A_589 = arith.constant 0 : i32
      %lt3A_590 = vector.broadcast %lt3A_589 : i32 to vector<16xi32>
      %lt3A_591 = arith.cmpi slt, %xor3A_105, %lt3A_590 : vector<16xi32>
      %add3A_592 = arith.constant 16 : i32
      %add3A_593 = vector.broadcast %add3A_592 : i32 to vector<16xi32>
      %add3A_594 = arith.addi %xor3A_105, %add3A_593 : vector<16xi32>
      %select_n3A_595 = arith.select %lt3A_591, %add3A_594, %xor3A_105 : vector<16xi1>, vector<16xi32>
      %broadcast_in_dim3A_596 = vector.shape_cast %select_n3A_595 : vector<16xi32> to vector<16x1xi32>
      %gather3A_597 = vector.shape_cast %broadcast_in_dim3A_596 : vector<16x1xi32> to vector<16xi32>
      %gather3A_598 = tpu.dynamic_gather %select_n3A_577[%gather3A_597] in [0] : vector<16xf32>, vector<16xi32> -> vector<16xf32>
      %add3A_599 = arith.addf %select_n3A_577, %gather3A_598 : vector<16xf32>
      %lt3A_600 = arith.constant 0 : i32
      %lt3A_601 = vector.broadcast %lt3A_600 : i32 to vector<16xi32>
      %lt3A_602 = arith.cmpi slt, %xor3A_105, %lt3A_601 : vector<16xi32>
      %add3A_603 = arith.constant 16 : i32
      %add3A_604 = vector.broadcast %add3A_603 : i32 to vector<16xi32>
      %add3A_605 = arith.addi %xor3A_105, %add3A_604 : vector<16xi32>
      %select_n3A_606 = arith.select %lt3A_602, %add3A_605, %xor3A_105 : vector<16xi1>, vector<16xi32>
      %broadcast_in_dim3A_607 = vector.shape_cast %select_n3A_606 : vector<16xi32> to vector<16x1xi32>
      %gather3A_608 = vector.shape_cast %broadcast_in_dim3A_607 : vector<16x1xi32> to vector<16xi32>
      %gather3A_609 = tpu.dynamic_gather %select_n3A_588[%gather3A_608] in [0] : vector<16xf32>, vector<16xi32> -> vector<16xf32>
      %add3A_610 = arith.addf %select_n3A_588, %gather3A_609 : vector<16xf32>
      %lt3A_611 = arith.constant 0 : i32
      %lt3A_612 = vector.broadcast %lt3A_611 : i32 to vector<16xi32>
      %lt3A_613 = arith.cmpi slt, %xor3A_108, %lt3A_612 : vector<16xi32>
      %add3A_614 = arith.constant 16 : i32
      %add3A_615 = vector.broadcast %add3A_614 : i32 to vector<16xi32>
      %add3A_616 = arith.addi %xor3A_108, %add3A_615 : vector<16xi32>
      %select_n3A_617 = arith.select %lt3A_613, %add3A_616, %xor3A_108 : vector<16xi1>, vector<16xi32>
      %broadcast_in_dim3A_618 = vector.shape_cast %select_n3A_617 : vector<16xi32> to vector<16x1xi32>
      %gather3A_619 = vector.shape_cast %broadcast_in_dim3A_618 : vector<16x1xi32> to vector<16xi32>
      %gather3A_620 = tpu.dynamic_gather %add3A_599[%gather3A_619] in [0] : vector<16xf32>, vector<16xi32> -> vector<16xf32>
      %add3A_621 = arith.addf %add3A_599, %gather3A_620 : vector<16xf32>
      %lt3A_622 = arith.constant 0 : i32
      %lt3A_623 = vector.broadcast %lt3A_622 : i32 to vector<16xi32>
      %lt3A_624 = arith.cmpi slt, %xor3A_108, %lt3A_623 : vector<16xi32>
      %add3A_625 = arith.constant 16 : i32
      %add3A_626 = vector.broadcast %add3A_625 : i32 to vector<16xi32>
      %add3A_627 = arith.addi %xor3A_108, %add3A_626 : vector<16xi32>
      %select_n3A_628 = arith.select %lt3A_624, %add3A_627, %xor3A_108 : vector<16xi1>, vector<16xi32>
      %broadcast_in_dim3A_629 = vector.shape_cast %select_n3A_628 : vector<16xi32> to vector<16x1xi32>
      %gather3A_630 = vector.shape_cast %broadcast_in_dim3A_629 : vector<16x1xi32> to vector<16xi32>
      %gather3A_631 = tpu.dynamic_gather %add3A_610[%gather3A_630] in [0] : vector<16xf32>, vector<16xi32> -> vector<16xf32>
      %add3A_632 = arith.addf %add3A_610, %gather3A_631 : vector<16xf32>
      %lt3A_633 = arith.constant 0 : i32
      %lt3A_634 = vector.broadcast %lt3A_633 : i32 to vector<16xi32>
      %lt3A_635 = arith.cmpi slt, %or3A, %lt3A_634 : vector<16xi32>
      %add3A_636 = arith.constant 16 : i32
      %add3A_637 = vector.broadcast %add3A_636 : i32 to vector<16xi32>
      %add3A_638 = arith.addi %or3A, %add3A_637 : vector<16xi32>
      %select_n3A_639 = arith.select %lt3A_635, %add3A_638, %or3A : vector<16xi1>, vector<16xi32>
      %broadcast_in_dim3A_640 = vector.shape_cast %select_n3A_639 : vector<16xi32> to vector<16x1xi32>
      %gather3A_641 = vector.shape_cast %broadcast_in_dim3A_640 : vector<16x1xi32> to vector<16xi32>
      %gather3A_642 = tpu.dynamic_gather %add3A_621[%gather3A_641] in [0] : vector<16xf32>, vector<16xi32> -> vector<16xf32>
      %lt3A_643 = arith.constant 0 : i32
      %lt3A_644 = vector.broadcast %lt3A_643 : i32 to vector<16xi32>
      %lt3A_645 = arith.cmpi slt, %or3A, %lt3A_644 : vector<16xi32>
      %add3A_646 = arith.constant 16 : i32
      %add3A_647 = vector.broadcast %add3A_646 : i32 to vector<16xi32>
      %add3A_648 = arith.addi %or3A, %add3A_647 : vector<16xi32>
      %select_n3A_649 = arith.select %lt3A_645, %add3A_648, %or3A : vector<16xi1>, vector<16xi32>
      %broadcast_in_dim3A_650 = vector.shape_cast %select_n3A_649 : vector<16xi32> to vector<16x1xi32>
      %gather3A_651 = vector.shape_cast %broadcast_in_dim3A_650 : vector<16x1xi32> to vector<16xi32>
      %gather3A_652 = tpu.dynamic_gather %add3A_632[%gather3A_651] in [0] : vector<16xf32>, vector<16xi32> -> vector<16xf32>
      %select_n3A_653 = arith.select %eq3A_114, %gather3A_642, %gather3A_652 : vector<16xi1>, vector<16xf32>
      %mul3A_654 = arith.constant 8 : i32
      %mul3A_655 = arith.muli %scan3A_150, %mul3A_654 : i32
      %swap3A_656 = arith.index_cast %mul3A_655 : i32 to index
      %swap3A_657 = tpu.vector_load %arg23[%swap3A_656] {strides = array<i32>} : memref<1032xf32, #tpu.memory_space<vmem>>, vector<16xf32>,
      %swap3A_658 = vector.shape_cast %swap3A_657 : vector<16xf32> to vector<16xf32>
      %swap3A_659 = vector.shape_cast %select_n3A_653 : vector<16xf32> to vector<16xf32>
      tpu.vector_store %arg23[%swap3A_656], %swap3A_659 {strides = array<i32>} : memref<1032xf32, #tpu.memory_space<vmem>>, vector<16xf32>,
      %max3A_660 = arith.maximumf %scan3A_151, %select_n3A_653 : vector<16xf32>
      scf.yield %max3A_660 : vector<16xf32>
    }
    %scan3A_142 = arith.constant 8 : i32
    %mul3A_143 = arith.constant 8 : i32
    %mul3A_144 = arith.muli %add3A_136, %mul3A_143 : i32
    "tpu.region"() ({
      %run_scoped3A = tpu.sem_alloc : memref<!tpu.dma_semaphore, #tpu.memory_space<semaphore_mem>>
      %dma_start3A = arith.constant 0 : i32
      %dma_start3A_150 = tpu.memref_slice %arg23[%dma_start3A] : memref<1032xf32, #tpu.memory_space<vmem>> -> memref<64xf32, #tpu.memory_space<vmem>>
      %dma_start3A_151 = tpu.memref_slice %arg10[%mul3A_144] : memref<1280000xf32, #tpu.memory_space<hbm>> -> memref<64xf32, #tpu.memory_space<hbm>>
      %dma_start3A_152 = tpu.memref_slice %arg10[%mul3A_144] : memref<1280000xf32, #tpu.memory_space<hbm>> -> memref<64xf32, #tpu.memory_space<hbm>>
      %dma_start3A_153 = arith.constant 0 : i32
      %dma_start3A_154 = tpu.memref_slice %arg23[%dma_start3A_153] : memref<1032xf32, #tpu.memory_space<vmem>> -> memref<64xf32, #tpu.memory_space<vmem>>
      tpu.enqueue_dma source(%dma_start3A_154 : memref<64xf32, #tpu.memory_space<vmem>>) target(%dma_start3A_152 : memref<64xf32, #tpu.memory_space<hbm>>) target_semaphore(%run_scoped3A : memref<!tpu.dma_semaphore, #tpu.memory_space<semaphore_mem>>)
      %dma_wait3A = arith.constant 0 : i32
      %dma_wait3A_155 = tpu.memref_slice %arg23[%dma_wait3A] : memref<1032xf32, #tpu.memory_space<vmem>> -> memref<64xf32, #tpu.memory_space<vmem>>
      %dma_wait3A_156 = tpu.memref_slice %arg10[%mul3A_144] : memref<1280000xf32, #tpu.memory_space<hbm>> -> memref<64xf32, #tpu.memory_space<hbm>>
      %dma_wait3A_157 = tpu.memref_slice %arg10[%mul3A_144] : memref<1280000xf32, #tpu.memory_space<hbm>> -> memref<64xf32, #tpu.memory_space<hbm>>
      %dma_wait3A_158 = arith.constant 0 : i32
      %dma_wait3A_159 = tpu.memref_slice %arg23[%dma_wait3A_158] : memref<1032xf32, #tpu.memory_space<vmem>> -> memref<64xf32, #tpu.memory_space<vmem>>
      tpu.wait_dma2 semaphore(%run_scoped3A : memref<!tpu.dma_semaphore, #tpu.memory_space<semaphore_mem>>) src(%dma_wait3A_159 : memref<64xf32, #tpu.memory_space<vmem>>) dst(%dma_wait3A_157 : memref<64xf32, #tpu.memory_space<hbm>>)
      tpu.yield
    }) : () -> ()
    %swap3A = arith.constant 0 : index
    %swap3A_145 = tpu.vector_load %arg24[%swap3A] {strides = array<i32>} : memref<16xf32, #tpu.memory_space<vmem>>, vector<16xf32>,
    %swap3A_146 = vector.shape_cast %swap3A_145 : vector<16xf32> to vector<16xf32>
    %swap3A_147 = vector.shape_cast %scan3A_141 : vector<16xf32> to vector<16xf32>
    tpu.vector_store %arg24[%swap3A], %swap3A_147 {strides = array<i32>} : memref<16xf32, #tpu.memory_space<vmem>>, vector<16xf32>,
    %mul3A_148 = arith.constant 16 : i32
    %mul3A_149 = arith.muli %add3A, %mul3A_148 : i32
    "tpu.region"() ({
      %run_scoped3A = tpu.sem_alloc : memref<!tpu.dma_semaphore, #tpu.memory_space<semaphore_mem>>
      %dma_start3A = tpu.memref_slice %arg11[%mul3A_149] : memref<512xf32, #tpu.memory_space<hbm>> -> memref<16xf32, #tpu.memory_space<hbm>>
      %dma_start3A_150 = tpu.memref_slice %arg11[%mul3A_149] : memref<512xf32, #tpu.memory_space<hbm>> -> memref<16xf32, #tpu.memory_space<hbm>>
      tpu.enqueue_dma source(%arg24 : memref<16xf32, #tpu.memory_space<vmem>>) target(%dma_start3A_150 : memref<16xf32, #tpu.memory_space<hbm>>) target_semaphore(%run_scoped3A : memref<!tpu.dma_semaphore, #tpu.memory_space<semaphore_mem>>)
      %dma_wait3A = tpu.memref_slice %arg11[%mul3A_149] : memref<512xf32, #tpu.memory_space<hbm>> -> memref<16xf32, #tpu.memory_space<hbm>>
      %dma_wait3A_151 = tpu.memref_slice %arg11[%mul3A_149] : memref<512xf32, #tpu.memory_space<hbm>> -> memref<16xf32, #tpu.memory_space<hbm>>
      tpu.wait_dma2 semaphore(%run_scoped3A : memref<!tpu.dma_semaphore, #tpu.memory_space<semaphore_mem>>) src(%arg24 : memref<16xf32, #tpu.memory_space<vmem>>) dst(%dma_wait3A_151 : memref<16xf32, #tpu.memory_space<hbm>>)
      tpu.yield
    }) : () -> ()
    return
  }
}

module attributes {stable_mosaic.version = 14 : i64} {
  func.func @_mm1_body(%arg0: i32, %arg1: i32, %arg2: memref<2000x256xf32, #tpu.memory_space<vmem>>, %arg3: memref<1x256x128xf32, #tpu.memory_space<vmem>>, %arg4: memref<2000x128xf32, #tpu.memory_space<vmem>>) attributes {dimension_semantics = [#tpu.dimension_semantics<arbitrary>, #tpu.dimension_semantics<arbitrary>], iteration_bounds = array<i64: 2, 5>, scalar_prefetch = 0 : i64, scratch_operands = 0 : i64, tpu.core_type = #tpu.core_type<tc>, window_params = [{transform_indices = @transform_0, window_bounds = array<i64: 2000, 256>}, {transform_indices = @transform_1, window_bounds = array<i64: 1, 256, 128>}, {transform_indices = @transform_2, window_bounds = array<i64: 2000, 128>}]} {
    %get3A = arith.constant 0 : index
    %get3A_0 = arith.constant 0 : index
    %get3A_1 = vector.load %arg2[%get3A, %get3A_0] : memref<2000x256xf32, #tpu.memory_space<vmem>>, vector<2000x256xf32>
    %get3A_2 = arith.constant 0 : index
    %get3A_3 = arith.constant 0 : index
    %get3A_4 = arith.constant 0 : index
    %get3A_5 = vector.load %arg3[%get3A_2, %get3A_3, %get3A_4] : memref<1x256x128xf32, #tpu.memory_space<vmem>>, vector<1x256x128xf32>
    %get3A_6 = vector.shape_cast %get3A_5 : vector<1x256x128xf32> to vector<256x128xf32>
    %dot_general3A = arith.constant dense<0.000000e+00> : vector<2000x128xf32>
    %dot_general3A_7 = tpu.matmul %get3A_1, %get3A_6, %dot_general3A {dimension_numbers = #tpu.dot_dimension_numbers<[1], [0], [0], [1], [0, 0, 1, 1], [], []>, transpose_lhs_hint = false} : vector<2000x256xf32>, vector<256x128xf32>, vector<2000x128xf32> -> vector<2000x128xf32>
    %swap3A = arith.constant 0 : index
    %swap3A_8 = arith.constant 0 : index
    %swap3A_9 = vector.load %arg4[%swap3A, %swap3A_8] : memref<2000x128xf32, #tpu.memory_space<vmem>>, vector<2000x128xf32>
    tpu.vector_store %arg4[%swap3A, %swap3A_8], %dot_general3A_7 {strides = array<i32>} : memref<2000x128xf32, #tpu.memory_space<vmem>>, vector<2000x128xf32>,
    return
  }
  func.func @transform_0(%arg0: i32, %arg1: i32) -> (i32, i32) {
    %c0_i32 = arith.constant 0 : i32
    %c0_i32_0 = arith.constant 0 : i32
    return %arg1, %c0_i32 : i32, i32
  }
  func.func @transform_1(%arg0: i32, %arg1: i32) -> (i32, i32, i32) {
    %c0_i32 = arith.constant 0 : i32
    %c0_i32_0 = arith.constant 0 : i32
    %c0_i32_1 = arith.constant 0 : i32
    return %arg0, %c0_i32, %c0_i32_0 : i32, i32, i32
  }
  func.func @transform_2(%arg0: i32, %arg1: i32) -> (i32, i32) {
    %mul3A = arith.constant 5 : i32
    %mul3A_0 = arith.muli %arg0, %mul3A : i32
    %add3A = arith.addi %mul3A_0, %arg1 : i32
    %c0_i32 = arith.constant 0 : i32
    %c0_i32_1 = arith.constant 0 : i32
    return %add3A, %c0_i32 : i32, i32
  }
}

module attributes {stable_mosaic.version = 14 : i64} {
  func.func @_mm2_body(%arg0: i32, %arg1: memref<2000x256xf32, #tpu.memory_space<vmem>>, %arg2: memref<256x256xf32, #tpu.memory_space<vmem>>, %arg3: memref<2000x256xf32, #tpu.memory_space<vmem>>) attributes {dimension_semantics = [#tpu.dimension_semantics<arbitrary>], iteration_bounds = array<i64: 5>, scalar_prefetch = 0 : i64, scratch_operands = 0 : i64, tpu.core_type = #tpu.core_type<tc>, window_params = [{transform_indices = @transform_0, window_bounds = array<i64: 2000, 256>}, {pipeline_mode = #tpu.pipeline_mode<synchronous>, transform_indices = @transform_1, window_bounds = array<i64: 256, 256>}, {transform_indices = @transform_2, window_bounds = array<i64: 2000, 256>}]} {
    %get3A = arith.constant 0 : index
    %get3A_0 = arith.constant 0 : index
    %get3A_1 = vector.load %arg1[%get3A, %get3A_0] : memref<2000x256xf32, #tpu.memory_space<vmem>>, vector<2000x256xf32>
    %get3A_2 = arith.constant 0 : index
    %get3A_3 = arith.constant 0 : index
    %get3A_4 = vector.load %arg2[%get3A_2, %get3A_3] : memref<256x256xf32, #tpu.memory_space<vmem>>, vector<256x256xf32>
    %dot_general3A = arith.constant dense<0.000000e+00> : vector<2000x256xf32>
    %dot_general3A_5 = tpu.matmul %get3A_1, %get3A_4, %dot_general3A {dimension_numbers = #tpu.dot_dimension_numbers<[1], [0], [0], [1], [0, 0, 1, 1], [], []>, transpose_lhs_hint = false} : vector<2000x256xf32>, vector<256x256xf32>, vector<2000x256xf32> -> vector<2000x256xf32>
    %swap3A = arith.constant 0 : index
    %swap3A_6 = arith.constant 0 : index
    %swap3A_7 = vector.load %arg3[%swap3A, %swap3A_6] : memref<2000x256xf32, #tpu.memory_space<vmem>>, vector<2000x256xf32>
    tpu.vector_store %arg3[%swap3A, %swap3A_6], %dot_general3A_5 {strides = array<i32>} : memref<2000x256xf32, #tpu.memory_space<vmem>>, vector<2000x256xf32>,
    return
  }
  func.func @transform_0(%arg0: i32) -> (i32, i32) {
    %c0_i32 = arith.constant 0 : i32
    %c0_i32_0 = arith.constant 0 : i32
    return %arg0, %c0_i32 : i32, i32
  }
  func.func @transform_1(%arg0: i32) -> (i32, i32) {
    %c0_i32 = arith.constant 0 : i32
    %c0_i32_0 = arith.constant 0 : i32
    %c0_i32_1 = arith.constant 0 : i32
    return %c0_i32, %c0_i32_0 : i32, i32
  }
  func.func @transform_2(%arg0: i32) -> (i32, i32) {
    %c0_i32 = arith.constant 0 : i32
    %c0_i32_0 = arith.constant 0 : i32
    return %arg0, %c0_i32 : i32, i32
  }
}

module attributes {stable_mosaic.version = 14 : i64} {
  func.func @_ew_body(%arg0: i32, %arg1: memref<16000x8xf32, #tpu.memory_space<vmem>>, %arg2: memref<32x16xf32, #tpu.memory_space<vmem>>, %arg3: memref<16000x8xf32, #tpu.memory_space<vmem>>) attributes {dimension_semantics = [#tpu.dimension_semantics<arbitrary>], iteration_bounds = array<i64: 10>, scalar_prefetch = 0 : i64, scratch_operands = 0 : i64, tpu.core_type = #tpu.core_type<tc>, window_params = [{transform_indices = @transform_0, window_bounds = array<i64: 16000, 8>}, {pipeline_mode = #tpu.pipeline_mode<synchronous>, transform_indices = @transform_1, window_bounds = array<i64: 32, 16>}, {transform_indices = @transform_2, window_bounds = array<i64: 16000, 8>}]} {
    %get3A = arith.constant 0 : index
    %get3A_0 = arith.constant 0 : index
    %get3A_1 = vector.load %arg2[%get3A, %get3A_0] : memref<32x16xf32, #tpu.memory_space<vmem>>, vector<32x16xf32>
    %slice3A = vector.extract_strided_slice %get3A_1 {offsets = [0, 0], sizes = [32, 8], strides = [1, 1]} : vector<32x16xf32> to vector<32x8xf32>
    %reduce_max3A = arith.constant dense<0xFF800000> : vector<8xf32>
    %reduce_max3A_2 = vector.multi_reduction <maximumf>, %slice3A, %reduce_max3A [0] : vector<32x8xf32> to vector<8xf32>
    %get3A_3 = arith.constant 0 : index
    %get3A_4 = arith.constant 0 : index
    %get3A_5 = vector.load %arg1[%get3A_3, %get3A_4] : memref<16000x8xf32, #tpu.memory_space<vmem>>, vector<16000x8xf32>
    %broadcast_in_dim3A = vector.shape_cast %reduce_max3A_2 : vector<8xf32> to vector<1x8xf32>
    %sub3A = vector.broadcast %broadcast_in_dim3A : vector<1x8xf32> to vector<16000x8xf32>
    %sub3A_6 = arith.subf %get3A_5, %sub3A : vector<16000x8xf32>
    %exp3A = math.exp %sub3A_6 : vector<16000x8xf32>
    %swap3A = arith.constant 0 : index
    %swap3A_7 = arith.constant 0 : index
    %swap3A_8 = vector.load %arg3[%swap3A, %swap3A_7] : memref<16000x8xf32, #tpu.memory_space<vmem>>, vector<16000x8xf32>
    tpu.vector_store %arg3[%swap3A, %swap3A_7], %exp3A {strides = array<i32>} : memref<16000x8xf32, #tpu.memory_space<vmem>>, vector<16000x8xf32>,
    return
  }
  func.func @transform_0(%arg0: i32) -> (i32, i32) {
    %c0_i32 = arith.constant 0 : i32
    %c0_i32_0 = arith.constant 0 : i32
    return %arg0, %c0_i32 : i32, i32
  }
  func.func @transform_1(%arg0: i32) -> (i32, i32) {
    %c0_i32 = arith.constant 0 : i32
    %c0_i32_0 = arith.constant 0 : i32
    %c0_i32_1 = arith.constant 0 : i32
    return %c0_i32, %c0_i32_0 : i32, i32
  }
  func.func @transform_2(%arg0: i32) -> (i32, i32) {
    %c0_i32 = arith.constant 0 : i32
    %c0_i32_0 = arith.constant 0 : i32
    return %arg0, %c0_i32 : i32, i32
  }
}

module attributes {stable_mosaic.version = 14 : i64} {
  func.func @_ln_body(%arg0: i32, %arg1: memref<2000x128xf32, #tpu.memory_space<vmem>>, %arg2: memref<2000x128xf32, #tpu.memory_space<vmem>>, %arg3: memref<2000x16xf32, #tpu.memory_space<vmem>>, %arg4: memref<2000x256xf32, #tpu.memory_space<vmem>>, %arg5: memref<1x256xf32, #tpu.memory_space<vmem>>, %arg6: memref<1x256xf32, #tpu.memory_space<vmem>>, %arg7: memref<1x256xf32, #tpu.memory_space<vmem>>, %arg8: memref<2000x256xf32, #tpu.memory_space<vmem>>) attributes {dimension_semantics = [#tpu.dimension_semantics<arbitrary>], iteration_bounds = array<i64: 5>, scalar_prefetch = 0 : i64, scratch_operands = 0 : i64, tpu.core_type = #tpu.core_type<tc>, window_params = [{transform_indices = @transform_0, window_bounds = array<i64: 2000, 128>}, {transform_indices = @transform_1, window_bounds = array<i64: 2000, 128>}, {transform_indices = @transform_2, window_bounds = array<i64: 2000, 16>}, {transform_indices = @transform_3, window_bounds = array<i64: 2000, 256>}, {pipeline_mode = #tpu.pipeline_mode<synchronous>, transform_indices = @transform_4, window_bounds = array<i64: 1, 256>}, {pipeline_mode = #tpu.pipeline_mode<synchronous>, transform_indices = @transform_5, window_bounds = array<i64: 1, 256>}, {pipeline_mode = #tpu.pipeline_mode<synchronous>, transform_indices = @transform_6, window_bounds = array<i64: 1, 256>}, {transform_indices = @transform_7, window_bounds = array<i64: 2000, 256>}]} {
    %get3A = arith.constant 0 : index
    %get3A_0 = arith.constant 0 : index
    %get3A_1 = vector.load %arg1[%get3A, %get3A_0] : memref<2000x128xf32, #tpu.memory_space<vmem>>, vector<2000x128xf32>
    %get3A_2 = arith.constant 0 : index
    %get3A_3 = arith.constant 0 : index
    %get3A_4 = vector.load %arg2[%get3A_2, %get3A_3] : memref<2000x128xf32, #tpu.memory_space<vmem>>, vector<2000x128xf32>
    %concatenate3A = tpu.concatenate %get3A_1, %get3A_4 in 1 : vector<2000x128xf32>, vector<2000x128xf32> -> vector<2000x256xf32>
    %get3A_5 = arith.constant 0 : index
    %get3A_6 = arith.constant 0 : index
    %get3A_7 = vector.load %arg3[%get3A_5, %get3A_6] : memref<2000x16xf32, #tpu.memory_space<vmem>>, vector<2000x16xf32>
    %slice3A = vector.extract_strided_slice %get3A_7 {offsets = [0, 0], sizes = [2000, 8], strides = [1, 1]} : vector<2000x16xf32> to vector<2000x8xf32>
    %broadcast_in_dim3A = vector.shape_cast %slice3A : vector<2000x8xf32> to vector<2000x8x1xf32>
    %broadcast_in_dim3A_8 = vector.broadcast %broadcast_in_dim3A : vector<2000x8x1xf32> to vector<2000x8x32xf32>
    %reshape3A = vector.shape_cast %broadcast_in_dim3A_8 : vector<2000x8x32xf32> to vector<2000x256xf32>
    %add3A = arith.constant 1.000000e-16 : f32
    %add3A_9 = vector.broadcast %add3A : f32 to vector<2000x256xf32>
    %add3A_10 = arith.addf %reshape3A, %add3A_9 : vector<2000x256xf32>
    %div3A = arith.divf %concatenate3A, %add3A_10 : vector<2000x256xf32>
    %get3A_11 = arith.constant 0 : index
    %get3A_12 = arith.constant 0 : index
    %get3A_13 = vector.load %arg5[%get3A_11, %get3A_12] : memref<1x256xf32, #tpu.memory_space<vmem>>, vector<1x256xf32>
    %add3A_14 = vector.broadcast %get3A_13 : vector<1x256xf32> to vector<2000x256xf32>
    %add3A_15 = arith.addf %div3A, %add3A_14 : vector<2000x256xf32>
    %get3A_16 = arith.constant 0 : index
    %get3A_17 = arith.constant 0 : index
    %get3A_18 = vector.load %arg4[%get3A_16, %get3A_17] : memref<2000x256xf32, #tpu.memory_space<vmem>>, vector<2000x256xf32>
    %add3A_19 = arith.addf %add3A_15, %get3A_18 : vector<2000x256xf32>
    %reduce_sum3A = arith.constant dense<0.000000e+00> : vector<2000xf32>
    %reduce_sum3A_20 = vector.multi_reduction <add>, %add3A_19, %reduce_sum3A [1] : vector<2000x256xf32> to vector<2000xf32>
    %broadcast_in_dim3A_21 = vector.shape_cast %reduce_sum3A_20 : vector<2000xf32> to vector<2000x1xf32>
    %div3A_22 = arith.constant 2.560000e+02 : f32
    %div3A_23 = vector.broadcast %div3A_22 : f32 to vector<2000x1xf32>
    %div3A_24 = arith.divf %broadcast_in_dim3A_21, %div3A_23 : vector<2000x1xf32>
    %sub3A = vector.broadcast %div3A_24 : vector<2000x1xf32> to vector<2000x256xf32>
    %sub3A_25 = arith.subf %add3A_19, %sub3A : vector<2000x256xf32>
    %integer_pow3A = arith.mulf %sub3A_25, %sub3A_25 : vector<2000x256xf32>
    %reduce_sum3A_26 = arith.constant dense<0.000000e+00> : vector<2000xf32>
    %reduce_sum3A_27 = vector.multi_reduction <add>, %integer_pow3A, %reduce_sum3A_26 [1] : vector<2000x256xf32> to vector<2000xf32>
    %broadcast_in_dim3A_28 = vector.shape_cast %reduce_sum3A_27 : vector<2000xf32> to vector<2000x1xf32>
    %div3A_29 = arith.constant 2.560000e+02 : f32
    %div3A_30 = vector.broadcast %div3A_29 : f32 to vector<2000x1xf32>
    %div3A_31 = arith.divf %broadcast_in_dim3A_28, %div3A_30 : vector<2000x1xf32>
    %sub3A_32 = vector.broadcast %div3A_24 : vector<2000x1xf32> to vector<2000x256xf32>
    %sub3A_33 = arith.subf %add3A_19, %sub3A_32 : vector<2000x256xf32>
    %add3A_34 = arith.constant 9.99999974E-6 : f32
    %add3A_35 = vector.broadcast %add3A_34 : f32 to vector<2000x1xf32>
    %add3A_36 = arith.addf %div3A_31, %add3A_35 : vector<2000x1xf32>
    %rsqrt3A = math.rsqrt %add3A_36 : vector<2000x1xf32>
    %mul3A = vector.broadcast %rsqrt3A : vector<2000x1xf32> to vector<2000x256xf32>
    %mul3A_37 = arith.mulf %sub3A_33, %mul3A : vector<2000x256xf32>
    %get3A_38 = arith.constant 0 : index
    %get3A_39 = arith.constant 0 : index
    %get3A_40 = vector.load %arg6[%get3A_38, %get3A_39] : memref<1x256xf32, #tpu.memory_space<vmem>>, vector<1x256xf32>
    %mul3A_41 = vector.broadcast %get3A_40 : vector<1x256xf32> to vector<2000x256xf32>
    %mul3A_42 = arith.mulf %mul3A_37, %mul3A_41 : vector<2000x256xf32>
    %get3A_43 = arith.constant 0 : index
    %get3A_44 = arith.constant 0 : index
    %get3A_45 = vector.load %arg7[%get3A_43, %get3A_44] : memref<1x256xf32, #tpu.memory_space<vmem>>, vector<1x256xf32>
    %add3A_46 = vector.broadcast %get3A_45 : vector<1x256xf32> to vector<2000x256xf32>
    %add3A_47 = arith.addf %mul3A_42, %add3A_46 : vector<2000x256xf32>
    %swap3A = arith.constant 0 : index
    %swap3A_48 = arith.constant 0 : index
    %swap3A_49 = vector.load %arg8[%swap3A, %swap3A_48] : memref<2000x256xf32, #tpu.memory_space<vmem>>, vector<2000x256xf32>
    tpu.vector_store %arg8[%swap3A, %swap3A_48], %add3A_47 {strides = array<i32>} : memref<2000x256xf32, #tpu.memory_space<vmem>>, vector<2000x256xf32>,
    return
  }
  func.func @transform_0(%arg0: i32) -> (i32, i32) {
    %c0_i32 = arith.constant 0 : i32
    %c0_i32_0 = arith.constant 0 : i32
    return %arg0, %c0_i32 : i32, i32
  }
  func.func @transform_1(%arg0: i32) -> (i32, i32) {
    %c0_i32 = arith.constant 0 : i32
    %c0_i32_0 = arith.constant 0 : i32
    return %arg0, %c0_i32 : i32, i32
  }
  func.func @transform_2(%arg0: i32) -> (i32, i32) {
    %c0_i32 = arith.constant 0 : i32
    %c0_i32_0 = arith.constant 0 : i32
    return %arg0, %c0_i32 : i32, i32
  }
  func.func @transform_3(%arg0: i32) -> (i32, i32) {
    %c0_i32 = arith.constant 0 : i32
    %c0_i32_0 = arith.constant 0 : i32
    return %arg0, %c0_i32 : i32, i32
  }
  func.func @transform_4(%arg0: i32) -> (i32, i32) {
    %c0_i32 = arith.constant 0 : i32
    %c0_i32_0 = arith.constant 0 : i32
    %c0_i32_1 = arith.constant 0 : i32
    return %c0_i32, %c0_i32_0 : i32, i32
  }
  func.func @transform_5(%arg0: i32) -> (i32, i32) {
    %c0_i32 = arith.constant 0 : i32
    %c0_i32_0 = arith.constant 0 : i32
    %c0_i32_1 = arith.constant 0 : i32
    return %c0_i32, %c0_i32_0 : i32, i32
  }
  func.func @transform_6(%arg0: i32) -> (i32, i32) {
    %c0_i32 = arith.constant 0 : i32
    %c0_i32_0 = arith.constant 0 : i32
    %c0_i32_1 = arith.constant 0 : i32
    return %c0_i32, %c0_i32_0 : i32, i32
  }
  func.func @transform_7(%arg0: i32) -> (i32, i32) {
    %c0_i32 = arith.constant 0 : i32
    %c0_i32_0 = arith.constant 0 : i32
    return %arg0, %c0_i32 : i32, i32
  }
}

</mosaic_0001>

<sc_bundles>
// kernel: kernel.7.cloned.1.call-start
scs
__scs_entry_jumppad:
0x0: {  	(pc) =	sbr.rel $0x88, $3  }
0x1: {  	(tag) =	ssettag $0x0;
	lr =	simm.s32 $0x1  }
0x2: {  	[smem:$0x3F97] =	sst lr;
	_ =	strace $0xD0000000  }
0x3: {  	_ = 	snop  }
0x4: {  	_ = 	snop  }
0x5: {  	_ = 	snop  }
0x6: {  	_ = 	snop  }
0x7: {  	_ = 	snop  }
__scs_overlays_trampoline_lowered:
0x8: {  	[smem:$0x3FA6] =	sst s0  }
0x9: {  	[smem:$0x3FA7] =	sst s1  }
0xa: {  	[smem:$0x3FA8] =	sst s2  }
0xb: {  	[smem:$0x3FA9] =	sst s3  }
0xc: {  	[smem:$0x3FAA] =	sst s4  }
0xd: {  	[smem:$0x3FAB] =	sst s5  }
0xe: {  	[smem:$0x3FAC] =	sst s6  }
0xf: {  	[smem:$0x3FAD] =	sst s7  }
0x10: {  	[smem:$0x3FAE] =	sst s8  }
0x11: {  	[smem:$0x3FAF] =	sst s9;
	s0 =	simm.s32 @!p0 $0x0  }
0x12: {  	s1 =	sld [smem:$0x3F95];
	s0 =	simm.s32 @p0 $0x1  }
0x13: {  	[smem:$0x3FB0] =	sst s0;
	s0 =	simm.s32 @!p1 $0x0  }
0x14: {  	s2 =	sld [smem:$0x3F94];
	s0 =	simm.s32 @p1 $0x1  }
0x15: {  	[smem:$0x3FB1] =	sst s0;
	s0 =	simm.s32 @!p2 $0x0  }
0x16: {  	s3 =	sld [smem:$0x3FDB];
	s0 =	simm.s32 @p2 $0x1  }
0x17: {  	s4 =	simm.s32 $0x1BF5;
	[smem:$0x3FB3] =	sst s0  }
0x18: {  	s0 =	sld [smem:$0x3F96];
	_ =	swait.ge [sflag:s4], $0x0  }
0x19: {  	s7 =	sld [smem:$0x3F97]  }
0x1a: {  	s8 =	sadd.s32 $0xFFFFE003, lr  }
0x1b: {  	s9 =	sadd.s32 $0xFFFFFEF7, lr;
	s5 =	simm.s32 $0xFFFFFFFF;
	p2 =	slt.u32 s8, $0xFFFFF086  }
0x1c: {  	p1 =	slt.u32 s9, $0xF7A;
	s5 =	simm.s32 @!p2 $0x0  }
0x1d: {  	s5 =	simm.s32 @p1 $0x1;
	p0 =	seq.s32 s7, s2  }
0x1e: {  	s7 =	smul.u32 @!p0 $0xF7A, s2;
	p2 =	seq.s32 @!p0 s5, $0x0  }
0x1f: {  	s9 =	smul.u32 $0xF7A, s1;
	s8 =	simm.s32 @!p0 $0x1BF5;
	p2 =	por !p2, p0  }
0x20: {  	[sflag:s8] =	ssyncset.s32 @!p0 $0xFFFFF086;
	s6 =	sadd.s32 @!p0 s3, s7;
	s7 =	simm.s32 @!p0 $0x108  }
0x21: {  	s3 =	sadd.s32 s3, s9;
	s6 =	sadd.s32 @!p0 $0x88, s6;
	s7 =	simm.s32 @p2 $0x1082  }
0x22: {  	[simem:s7], [sflag:s8] =	dma.local @!p0 [hbm:s6], $0xF7A  }
0x23: {  	s9 =	sor.u32 $0xD0000000, s2;
	s6 =	simm.s32 $0x108;
	_ =	swait.ge @!p0 [sflag:s8], $0x0  }
0x24: {  	s3 =	sadd.s32 $0x88, s3;
	s6 =	simm.s32 @!p1 $0x1082;
	[sflag:s4] =	ssyncset.s32 $0xFFFFF086  }
0x25: {  	[simem:s6], [sflag:s4] =	dma.local [hbm:s3], $0xF7A  }
0x26: {  	[smem:$0x3F97] =	sst s1;
	(tag) =	ssettag s2;
	_ =	strace s9  }
0x27: {  	s1 =	sld [smem:$0x3FA7]  }
0x28: {  	s2 =	sld [smem:$0x3FA8]  }
0x29: {  	s4 =	sld [smem:$0x3FAA]  }
0x2a: {  	p0 =	seq.s32 s5, $0x0;
	s5 =	sld [smem:$0x3FAB]  }
0x2b: {  	s6 =	sld [smem:$0x3FAC]  }
0x2c: {  	s7 =	sld [smem:$0x3FAD]  }
0x2d: {  	s3 =	simm.s32 $0x108;
	s8 =	sld [smem:$0x3FAE]  }
0x2e: {  	s3 =	simm.s32 @!p0 $0x1082;
	s9 =	sld [smem:$0x3FAF]  }
0x2f: {  	lr =	sadd.s32 s0, s3;
	s0 =	sld [smem:$0x3FA6]  }
0x30: {  	s3 =	sld [smem:$0x3FA9]  }
0x31: {  	[smem:$0x3FB2] =	sst s10  }
0x32: {  	s10 =	sld [smem:$0x3FB0];
	_ =	sdelay $0x3  }
0x33: {  	p0 =	seq.s32 s10, $0x1;
	s10 =	sld [smem:$0x3FB2];
	_ =	sdelay $0x3  }
0x34: {  	[smem:$0x3FB2] =	sst s10  }
0x35: {  	s10 =	sld [smem:$0x3FB1];
	_ =	sdelay $0x3  }
0x36: {  	p1 =	seq.s32 s10, $0x1;
	s10 =	sld [smem:$0x3FB2];
	_ =	sdelay $0x3  }
0x37: {  	[smem:$0x3FB2] =	sst s10  }
0x38: {  	s10 =	sld [smem:$0x3FB3]  }
0x39: {  	_ = 	snop;
	(pc) =	sbr.ind lr, $3  }
0x3a: {  	_ = 	snop  }
0x3b: {  	_ = 	snop  }
0x3c: {  	p2 =	seq.s32 s10, $0x1;
	s10 =	sld [smem:$0x3FB2]  }
0x3d: {  	_ =	shalt  }
0x3e: {  	_ =	shalt  }
0x3f: {  	_ =	shalt  }
0x40: {  	_ =	shalt  }
0x41: {  	_ =	shalt  }
0x42: {  	_ =	shalt  }
0x43: {  	_ =	shalt  }
0x44: {  	_ =	shalt  }
0x45: {  	_ =	shalt  }
0x46: {  	_ =	shalt  }
0x47: {  	_ =	shalt  }
0x48: {  	_ =	shalt  }
0x49: {  	_ =	shalt  }
0x4a: {  	_ =	shalt  }
0x4b: {  	_ =	shalt  }
0x4c: {  	_ =	shalt  }
0x4d: {  	_ =	shalt  }
0x4e: {  	_ =	shalt  }
0x4f: {  	_ =	shalt  }
0x50: {  	_ =	shalt  }
0x51: {  	_ =	shalt  }
0x52: {  	_ =	shalt  }
0x53: {  	_ =	shalt  }
0x54: {  	_ =	shalt  }
0x55: {  	_ =	shalt  }
0x56: {  	_ =	shalt  }
0x57: {  	_ =	shalt  }
0x58: {  	_ =	shalt  }
0x59: {  	_ =	shalt  }
0x5a: {  	_ =	shalt  }
0x5b: {  	_ =	shalt  }
0x5c: {  	_ =	shalt  }
0x5d: {  	_ =	shalt  }
0x5e: {  	_ =	shalt  }
0x5f: {  	_ =	shalt  }
0x60: {  	_ =	shalt  }
0x61: {  	_ =	shalt  }
0x62: {  	_ =	shalt  }
0x63: {  	_ =	shalt  }
0x64: {  	_ =	shalt  }
0x65: {  	_ =	shalt  }
0x66: {  	_ =	shalt  }
0x67: {  	_ =	shalt  }
0x68: {  	_ =	shalt  }
0x69: {  	_ =	shalt  }
0x6a: {  	_ =	shalt  }
0x6b: {  	_ =	shalt  }
0x6c: {  	_ =	shalt  }
0x6d: {  	_ =	shalt  }
0x6e: {  	_ =	shalt  }
0x6f: {  	_ =	shalt  }
0x70: {  	_ =	shalt  }
0x71: {  	_ =	shalt  }
0x72: {  	_ =	shalt  }
0x73: {  	_ =	shalt  }
0x74: {  	_ =	shalt  }
0x75: {  	_ =	shalt  }
0x76: {  	_ =	shalt  }
0x77: {  	_ =	shalt  }
0x78: {  	_ =	shalt  }
0x79: {  	_ =	shalt  }
0x7a: {  	_ =	shalt  }
0x7b: {  	_ =	shalt  }
0x7c: {  	_ =	shalt  }
0x7d: {  	_ =	shalt  }
0x7e: {  	_ =	shalt  }
0x7f: {  	_ =	shalt  }
0x80: {  	_ =	shalt  }
0x81: {  	_ =	shalt  }
0x82: {  	_ =	shalt  }
0x83: {  	_ =	shalt  }
0x84: {  	_ =	shalt  }
0x85: {  	_ =	shalt  }
0x86: {  	_ =	shalt  }
0x87: {  	_ =	shalt  }
.Lfunc_end0:
.L_simem_size_0:
called_computation.3_lowered:
.L_overlay_start_0:
0x88: {  	s2 =	sld [smem:$0x3FD9]  }
0x89: {  	s3 =	sld [smem:$0x3FFE];
	_ =	sdelay $0x1  }
0x8a: {  	s1 =	srdreg.scid  }
0x8b: {  	s0 =	sand.u32 $0x1, s1  }
0x8c: {  	s17 =	sshll.u32 s0, $0xA;
	s2 =	sadd.s32 s3, s2  }
0x8d: {  	s2 =	sadd.s32 s2, s17  }
0x8e: {  	[smem:$0x3FBE] =	sst s2  }
0x8f: {  	_ = 	snop  }
0x90: {  	s2 =	sld [smem:$0x3FC4]  }
0x91: {  	s18 =	sld [smem:$0x3FD0];
	(tm) =	ssettm $0x1  }
0x92: {  	s4 =	sld [smem:$0x3FFB];
	_ =	sdelay $0x3  }
0x93: {  	_ =	strace s4  }
0x94: {  	s4 =	sld [smem:$0x3FFC];
	_ =	sdelay $0x3  }
0x95: {  	_ =	strace s4  }
0x96: {  	s4 =	sld [smem:$0x3FFD];
	_ =	sdelay $0x3  }
0x97: {  	_ =	strace s4  }
0x98: {  	_ =	strace $0x8FFFFFFF  }
0x99: {  	s19 =	sld [smem:$0x3FDB];
	_ =	sdelay $0x1  }
0x9a: {  	s5 =	simm.s32 $_scs_section_size  }
0x9b: {  	s6 =	simm.s32 $_size__tile_overlayer_lowered;
	s7 =	simm.s32 $_tile_overlayer_lowered  }
0x9c: {  	s22 =	simm.s32 $0x1BFF;
	s21 =	sshll.u32 s7, $0x1;
	s4 =	sadd.s32 s5, s19  }
0x9d: {  	s8 =	simm.s32 $0x0;
	s20 =	sshll.u32 s6, $0x1;
	s6 =	sadd.s32 s21, s4  }
0x9e: {  	[timem:s8], [sflag:s22] =	dma.local [hbm:s6], s20  }
0x9f: {  	_ =	swait.ge [sflag:s22], s20  }
0xa0: {  	s5 =	ssub.s32 $0x0, s20;
	[sflag:s22] =	ssyncset.done $0x0  }
0xa1: {  	[sflag:s22] =	ssyncadd.s32 s5;
	_ =	sdelay $0x1  }
0xa2: {  	s23 =	simm.s32 $0x1B8B  }
0xa3: {  	_ =	swait.ge [sflag:s23], $0x1  }
0xa4: {  	[sflag:s23] =	ssyncset.done $0x0  }
0xa5: {  	s25 =	simm.s32 $0x1B8E;
	s24 =	sld [smem:$0x3FFE];
	[sflag:s23] =	ssyncadd.s32 $0xFFFFFFFF  }
0xa6: {  	s26 =	simm.s32 $execute0_lowered;
	[smem:$0x3FD2] =	sst s25  }
0xa7: {  	s6 =	sshll.u32 s26, $0x1;
	_ =	strace $0x80000046;
	[dreg:$0x1] =	wrdreg $0xFFFFFFFF  }
0xa8: {  	s28 =	simm.s32 $_size_execute0_lowered;
	s4 =	sadd.s32 s4, s6;
	[dreg:$0x0] =	wrdreg $0x0  }
0xa9: {  	s6 =	sshll.u32 s28, $0x1;
	[dreg:$0x2] =	wrdreg s4  }
0xaa: {  	[dreg:$0x3] =	wrdreg s6  }
0xab: {  	[dreg:$0x4] =	wrdreg $0xC0  }
0xac: {  	_ =	task [dreg:s8], $0x5FFFF  }
0xad: {  	[dreg:$0x1] =	wrdreg $0xFFFFFFFF  }
0xae: {  	[dreg:$0x0] =	wrdreg $0x60  }
0xaf: {  	[dreg:$0x2] =	wrdreg s18  }
0xb0: {  	[dreg:$0x3] =	wrdreg s24  }
0xb1: {  	[dreg:$0x4] =	wrdreg s2  }
0xb2: {  	[dreg:$0x5] =	wrdreg $0x9  }
0xb3: {  	_ =	task.clear_ibuf [dreg:s8], $0x6FFFF;
	_ =	strace $0x90000046  }
0xb4: {  	s29 =	simm.s32 $0x9;
	_ =	strace $0x80000048  }
0xb5: {  	_ =	swait.ge [sflag:s29], $0x1  }
0xb6: {  	[sflag:s29] =	ssyncadd.s32 $0xFFFFFFFF  }
0xb7: {  	_ =	strace $0x90000048  }
0xb8: {  	_ =	sfence  }
0xb9: {  	s30 =	sld [smem:$0x0];
	_ =	sdelay $0x2  }
0xba: {  	s31 =	sshll.u32 s1, $0xD;
	s1 =	sshrl.u32 s1, $0x2  }
0xbb: {  	s3 =	sand.u32 $0x4000, s31;
	s1 =	sadd.s32 s1, s30  }
0xbc: {  	s0 =	sor.u32 s3, s0;
	s1 =	sshll.u32 s1, $0x11  }
0xbd: {  	s0 =	sor.u32 s1, s0  }
0xbe: {  	s0 =	sadd.s32 $0x8F2B, s0  }
0xbf: {  	[sflag:s0] =	ssyncadd.remote.s32 $0x1  }
0xc0: {  	_ =	sfence.sel $0xFFFF  }
0xc1: {  	[dreg:$0x0] =	wrdreg $0xFFFFFFFF;
	(pc) =	sbr.abs _section_cstart, $3  }
0xc2: {  	[dreg:$0x1] =	wrdreg $0xFFFFFFFF  }
0xc3: {  	_ =	task.clear_ibuf [dreg:s8], $0x2FFFF;
	_ =	strace $0x9FFFFFFF  }
0xc4: {  	(tm) =	ssettm $0x7FFFFFFF  }
0xc5: {  	_ =	shalt  }
tec
execute0_lowered:
.L_overlay_start_1:
0x0: {  	(tag) =	ssettag $0x1  }
0x1: {  	v0 =	vimm.s32 $0x76543210  }
0x2: {  	s1 =	rddreg [dreg:$0x0];
	v1 =	vimm.s32 $0xFEDCBA98;
	v2 =	vimm.s32 $0xBA98FEDC;
	v3 =	vimm.s32 $0x32107654  }
0x3: {  	s0 =	rddreg [dreg:$0x1];
	s4 =	simm.s32 $0x0;
	v1 =	vunpack.c.l.s4.s8 v1;
	v2 =	vunpack.c.l.s4.s8 v2;
	v3 =	vunpack.c.l.s4.s8 v3  }
0x4: {  	s2 =	srdreg.scid;
	s3 =	stileid.u32;
	s28 =	simm.s32 $0x4300;
	v0 =	vunpack.c.l.s4.s8 v0  }
0x5: {  	s29 =	simm.s32 $0x8300;
	[smem:$0x7FF] =	sst s4;
	s5 =	sadd.s32 $0xF800, s0;
	v1 =	vunpack.c.0.s8.s32 v1;
	v2 =	vunpack.c.0.s8.s32 v2;
	v3 =	vunpack.c.0.s8.s32 v3  }
0x6: {  	v6 =	vimm.s32 $0x3020100;
	s2 =	sand.u32 $0x1, s2;
	s3 =	sshll.u32 s3, $0x1;
	s6 =	sadd.s32 $0x5800, s0;
	v0 =	vunpack.c.0.s8.s32 v0  }
0x7: {  	v4 =	vlaneseq.u32;
	s7 =	sadd.s32 $0xA800, s0;
	s8 =	sadd.s32 $0x800, s0;
	s10 =	sadd.s32 $0x5DC00, s0;
	v1 =	vand.u32 $0xF, v1;
	v5 =	vcombine.low v3, v2  }
0x8: {  	s11 =	sadd.s32 $0x5DA00, s0;
	s12 =	sadd.s32 $0x62C00, s0;
	s3 =	sor.u32 s2, s3;
	v2 =	vimm.s32 $0xDCFE98BA;
	v3 =	vimm.s32 $0x54761032;
	v0 =	vcombine.low v1, v0  }
0x9: {  	s2 =	ssub.s32 $0x2, s2;
	s9 =	smul.u32 $0x1388, s3;
	s3 =	sshll.u32 s3, $0x1;
	v1 =	vimm.s32 $0xB0A0908;
	v2 =	vunpack.c.l.s4.s8 v2;
	v3 =	vunpack.c.l.s4.s8 v3  }
0xa: {  	v7 =	vimm.s32 $0xEFCDAB89;
	v6 =	vunpack.c.0.s8.s32 v6;
	_ =	strace $0x80000047;
	s22 =	sshrl.u32 s2, $0x1;
	s0 =	sadd.s32 s3, s0;
	v1 =	vunpack.c.0.s8.s32 v1  }
0xb: {  	[dreg:$0x4] =	wrdreg s11;
	s2 =	ssub.s32 s2, s22;
	s0 =	sadd.s32 $0x89E00, s0;
	v8 =	vunpack.c.0.s8.s32 v2;
	v3 =	vunpack.c.0.s8.s32 v3;
	v2 =	vimm.s32 $0x67452301  }
0xc: {  	s21 =	sadd.s32 $0x1380, s9;
	s31 =	smax.u32 s2, $0x1;
	[dreg:$0x8] =	wrdreg s0;
	v1 =	vcombine.low v6, v1;
	v6 =	vunpack.c.l.s4.s8 v7;
	v7 =	vunpack.c.l.s4.s8 v2  }
0xd: {  	s13 =	sshrl.u32 s21, $0x3;
	s30 =	sadd.s32 s12, s21;
	[dreg:$0xb] =	wrdreg s31;
	v2 =	vand.u32 $0x7, v4;
	v8 =	vcombine.low v3, v8  }
0xe: {  	s18 =	simm.s32 $0xEB00;
	s23 =	sadd.s32 s6, s13;
	[dreg:$0xa] =	wrdreg s30;
	v3 =	vshrl.u32 v4, $0x3;
	v6 =	vunpack.c.0.s8.s32 v6;
	v7 =	vunpack.c.0.s8.s32 v7  }
0xf: {  	s19 =	simm.s32 $0xF300;
	s24 =	sadd.s32 s7, s13;
	[dreg:$0x5] =	wrdreg s23;
	[tilespmem:$0x1FFB0] =	vst v2;
	v2 =	vmul.u32 $0x8, v3  }
0x10: {  	vm0 =	vmmov $0xffff;
	vm1 =	vmmov $0xff;
	s20 =	simm.s32 $0xFB00;
	s25 =	sadd.s32 s8, s13;
	[dreg:$0x6] =	wrdreg s24;
	[tilespmem:$0x1FFE0] =	vst v1;
	v7 =	vcombine.low v7, v6  }
0x11: {  	vm2 =	vcmask $0x2F20;
	vm3 =	vcmask $0xF00;
	s2 =	simm.s32 $0x0;
	s26 =	sadd.s32 s10, s13;
	[dreg:$0x7] =	wrdreg s25;
	[tilespmem:$0x1FFC0] =	vst v2;
	v2 =	vor.u32 $0x8, v4  }
0x12: {  	v9 =	vimm.s32 $0xC040800;
	vm2 =	vmor vm3, vm2;
	s21 =	simm.s32 $0x1;
	[dreg:$0x9] =	wrdreg s26;
	s23 =	simm.s32 $0x80;
	[tilespmem:$0x1FFD0] =	vst v2;
	v7 =	vand.u32 $0xF, v7  }
0x13: {  	v5 =	vand.u32 $0xF, v5;
	s25 =	simm.s32 $0x10A00;
	s26 =	simm.s32 $0x300;
	s24 =	simm.s32 $0x10500;
	v6 =	vand.u32 $0xF, v8;
	v8 =	vunpack.c.0.s8.s32 v9;
	[tilespmem:$0x1FFF0] =	vst v7  }
.LBB2_1:
0x14: {  	[dreg:$0xc] =	wrdreg s2  }
0x15: {  	s0 =	rddreg [dreg:$0x4];
	s17 =	simm.s32 $0x10300  }
0x16: {  	[tilespmem:s17], [sflag:$0x1] =	stream.linear.gather [hbm4b:s0+s4], $0x100, $0x38;
	[tilespmem:$0x10A80] =	vst v63  }
0x17: {  	_ =	swait.ge [sflag:s21], $0x100  }
0x18: {  	[sflag:s21] =	ssyncset.done $0x0  }
0x19: {  	[sflag:s21] =	ssyncadd.s32 $0xFFFFFF00  }
0x1a: {  	s31 =	simm.s32 $0x10400;
	s22 =	rddreg [dreg:$0x2]  }
0x1b: {  	[tilespmem:s31], [sflag:$0x1] =	stream.linear.gather [hbm4b:s22+s4], $0x100, $0x38;
	[tilespmem:$0x10A80] =	vst v63  }
0x1c: {  	_ =	swait.ge [sflag:s21], $0x100  }
0x1d: {  	[sflag:s21] =	ssyncset.done $0x0  }
0x1e: {  	[sflag:s21] =	ssyncadd.s32 $0xFFFFFF00  }
0x1f: {  	v2 =	vld [tilespmem:$0x10300];
	_ =	sdelay $0x4  }
0x20: {  	[tilespmem:$0x1FEB0] =	vst v2;
	v2 =	vld [tilespmem:$0x10310]  }
0x21: {  	v20 =	vld [tilespmem:$0x10360]  }
0x22: {  	v23 =	vld [tilespmem:$0x10370]  }
0x23: {  	v1 =	vld [tilespmem:$0x10390]  }
0x24: {  	v27 =	vld [tilespmem:$0x103D0]  }
0x25: {  	[tilespmem:$0x1FEC0] =	vst v2;
	v2 =	vld [tilespmem:$0x10320]  }
0x26: {  	v28 =	vld [tilespmem:$0x103E0]  }
0x27: {  	v29 =	vld [tilespmem:$0x103F0]  }
0x28: {  	v30 =	vld [tilespmem:$0x10400]  }
0x29: {  	v31 =	vld [tilespmem:$0x10410]  }
0x2a: {  	[tilespmem:$0x1FED0] =	vst v2;
	v2 =	vld [tilespmem:$0x10330]  }
0x2b: {  	v32 =	vld [tilespmem:$0x10420]  }
0x2c: {  	v33 =	vld [tilespmem:$0x10430]  }
0x2d: {  	v34 =	vld [tilespmem:$0x10440]  }
0x2e: {  	[tilespmem:$0x1FF20] =	vst v1;
	v1 =	vld [tilespmem:$0x103A0]  }
0x2f: {  	[tilespmem:$0x1FEE0] =	vst v2;
	v2 =	vld [tilespmem:$0x10340]  }
0x30: {  	v35 =	vld [tilespmem:$0x10450]  }
0x31: {  	v36 =	vld [tilespmem:$0x10460]  }
0x32: {  	v37 =	vld [tilespmem:$0x10470]  }
0x33: {  	[tilespmem:$0x1FF30] =	vst v1;
	v1 =	vld [tilespmem:$0x103B0]  }
0x34: {  	[tilespmem:$0x1FEF0] =	vst v2;
	v2 =	vld [tilespmem:$0x10350]  }
0x35: {  	v24 =	vld [tilespmem:$0x104D0]  }
0x36: {  	v41 =	vld [tilespmem:$0x104B0];
	[tilespmem:$0x1FF60] =	vst v23  }
0x37: {  	v39 =	vld [tilespmem:$0x10490];
	[tilespmem:$0x1FF70] =	vst v20  }
0x38: {  	[tilespmem:$0x1FF40] =	vst v1;
	v1 =	vld [tilespmem:$0x103C0]  }
0x39: {  	[tilespmem:$0x1FF00] =	vst v2;
	v2 =	vld [tilespmem:$0x10380]  }
0x3a: {  	v38 =	vld [tilespmem:$0x10480];
	[tilespmem:$0x1FF80] =	vst v24  }
0x3b: {  	v26 =	vld [tilespmem:$0x104A0];
	[tilespmem:$0x1FF90] =	vst v41  }
0x3c: {  	v21 =	vld [tilespmem:$0x104C0];
	[tilespmem:$0x1FFA0] =	vst v39  }
0x3d: {  	v7 =	vld [tilespmem:$0x104E0];
	[tilespmem:$0x1FF50] =	vst v1  }
0x3e: {  	v9 =	vimm.f32 $-1.000000020e+30;
	s30 =	simm.s32 $0x0;
	v40 =	vld [tilespmem:$0x104F0];
	[tilespmem:$0x1FF10] =	vst v2  }
.LBB2_2:
0x3f: {  	s0 =	sshll.u32 s30, $0x7  }
0x40: {  	s31 =	sadd.s32 s9, s0  }
0x41: {  	s2 =	sshrl.u32 s31, $0x3  }
0x42: {  	s0 =	simm.s32 $0x0;
	s3 =	sadd.s32 s6, s2  }
0x43: {  	[tilespmem:s0], [sflag:$0x1] =	stream.linear.gather [hbm4b:s3+s0], $0x80, $0x38;
	[tilespmem:$0x10A80] =	vst v63  }
0x44: {  	_ =	swait.ge [sflag:s21], $0x80  }
0x45: {  	[sflag:s21] =	ssyncset.done $0x0  }
0x46: {  	s17 =	sadd.s32 s7, s2;
	[sflag:s21] =	ssyncadd.s32 $0xFFFFFF80  }
0x47: {  	[tilespmem:s23], [sflag:$0x1] =	stream.linear.gather [hbm4b:s17+s0], $0x80, $0x38;
	[tilespmem:$0x10A80] =	vst v63  }
0x48: {  	_ =	swait.ge [sflag:s21], $0x80  }
0x49: {  	[sflag:s21] =	ssyncset.done $0x0  }
0x4a: {  	s11 =	simm.s32 $0x100;
	s22 =	sadd.s32 s8, s2;
	[sflag:s21] =	ssyncadd.s32 $0xFFFFFF80  }
0x4b: {  	[tilespmem:s11], [sflag:$0x1] =	stream.linear.gather [hbm4b:s22+s0], $0x80, $0x38;
	[tilespmem:$0x10A80] =	vst v63  }
0x4c: {  	_ =	swait.ge [sflag:s21], $0x80  }
0x4d: {  	[sflag:s21] =	ssyncset.done $0x0  }
0x4e: {  	s2 =	sadd.s32 s10, s2;
	[sflag:s21] =	ssyncadd.s32 $0xFFFFFF80  }
0x4f: {  	[tilespmem:s25], [sflag:$0x1] =	stream.linear.gather [hbm4b:s2+s0], $0x80, $0x38;
	[tilespmem:$0x10A80] =	vst v63  }
0x50: {  	_ =	swait.ge [sflag:s21], $0x80  }
0x51: {  	[sflag:s21] =	ssyncset.done $0x0  }
0x52: {  	[sflag:s21] =	ssyncadd.s32 $0xFFFFFF80  }
0x53: {  	[tilespmem:s26], [sflag:$0x1] =	stream.indirect.gather [hbm4b:s1+s23], $0x80, s0, s23, $0xb8;
	[tilespmem:$0x10A80] =	vst v63  }
0x54: {  	_ =	swait.ge [sflag:s21], $0x4000  }
0x55: {  	[sflag:s21] =	ssyncset.done $0x0  }
0x56: {  	[sflag:s21] =	ssyncadd.s32 $0xFFFFC000  }
0x57: {  	[tilespmem:s28], [sflag:$0x1] =	stream.indirect.gather [hbm4b:s1+s23], $0x80, s23, s23, $0xb8;
	[tilespmem:$0x10A80] =	vst v63  }
0x58: {  	_ =	swait.ge [sflag:s21], $0x4000  }
0x59: {  	[sflag:s21] =	ssyncset.done $0x0  }
0x5a: {  	[sflag:s21] =	ssyncadd.s32 $0xFFFFC000  }
0x5b: {  	v42 =	vld [tilespmem:$0x100];
	_ =	sdelay $0x2  }
0x5c: {  	v2 =	vld [tilespmem:$0x1FFB0]  }
0x5d: {  	v3 =	vld [tilespmem:$0x1FFC0]  }
0x5e: {  	v4 =	vld [tilespmem:$0x1FFD0];
	v43 =	vshll.u32 v42, $0x1  }
0x5f: {  	v42 =	vand.u32 $0x7, v42;
	v43 =	vand.u32 $0xFFFFFFF0, v43  }
0x60: {  	v42 =	vor.u32 v42, v43  }
0x61: {  	v43 =	vperm.xlane v42, v2;
	_ =	sdelay $0x1  }
0x62: {  	v42 =	vperm.xlane v42, v4;
	v43 =	vadd.s32 v3, v43;
	_ =	sdelay $0x1  }
0x63: {  	v42 =	vadd.s32 v3, v42;
	_ =	sdelay $0x2  }
0x64: {  	[tilespmem:s29], [sflag:$0x1] =	stream.indirect_vreg.gather [hbm4b:s5+s0], $0x80, v43, vm0, $0xb8;
	[tilespmem:$0x10A80] =	vst v63  }
0x65: {  	s3 =	simm.s32 $0x8B00  }
0x66: {  	[tilespmem:s3], [sflag:$0x1] =	stream.indirect_vreg.gather [hbm4b:s5+s0], $0x80, v42, vm0, $0xb8;
	[tilespmem:$0x10A80] =	vst v63  }
0x67: {  	v42 =	vld [tilespmem:$0x110];
	_ =	sdelay $0x4  }
0x68: {  	v56 =	vshll.u32 v42, $0x1  }
0x69: {  	v42 =	vand.u32 $0x7, v42;
	v43 =	vand.u32 $0xFFFFFFF0, v56  }
0x6a: {  	v42 =	vor.u32 v42, v43  }
0x6b: {  	v43 =	vperm.xlane v42, v2;
	_ =	sdelay $0x1  }
0x6c: {  	v42 =	vperm.xlane v42, v4;
	v43 =	vadd.s32 v3, v43;
	_ =	sdelay $0x1  }
0x6d: {  	v42 =	vadd.s32 v3, v42;
	_ =	sdelay $0x1  }
0x6e: {  	s11 =	simm.s32 $0x9300  }
0x6f: {  	[tilespmem:s11], [sflag:$0x1] =	stream.indirect_vreg.gather [hbm4b:s5+s0], $0x80, v43, vm0, $0xb8;
	[tilespmem:$0x10A80] =	vst v63  }
0x70: {  	s13 =	simm.s32 $0x9B00  }
0x71: {  	[tilespmem:s13], [sflag:$0x1] =	stream.indirect_vreg.gather [hbm4b:s5+s0], $0x80, v42, vm0, $0xb8;
	[tilespmem:$0x10A80] =	vst v63  }
0x72: {  	v42 =	vld [tilespmem:$0x120];
	_ =	sdelay $0x4  }
0x73: {  	v57 =	vshll.u32 v42, $0x1  }
0x74: {  	v42 =	vand.u32 $0x7, v42;
	v43 =	vand.u32 $0xFFFFFFF0, v57  }
0x75: {  	v42 =	vor.u32 v42, v43  }
0x76: {  	v43 =	vperm.xlane v42, v2;
	_ =	sdelay $0x1  }
0x77: {  	v42 =	vperm.xlane v42, v4;
	v43 =	vadd.s32 v3, v43;
	_ =	sdelay $0x1  }
0x78: {  	v42 =	vadd.s32 v3, v42;
	_ =	sdelay $0x1  }
0x79: {  	s14 =	simm.s32 $0xA300  }
0x7a: {  	[tilespmem:s14], [sflag:$0x1] =	stream.indirect_vreg.gather [hbm4b:s5+s0], $0x80, v43, vm0, $0xb8;
	[tilespmem:$0x10A80] =	vst v63  }
0x7b: {  	s15 =	simm.s32 $0xAB00  }
0x7c: {  	[tilespmem:s15], [sflag:$0x1] =	stream.indirect_vreg.gather [hbm4b:s5+s0], $0x80, v42, vm0, $0xb8;
	[tilespmem:$0x10A80] =	vst v63  }
0x7d: {  	v42 =	vld [tilespmem:$0x130];
	_ =	sdelay $0x4  }
0x7e: {  	v58 =	vshll.u32 v42, $0x1  }
0x7f: {  	v42 =	vand.u32 $0x7, v42;
	v43 =	vand.u32 $0xFFFFFFF0, v58  }
0x80: {  	v42 =	vor.u32 v42, v43  }
0x81: {  	v43 =	vperm.xlane v42, v2;
	_ =	sdelay $0x1  }
0x82: {  	v42 =	vperm.xlane v42, v4;
	v43 =	vadd.s32 v3, v43;
	_ =	sdelay $0x1  }
0x83: {  	v42 =	vadd.s32 v3, v42;
	_ =	sdelay $0x1  }
0x84: {  	s16 =	simm.s32 $0xB300  }
0x85: {  	[tilespmem:s16], [sflag:$0x1] =	stream.indirect_vreg.gather [hbm4b:s5+s0], $0x80, v43, vm0, $0xb8;
	[tilespmem:$0x10A80] =	vst v63  }
0x86: {  	s17 =	simm.s32 $0xBB00  }
0x87: {  	[tilespmem:s17], [sflag:$0x1] =	stream.indirect_vreg.gather [hbm4b:s5+s0], $0x80, v42, vm0, $0xb8;
	[tilespmem:$0x10A80] =	vst v63  }
0x88: {  	v42 =	vld [tilespmem:$0x140];
	_ =	sdelay $0x4  }
0x89: {  	v59 =	vshll.u32 v42, $0x1  }
0x8a: {  	v42 =	vand.u32 $0x7, v42;
	v43 =	vand.u32 $0xFFFFFFF0, v59  }
0x8b: {  	v42 =	vor.u32 v42, v43  }
0x8c: {  	v43 =	vperm.xlane v42, v2;
	_ =	sdelay $0x1  }
0x8d: {  	v42 =	vperm.xlane v42, v4;
	v43 =	vadd.s32 v3, v43;
	_ =	sdelay $0x1  }
0x8e: {  	v42 =	vadd.s32 v3, v42;
	_ =	sdelay $0x1  }
0x8f: {  	s22 =	simm.s32 $0xC300  }
0x90: {  	[tilespmem:s22], [sflag:$0x1] =	stream.indirect_vreg.gather [hbm4b:s5+s0], $0x80, v43, vm0, $0xb8;
	[tilespmem:$0x10A80] =	vst v63  }
0x91: {  	s3 =	simm.s32 $0xCB00  }
0x92: {  	[tilespmem:s3], [sflag:$0x1] =	stream.indirect_vreg.gather [hbm4b:s5+s0], $0x80, v42, vm0, $0xb8;
	[tilespmem:$0x10A80] =	vst v63  }
0x93: {  	v42 =	vld [tilespmem:$0x150];
	_ =	sdelay $0x4  }
0x94: {  	v60 =	vshll.u32 v42, $0x1  }
0x95: {  	v42 =	vand.u32 $0x7, v42;
	v43 =	vand.u32 $0xFFFFFFF0, v60  }
0x96: {  	v42 =	vor.u32 v42, v43  }
0x97: {  	v43 =	vperm.xlane v42, v2;
	_ =	sdelay $0x1  }
0x98: {  	v42 =	vperm.xlane v42, v4;
	v43 =	vadd.s32 v3, v43;
	_ =	sdelay $0x1  }
0x99: {  	v42 =	vadd.s32 v3, v42;
	_ =	sdelay $0x1  }
0x9a: {  	s11 =	simm.s32 $0xD300  }
0x9b: {  	[tilespmem:s11], [sflag:$0x1] =	stream.indirect_vreg.gather [hbm4b:s5+s0], $0x80, v43, vm0, $0xb8;
	[tilespmem:$0x10A80] =	vst v63  }
0x9c: {  	s13 =	simm.s32 $0xDB00  }
0x9d: {  	[tilespmem:s13], [sflag:$0x1] =	stream.indirect_vreg.gather [hbm4b:s5+s0], $0x80, v42, vm0, $0xb8;
	[tilespmem:$0x10A80] =	vst v63  }
0x9e: {  	v42 =	vld [tilespmem:$0x160];
	_ =	sdelay $0x4  }
0x9f: {  	v61 =	vshll.u32 v42, $0x1  }
0xa0: {  	v42 =	vand.u32 $0x7, v42;
	v43 =	vand.u32 $0xFFFFFFF0, v61  }
0xa1: {  	v42 =	vor.u32 v42, v43  }
0xa2: {  	v43 =	vperm.xlane v42, v2;
	_ =	sdelay $0x1  }
0xa3: {  	v42 =	vperm.xlane v42, v4;
	v43 =	vadd.s32 v3, v43;
	_ =	sdelay $0x1  }
0xa4: {  	v42 =	vadd.s32 v3, v42;
	_ =	sdelay $0x1  }
0xa5: {  	s14 =	simm.s32 $0xE300  }
0xa6: {  	[tilespmem:s14], [sflag:$0x1] =	stream.indirect_vreg.gather [hbm4b:s5+s0], $0x80, v43, vm0, $0xb8;
	[tilespmem:$0x10A80] =	vst v63  }
0xa7: {  	_ = 	snop  }
0xa8: {  	[tilespmem:s18], [sflag:$0x1] =	stream.indirect_vreg.gather [hbm4b:s5+s0], $0x80, v42, vm0, $0xb8;
	[tilespmem:$0x10A80] =	vst v63  }
0xa9: {  	v42 =	vld [tilespmem:$0x170];
	_ =	sdelay $0x4  }
0xaa: {  	v62 =	vshll.u32 v42, $0x1  }
0xab: {  	v42 =	vand.u32 $0x7, v42;
	v43 =	vand.u32 $0xFFFFFFF0, v62  }
0xac: {  	v42 =	vor.u32 v42, v43  }
0xad: {  	v43 =	vperm.xlane v42, v2;
	_ =	sdelay $0x1  }
0xae: {  	v42 =	vperm.xlane v42, v4;
	v43 =	vadd.s32 v3, v43;
	_ =	sdelay $0x1  }
0xaf: {  	v42 =	vadd.s32 v3, v42;
	_ =	sdelay $0x2  }
0xb0: {  	[tilespmem:s19], [sflag:$0x1] =	stream.indirect_vreg.gather [hbm4b:s5+s0], $0x80, v43, vm0, $0xb8;
	[tilespmem:$0x10A80] =	vst v63  }
0xb1: {  	_ = 	snop  }
0xb2: {  	[tilespmem:s20], [sflag:$0x1] =	stream.indirect_vreg.gather [hbm4b:s5+s0], $0x80, v42, vm0, $0xb8;
	[tilespmem:$0x10A80] =	vst v63  }
0xb3: {  	_ =	swait.ge [sflag:s21], $0x8000  }
0xb4: {  	[sflag:s21] =	ssyncset.done $0x0;
	v19 =	vld [tilespmem:$0x1FEF0]  }
0xb5: {  	s15 =	simm.s32 $0x4340;
	v3 =	vld [tilespmem:$0x1FF40];
	[sflag:s21] =	ssyncadd.s32 $0xFFFF8000  }
0xb6: {  	s16 =	simm.s32 $0x340;
	s17 =	sand.u32 $0x7800, s0;
	s13 =	sand.u32 $0x380, s0;
	v63 =	vld [tilespmem:s15+$0xFFFFFFF0]  }
0xb7: {  	s3 =	sor.u32 s13, s17;
	v43 =	vld [tilespmem:s16+$0x10]  }
0xb8: {  	v44 =	vld [tilespmem:s3+$0x8730]  }
0xb9: {  	v45 =	vld [tilespmem:s3+$0x8300]  }
0xba: {  	v48 =	vld [tilespmem:s3+$0x8750]  }
0xbb: {  	v49 =	vld [tilespmem:s3+$0x8710]  }
0xbc: {  	v50 =	vld [tilespmem:s3+$0x8360]  }
0xbd: {  	s22 =	sand.u32 $0x70, s0;
	v51 =	vld [tilespmem:s16+$0x20]  }
0xbe: {  	v52 =	vld [tilespmem:s22+$0x10A00]  }
0xbf: {  	v53 =	vld [tilespmem:s3+$0x8340]  }
0xc0: {  	v54 =	vld [tilespmem:s16+$0x0]  }
0xc1: {  	v55 =	vld [tilespmem:s15+$0xFFFFFFD0]  }
0xc2: {  	v57 =	vld [tilespmem:s15+$0x10]  }
0xc3: {  	v46 =	vld [tilespmem:s3+$0x8350]  }
0xc4: {  	v56 =	vmov s0;
	v47 =	vld [tilespmem:s3+$0x8370]  }
0xc5: {  	v58 =	vld [tilespmem:s3+$0x8740];
	v52 =	vperm.xlane v52, v56;
	v42 =	vadd.f32 v44, v63  }
0xc6: {  	v61 =	vld [tilespmem:s3+$0x8770];
	v44 =	vadd.f32 v53, v54;
	v50 =	vadd.f32 v50, v51  }
0xc7: {  	v56 =	vld [tilespmem:s16+$0x30];
	v49 =	vadd.f32 v49, v55;
	v48 =	vadd.f32 v48, v57;
	v53 =	vmul.f32 v52, v34  }
0xc8: {  	v63 =	vld [tilespmem:s15+$0x30];
	v43 =	vadd.f32 v46, v43;
	v41 =	vmul.f32 v52, v41;
	v59 =	vmul.f32 v52, v36  }
0xc9: {  	v60 =	vld [tilespmem:s3+$0x8330];
	v51 =	vmul.f32 v52, v24;
	v39 =	vmul.f32 v52, v39;
	v44 =	vadd.f32 v44, v53  }
0xca: {  	v53 =	vld [tilespmem:s16+$0xFFFFFFF0];
	v42 =	vadd.f32 v42, v41;
	v50 =	vadd.f32 v50, v59;
	v59 =	vmul.f32 v52, v37  }
0xcb: {  	v2 =	vld [tilespmem:s16+$0xFFFFFFD0];
	v48 =	vadd.f32 v48, v51;
	v51 =	vmul.f32 v52, v33;
	v49 =	vadd.f32 v49, v39  }
0xcc: {  	v55 =	vld [tilespmem:s3+$0x8310];
	v47 =	vadd.f32 v47, v56;
	v57 =	vmul.f32 $2.000000030e-01, v44;
	v41 =	vmul.f32 $2.000000030e-01, v42  }
0xcd: {  	v54 =	vld [tilespmem:s3+$0x8320];
	v39 =	vmul.f32 v52, v40;
	v61 =	vadd.f32 v61, v63;
	v62 =	vmul.f32 $2.000000030e-01, v50  }
0xce: {  	v44 =	vmax.f32 v44, v57;
	v57 =	vld [tilespmem:s16+$0xFFFFFFE0];
	v56 =	vmax.f32 v42, v41;
	v42 =	vadd.f32 v47, v59  }
0xcf: {  	v50 =	vmax.f32 v50, v62;
	v59 =	vmul.f32 $2.000000030e-01, v48;
	v62 =	vld [tilespmem:s16+$0xFFFFFFC0];
	v47 =	vadd.f32 v60, v53  }
0xd0: {  	v53 =	vld [tilespmem:s15+$0x0];
	v60 =	vadd.f32 v61, v39;
	v39 =	vmul.f32 v52, v21;
	v50 =	vmul.f32 v50, v20  }
0xd1: {  	v2 =	vadd.f32 v55, v2;
	v44 =	vmul.f32 v44, v19;
	v41 =	vmul.f32 $2.000000030e-01, v42  }
0xd2: {  	v63 =	vld [tilespmem:s15+$0x20];
	v56 =	vmul.f32 v56, v3;
	v48 =	vmax.f32 v48, v59;
	v59 =	vmul.f32 v52, v32  }
0xd3: {  	v46 =	vadd.f32 v47, v51;
	v51 =	vld [tilespmem:s3+$0x8760];
	v48 =	vmul.f32 v48, v27;
	v42 =	vmax.f32 v42, v41  }
0xd4: {  	v18 =	vld [tilespmem:$0x1FEE0];
	v41 =	vmul.f32 v52, v31;
	v54 =	vadd.f32 v54, v57;
	v57 =	vmul.f32 v52, v30  }
0xd5: {  	v15 =	vld [tilespmem:$0x1FEC0];
	v45 =	vadd.f32 v45, v62;
	v62 =	vmul.f32 v52, v35;
	v53 =	vadd.f32 v58, v53  }
0xd6: {  	v61 =	vld [tilespmem:s15+$0xFFFFFFC0];
	v42 =	vmul.f32 v42, v23;
	v2 =	vadd.f32 v2, v41;
	v54 =	vadd.f32 v54, v59  }
0xd7: {  	v47 =	vld [tilespmem:s15+$0xFFFFFFE0];
	v45 =	vadd.f32 v45, v57;
	v57 =	vmul.f32 $2.000000030e-01, v46;
	v43 =	vadd.f32 v43, v62  }
0xd8: {  	v58 =	vld [tilespmem:s3+$0x8720];
	v53 =	vadd.f32 v53, v39;
	v51 =	vadd.f32 v51, v63;
	v39 =	vmul.f32 v52, v7  }
0xd9: {  	v59 =	vld [tilespmem:s3+$0x8700];
	v50 =	vadd.f32 v42, v50;
	v41 =	vmul.f32 $2.000000030e-01, v2;
	v63 =	vmul.f32 $2.000000030e-01, v49  }
0xda: {  	v16 =	vld [tilespmem:$0x1FED0];
	v62 =	vmul.f32 $2.000000030e-01, v54;
	v46 =	vmax.f32 v46, v57;
	v51 =	vadd.f32 v51, v39  }
0xdb: {  	v20 =	vld [tilespmem:$0x1FF00];
	v39 =	vmul.f32 v52, v26;
	v52 =	vmul.f32 v52, v38;
	v2 =	vmax.f32 v2, v41  }
0xdc: {  	v41 =	vmul.f32 $2.000000030e-01, v43;
	v57 =	vmax.f32 v49, v63;
	v46 =	vmul.f32 v46, v18  }
0xdd: {  	v47 =	vadd.f32 v58, v47;
	v54 =	vmax.f32 v54, v62;
	v62 =	vmul.f32 $2.000000030e-01, v53  }
0xde: {  	v4 =	vld [tilespmem:$0x1FF50];
	v2 =	vmul.f32 v2, v15;
	v61 =	vadd.f32 v59, v61;
	v43 =	vmax.f32 v43, v41  }
0xdf: {  	v17 =	vld [tilespmem:$0x1FEB0];
	v63 =	vmul.f32 v54, v16;
	v47 =	vadd.f32 v47, v39;
	v39 =	vmul.f32 $2.000000030e-01, v45  }
0xe0: {  	v25 =	vld [tilespmem:$0x1FF30];
	v53 =	vmax.f32 v53, v62;
	v62 =	vmul.f32 $2.000000030e-01, v60;
	v43 =	vmul.f32 v43, v20  }
0xe1: {  	v24 =	vld [tilespmem:$0x1FF20];
	v52 =	vadd.f32 v61, v52;
	v61 =	vmul.f32 $2.000000030e-01, v51;
	v42 =	vadd.f32 v46, v63  }
0xe2: {  	v63 =	vperm.xlane v50, v0;
	v45 =	vmax.f32 v45, v39;
	v55 =	vmax.f32 v60, v62  }
0xe3: {  	v22 =	vmovc v21;
	v39 =	vmul.f32 $2.000000030e-01, v47;
	v60 =	vmul.f32 v53, v4;
	v46 =	vadd.f32 v43, v44  }
0xe4: {  	v1 =	vmovc v7;
	v21 =	vmovc v8;
	v49 =	vmax.f32 v51, v61;
	v61 =	vmul.f32 $2.000000030e-01, v52;
	v62 =	vmul.f32 v45, v17  }
0xe5: {  	v7 =	vmovc v6;
	v47 =	vmax.f32 v47, v39;
	v43 =	vadd.f32 v48, v60;
	v48 =	vadd.f32 v63, v50  }
0xe6: {  	v23 =	vld [tilespmem:$0x1FF10];
	v41 =	vmovc v26;
	v50 =	vmul.f32 v57, v24;
	v47 =	vmul.f32 v47, v25;
	v51 =	vmax.f32 v52, v61  }
0xe7: {  	v26 =	vmovc v3;
	v44 =	vadd.f32 v2, v62;
	v52 =	vperm.xlane v46, v0;
	v39 =	vmovc v38;
	v38 =	vmov v37  }
0xe8: {  	v37 =	vmovc v36;
	v36 =	vmovc v35;
	v35 =	vmov v34;
	v34 =	vmov v33;
	v33 =	vmov v32  }
0xe9: {  	s2 =	simm.s32 $0x10500;
	s11 =	simm.s32 $0x3C0;
	s17 =	simm.s32 $0x1;
	v8 =	vld [tilespmem:$0x1FFF0];
	v32 =	vmovc v31;
	v45 =	vadd.f32 v56, v47;
	v47 =	vmul.f32 v49, v28;
	v49 =	vmul.f32 v55, v29  }
0xea: {  	s13 =	simm.s32 $0x0;
	s22 =	simm.s32 $0x43C0;
	s3 =	simm.s32 $0x10500;
	v6 =	vld [tilespmem:$0x1FFE0];
	v31 =	vmovc v30;
	v30 =	vmovc v29;
	v29 =	vmov v28;
	v28 =	vmov v27;
	v27 =	vmov v4  }
.LBB2_3:
0xeb: {  	v2 =	vmul.f32 v51, v23;
	v47 =	vadd.f32 v49, v47  }
0xec: {  	v57 =	vperm.xlane v43, v0;
	v53 =	vperm.xlane v42, v0  }
0xed: {  	v46 =	vadd.f32 v52, v46;
	v2 =	vadd.f32 v50, v2;
	v58 =	vperm.xlane v47, v0  }
0xee: {  	v63 =	vperm.xlane v45, v0;
	v56 =	vperm.xlane v44, v0;
	v43 =	vadd.f32 v57, v43  }
0xef: {  	v42 =	vadd.f32 v53, v42;
	v50 =	vperm.xlane v2, v0;
	v47 =	vadd.f32 v58, v47  }
0xf0: {  	v45 =	vadd.f32 v63, v45;
	v46 =	vsel vm1, v46, v48;
	v44 =	vadd.f32 v56, v44  }
0xf1: {  	v48 =	vperm.xlane v46, v5;
	v2 =	vadd.f32 v50, v2;
	v43 =	vsel vm1, v43, v47  }
0xf2: {  	v59 =	vperm.xlane v43, v5  }
0xf3: {  	v42 =	vsel vm1, v44, v42;
	v46 =	vadd.f32 v48, v46;
	v2 =	vsel vm1, v2, v45  }
0xf4: {  	v44 =	vperm.xlane v42, v5;
	v45 =	vperm.xlane v2, v5;
	v43 =	vadd.f32 v59, v43  }
0xf5: {  	v46 =	vperm.xlane v46, v6  }
0xf6: {  	v42 =	vadd.f32 v44, v42;
	v2 =	vadd.f32 v45, v2;
	v43 =	vperm.xlane v43, v6;
	_ =	sdelay $0x1  }
0xf7: {  	v42 =	vsel vm2, v42, v46;
	v2 =	vsel vm2, v2, v43  }
0xf8: {  	v60 =	vperm.xlane v42, v7;
	v43 =	vperm.xlane v2, v7;
	_ =	sdelay $0x1  }
0xf9: {  	v42 =	vadd.f32 v60, v42;
	v2 =	vadd.f32 v43, v2;
	_ =	sdelay $0x1  }
0xfa: {  	v44 =	vperm.xlane v42, v8;
	v43 =	vperm.xlane v2, v8;
	_ =	sdelay $0x1  }
0xfb: {  	v42 =	vadd.f32 v44, v42;
	v2 =	vadd.f32 v43, v2;
	_ =	sdelay $0x1  }
0xfc: {  	v42 =	vperm.xlane v42, v21;
	v2 =	vperm.xlane v2, v21;
	_ =	sdelay $0x1  }
0xfd: {  	v2 =	vsel vm2, v42, v2  }
0xfe: {  	s0 =	sadd.s32 $0x100, s0;
	s13 =	sadd.s32 $0x80, s13;
	v3 =	vld [tilespmem:$0x1FF90];
	[tilespmem:s3+$0x0] =	vst v2  }
0xff: {  	s14 =	sand.u32 $0x7800, s0;
	s16 =	sand.u32 $0x380, s13;
	v9 =	vmax.f32 v9, v2;
	v2 =	vld [tilespmem:s22+$0xFFFFFFF0]  }
0x100: {  	s14 =	sor.u32 s16, s14;
	v42 =	vld [tilespmem:s11+$0x10]  }
0x101: {  	v61 =	vld [tilespmem:s14+$0x8730]  }
0x102: {  	v44 =	vld [tilespmem:s14+$0x8300]  }
0x103: {  	v45 =	vld [tilespmem:s14+$0x8350]  }
0x104: {  	v46 =	vld [tilespmem:s14+$0x8370]  }
0x105: {  	v47 =	vld [tilespmem:s14+$0x8750]  }
0x106: {  	v62 =	vld [tilespmem:s14+$0x8710]  }
0x107: {  	s15 =	smov.u32 s17;
	v63 =	vld [tilespmem:s14+$0x8360]  }
0x108: {  	s16 =	sand.u32 $0x70, s15;
	v57 =	vld [tilespmem:s11+$0x20]  }
0x109: {  	v58 =	vld [tilespmem:s16+$0x10A00]  }
0x10a: {  	v59 =	vld [tilespmem:s14+$0x8340]  }
0x10b: {  	v60 =	vld [tilespmem:s11+$0x0]  }
0x10c: {  	v55 =	vld [tilespmem:s22+$0x10]  }
0x10d: {  	v50 =	vld [tilespmem:s14+$0x8740]  }
0x10e: {  	v11 =	vld [tilespmem:s22+$0x0]  }
0x10f: {  	v54 =	vmov s15;
	v12 =	vld [tilespmem:s11+$0xFFFFFFC0]  }
0x110: {  	v2 =	vadd.f32 v61, v2;
	v61 =	vld [tilespmem:s22+$0xFFFFFFD0];
	v43 =	vperm.xlane v58, v54  }
0x111: {  	v54 =	vld [tilespmem:s11+$0x30]  }
0x112: {  	v49 =	vadd.f32 v63, v57;
	v56 =	vmul.f32 v43, v3;
	v3 =	vld [tilespmem:$0x1FF80]  }
0x113: {  	v51 =	vadd.f32 v59, v60;
	v57 =	vld [tilespmem:s14+$0x8760];
	v47 =	vadd.f32 v47, v55;
	v52 =	vmul.f32 v43, v35  }
0x114: {  	v58 =	vld [tilespmem:s14+$0x8320];
	v42 =	vadd.f32 v45, v42;
	v11 =	vadd.f32 v50, v11;
	v59 =	vmul.f32 v43, v37  }
0x115: {  	v60 =	vld [tilespmem:s14+$0x8330];
	v53 =	vmul.f32 v43, v41;
	v63 =	vmul.f32 v43, v39;
	v51 =	vadd.f32 v51, v52  }
0x116: {  	v4 =	vmul.f32 v43, v34;
	v2 =	vadd.f32 v2, v56;
	v56 =	vld [tilespmem:s11+$0xFFFFFFF0];
	v49 =	vadd.f32 v49, v59  }
0x117: {  	v59 =	vmul.f32 v43, v38;
	v46 =	vadd.f32 v46, v54;
	v52 =	vmul.f32 v43, v3;
	v3 =	vld [tilespmem:$0x1FF70]  }
0x118: {  	v55 =	vld [tilespmem:s14+$0x8310];
	v12 =	vadd.f32 v44, v12;
	v45 =	vmul.f32 v43, v36;
	v54 =	vmul.f32 $2.000000030e-01, v2  }
0x119: {  	v48 =	vadd.f32 v62, v61;
	v62 =	vmul.f32 $2.000000030e-01, v49;
	v46 =	vadd.f32 v46, v59;
	v59 =	vld [tilespmem:s11+$0xFFFFFFE0]  }
0x11a: {  	v10 =	vmul.f32 v43, v32;
	v61 =	vmul.f32 $2.000000030e-01, v51;
	v2 =	vmax.f32 v2, v54;
	v54 =	vld [tilespmem:s22+$0x30]  }
0x11b: {  	v49 =	vmax.f32 v49, v62;
	v47 =	vadd.f32 v47, v52;
	v52 =	vld [tilespmem:s14+$0x8770];
	v56 =	vadd.f32 v60, v56  }
0x11c: {  	v13 =	vmul.f32 v43, v33;
	v42 =	vadd.f32 v42, v45;
	v49 =	vmul.f32 v49, v3;
	v3 =	vld [tilespmem:$0x1FFA0]  }
0x11d: {  	v50 =	vld [tilespmem:s22+$0xFFFFFFC0];
	v51 =	vmax.f32 v51, v61;
	v60 =	vmul.f32 $2.000000030e-01, v47;
	v4 =	vadd.f32 v56, v4  }
0x11e: {  	v61 =	vld [tilespmem:s11+$0xFFFFFFD0];
	v51 =	vmul.f32 v51, v19;
	v56 =	vmul.f32 $2.000000030e-01, v46;
	v58 =	vadd.f32 v58, v59  }
0x11f: {  	v2 =	vmul.f32 v2, v26;
	v59 =	vld [tilespmem:s14+$0x8700];
	v14 =	vmul.f32 $2.000000030e-01, v4;
	v47 =	vmax.f32 v47, v60  }
0x120: {  	v46 =	vmax.f32 v46, v56;
	v56 =	vld [tilespmem:s22+$0xFFFFFFE0];
	v60 =	vmul.f32 v43, v22;
	v13 =	vadd.f32 v58, v13  }
0x121: {  	v52 =	vadd.f32 v52, v54;
	v54 =	vmul.f32 v43, v31;
	v58 =	vld [tilespmem:s14+$0x8720];
	v62 =	vmul.f32 v43, v3  }
0x122: {  	v44 =	vmul.f32 v47, v28;
	v11 =	vadd.f32 v11, v60;
	v60 =	vmul.f32 $2.000000030e-01, v13;
	v3 =	vld [tilespmem:s22+$0x20]  }
0x123: {  	v4 =	vmax.f32 v4, v14;
	v48 =	vadd.f32 v48, v62;
	v62 =	vmul.f32 v43, v40  }
0x124: {  	v12 =	vadd.f32 v12, v54;
	v4 =	vmul.f32 v4, v18;
	v13 =	vmax.f32 v13, v60  }
0x125: {  	v60 =	vadd.f32 v59, v50;
	v43 =	vmul.f32 v43, v1;
	v52 =	vadd.f32 v52, v62  }
0x126: {  	v13 =	vmul.f32 v13, v16;
	v62 =	vadd.f32 v55, v61;
	v55 =	vld [tilespmem:$0x1FF60];
	v61 =	vadd.f32 v58, v56  }
0x127: {  	v14 =	vmul.f32 $2.000000030e-01, v48;
	v3 =	vadd.f32 v57, v3;
	v57 =	vadd.f32 v60, v63  }
0x128: {  	v10 =	vadd.f32 v62, v10;
	v47 =	vmul.f32 $2.000000030e-01, v52;
	v45 =	vadd.f32 v61, v53  }
0x129: {  	v61 =	vmul.f32 $2.000000030e-01, v12;
	v14 =	vmax.f32 v48, v14;
	v60 =	vmul.f32 $2.000000030e-01, v57  }
0x12a: {  	v3 =	vadd.f32 v3, v43;
	v50 =	vmul.f32 v14, v24;
	v62 =	vmul.f32 $2.000000030e-01, v10  }
0x12b: {  	v12 =	vmax.f32 v12, v61;
	v58 =	vmul.f32 $2.000000030e-01, v45;
	v46 =	vmul.f32 v46, v55  }
0x12c: {  	v61 =	vmax.f32 v52, v47;
	v55 =	vmul.f32 $2.000000030e-01, v11;
	v59 =	vmul.f32 $2.000000030e-01, v3  }
0x12d: {  	v12 =	vmul.f32 v12, v17;
	v10 =	vmax.f32 v10, v62;
	v62 =	vmul.f32 $2.000000030e-01, v42  }
0x12e: {  	v11 =	vmax.f32 v11, v55;
	v3 =	vmax.f32 v3, v59;
	v63 =	vadd.f32 v46, v49  }
0x12f: {  	p0 =	sne.s32 s17, $0x7F;
	v42 =	vmax.f32 v42, v62;
	v47 =	vmul.f32 v3, v29;
	v3 =	vmax.f32 v45, v58  }
.Ltmp0:
0x130: {  	v62 =	vmul.f32 v42, v20;
	v42 =	vadd.f32 v4, v13;
	v4 =	vmul.f32 v11, v27;
	(pc) =	sbr.rel @p0 .LBB2_3-.Ltmp0, $4  }
0x131: {  	v10 =	vmul.f32 v10, v15;
	v3 =	vmul.f32 v3, v25  }
0x132: {  	v46 =	vadd.f32 v62, v51;
	v43 =	vadd.f32 v44, v4;
	v4 =	vperm.xlane v63, v0  }
0x133: {  	s2 =	sadd.s32 $0x8, s2;
	s17 =	sadd.s32 $0x1, s17;
	v49 =	vmul.f32 v61, v30;
	v51 =	vmax.f32 v57, v60;
	v45 =	vadd.f32 v2, v3  }
0x134: {  	s3 =	smov.u32 s2;
	s11 =	sadd.s32 $0x80, s11;
	s22 =	sadd.s32 $0x80, s22;
	v44 =	vadd.f32 v10, v12;
	v52 =	vperm.xlane v46, v0;
	v48 =	vadd.f32 v4, v63  }
0x135: {  	v2 =	vmul.f32 v51, v23;
	v3 =	vadd.f32 v49, v47  }
0x136: {  	v10 =	vperm.xlane v45, v0;
	v11 =	vperm.xlane v43, v0  }
0x137: {  	v14 =	vperm.xlane v42, v0;
	v2 =	vadd.f32 v50, v2;
	v12 =	vperm.xlane v3, v0  }
0x138: {  	v4 =	vadd.f32 v52, v46;
	v13 =	vperm.xlane v44, v0;
	v11 =	vadd.f32 v11, v43  }
0x139: {  	v10 =	vadd.f32 v10, v45;
	v60 =	vperm.xlane v2, v0;
	v3 =	vadd.f32 v12, v3  }
0x13a: {  	v14 =	vadd.f32 v14, v42;
	v4 =	vsel vm1, v4, v48;
	v13 =	vadd.f32 v13, v44  }
0x13b: {  	v61 =	vperm.xlane v4, v5;
	v2 =	vadd.f32 v60, v2;
	v3 =	vsel vm1, v11, v3  }
0x13c: {  	v11 =	vperm.xlane v3, v5  }
0x13d: {  	v62 =	vsel vm1, v13, v14;
	v4 =	vadd.f32 v61, v4;
	v2 =	vsel vm1, v2, v10  }
0x13e: {  	v10 =	vperm.xlane v62, v5;
	v63 =	vperm.xlane v2, v5;
	v3 =	vadd.f32 v11, v3  }
0x13f: {  	v4 =	vperm.xlane v4, v6  }
0x140: {  	v10 =	vadd.f32 v10, v62;
	v2 =	vadd.f32 v63, v2;
	v3 =	vperm.xlane v3, v6;
	_ =	sdelay $0x1  }
0x141: {  	v4 =	vsel vm2, v10, v4;
	v2 =	vsel vm2, v2, v3  }
0x142: {  	v3 =	vperm.xlane v4, v7;
	v10 =	vperm.xlane v2, v7;
	_ =	sdelay $0x1  }
0x143: {  	v3 =	vadd.f32 v3, v4;
	v2 =	vadd.f32 v10, v2;
	_ =	sdelay $0x1  }
0x144: {  	v4 =	vperm.xlane v3, v8;
	v10 =	vperm.xlane v2, v8;
	_ =	sdelay $0x1  }
0x145: {  	v3 =	vadd.f32 v4, v3;
	v2 =	vadd.f32 v10, v2;
	_ =	sdelay $0x1  }
0x146: {  	v3 =	vperm.xlane v3, v21;
	v2 =	vperm.xlane v2, v21;
	_ =	sdelay $0x1  }
0x147: {  	v2 =	vsel vm2, v3, v2  }
0x148: {  	s0 =	sadd.s32 s12, s31;
	s30 =	sadd.s32 $0x1, s30;
	[tilespmem:s3+$0x0] =	vst v2  }
0x149: {  	[hbm4b:s0+s4] =	stream.linear.scatter [tilespmem:s24], [sflag:$0x1], $0x400, $0x38;
	[tilespmem:$0x10A80] =	vst v63  }
0x14a: {  	p0 =	sne.s32 s30, $0x27;
	_ =	swait.ge [sflag:s21], $0x400  }
.Ltmp1:
0x14b: {  	v27 =	vmov v28;
	v28 =	vmov v29;
	v20 =	vld [tilespmem:$0x1FF70];
	(pc) =	sbr.rel @p0 .LBB2_2-.Ltmp1, $4  }
0x14c: {  	v29 =	vmovc v30;
	v30 =	vmovc v31;
	v31 =	vmov v32;
	v32 =	vmov v33;
	v33 =	vmov v34;
	v23 =	vld [tilespmem:$0x1FF60]  }
0x14d: {  	v34 =	vmovc v35;
	v35 =	vmovc v36;
	v36 =	vmov v37;
	v37 =	vmov v38;
	v38 =	vmov v39;
	v39 =	vld [tilespmem:$0x1FFA0]  }
0x14e: {  	v26 =	vmov v41;
	[sflag:s21] =	ssyncset.done $0x0;
	v41 =	vld [tilespmem:$0x1FF90]  }
0x14f: {  	v6 =	vmovc v7;
	v7 =	vmovc v1;
	v8 =	vmov v21;
	v21 =	vmov v22;
	v9 =	vmax.f32 v9, v2;
	v24 =	vld [tilespmem:$0x1FF80];
	[sflag:s21] =	ssyncadd.s32 $0xFFFFFC00  }
0x150: {  	s3 =	simm.s32 $0x0;
	s0 =	rddreg [dreg:$0x5];
	s2 =	simm.s32 $0x180  }
0x151: {  	[tilespmem:s2], [sflag:$0x1] =	stream.linear.gather [hbm4b:s0+s3], $0x8, $0x38;
	[tilespmem:$0x10A80] =	vst v63  }
0x152: {  	_ =	swait.ge [sflag:s21], $0x8  }
0x153: {  	[sflag:s21] =	ssyncset.done $0x0  }
0x154: {  	s11 =	simm.s32 $0x200;
	s15 =	rddreg [dreg:$0x6];
	[sflag:s21] =	ssyncadd.s32 $0xFFFFFFF8  }
0x155: {  	[tilespmem:s11], [sflag:$0x1] =	stream.linear.gather [hbm4b:s15+s3], $0x8, $0x38;
	[tilespmem:$0x10A80] =	vst v63  }
0x156: {  	_ =	swait.ge [sflag:s21], $0x8  }
0x157: {  	[sflag:s21] =	ssyncset.done $0x0  }
0x158: {  	s13 =	simm.s32 $0x280;
	s16 =	rddreg [dreg:$0x7];
	[sflag:s21] =	ssyncadd.s32 $0xFFFFFFF8  }
0x159: {  	[tilespmem:s13], [sflag:$0x1] =	stream.linear.gather [hbm4b:s16+s3], $0x8, $0x38;
	[tilespmem:$0x10A80] =	vst v63  }
0x15a: {  	_ =	swait.ge [sflag:s21], $0x8  }
0x15b: {  	[sflag:s21] =	ssyncset.done $0x0  }
0x15c: {  	s17 =	rddreg [dreg:$0x9];
	[sflag:s21] =	ssyncadd.s32 $0xFFFFFFF8  }
0x15d: {  	[tilespmem:s25], [sflag:$0x1] =	stream.linear.gather [hbm4b:s17+s3], $0x8, $0x38;
	[tilespmem:$0x10A80] =	vst v63  }
0x15e: {  	_ =	swait.ge [sflag:s21], $0x8  }
0x15f: {  	[sflag:s21] =	ssyncset.done $0x0  }
0x160: {  	s22 =	simm.s32 $0x8;
	[sflag:s21] =	ssyncadd.s32 $0xFFFFFFF8  }
0x161: {  	[tilespmem:s26], [sflag:$0x1] =	stream.indirect.gather [hbm4b:s1+s22], $0x80, s2, s22, $0xb8;
	[tilespmem:$0x10A80] =	vst v63  }
0x162: {  	_ =	swait.ge [sflag:s21], $0x400  }
0x163: {  	[sflag:s21] =	ssyncset.done $0x0  }
0x164: {  	[sflag:s21] =	ssyncadd.s32 $0xFFFFFC00  }
0x165: {  	[tilespmem:s28], [sflag:$0x1] =	stream.indirect.gather [hbm4b:s1+s22], $0x80, s11, s22, $0xb8;
	[tilespmem:$0x10A80] =	vst v63  }
0x166: {  	_ =	swait.ge [sflag:s21], $0x400  }
0x167: {  	[sflag:s21] =	ssyncset.done $0x0  }
0x168: {  	[sflag:s21] =	ssyncadd.s32 $0xFFFFFC00  }
0x169: {  	v2 =	vld.msk [tilespmem:$0x280], $0xff;
	_ =	sdelay $0x4  }
0x16a: {  	v3 =	vshll.u32 v2, $0x1  }
0x16b: {  	v2 =	vand.u32 $0x7, v2;
	v3 =	vand.u32 $0xFFFFFFF0, v3  }
0x16c: {  	v2 =	vor.u32 v2, v3;
	v3 =	vld [tilespmem:$0x1FFB0];
	_ =	sdelay $0x4  }
0x16d: {  	v2 =	vperm.xlane v2, v3;
	v3 =	vld [tilespmem:$0x1FFC0];
	_ =	sdelay $0x4  }
0x16e: {  	v2 =	vadd.s32 v3, v2;
	_ =	sdelay $0x4  }
0x16f: {  	[tilespmem:s29], [sflag:$0x1] =	stream.indirect_vreg.gather [hbm4b:s5+s3], $0x80, v2, vm0, $0xb8;
	[tilespmem:$0x10A80] =	vst v63  }
0x170: {  	_ =	swait.ge [sflag:s21], $0x800  }
0x171: {  	[sflag:s21] =	ssyncset.done $0x0;
	v15 =	vld [tilespmem:$0x1FF50]  }
0x172: {  	s31 =	simm.s32 $0x8700;
	v22 =	vld [tilespmem:$0x1FF10];
	[sflag:s21] =	ssyncadd.s32 $0xFFFFF800  }
0x173: {  	s0 =	simm.s32 $0x4340;
	v3 =	vld [tilespmem:s31+$0x0]  }
0x174: {  	v4 =	vld [tilespmem:s0+$0xFFFFFFC0]  }
0x175: {  	v10 =	vld [tilespmem:s31+$0x60]  }
0x176: {  	v11 =	vld [tilespmem:s0+$0x20]  }
0x177: {  	v12 =	vld [tilespmem:s31+$0x40]  }
0x178: {  	s30 =	simm.s32 $0x340;
	v13 =	vld [tilespmem:s31+$0xFFFFFC60]  }
0x179: {  	v14 =	vld [tilespmem:s30+$0x20]  }
0x17a: {  	v42 =	vld [tilespmem:$0x10A00]  }
0x17b: {  	v43 =	vld [tilespmem:s31+$0xFFFFFC40]  }
0x17c: {  	v44 =	vld [tilespmem:s30+$0x0]  }
0x17d: {  	v45 =	vld [tilespmem:s31+$0x50]  }
0x17e: {  	v47 =	vld [tilespmem:s0+$0x10]  }
0x17f: {  	v63 =	vld [tilespmem:s0+$0x0]  }
0x180: {  	v49 =	vld [tilespmem:s31+$0x20]  }
0x181: {  	v46 =	vmov s3;
	v51 =	vld [tilespmem:s0+$0xFFFFFFE0]  }
0x182: {  	v2 =	vld [tilespmem:s31+$0x70];
	v46 =	vperm.xlane v42, v46;
	v3 =	vadd.f32 v3, v4;
	v43 =	vadd.f32 v43, v44  }
0x183: {  	v55 =	vld [tilespmem:s0+$0xFFFFFFD0];
	v13 =	vadd.f32 v13, v14;
	v45 =	vadd.f32 v45, v47  }
0x184: {  	v4 =	vld [tilespmem:s31+$0x10];
	v12 =	vadd.f32 v12, v63;
	v48 =	vmul.f32 v46, v33;
	v60 =	vmul.f32 v46, v34  }
0x185: {  	v44 =	vld [tilespmem:s31+$0x30];
	v10 =	vadd.f32 v10, v11;
	v14 =	vmul.f32 v46, v32;
	v50 =	vmul.f32 v46, v36  }
0x186: {  	v42 =	vld [tilespmem:s30+$0xFFFFFFC0];
	v49 =	vadd.f32 v49, v51;
	v52 =	vmul.f32 v46, v31;
	v54 =	vmul.f32 v46, v21  }
0x187: {  	v63 =	vld [tilespmem:$0x1FEF0];
	v53 =	vmul.f32 v46, v24;
	v56 =	vmul.f32 v46, v41;
	v43 =	vadd.f32 v43, v60  }
0x188: {  	v51 =	vld [tilespmem:s31+$0xFFFFFC50];
	v58 =	vmul.f32 v46, v26;
	v59 =	vmul.f32 v46, v30;
	v12 =	vadd.f32 v12, v54  }
0x189: {  	v62 =	vmul.f32 v46, v7;
	v13 =	vadd.f32 v13, v50;
	v50 =	vld [tilespmem:s0+$0xFFFFFFF0];
	v61 =	vmul.f32 $2.000000030e-01, v43  }
0x18a: {  	v45 =	vadd.f32 v45, v53;
	v53 =	vld [tilespmem:s31+$0xFFFFFC00];
	v4 =	vadd.f32 v4, v55;
	v55 =	vmul.f32 $2.000000030e-01, v12  }
0x18b: {  	v60 =	vmul.f32 v46, v39;
	v57 =	vmul.f32 $2.000000030e-01, v13;
	v43 =	vmax.f32 v43, v61;
	v61 =	vld [tilespmem:s30+$0x10]  }
0x18c: {  	v49 =	vadd.f32 v49, v58;
	v10 =	vadd.f32 v10, v62;
	v12 =	vmax.f32 v12, v55;
	v55 =	vld [tilespmem:s30+$0xFFFFFFD0]  }
0x18d: {  	v47 =	vmul.f32 $2.000000030e-01, v45;
	v13 =	vmax.f32 v13, v57;
	v54 =	vmul.f32 v43, v63;
	v43 =	vld [tilespmem:s31+$0xFFFFFC70]  }
0x18e: {  	v57 =	vmul.f32 v46, v38;
	v11 =	vmul.f32 v13, v20;
	v13 =	vld [tilespmem:s30+$0x30];
	v44 =	vadd.f32 v44, v50  }
0x18f: {  	v4 =	vadd.f32 v4, v60;
	v45 =	vmax.f32 v45, v47;
	v12 =	vmul.f32 v12, v15;
	v15 =	vld [tilespmem:$0x1FF20]  }
0x190: {  	v45 =	vmul.f32 v45, v27;
	v3 =	vadd.f32 v3, v57;
	v57 =	vld [tilespmem:s31+$0xFFFFFC10];
	v44 =	vadd.f32 v44, v56  }
0x191: {  	v47 =	vld [tilespmem:s31+$0xFFFFFC30];
	v50 =	vadd.f32 v53, v42;
	v58 =	vmul.f32 $2.000000030e-01, v4;
	v56 =	vmul.f32 v46, v35  }
0x192: {  	v53 =	vld [tilespmem:s0+$0x30];
	v42 =	vadd.f32 v45, v12;
	v62 =	vmul.f32 $2.000000030e-01, v44;
	v45 =	vadd.f32 v51, v61  }
0x193: {  	v60 =	vmul.f32 v46, v37;
	v12 =	vld [tilespmem:s30+$0xFFFFFFE0];
	v4 =	vmax.f32 v4, v58;
	v61 =	vmul.f32 $2.000000030e-01, v10  }
0x194: {  	v51 =	vld [tilespmem:s31+$0xFFFFFC20];
	v13 =	vadd.f32 v43, v13;
	v58 =	vmax.f32 v44, v62;
	v45 =	vadd.f32 v45, v56  }
0x195: {  	v43 =	vld [tilespmem:s30+$0xFFFFFFF0];
	v55 =	vadd.f32 v57, v55;
	v44 =	vmul.f32 v4, v15;
	v10 =	vmax.f32 v10, v61  }
0x196: {  	v15 =	vld [tilespmem:$0x1FF30];
	v57 =	vmul.f32 $2.000000030e-01, v3;
	v13 =	vadd.f32 v13, v60;
	v60 =	vmul.f32 $2.000000030e-01, v49  }
0x197: {  	v50 =	vadd.f32 v50, v59;
	v2 =	vadd.f32 v2, v53;
	v10 =	vmul.f32 v10, v28  }
0x198: {  	v19 =	vld [tilespmem:$0x1FF00];
	v61 =	vmul.f32 $2.000000030e-01, v45;
	v3 =	vmax.f32 v3, v57;
	v49 =	vmax.f32 v49, v60  }
0x199: {  	v62 =	vmul.f32 $2.000000030e-01, v13;
	v12 =	vadd.f32 v51, v12;
	v51 =	vmul.f32 v3, v22  }
0x19a: {  	v17 =	vld [tilespmem:$0x1FEB0];
	v47 =	vadd.f32 v47, v43;
	v43 =	vperm.xlane v42, v0;
	v45 =	vmax.f32 v45, v61  }
0x19b: {  	v4 =	vmax.f32 v13, v62;
	v13 =	vmul.f32 v46, v40;
	v62 =	vmul.f32 v49, v15;
	v15 =	vld [tilespmem:$0x1FF40]  }
0x19c: {  	v12 =	vadd.f32 v12, v14;
	v14 =	vmul.f32 $2.000000030e-01, v50;
	v60 =	vadd.f32 v47, v48  }
0x19d: {  	v61 =	vmul.f32 v45, v19;
	v4 =	vmul.f32 v4, v23;
	v2 =	vadd.f32 v2, v13  }
0x19e: {  	v18 =	vld [tilespmem:$0x1FEE0];
	v13 =	vadd.f32 v55, v52;
	v14 =	vmax.f32 v50, v14;
	v55 =	vmul.f32 $2.000000030e-01, v60  }
0x19f: {  	v49 =	vadd.f32 v61, v54;
	v4 =	vadd.f32 v4, v11;
	v56 =	vmul.f32 $2.000000030e-01, v2  }
0x1a0: {  	v47 =	vmul.f32 v14, v17;
	v46 =	vmax.f32 v60, v55;
	v59 =	vmul.f32 v58, v15;
	v15 =	vld [tilespmem:$0x1FEC0]  }
0x1a1: {  	v16 =	vld [tilespmem:$0x1FED0];
	v60 =	vmul.f32 $2.000000030e-01, v12;
	v3 =	vperm.xlane v4, v0;
	v2 =	vmax.f32 v2, v56  }
0x1a2: {  	v45 =	vadd.f32 v59, v62;
	v62 =	vmul.f32 $2.000000030e-01, v13;
	v2 =	vmul.f32 v2, v29  }
0x1a3: {  	s13 =	simm.s32 $0x8780;
	v1 =	vld [tilespmem:$0x1FFE0];
	v52 =	vperm.xlane v49, v0;
	v50 =	vmul.f32 v46, v18;
	v54 =	vmax.f32 v12, v60  }
0x1a4: {  	v25 =	vmovc v7;
	s2 =	simm.s32 $0x10500;
	s11 =	simm.s32 $0x1;
	s3 =	simm.s32 $0x10500;
	v7 =	vld [tilespmem:$0x1FFF0];
	v48 =	vadd.f32 v3, v4;
	v53 =	vmax.f32 v13, v62;
	v46 =	vadd.f32 v2, v10  }
.LBB2_6:
0x1a5: {  	v2 =	vmul.f32 v53, v15  }
0x1a6: {  	v3 =	vmul.f32 v54, v16;
	v10 =	vadd.f32 v44, v51  }
0x1a7: {  	v12 =	vperm.xlane v45, v0;
	v2 =	vadd.f32 v2, v47  }
0x1a8: {  	v14 =	vperm.xlane v46, v0;
	v3 =	vadd.f32 v50, v3;
	v13 =	vperm.xlane v10, v0  }
0x1a9: {  	v4 =	vadd.f32 v43, v42;
	v11 =	vadd.f32 v52, v49;
	v53 =	vperm.xlane v2, v0  }
0x1aa: {  	v54 =	vperm.xlane v3, v0;
	v10 =	vadd.f32 v13, v10;
	v13 =	vadd.f32 v14, v46  }
0x1ab: {  	v12 =	vadd.f32 v12, v45;
	v11 =	vsel vm1, v11, v48  }
0x1ac: {  	v2 =	vadd.f32 v53, v2;
	v3 =	vadd.f32 v54, v3;
	v4 =	vsel vm1, v4, v13  }
0x1ad: {  	v14 =	vperm.xlane v11, v5;
	v10 =	vsel vm1, v10, v12;
	v12 =	vperm.xlane v4, v5  }
0x1ae: {  	v2 =	vsel vm1, v2, v3;
	v3 =	vperm.xlane v10, v5  }
0x1af: {  	v11 =	vadd.f32 v14, v11;
	v13 =	vperm.xlane v2, v5;
	v4 =	vadd.f32 v12, v4  }
0x1b0: {  	v3 =	vadd.f32 v3, v10  }
0x1b1: {  	v10 =	vperm.xlane v11, v1;
	v2 =	vadd.f32 v13, v2;
	v4 =	vperm.xlane v4, v1;
	_ =	sdelay $0x1  }
0x1b2: {  	v2 =	vsel vm2, v2, v10;
	v3 =	vsel vm2, v3, v4  }
0x1b3: {  	v4 =	vperm.xlane v2, v6;
	v10 =	vperm.xlane v3, v6;
	_ =	sdelay $0x1  }
0x1b4: {  	v2 =	vadd.f32 v4, v2;
	v3 =	vadd.f32 v10, v3;
	_ =	sdelay $0x1  }
0x1b5: {  	v4 =	vperm.xlane v2, v7;
	v10 =	vperm.xlane v3, v7;
	_ =	sdelay $0x1  }
0x1b6: {  	v2 =	vadd.f32 v4, v2;
	v3 =	vadd.f32 v10, v3;
	_ =	sdelay $0x1  }
0x1b7: {  	v2 =	vperm.xlane v2, v8;
	v3 =	vperm.xlane v3, v8;
	_ =	sdelay $0x1  }
0x1b8: {  	v2 =	vsel vm2, v2, v3  }
0x1b9: {  	[tilespmem:s3+$0x0] =	vst v2  }
0x1ba: {  	s0 =	sadd.s32 $0x80, s0;
	v3 =	vld [tilespmem:s13+$0x0]  }
0x1bb: {  	v4 =	vld [tilespmem:s0+$0xFFFFFFC0]  }
0x1bc: {  	v10 =	vld [tilespmem:s13+$0x60]  }
0x1bd: {  	v11 =	vld [tilespmem:s0+$0x20]  }
0x1be: {  	v12 =	vld [tilespmem:s13+$0x40]  }
0x1bf: {  	s30 =	sadd.s32 $0x80, s30;
	v13 =	vld [tilespmem:s13+$0xFFFFFC60]  }
0x1c0: {  	v14 =	vld [tilespmem:s30+$0x20]  }
0x1c1: {  	v55 =	vld [tilespmem:s13+$0xFFFFFC40]  }
0x1c2: {  	v56 =	vld [tilespmem:s13+$0x50]  }
0x1c3: {  	v58 =	vld [tilespmem:s0+$0x10]  }
0x1c4: {  	v3 =	vadd.f32 v3, v4;
	v4 =	vld [tilespmem:$0x10A00]  }
0x1c5: {  	v59 =	vld [tilespmem:s0+$0x0]  }
0x1c6: {  	v47 =	vld [tilespmem:s13+$0x20]  }
0x1c7: {  	s14 =	smov.u32 s11;
	v50 =	vld [tilespmem:s0+$0xFFFFFFE0]  }
0x1c8: {  	v57 =	vmov s14;
	v42 =	vld [tilespmem:s13+$0x30]  }
0x1c9: {  	v10 =	vadd.f32 v10, v11;
	v11 =	vld [tilespmem:s30+$0x0];
	v4 =	vperm.xlane v4, v57  }
0x1ca: {  	v9 =	vmax.f32 v9, v2;
	v49 =	vld [tilespmem:s0+$0xFFFFFFF0]  }
0x1cb: {  	v13 =	vadd.f32 v13, v14;
	v43 =	vadd.f32 v56, v58;
	v46 =	vmul.f32 v4, v33  }
0x1cc: {  	v2 =	vld [tilespmem:s13+$0x70];
	v12 =	vadd.f32 v12, v59;
	v60 =	vmul.f32 v4, v34;
	v48 =	vmul.f32 v4, v32  }
0x1cd: {  	v44 =	vld [tilespmem:s30+$0xFFFFFFC0];
	v47 =	vadd.f32 v47, v50;
	v61 =	vmul.f32 v4, v36;
	v51 =	vmul.f32 v4, v31  }
0x1ce: {  	v45 =	vld [tilespmem:s13+$0xFFFFFC70];
	v11 =	vadd.f32 v55, v11;
	v52 =	vmul.f32 v4, v24;
	v62 =	vmul.f32 v4, v21  }
0x1cf: {  	v14 =	vld [tilespmem:s13+$0x10];
	v42 =	vadd.f32 v42, v49;
	v55 =	vmul.f32 v4, v41;
	v57 =	vmul.f32 v4, v26  }
0x1d0: {  	v50 =	vld [tilespmem:s13+$0xFFFFFC50];
	v58 =	vmul.f32 v4, v30;
	v59 =	vmul.f32 v4, v38;
	v11 =	vadd.f32 v11, v60  }
0x1d1: {  	v54 =	vmul.f32 v4, v39;
	v13 =	vadd.f32 v13, v61;
	v61 =	vld [tilespmem:s0+$0xFFFFFFD0];
	v43 =	vadd.f32 v43, v52  }
0x1d2: {  	v52 =	vld [tilespmem:s13+$0xFFFFFC00];
	v12 =	vadd.f32 v12, v62;
	v62 =	vmul.f32 v4, v25;
	v47 =	vadd.f32 v47, v57  }
0x1d3: {  	v57 =	vld [tilespmem:$0x1FF50];
	v55 =	vadd.f32 v42, v55;
	v60 =	vmul.f32 $2.000000030e-01, v11;
	v56 =	vmul.f32 $2.000000030e-01, v13  }
0x1d4: {  	v3 =	vadd.f32 v3, v59;
	v59 =	vld [tilespmem:s13+$0xFFFFFC10];
	v53 =	vmul.f32 $2.000000030e-01, v43;
	v10 =	vadd.f32 v10, v62  }
0x1d5: {  	v62 =	vmul.f32 $2.000000030e-01, v55;
	v11 =	vmax.f32 v11, v60;
	v13 =	vmax.f32 v13, v56;
	v56 =	vld [tilespmem:s30+$0x30]  }
0x1d6: {  	v60 =	vmul.f32 $2.000000030e-01, v12;
	v43 =	vmax.f32 v43, v53;
	v53 =	vld [tilespmem:s30+$0xFFFFFFD0];
	v11 =	vmul.f32 v11, v63  }
0x1d7: {  	v13 =	vmul.f32 v13, v20;
	v14 =	vadd.f32 v14, v61;
	v61 =	vld [tilespmem:s30+$0x10];
	v44 =	vadd.f32 v52, v44  }
0x1d8: {  	v52 =	vld [tilespmem:s0+$0x30];
	v42 =	vmul.f32 v43, v27;
	v12 =	vmax.f32 v12, v60;
	v60 =	vmul.f32 v4, v37  }
0x1d9: {  	v49 =	vld [tilespmem:s13+$0xFFFFFC30];
	v14 =	vadd.f32 v14, v54;
	v12 =	vmul.f32 v12, v57;
	v54 =	vmul.f32 $2.000000030e-01, v47  }
0x1da: {  	v57 =	vmul.f32 v4, v35;
	v4 =	vmul.f32 v4, v40;
	v45 =	vadd.f32 v45, v56;
	v56 =	vld [tilespmem:s30+$0xFFFFFFF0]  }
0x1db: {  	v43 =	vmul.f32 $2.000000030e-01, v14;
	v42 =	vadd.f32 v42, v12;
	v12 =	vld [tilespmem:s13+$0xFFFFFC20];
	v47 =	vmax.f32 v47, v54  }
0x1dc: {  	v54 =	vmax.f32 v55, v62;
	v53 =	vadd.f32 v59, v53;
	v59 =	vld [tilespmem:$0x1FF20];
	v50 =	vadd.f32 v50, v61  }
0x1dd: {  	v2 =	vadd.f32 v2, v52;
	v61 =	vmul.f32 $2.000000030e-01, v10;
	v52 =	vld [tilespmem:$0x1FF30];
	v45 =	vadd.f32 v45, v60  }
0x1de: {  	v60 =	vld [tilespmem:s30+$0xFFFFFFE0];
	v14 =	vmax.f32 v14, v43;
	v43 =	vperm.xlane v42, v0;
	v50 =	vadd.f32 v50, v57  }
0x1df: {  	v10 =	vmax.f32 v10, v61;
	v2 =	vadd.f32 v2, v4;
	v4 =	vadd.f32 v53, v51  }
0x1e0: {  	v62 =	vmul.f32 $2.000000030e-01, v45;
	v10 =	vmul.f32 v10, v28;
	v49 =	vadd.f32 v49, v56  }
0x1e1: {  	v56 =	vadd.f32 v44, v58;
	v44 =	vmul.f32 v14, v59;
	v58 =	vmul.f32 $2.000000030e-01, v2  }
0x1e2: {  	v59 =	vmul.f32 $2.000000030e-01, v3;
	v14 =	vmax.f32 v45, v62;
	v62 =	vmul.f32 $2.000000030e-01, v50  }
0x1e3: {  	v47 =	vmul.f32 v47, v52;
	v12 =	vadd.f32 v12, v60;
	v61 =	vadd.f32 v49, v46;
	v60 =	vld [tilespmem:$0x1FF40]  }
0x1e4: {  	v57 =	vmul.f32 $2.000000030e-01, v56;
	v14 =	vmul.f32 v14, v23;
	v2 =	vmax.f32 v2, v58  }
0x1e5: {  	v3 =	vmax.f32 v3, v59;
	v46 =	vmax.f32 v50, v62;
	v62 =	vmul.f32 $2.000000030e-01, v4  }
0x1e6: {  	v2 =	vmul.f32 v2, v29;
	v51 =	vmul.f32 v3, v22  }
0x1e7: {  	p0 =	sne.s32 s11, $0x7;
	v12 =	vadd.f32 v12, v48;
	v55 =	vmul.f32 $2.000000030e-01, v61;
	v13 =	vadd.f32 v14, v13  }
.Ltmp2:
0x1e8: {  	v49 =	vmax.f32 v56, v57;
	v46 =	vmul.f32 v46, v19;
	v45 =	vmul.f32 v54, v60;
	(pc) =	sbr.rel @p0 .LBB2_6-.Ltmp2, $4  }
0x1e9: {  	v48 =	vmax.f32 v61, v55;
	v61 =	vmul.f32 $2.000000030e-01, v12;
	v3 =	vperm.xlane v13, v0  }
0x1ea: {  	v45 =	vadd.f32 v45, v47;
	v47 =	vmul.f32 v49, v17;
	v49 =	vadd.f32 v46, v11  }
0x1eb: {  	s2 =	sadd.s32 $0x8, s2;
	v53 =	vmax.f32 v4, v62;
	v50 =	vmul.f32 v48, v18;
	v54 =	vmax.f32 v12, v61  }
0x1ec: {  	s11 =	sadd.s32 $0x1, s11;
	s3 =	smov.u32 s2;
	s13 =	sadd.s32 $0x80, s13;
	v48 =	vadd.f32 v3, v13;
	v46 =	vadd.f32 v2, v10;
	v52 =	vperm.xlane v49, v0  }
0x1ed: {  	v2 =	vmul.f32 v53, v15;
	v3 =	vmul.f32 v54, v16  }
0x1ee: {  	v4 =	vadd.f32 v43, v42;
	v10 =	vadd.f32 v44, v51  }
0x1ef: {  	v11 =	vperm.xlane v46, v0;
	v2 =	vadd.f32 v2, v47;
	v3 =	vadd.f32 v50, v3  }
0x1f0: {  	v13 =	vperm.xlane v45, v0;
	v12 =	vadd.f32 v52, v49;
	v14 =	vperm.xlane v10, v0  }
0x1f1: {  	v11 =	vadd.f32 v11, v46;
	v60 =	vperm.xlane v2, v0;
	v61 =	vperm.xlane v3, v0  }
0x1f2: {  	v13 =	vadd.f32 v13, v45;
	v12 =	vsel vm1, v12, v48;
	v10 =	vadd.f32 v14, v10  }
0x1f3: {  	v4 =	vsel vm1, v4, v11;
	v2 =	vadd.f32 v60, v2;
	v3 =	vadd.f32 v61, v3  }
0x1f4: {  	v11 =	vperm.xlane v12, v5;
	v10 =	vsel vm1, v10, v13;
	v62 =	vperm.xlane v4, v5  }
0x1f5: {  	v2 =	vsel vm1, v2, v3;
	v3 =	vperm.xlane v10, v5  }
0x1f6: {  	v11 =	vadd.f32 v11, v12;
	v4 =	vadd.f32 v62, v4;
	v63 =	vperm.xlane v2, v5  }
0x1f7: {  	v3 =	vadd.f32 v3, v10  }
0x1f8: {  	v10 =	vperm.xlane v11, v1;
	v4 =	vperm.xlane v4, v1;
	v2 =	vadd.f32 v63, v2;
	_ =	sdelay $0x1  }
0x1f9: {  	v3 =	vsel vm2, v3, v4;
	v2 =	vsel vm2, v2, v10  }
0x1fa: {  	v10 =	vperm.xlane v3, v6;
	v4 =	vperm.xlane v2, v6;
	_ =	sdelay $0x1  }
0x1fb: {  	v3 =	vadd.f32 v10, v3;
	v2 =	vadd.f32 v4, v2;
	_ =	sdelay $0x1  }
0x1fc: {  	v10 =	vperm.xlane v3, v7;
	v4 =	vperm.xlane v2, v7;
	_ =	sdelay $0x1  }
0x1fd: {  	v3 =	vadd.f32 v10, v3;
	v2 =	vadd.f32 v4, v2;
	_ =	sdelay $0x1  }
0x1fe: {  	v3 =	vperm.xlane v3, v8;
	v2 =	vperm.xlane v2, v8;
	_ =	sdelay $0x1  }
0x1ff: {  	v2 =	vsel vm2, v2, v3  }
0x200: {  	s0 =	rddreg [dreg:$0xa];
	[tilespmem:s3+$0x0] =	vst v2  }
0x201: {  	[hbm4b:s0+s4] =	stream.linear.scatter [tilespmem:s24], [sflag:$0x1], $0x40, $0x38;
	[tilespmem:$0x10A80] =	vst v63  }
0x202: {  	_ =	swait.ge [sflag:s21], $0x40  }
0x203: {  	[sflag:s21] =	ssyncset.done $0x0  }
0x204: {  	v2 =	vmax.f32 v9, v2;
	[sflag:s21] =	ssyncadd.s32 $0xFFFFFFC0  }
0x205: {  	s2 =	simm.s32 $0x10980;
	s22 =	rddreg [dreg:$0x8];
	[tilespmem:$0x10980] =	vst v2  }
0x206: {  	[hbm4b:s22+s4] =	stream.linear.scatter [tilespmem:s2], [sflag:$0x1], $0x10, $0x38;
	[tilespmem:$0x10A80] =	vst v63  }
0x207: {  	_ =	swait.ge [sflag:s21], $0x10  }
0x208: {  	s30 =	rddreg [dreg:$0xc]  }
0x209: {  	s31 =	rddreg [dreg:$0xb];
	s2 =	sadd.s32 $0x1, s30  }
0x20a: {  	p0 =	sne.s32 s2, s31  }
.Ltmp3:
0x20b: {  	_ = 	snop;
	(pc) =	sbr.rel @p0 .LBB2_1-.Ltmp3, $3  }
0x20c: {  	_ =	sdelay $0x1  }
0x20d: {  	[sflag:s21] =	ssyncset.done $0x0  }
0x20e: {  	[sflag:s21] =	ssyncadd.s32 $0xFFFFFFF0  }
0x20f: {  	_ =	sfence.sel $0x180000  }
0x210: {  	[bflag:$0x0] =	sbarrier.arrive $0xFFFF  }
0x211: {  	_ =	strace $0x90000047  }
0x212: {  	s0 =	stileid.u32;
	[bflag:$0x2] =	sbarrier.arrive $0xFFFF  }
0x213: {  	p0 =	sne.s32 s0, $0x0;
	s0 =	rddreg [dreg:$0x3]  }
0x214: {  	s0 =	sadd.s32 @!p0 $0x100000, s0  }
0x215: {  	[sflag:s0] =	ssyncadd.tile.s32 @!p0 $0x1;
	_ =	shalt  }
.Lfunc_end2:
_tile_overlayer_lowered:
.L_overlay_start_2:
0x216: {  	(tag) =	ssettag $0x2  }
0x217: {  	s0 =	rddreg [dreg:$0x0];
	s2 =	stileid.u32  }
0x218: {  	s1 =	rddreg [dreg:$0x1];
	p0 =	sne.s32 s2, $0x0  }
0x219: {  	s3 =	rddreg [dreg:$0x2];
	[bflag:$0x3] =	sbarrier.arrive $0xFFFF;
	s2 =	simm.s32 @!p0 $0x1C01  }
0x21a: {  	[timem:s3], [sflag:s2] =	dma.local @!p0 [hbm:s0], s1  }
0x21b: {  	s0 =	simm.s32 @!p0 $0x1  }
0x21c: {  	_ =	swait.ge @!p0 [sflag:s0], s1  }
0x21d: {  	s1 =	ssub.s32 @!p0 $0x0, s1;
	[sflag:s0] =	ssyncset.done @!p0 $0x0  }
0x21e: {  	[sflag:s0] =	ssyncadd.s32 @!p0 s1  }
0x21f: {  	[bflag:$0x3] =	sbarrier.arrive $0xFFFF  }
0x220: {  	_ =	shalt  }

// kernel: scatter_offload_async_start.1
scs
__scs_entry_jumppad:
0x0: {  	(pc) =	sbr.rel $0x88, $3  }
0x1: {  	(tag) =	ssettag $0x0;
	lr =	simm.s32 $0x1  }
0x2: {  	[smem:$0x3F97] =	sst lr;
	_ =	strace $0xD0000000  }
0x3: {  	_ = 	snop  }
0x4: {  	_ = 	snop  }
0x5: {  	_ = 	snop  }
0x6: {  	_ = 	snop  }
0x7: {  	_ = 	snop  }
__scs_overlays_trampoline_lowered:
0x8: {  	[smem:$0x3FA6] =	sst s0  }
0x9: {  	[smem:$0x3FA7] =	sst s1  }
0xa: {  	[smem:$0x3FA8] =	sst s2  }
0xb: {  	[smem:$0x3FA9] =	sst s3  }
0xc: {  	[smem:$0x3FAA] =	sst s4  }
0xd: {  	[smem:$0x3FAB] =	sst s5  }
0xe: {  	[smem:$0x3FAC] =	sst s6  }
0xf: {  	[smem:$0x3FAD] =	sst s7  }
0x10: {  	[smem:$0x3FAE] =	sst s8  }
0x11: {  	[smem:$0x3FAF] =	sst s9;
	s0 =	simm.s32 @!p0 $0x0  }
0x12: {  	s1 =	sld [smem:$0x3F95];
	s0 =	simm.s32 @p0 $0x1  }
0x13: {  	[smem:$0x3FB0] =	sst s0;
	s0 =	simm.s32 @!p1 $0x0  }
0x14: {  	s2 =	sld [smem:$0x3F94];
	s0 =	simm.s32 @p1 $0x1  }
0x15: {  	[smem:$0x3FB1] =	sst s0;
	s0 =	simm.s32 @!p2 $0x0  }
0x16: {  	s3 =	sld [smem:$0x3FDB];
	s0 =	simm.s32 @p2 $0x1  }
0x17: {  	s4 =	simm.s32 $0x1BF5;
	[smem:$0x3FB3] =	sst s0  }
0x18: {  	s0 =	sld [smem:$0x3F96];
	_ =	swait.ge [sflag:s4], $0x0  }
0x19: {  	s7 =	sld [smem:$0x3F97]  }
0x1a: {  	s8 =	sadd.s32 $0xFFFFE003, lr  }
0x1b: {  	s9 =	sadd.s32 $0xFFFFFEF7, lr;
	s5 =	simm.s32 $0xFFFFFFFF;
	p2 =	slt.u32 s8, $0xFFFFF086  }
0x1c: {  	p1 =	slt.u32 s9, $0xF7A;
	s5 =	simm.s32 @!p2 $0x0  }
0x1d: {  	s5 =	simm.s32 @p1 $0x1;
	p0 =	seq.s32 s7, s2  }
0x1e: {  	s7 =	smul.u32 @!p0 $0xF7A, s2;
	p2 =	seq.s32 @!p0 s5, $0x0  }
0x1f: {  	s9 =	smul.u32 $0xF7A, s1;
	s8 =	simm.s32 @!p0 $0x1BF5;
	p2 =	por !p2, p0  }
0x20: {  	[sflag:s8] =	ssyncset.s32 @!p0 $0xFFFFF086;
	s6 =	sadd.s32 @!p0 s3, s7;
	s7 =	simm.s32 @!p0 $0x108  }
0x21: {  	s3 =	sadd.s32 s3, s9;
	s6 =	sadd.s32 @!p0 $0x88, s6;
	s7 =	simm.s32 @p2 $0x1082  }
0x22: {  	[simem:s7], [sflag:s8] =	dma.local @!p0 [hbm:s6], $0xF7A  }
0x23: {  	s9 =	sor.u32 $0xD0000000, s2;
	s6 =	simm.s32 $0x108;
	_ =	swait.ge @!p0 [sflag:s8], $0x0  }
0x24: {  	s3 =	sadd.s32 $0x88, s3;
	s6 =	simm.s32 @!p1 $0x1082;
	[sflag:s4] =	ssyncset.s32 $0xFFFFF086  }
0x25: {  	[simem:s6], [sflag:s4] =	dma.local [hbm:s3], $0xF7A  }
0x26: {  	[smem:$0x3F97] =	sst s1;
	(tag) =	ssettag s2;
	_ =	strace s9  }
0x27: {  	s1 =	sld [smem:$0x3FA7]  }
0x28: {  	s2 =	sld [smem:$0x3FA8]  }
0x29: {  	s4 =	sld [smem:$0x3FAA]  }
0x2a: {  	p0 =	seq.s32 s5, $0x0;
	s5 =	sld [smem:$0x3FAB]  }
0x2b: {  	s6 =	sld [smem:$0x3FAC]  }
0x2c: {  	s7 =	sld [smem:$0x3FAD]  }
0x2d: {  	s3 =	simm.s32 $0x108;
	s8 =	sld [smem:$0x3FAE]  }
0x2e: {  	s3 =	simm.s32 @!p0 $0x1082;
	s9 =	sld [smem:$0x3FAF]  }
0x2f: {  	lr =	sadd.s32 s0, s3;
	s0 =	sld [smem:$0x3FA6]  }
0x30: {  	s3 =	sld [smem:$0x3FA9]  }
0x31: {  	[smem:$0x3FB2] =	sst s10  }
0x32: {  	s10 =	sld [smem:$0x3FB0];
	_ =	sdelay $0x3  }
0x33: {  	p0 =	seq.s32 s10, $0x1;
	s10 =	sld [smem:$0x3FB2];
	_ =	sdelay $0x3  }
0x34: {  	[smem:$0x3FB2] =	sst s10  }
0x35: {  	s10 =	sld [smem:$0x3FB1];
	_ =	sdelay $0x3  }
0x36: {  	p1 =	seq.s32 s10, $0x1;
	s10 =	sld [smem:$0x3FB2];
	_ =	sdelay $0x3  }
0x37: {  	[smem:$0x3FB2] =	sst s10  }
0x38: {  	s10 =	sld [smem:$0x3FB3]  }
0x39: {  	_ = 	snop;
	(pc) =	sbr.ind lr, $3  }
0x3a: {  	_ = 	snop  }
0x3b: {  	_ = 	snop  }
0x3c: {  	p2 =	seq.s32 s10, $0x1;
	s10 =	sld [smem:$0x3FB2]  }
0x3d: {  	_ =	shalt  }
0x3e: {  	_ =	shalt  }
0x3f: {  	_ =	shalt  }
0x40: {  	_ =	shalt  }
0x41: {  	_ =	shalt  }
0x42: {  	_ =	shalt  }
0x43: {  	_ =	shalt  }
0x44: {  	_ =	shalt  }
0x45: {  	_ =	shalt  }
0x46: {  	_ =	shalt  }
0x47: {  	_ =	shalt  }
0x48: {  	_ =	shalt  }
0x49: {  	_ =	shalt  }
0x4a: {  	_ =	shalt  }
0x4b: {  	_ =	shalt  }
0x4c: {  	_ =	shalt  }
0x4d: {  	_ =	shalt  }
0x4e: {  	_ =	shalt  }
0x4f: {  	_ =	shalt  }
0x50: {  	_ =	shalt  }
0x51: {  	_ =	shalt  }
0x52: {  	_ =	shalt  }
0x53: {  	_ =	shalt  }
0x54: {  	_ =	shalt  }
0x55: {  	_ =	shalt  }
0x56: {  	_ =	shalt  }
0x57: {  	_ =	shalt  }
0x58: {  	_ =	shalt  }
0x59: {  	_ =	shalt  }
0x5a: {  	_ =	shalt  }
0x5b: {  	_ =	shalt  }
0x5c: {  	_ =	shalt  }
0x5d: {  	_ =	shalt  }
0x5e: {  	_ =	shalt  }
0x5f: {  	_ =	shalt  }
0x60: {  	_ =	shalt  }
0x61: {  	_ =	shalt  }
0x62: {  	_ =	shalt  }
0x63: {  	_ =	shalt  }
0x64: {  	_ =	shalt  }
0x65: {  	_ =	shalt  }
0x66: {  	_ =	shalt  }
0x67: {  	_ =	shalt  }
0x68: {  	_ =	shalt  }
0x69: {  	_ =	shalt  }
0x6a: {  	_ =	shalt  }
0x6b: {  	_ =	shalt  }
0x6c: {  	_ =	shalt  }
0x6d: {  	_ =	shalt  }
0x6e: {  	_ =	shalt  }
0x6f: {  	_ =	shalt  }
0x70: {  	_ =	shalt  }
0x71: {  	_ =	shalt  }
0x72: {  	_ =	shalt  }
0x73: {  	_ =	shalt  }
0x74: {  	_ =	shalt  }
0x75: {  	_ =	shalt  }
0x76: {  	_ =	shalt  }
0x77: {  	_ =	shalt  }
0x78: {  	_ =	shalt  }
0x79: {  	_ =	shalt  }
0x7a: {  	_ =	shalt  }
0x7b: {  	_ =	shalt  }
0x7c: {  	_ =	shalt  }
0x7d: {  	_ =	shalt  }
0x7e: {  	_ =	shalt  }
0x7f: {  	_ =	shalt  }
0x80: {  	_ =	shalt  }
0x81: {  	_ =	shalt  }
0x82: {  	_ =	shalt  }
0x83: {  	_ =	shalt  }
0x84: {  	_ =	shalt  }
0x85: {  	_ =	shalt  }
0x86: {  	_ =	shalt  }
0x87: {  	_ =	shalt  }
.Lfunc_end0:
.L_simem_size_0:
called_computation.1_lowered:
.L_overlay_start_0:
0x88: {  	s2 =	sld [smem:$0x3FD9]  }
0x89: {  	s3 =	sld [smem:$0x3FFE];
	_ =	sdelay $0x1  }
0x8a: {  	s1 =	srdreg.scid  }
0x8b: {  	s0 =	sand.u32 $0x1, s1  }
0x8c: {  	s17 =	sshll.u32 s0, $0xA;
	s2 =	sadd.s32 s3, s2  }
0x8d: {  	s2 =	sadd.s32 s2, s17  }
0x8e: {  	[smem:$0x3FBE] =	sst s2  }
0x8f: {  	_ = 	snop  }
0x90: {  	(tm) =	ssettm $0x1  }
0x91: {  	s18 =	sld [smem:$0x3FFB];
	_ =	sdelay $0x3  }
0x92: {  	_ =	strace s18  }
0x93: {  	s2 =	sld [smem:$0x3FFC];
	_ =	sdelay $0x3  }
0x94: {  	_ =	strace s2  }
0x95: {  	s2 =	sld [smem:$0x3FFD];
	_ =	sdelay $0x3  }
0x96: {  	_ =	strace s2  }
0x97: {  	_ =	strace $0x8FFFFFFF  }
0x98: {  	s19 =	sld [smem:$0x3FDB];
	_ =	sdelay $0x1  }
0x99: {  	s20 =	simm.s32 $_scs_section_size  }
0x9a: {  	s4 =	simm.s32 $_size__tile_overlayer_lowered;
	s5 =	simm.s32 $_tile_overlayer_lowered  }
0x9b: {  	s6 =	simm.s32 $0x1BFF;
	s21 =	sshll.u32 s5, $0x1;
	s3 =	sadd.s32 s20, s19  }
0x9c: {  	s22 =	simm.s32 $0x0;
	s4 =	sshll.u32 s4, $0x1;
	s5 =	sadd.s32 s21, s3  }
0x9d: {  	[timem:s22], [sflag:s6] =	dma.local [hbm:s5], s4  }
0x9e: {  	_ =	swait.ge [sflag:s6], s4  }
0x9f: {  	s4 =	ssub.s32 $0x0, s4;
	[sflag:s6] =	ssyncset.done $0x0  }
0xa0: {  	[sflag:s6] =	ssyncadd.s32 s4;
	_ =	sdelay $0x1  }
0xa1: {  	s23 =	simm.s32 $0x1B8B  }
0xa2: {  	_ =	swait.ge [sflag:s23], $0x1  }
0xa3: {  	[sflag:s23] =	ssyncset.done $0x0  }
0xa4: {  	[sflag:s23] =	ssyncadd.s32 $0xFFFFFFFF  }
0xa5: {  	s4 =	sld [smem:$0x0]  }
0xa6: {  	s5 =	sand.u32 $0xFFFFFFFE, s1  }
0xa7: {  	p0 =	sne.s32 s1, s5  }
0xa8: {  	s5 =	sshll.u32 @p0 s5, $0xE  }
0xa9: {  	s5 =	sadd.s32 @p0 $0x11B8D, s5;
	s6 =	sshll.u32 @p0 s4, $0x11  }
0xaa: {  	s5 =	sor.u32 @p0 s6, s5  }
0xab: {  	[sflag:s5] =	ssyncadd.remote.s32 @p0 $0x1;
	_ =	sdelay $0x1  }
0xac: {  	s5 =	simm.s32 @p0 $0x1B8D  }
0xad: {  	_ =	swait.eq @p0 [sflag:s5], $0x1  }
0xae: {  	[sflag:s5] =	ssyncadd.s32 @p0 $0xFFFFFFFF  }
0xaf: {  	s6 =	sshll.u32 @!p0 s1, $0xE  }
0xb0: {  	s6 =	sor.u32 @!p0 $0x4000, s6;
	s5 =	simm.s32 @!p0 $0x1B8D  }
0xb1: {  	s7 =	sshll.u32 @!p0 s4, $0x11;
	s6 =	sadd.s32 @!p0 $0x11B8D, s6;
	_ =	swait.eq @!p0 [sflag:s5], $0x1  }
0xb2: {  	[sflag:s5] =	ssyncadd.s32 @!p0 $0xFFFFFFFF;
	s5 =	sor.u32 @!p0 s7, s6  }
0xb3: {  	s25 =	simm.s32 $0x1B8E;
	s24 =	sld [smem:$0x3FFE];
	[sflag:s5] =	ssyncadd.remote.s32 @!p0 $0x1  }
0xb4: {  	s26 =	simm.s32 $execute0_lowered;
	[smem:$0x3FD2] =	sst s25  }
0xb5: {  	s6 =	sshll.u32 s26, $0x1;
	_ =	strace $0x8000004C;
	[dreg:$0x1] =	wrdreg $0xFFFFFFFF  }
0xb6: {  	s28 =	simm.s32 $_size_execute0_lowered;
	s3 =	sadd.s32 s3, s6;
	[dreg:$0x0] =	wrdreg $0x0  }
0xb7: {  	s6 =	sshll.u32 s28, $0x1;
	[dreg:$0x2] =	wrdreg s3  }
0xb8: {  	[dreg:$0x3] =	wrdreg s6  }
0xb9: {  	[dreg:$0x4] =	wrdreg $0xC0  }
0xba: {  	_ =	task [dreg:s22], $0x5FFFF  }
0xbb: {  	[dreg:$0x1] =	wrdreg $0xFFFFFFFF  }
0xbc: {  	[dreg:$0x0] =	wrdreg $0x60  }
0xbd: {  	[dreg:$0x2] =	wrdreg s24  }
0xbe: {  	[dreg:$0x3] =	wrdreg s1  }
0xbf: {  	[dreg:$0x4] =	wrdreg s4  }
0xc0: {  	[dreg:$0x5] =	wrdreg $0x9  }
0xc1: {  	_ =	task.clear_ibuf [dreg:s22], $0x6FFFF;
	_ =	strace $0x9000004C  }
0xc2: {  	s29 =	simm.s32 $0x9;
	_ =	strace $0x8000004E  }
0xc3: {  	_ =	swait.ge [sflag:s29], $0x1  }
0xc4: {  	[sflag:s29] =	ssyncadd.s32 $0xFFFFFFFF  }
0xc5: {  	_ =	strace $0x9000004E  }
0xc6: {  	_ =	sfence  }
0xc7: {  	s30 =	sld [smem:$0x0];
	_ =	sdelay $0x2  }
0xc8: {  	s31 =	sshll.u32 s1, $0xD;
	s1 =	sshrl.u32 s1, $0x2  }
0xc9: {  	s4 =	sand.u32 $0x4000, s31;
	s1 =	sadd.s32 s1, s30  }
0xca: {  	s0 =	sor.u32 s4, s0;
	s1 =	sshll.u32 s1, $0x11  }
0xcb: {  	s0 =	sor.u32 s1, s0  }
0xcc: {  	s0 =	sadd.s32 $0x8F2B, s0  }
0xcd: {  	[sflag:s0] =	ssyncadd.remote.s32 $0x1  }
0xce: {  	_ =	sfence.sel $0xFFFF  }
0xcf: {  	[dreg:$0x0] =	wrdreg $0xFFFFFFFF;
	(pc) =	sbr.abs _section_cstart, $3  }
0xd0: {  	[dreg:$0x1] =	wrdreg $0xFFFFFFFF  }
0xd1: {  	_ =	task.clear_ibuf [dreg:s22], $0x2FFFF;
	_ =	strace $0x9FFFFFFF  }
0xd2: {  	(tm) =	ssettm $0x7FFFFFFF  }
0xd3: {  	_ =	shalt  }
tec
execute0_lowered:
.L_overlay_start_1:
0x0: {  	(tag) =	ssettag $0x1  }
0x1: {  	s11 =	rddreg [dreg:$0x0]  }
0x2: {  	s2 =	rddreg [dreg:$0x1];
	_ =	strace $0x8000004D;
	s12 =	simm.s32 $0x1  }
0x3: {  	v0 =	vimm.s32 $0x0;
	[sflag:s12] =	ssyncpa.u1 $0x0  }
0x4: {  	[tilespmem:$0x28] =	vst v0  }
0x5: {  	[tilespmem:$0x38] =	vst v0  }
0x6: {  	[tilespmem:$0x48] =	vst v0  }
0x7: {  	[tilespmem:$0x58] =	vst v0  }
0x8: {  	[tilespmem:$0x68] =	vst v0  }
0x9: {  	[tilespmem:$0x78] =	vst v0  }
0xa: {  	[tilespmem:$0x88] =	vst v0  }
0xb: {  	[tilespmem:$0x98] =	vst v0  }
0xc: {  	[tilespmem:$0xA8] =	vst v0  }
0xd: {  	[tilespmem:$0xB8] =	vst v0  }
0xe: {  	[tilespmem:$0xC8] =	vst v0  }
0xf: {  	[tilespmem:$0xD8] =	vst v0  }
0x10: {  	[tilespmem:$0xE8] =	vst v0  }
0x11: {  	[tilespmem:$0xF8] =	vst v0  }
0x12: {  	[tilespmem:$0x108] =	vst v0  }
0x13: {  	[tilespmem:$0x118] =	vst v0  }
0x14: {  	[tilespmem:$0x128] =	vst v0  }
0x15: {  	[tilespmem:$0x138] =	vst v0  }
0x16: {  	[tilespmem:$0x148] =	vst v0  }
0x17: {  	[tilespmem:$0x158] =	vst v0  }
0x18: {  	[tilespmem:$0x168] =	vst v0  }
0x19: {  	[tilespmem:$0x178] =	vst v0  }
0x1a: {  	[tilespmem:$0x188] =	vst v0  }
0x1b: {  	[tilespmem:$0x198] =	vst v0  }
0x1c: {  	[tilespmem:$0x1A8] =	vst v0  }
0x1d: {  	[tilespmem:$0x1B8] =	vst v0  }
0x1e: {  	[tilespmem:$0x1C8] =	vst v0  }
0x1f: {  	[tilespmem:$0x1D8] =	vst v0  }
0x20: {  	[tilespmem:$0x1E8] =	vst v0  }
0x21: {  	[tilespmem:$0x1F8] =	vst v0  }
0x22: {  	[tilespmem:$0x208] =	vst v0  }
0x23: {  	[tilespmem:$0x218] =	vst v0  }
0x24: {  	[tilespmem:$0x228] =	vst v0  }
0x25: {  	[tilespmem:$0x238] =	vst v0  }
0x26: {  	[tilespmem:$0x248] =	vst v0  }
0x27: {  	[tilespmem:$0x258] =	vst v0  }
0x28: {  	[tilespmem:$0x268] =	vst v0  }
0x29: {  	[tilespmem:$0x278] =	vst v0  }
0x2a: {  	[tilespmem:$0x288] =	vst v0  }
0x2b: {  	[tilespmem:$0x298] =	vst v0  }
0x2c: {  	[tilespmem:$0x2A8] =	vst v0  }
0x2d: {  	[tilespmem:$0x2B8] =	vst v0  }
0x2e: {  	[tilespmem:$0x2C8] =	vst v0  }
0x2f: {  	[tilespmem:$0x2D8] =	vst v0  }
0x30: {  	[tilespmem:$0x2E8] =	vst v0  }
0x31: {  	[tilespmem:$0x2F8] =	vst v0  }
0x32: {  	[tilespmem:$0x308] =	vst v0  }
0x33: {  	[tilespmem:$0x318] =	vst v0  }
0x34: {  	[tilespmem:$0x328] =	vst v0  }
0x35: {  	[tilespmem:$0x338] =	vst v0  }
0x36: {  	[tilespmem:$0x348] =	vst v0  }
0x37: {  	[tilespmem:$0x358] =	vst v0  }
0x38: {  	[tilespmem:$0x368] =	vst v0  }
0x39: {  	[tilespmem:$0x378] =	vst v0  }
0x3a: {  	[tilespmem:$0x388] =	vst v0  }
0x3b: {  	[tilespmem:$0x398] =	vst v0  }
0x3c: {  	[tilespmem:$0x3A8] =	vst v0  }
0x3d: {  	[tilespmem:$0x3B8] =	vst v0  }
0x3e: {  	[tilespmem:$0x3C8] =	vst v0  }
0x3f: {  	[tilespmem:$0x3D8] =	vst v0  }
0x40: {  	[tilespmem:$0x3E8] =	vst v0  }
0x41: {  	[tilespmem:$0x3F8] =	vst v0  }
0x42: {  	[tilespmem:$0x408] =	vst v0  }
0x43: {  	[tilespmem:$0x418] =	vst v0  }
0x44: {  	[tilespmem:$0x428] =	vst v0  }
0x45: {  	[tilespmem:$0x438] =	vst v0  }
0x46: {  	[tilespmem:$0x448] =	vst v0  }
0x47: {  	[tilespmem:$0x458] =	vst v0  }
0x48: {  	[tilespmem:$0x468] =	vst v0  }
0x49: {  	[tilespmem:$0x478] =	vst v0  }
0x4a: {  	[tilespmem:$0x488] =	vst v0  }
0x4b: {  	[tilespmem:$0x498] =	vst v0  }
0x4c: {  	[tilespmem:$0x4A8] =	vst v0  }
0x4d: {  	[tilespmem:$0x4B8] =	vst v0  }
0x4e: {  	[tilespmem:$0x4C8] =	vst v0  }
0x4f: {  	[tilespmem:$0x4D8] =	vst v0  }
0x50: {  	[tilespmem:$0x4E8] =	vst v0  }
0x51: {  	[tilespmem:$0x4F8] =	vst v0  }
0x52: {  	[tilespmem:$0x508] =	vst v0  }
0x53: {  	[tilespmem:$0x518] =	vst v0  }
0x54: {  	[tilespmem:$0x528] =	vst v0  }
0x55: {  	[tilespmem:$0x538] =	vst v0  }
0x56: {  	[tilespmem:$0x548] =	vst v0  }
0x57: {  	[tilespmem:$0x558] =	vst v0  }
0x58: {  	[tilespmem:$0x568] =	vst v0  }
0x59: {  	[tilespmem:$0x578] =	vst v0  }
0x5a: {  	[tilespmem:$0x588] =	vst v0  }
0x5b: {  	[tilespmem:$0x598] =	vst v0  }
0x5c: {  	[tilespmem:$0x5A8] =	vst v0  }
0x5d: {  	[tilespmem:$0x5B8] =	vst v0  }
0x5e: {  	[tilespmem:$0x5C8] =	vst v0  }
0x5f: {  	[tilespmem:$0x5D8] =	vst v0  }
0x60: {  	[tilespmem:$0x5E8] =	vst v0  }
0x61: {  	[tilespmem:$0x5F8] =	vst v0  }
0x62: {  	[tilespmem:$0x608] =	vst v0  }
0x63: {  	[tilespmem:$0x618] =	vst v0  }
0x64: {  	[tilespmem:$0x628] =	vst v0  }
0x65: {  	[tilespmem:$0x638] =	vst v0  }
0x66: {  	[tilespmem:$0x648] =	vst v0  }
0x67: {  	[tilespmem:$0x658] =	vst v0  }
0x68: {  	[tilespmem:$0x668] =	vst v0  }
0x69: {  	[tilespmem:$0x678] =	vst v0  }
0x6a: {  	[tilespmem:$0x688] =	vst v0  }
0x6b: {  	[tilespmem:$0x698] =	vst v0  }
0x6c: {  	[tilespmem:$0x6A8] =	vst v0  }
0x6d: {  	[tilespmem:$0x6B8] =	vst v0  }
0x6e: {  	[tilespmem:$0x6C8] =	vst v0  }
0x6f: {  	[tilespmem:$0x6D8] =	vst v0  }
0x70: {  	[tilespmem:$0x6E8] =	vst v0  }
0x71: {  	[tilespmem:$0x6F8] =	vst v0  }
0x72: {  	[tilespmem:$0x708] =	vst v0  }
0x73: {  	[tilespmem:$0x718] =	vst v0  }
0x74: {  	[tilespmem:$0x728] =	vst v0  }
0x75: {  	[tilespmem:$0x738] =	vst v0  }
0x76: {  	[tilespmem:$0x748] =	vst v0  }
0x77: {  	[tilespmem:$0x758] =	vst v0  }
0x78: {  	[tilespmem:$0x768] =	vst v0  }
0x79: {  	[tilespmem:$0x778] =	vst v0  }
0x7a: {  	[tilespmem:$0x788] =	vst v0  }
0x7b: {  	[tilespmem:$0x798] =	vst v0  }
0x7c: {  	[tilespmem:$0x7A8] =	vst v0  }
0x7d: {  	[tilespmem:$0x7B8] =	vst v0  }
0x7e: {  	[tilespmem:$0x7C8] =	vst v0  }
0x7f: {  	[tilespmem:$0x7D8] =	vst v0  }
0x80: {  	[tilespmem:$0x7E8] =	vst v0  }
0x81: {  	[tilespmem:$0x7F8] =	vst v0  }
0x82: {  	[tilespmem:$0x808] =	vst v0  }
0x83: {  	[tilespmem:$0x818] =	vst v0  }
0x84: {  	[tilespmem:$0x828] =	vst v0  }
0x85: {  	[tilespmem:$0x838] =	vst v0  }
0x86: {  	[tilespmem:$0x848] =	vst v0  }
0x87: {  	[tilespmem:$0x858] =	vst v0  }
0x88: {  	[tilespmem:$0x868] =	vst v0  }
0x89: {  	[tilespmem:$0x878] =	vst v0  }
0x8a: {  	[tilespmem:$0x888] =	vst v0  }
0x8b: {  	[tilespmem:$0x898] =	vst v0  }
0x8c: {  	[tilespmem:$0x8A8] =	vst v0  }
0x8d: {  	[tilespmem:$0x8B8] =	vst v0  }
0x8e: {  	[tilespmem:$0x8C8] =	vst v0  }
0x8f: {  	[tilespmem:$0x8D8] =	vst v0  }
0x90: {  	[tilespmem:$0x8E8] =	vst v0  }
0x91: {  	[tilespmem:$0x8F8] =	vst v0  }
0x92: {  	[tilespmem:$0x908] =	vst v0  }
0x93: {  	[tilespmem:$0x918] =	vst v0  }
0x94: {  	[tilespmem:$0x928] =	vst v0  }
0x95: {  	[tilespmem:$0x938] =	vst v0  }
0x96: {  	[tilespmem:$0x948] =	vst v0  }
0x97: {  	[tilespmem:$0x958] =	vst v0  }
0x98: {  	[tilespmem:$0x968] =	vst v0  }
0x99: {  	[tilespmem:$0x978] =	vst v0  }
0x9a: {  	[tilespmem:$0x988] =	vst v0  }
0x9b: {  	[tilespmem:$0x998] =	vst v0  }
0x9c: {  	[tilespmem:$0x9A8] =	vst v0  }
0x9d: {  	[tilespmem:$0x9B8] =	vst v0  }
0x9e: {  	[tilespmem:$0x9C8] =	vst v0  }
0x9f: {  	[tilespmem:$0x9D8] =	vst v0  }
0xa0: {  	[tilespmem:$0x9E8] =	vst v0  }
0xa1: {  	[tilespmem:$0x9F8] =	vst v0  }
0xa2: {  	[tilespmem:$0xA08] =	vst v0  }
0xa3: {  	[tilespmem:$0xA18] =	vst v0  }
0xa4: {  	[tilespmem:$0xA28] =	vst v0  }
0xa5: {  	[tilespmem:$0xA38] =	vst v0  }
0xa6: {  	[tilespmem:$0xA48] =	vst v0  }
0xa7: {  	[tilespmem:$0xA58] =	vst v0  }
0xa8: {  	[tilespmem:$0xA68] =	vst v0  }
0xa9: {  	[tilespmem:$0xA78] =	vst v0  }
0xaa: {  	[tilespmem:$0xA88] =	vst v0  }
0xab: {  	[tilespmem:$0xA98] =	vst v0  }
0xac: {  	[tilespmem:$0xAA8] =	vst v0  }
0xad: {  	[tilespmem:$0xAB8] =	vst v0  }
0xae: {  	[tilespmem:$0xAC8] =	vst v0  }
0xaf: {  	[tilespmem:$0xAD8] =	vst v0  }
0xb0: {  	[tilespmem:$0xAE8] =	vst v0  }
0xb1: {  	[tilespmem:$0xAF8] =	vst v0  }
0xb2: {  	[tilespmem:$0xB08] =	vst v0  }
0xb3: {  	[tilespmem:$0xB18] =	vst v0  }
0xb4: {  	[tilespmem:$0xB28] =	vst v0  }
0xb5: {  	[tilespmem:$0xB38] =	vst v0  }
0xb6: {  	[tilespmem:$0xB48] =	vst v0  }
0xb7: {  	[tilespmem:$0xB58] =	vst v0  }
0xb8: {  	[tilespmem:$0xB68] =	vst v0  }
0xb9: {  	[tilespmem:$0xB78] =	vst v0  }
0xba: {  	[tilespmem:$0xB88] =	vst v0  }
0xbb: {  	[tilespmem:$0xB98] =	vst v0  }
0xbc: {  	[tilespmem:$0xBA8] =	vst v0  }
0xbd: {  	[tilespmem:$0xBB8] =	vst v0  }
0xbe: {  	[tilespmem:$0xBC8] =	vst v0  }
0xbf: {  	[tilespmem:$0xBD8] =	vst v0  }
0xc0: {  	[tilespmem:$0xBE8] =	vst v0  }
0xc1: {  	[tilespmem:$0xBF8] =	vst v0  }
0xc2: {  	[tilespmem:$0xC08] =	vst v0  }
0xc3: {  	[tilespmem:$0xC18] =	vst v0  }
0xc4: {  	[tilespmem:$0xC28] =	vst v0  }
0xc5: {  	[tilespmem:$0xC38] =	vst v0  }
0xc6: {  	[tilespmem:$0xC48] =	vst v0  }
0xc7: {  	[tilespmem:$0xC58] =	vst v0  }
0xc8: {  	[tilespmem:$0xC68] =	vst v0  }
0xc9: {  	[tilespmem:$0xC78] =	vst v0  }
0xca: {  	[tilespmem:$0xC88] =	vst v0  }
0xcb: {  	[tilespmem:$0xC98] =	vst v0  }
0xcc: {  	[tilespmem:$0xCA8] =	vst v0  }
0xcd: {  	[tilespmem:$0xCB8] =	vst v0  }
0xce: {  	[tilespmem:$0xCC8] =	vst v0  }
0xcf: {  	[tilespmem:$0xCD8] =	vst v0  }
0xd0: {  	[tilespmem:$0xCE8] =	vst v0  }
0xd1: {  	[tilespmem:$0xCF8] =	vst v0  }
0xd2: {  	[tilespmem:$0xD08] =	vst v0  }
0xd3: {  	[tilespmem:$0xD18] =	vst v0  }
0xd4: {  	[tilespmem:$0xD28] =	vst v0  }
0xd5: {  	[tilespmem:$0xD38] =	vst v0  }
0xd6: {  	[tilespmem:$0xD48] =	vst v0  }
0xd7: {  	[tilespmem:$0xD58] =	vst v0  }
0xd8: {  	[tilespmem:$0xD68] =	vst v0  }
0xd9: {  	[tilespmem:$0xD78] =	vst v0  }
0xda: {  	[tilespmem:$0xD88] =	vst v0  }
0xdb: {  	[tilespmem:$0xD98] =	vst v0  }
0xdc: {  	[tilespmem:$0xDA8] =	vst v0  }
0xdd: {  	[tilespmem:$0xDB8] =	vst v0  }
0xde: {  	[tilespmem:$0xDC8] =	vst v0  }
0xdf: {  	[tilespmem:$0xDD8] =	vst v0  }
0xe0: {  	[tilespmem:$0xDE8] =	vst v0  }
0xe1: {  	[tilespmem:$0xDF8] =	vst v0  }
0xe2: {  	[tilespmem:$0xE08] =	vst v0  }
0xe3: {  	[tilespmem:$0xE18] =	vst v0  }
0xe4: {  	[tilespmem:$0xE28] =	vst v0  }
0xe5: {  	[tilespmem:$0xE38] =	vst v0  }
0xe6: {  	[tilespmem:$0xE48] =	vst v0  }
0xe7: {  	[tilespmem:$0xE58] =	vst v0  }
0xe8: {  	[tilespmem:$0xE68] =	vst v0  }
0xe9: {  	[tilespmem:$0xE78] =	vst v0  }
0xea: {  	[tilespmem:$0xE88] =	vst v0  }
0xeb: {  	[tilespmem:$0xE98] =	vst v0  }
0xec: {  	[tilespmem:$0xEA8] =	vst v0  }
0xed: {  	[tilespmem:$0xEB8] =	vst v0  }
0xee: {  	[tilespmem:$0xEC8] =	vst v0  }
0xef: {  	[tilespmem:$0xED8] =	vst v0  }
0xf0: {  	[tilespmem:$0xEE8] =	vst v0  }
0xf1: {  	[tilespmem:$0xEF8] =	vst v0  }
0xf2: {  	[tilespmem:$0xF08] =	vst v0  }
0xf3: {  	[tilespmem:$0xF18] =	vst v0  }
0xf4: {  	[tilespmem:$0xF28] =	vst v0  }
0xf5: {  	[tilespmem:$0xF38] =	vst v0  }
0xf6: {  	[tilespmem:$0xF48] =	vst v0  }
0xf7: {  	[tilespmem:$0xF58] =	vst v0  }
0xf8: {  	[tilespmem:$0xF68] =	vst v0  }
0xf9: {  	[tilespmem:$0xF78] =	vst v0  }
0xfa: {  	[tilespmem:$0xF88] =	vst v0  }
0xfb: {  	[tilespmem:$0xF98] =	vst v0  }
0xfc: {  	[tilespmem:$0xFA8] =	vst v0  }
0xfd: {  	[tilespmem:$0xFB8] =	vst v0  }
0xfe: {  	[tilespmem:$0xFC8] =	vst v0  }
0xff: {  	[tilespmem:$0xFD8] =	vst v0  }
0x100: {  	[tilespmem:$0xFE8] =	vst v0  }
0x101: {  	[tilespmem:$0xFF8] =	vst v0  }
0x102: {  	[tilespmem:$0x1028] =	vst v0  }
0x103: {  	[tilespmem:$0x10E8] =	vst v0  }
0x104: {  	[tilespmem:$0x1068] =	vst v0  }
0x105: {  	[tilespmem:$0x1B28] =	vst v0  }
0x106: {  	[tilespmem:$0x1B18] =	vst v0  }
0x107: {  	[tilespmem:$0x1B08] =	vst v0  }
0x108: {  	[tilespmem:$0x1AF8] =	vst v0  }
0x109: {  	[tilespmem:$0x1AE8] =	vst v0  }
0x10a: {  	[tilespmem:$0x1AD8] =	vst v0  }
0x10b: {  	[tilespmem:$0x1AC8] =	vst v0  }
0x10c: {  	[tilespmem:$0x1AB8] =	vst v0  }
0x10d: {  	[tilespmem:$0x1AA8] =	vst v0  }
0x10e: {  	[tilespmem:$0x1A98] =	vst v0  }
0x10f: {  	[tilespmem:$0x1A88] =	vst v0  }
0x110: {  	[tilespmem:$0x1A78] =	vst v0  }
0x111: {  	[tilespmem:$0x1A68] =	vst v0  }
0x112: {  	[tilespmem:$0x1A58] =	vst v0  }
0x113: {  	[tilespmem:$0x1A48] =	vst v0  }
0x114: {  	[tilespmem:$0x1A38] =	vst v0  }
0x115: {  	[tilespmem:$0x1A28] =	vst v0  }
0x116: {  	[tilespmem:$0x1A18] =	vst v0  }
0x117: {  	[tilespmem:$0x1A08] =	vst v0  }
0x118: {  	[tilespmem:$0x19F8] =	vst v0  }
0x119: {  	[tilespmem:$0x19E8] =	vst v0  }
0x11a: {  	[tilespmem:$0x19D8] =	vst v0  }
0x11b: {  	[tilespmem:$0x19C8] =	vst v0  }
0x11c: {  	[tilespmem:$0x19B8] =	vst v0  }
0x11d: {  	[tilespmem:$0x19A8] =	vst v0  }
0x11e: {  	[tilespmem:$0x1998] =	vst v0  }
0x11f: {  	[tilespmem:$0x1988] =	vst v0  }
0x120: {  	[tilespmem:$0x1978] =	vst v0  }
0x121: {  	[tilespmem:$0x1968] =	vst v0  }
0x122: {  	[tilespmem:$0x1958] =	vst v0  }
0x123: {  	[tilespmem:$0x1948] =	vst v0  }
0x124: {  	[tilespmem:$0x1938] =	vst v0  }
0x125: {  	[tilespmem:$0x1928] =	vst v0  }
0x126: {  	[tilespmem:$0x1918] =	vst v0  }
0x127: {  	[tilespmem:$0x1908] =	vst v0  }
0x128: {  	[tilespmem:$0x18F8] =	vst v0  }
0x129: {  	[tilespmem:$0x18E8] =	vst v0  }
0x12a: {  	[tilespmem:$0x18D8] =	vst v0  }
0x12b: {  	[tilespmem:$0x18C8] =	vst v0  }
0x12c: {  	[tilespmem:$0x18B8] =	vst v0  }
0x12d: {  	[tilespmem:$0x18A8] =	vst v0  }
0x12e: {  	[tilespmem:$0x1898] =	vst v0  }
0x12f: {  	[tilespmem:$0x1888] =	vst v0  }
0x130: {  	[tilespmem:$0x1878] =	vst v0  }
0x131: {  	[tilespmem:$0x1868] =	vst v0  }
0x132: {  	[tilespmem:$0x1858] =	vst v0  }
0x133: {  	[tilespmem:$0x1848] =	vst v0  }
0x134: {  	[tilespmem:$0x1838] =	vst v0  }
0x135: {  	[tilespmem:$0x1828] =	vst v0  }
0x136: {  	[tilespmem:$0x1818] =	vst v0  }
0x137: {  	[tilespmem:$0x1808] =	vst v0  }
0x138: {  	[tilespmem:$0x17F8] =	vst v0  }
0x139: {  	[tilespmem:$0x17E8] =	vst v0  }
0x13a: {  	[tilespmem:$0x17D8] =	vst v0  }
0x13b: {  	[tilespmem:$0x17C8] =	vst v0  }
0x13c: {  	[tilespmem:$0x17B8] =	vst v0  }
0x13d: {  	[tilespmem:$0x17A8] =	vst v0  }
0x13e: {  	[tilespmem:$0x1798] =	vst v0  }
0x13f: {  	[tilespmem:$0x1788] =	vst v0  }
0x140: {  	[tilespmem:$0x1778] =	vst v0  }
0x141: {  	[tilespmem:$0x1768] =	vst v0  }
0x142: {  	[tilespmem:$0x1758] =	vst v0  }
0x143: {  	[tilespmem:$0x1748] =	vst v0  }
0x144: {  	[tilespmem:$0x1738] =	vst v0  }
0x145: {  	[tilespmem:$0x1728] =	vst v0  }
0x146: {  	[tilespmem:$0x1718] =	vst v0  }
0x147: {  	[tilespmem:$0x1708] =	vst v0  }
0x148: {  	[tilespmem:$0x16F8] =	vst v0  }
0x149: {  	[tilespmem:$0x16E8] =	vst v0  }
0x14a: {  	[tilespmem:$0x16D8] =	vst v0  }
0x14b: {  	[tilespmem:$0x16C8] =	vst v0  }
0x14c: {  	[tilespmem:$0x16B8] =	vst v0  }
0x14d: {  	[tilespmem:$0x16A8] =	vst v0  }
0x14e: {  	[tilespmem:$0x1698] =	vst v0  }
0x14f: {  	[tilespmem:$0x1688] =	vst v0  }
0x150: {  	[tilespmem:$0x1678] =	vst v0  }
0x151: {  	[tilespmem:$0x1668] =	vst v0  }
0x152: {  	[tilespmem:$0x1658] =	vst v0  }
0x153: {  	[tilespmem:$0x1648] =	vst v0  }
0x154: {  	[tilespmem:$0x1638] =	vst v0  }
0x155: {  	[tilespmem:$0x1628] =	vst v0  }
0x156: {  	[tilespmem:$0x1618] =	vst v0  }
0x157: {  	[tilespmem:$0x1608] =	vst v0  }
0x158: {  	[tilespmem:$0x15F8] =	vst v0  }
0x159: {  	[tilespmem:$0x15E8] =	vst v0  }
0x15a: {  	[tilespmem:$0x15D8] =	vst v0  }
0x15b: {  	[tilespmem:$0x15C8] =	vst v0  }
0x15c: {  	[tilespmem:$0x15B8] =	vst v0  }
0x15d: {  	[tilespmem:$0x15A8] =	vst v0  }
0x15e: {  	[tilespmem:$0x1598] =	vst v0  }
0x15f: {  	[tilespmem:$0x1588] =	vst v0  }
0x160: {  	[tilespmem:$0x1578] =	vst v0  }
0x161: {  	[tilespmem:$0x1568] =	vst v0  }
0x162: {  	[tilespmem:$0x1558] =	vst v0  }
0x163: {  	[tilespmem:$0x1548] =	vst v0  }
0x164: {  	[tilespmem:$0x1538] =	vst v0  }
0x165: {  	[tilespmem:$0x1528] =	vst v0  }
0x166: {  	[tilespmem:$0x1518] =	vst v0  }
0x167: {  	[tilespmem:$0x1508] =	vst v0  }
0x168: {  	[tilespmem:$0x14F8] =	vst v0  }
0x169: {  	[tilespmem:$0x14E8] =	vst v0  }
0x16a: {  	[tilespmem:$0x14D8] =	vst v0  }
0x16b: {  	[tilespmem:$0x14C8] =	vst v0  }
0x16c: {  	[tilespmem:$0x14B8] =	vst v0  }
0x16d: {  	[tilespmem:$0x14A8] =	vst v0  }
0x16e: {  	[tilespmem:$0x1498] =	vst v0  }
0x16f: {  	[tilespmem:$0x1488] =	vst v0  }
0x170: {  	[tilespmem:$0x1478] =	vst v0  }
0x171: {  	[tilespmem:$0x1468] =	vst v0  }
0x172: {  	[tilespmem:$0x1458] =	vst v0  }
0x173: {  	[tilespmem:$0x1448] =	vst v0  }
0x174: {  	[tilespmem:$0x1438] =	vst v0  }
0x175: {  	[tilespmem:$0x1428] =	vst v0  }
0x176: {  	[tilespmem:$0x1418] =	vst v0  }
0x177: {  	[tilespmem:$0x1408] =	vst v0  }
0x178: {  	[tilespmem:$0x13F8] =	vst v0  }
0x179: {  	[tilespmem:$0x13E8] =	vst v0  }
0x17a: {  	[tilespmem:$0x13D8] =	vst v0  }
0x17b: {  	[tilespmem:$0x13C8] =	vst v0  }
0x17c: {  	[tilespmem:$0x13B8] =	vst v0  }
0x17d: {  	[tilespmem:$0x13A8] =	vst v0  }
0x17e: {  	[tilespmem:$0x1398] =	vst v0  }
0x17f: {  	[tilespmem:$0x1388] =	vst v0  }
0x180: {  	[tilespmem:$0x1378] =	vst v0  }
0x181: {  	[tilespmem:$0x1368] =	vst v0  }
0x182: {  	[tilespmem:$0x1358] =	vst v0  }
0x183: {  	[tilespmem:$0x1348] =	vst v0  }
0x184: {  	[tilespmem:$0x1338] =	vst v0  }
0x185: {  	[tilespmem:$0x1328] =	vst v0  }
0x186: {  	[tilespmem:$0x1318] =	vst v0  }
0x187: {  	[tilespmem:$0x1308] =	vst v0  }
0x188: {  	[tilespmem:$0x12F8] =	vst v0  }
0x189: {  	[tilespmem:$0x12E8] =	vst v0  }
0x18a: {  	[tilespmem:$0x12D8] =	vst v0  }
0x18b: {  	[tilespmem:$0x12C8] =	vst v0  }
0x18c: {  	[tilespmem:$0x12B8] =	vst v0  }
0x18d: {  	[tilespmem:$0x12A8] =	vst v0  }
0x18e: {  	[tilespmem:$0x1298] =	vst v0  }
0x18f: {  	[tilespmem:$0x1288] =	vst v0  }
0x190: {  	[tilespmem:$0x1278] =	vst v0  }
0x191: {  	[tilespmem:$0x1268] =	vst v0  }
0x192: {  	[tilespmem:$0x1258] =	vst v0  }
0x193: {  	[tilespmem:$0x1248] =	vst v0  }
0x194: {  	[tilespmem:$0x1238] =	vst v0  }
0x195: {  	[tilespmem:$0x1228] =	vst v0  }
0x196: {  	[tilespmem:$0x1218] =	vst v0  }
0x197: {  	[tilespmem:$0x1208] =	vst v0  }
0x198: {  	[tilespmem:$0x11F8] =	vst v0  }
0x199: {  	[tilespmem:$0x11E8] =	vst v0  }
0x19a: {  	[tilespmem:$0x11D8] =	vst v0  }
0x19b: {  	[tilespmem:$0x11C8] =	vst v0  }
0x19c: {  	[tilespmem:$0x11B8] =	vst v0  }
0x19d: {  	[tilespmem:$0x11A8] =	vst v0  }
0x19e: {  	[tilespmem:$0x1198] =	vst v0  }
0x19f: {  	[tilespmem:$0x1188] =	vst v0  }
0x1a0: {  	[tilespmem:$0x1178] =	vst v0  }
0x1a1: {  	[tilespmem:$0x1168] =	vst v0  }
0x1a2: {  	[tilespmem:$0x1158] =	vst v0  }
0x1a3: {  	[tilespmem:$0x1148] =	vst v0  }
0x1a4: {  	[tilespmem:$0x1138] =	vst v0  }
0x1a5: {  	[tilespmem:$0x1128] =	vst v0  }
0x1a6: {  	[tilespmem:$0x1118] =	vst v0  }
0x1a7: {  	s4 =	stileid.u32;
	[tilespmem:$0x1108] =	vst v0  }
0x1a8: {  	s0 =	smul.u32 $0xB, s4;
	[tilespmem:$0x10F8] =	vst v0  }
0x1a9: {  	s1 =	smin.u32 s4, $0xA;
	[tilespmem:$0x10C8] =	vst v0  }
0x1aa: {  	[tilespmem:$0x10D8] =	vst v0;
	s0 =	sadd.s32 s1, s0  }
0x1ab: {  	p0 =	slt.u32 s4, $0xA;
	[tilespmem:$0x10B8] =	vst v0;
	s1 =	simm.s32 $0x1440;
	s6 =	smul.u32 $0x1B0, s0  }
0x1ac: {  	s1 =	simm.s32 @!p0 $0x1290;
	[tilespmem:$0x1038] =	vst v0  }
0x1ad: {  	[tilespmem:$0x10A8] =	vst v0;
	s0 =	sadd.s32 s1, s6  }
0x1ae: {  	s3 =	simm.s32 $0x2;
	s8 =	simm.s32 $0x9;
	[tilespmem:$0x1098] =	vst v0;
	s7 =	smin.u32 s0, $0x13880  }
0x1af: {  	s10 =	simm.s32 $0xA;
	s30 =	simm.s32 $0xB;
	[tilespmem:$0x1088] =	vst v0;
	s0 =	ssub.s32 s7, s6  }
0x1b0: {  	s16 =	simm.s32 $0x0;
	p4 =	por $0x0, $0x0;
	[tilespmem:$0x1078] =	vst v0;
	p0 =	sgt.s32 s0, $0x0  }
0x1b1: {  	s17 =	simm.s32 $0xC;
	s21 =	simm.s32 $0x0;
	[tilespmem:$0x1058] =	vst v0;
	s0 =	simm.s32 @!p0 $0x0  }
0x1b2: {  	s18 =	simm.s32 $0x0;
	s2 =	sand.u32 $0x1, s2;
	[tilespmem:$0x1048] =	vst v0;
	s29 =	smulhi.u32 $0x4BDA12F7, s0  }
0x1b3: {  	s20 =	simm.s32 $0x0;
	s31 =	sshll.u32 s4, $0x5;
	[tilespmem:$0x1018] =	vst v0;
	[dreg:$0x5] =	wrdreg s2  }
0x1b4: {  	s2 =	smul.u32 $0x2710, s2;
	[tilespmem:$0x1008] =	vst v0;
	[sflag:s3] =	ssyncpa.u1 $0x0;
	s1 =	sshrl.u32 s29, $0x7  }
0x1b5: {  	v0 =	vimm.s32 $0xFFFFFFFF;
	s3 =	sadd.s32 $0xA800, s11;
	[dreg:$0x4] =	wrdreg s31;
	s5 =	smul.u32 $0x1B0, s1  }
.Ltmp0:
0x1b6: {  	[tilespmem:$0x3648] =	vst v0;
	[sflag:s8] =	ssyncpa.u1 $0x0;
	s2 =	sadd.s32 s2, s11;
	(pc) =	sbr.rel .LBB2_1-.Ltmp0, $4  }
0x1b7: {  	[sflag:s10] =	ssyncpa.u1 $0x0;
	s11 =	sadd.s32 $0x2FB000, s11;
	p0 =	sne.s32 s0, s5  }
0x1b8: {  	[sflag:s30] =	ssyncpa.u1 $0x0;
	s14 =	sadd.s32 $0x5800, s2;
	s12 =	simm.s32 @!p0 $0x0  }
0x1b9: {  	s15 =	sadd.s32 $0x800, s2;
	s19 =	smov.u32 s6;
	s12 =	sadd.s32 s12, s1  }
0x1ba: {  	v0 =	vlaneseq.u32;
	[dreg:$0x6] =	wrdreg s6;
	p0 =	por $0x1, $0x1;
	s4 =	sadd.s32 $0x1, s12  }
.LBB2_18:
0x1bb: {  	s0 =	simm.s32 $0x2  }
0x1bc: {  	_ =	swait.ge [sflag:s0], $0x0  }
0x1bd: {  	[sflag:s0] =	ssyncset.done $0x0;
	s0 =	simm.s32 $0x0  }
.LBB2_19:
0x1be: {  	_ =	swait.ge [sflag:s17], s0  }
0x1bf: {  	s31 =	ssub.s32 $0x0, s0;
	v1 =	vmov s23;
	vm0 =	veq.s32 v0, $0x0;
	[sflag:s17] =	ssyncset.done $0x0  }
0x1c0: {  	vm15 =	veq.s32 v0, $0x2;
	v1 =	vsel vm0, s28, v1;
	[sflag:s17] =	ssyncadd.s32 s31  }
0x1c1: {  	v1 =	vsel vm15, s21, v1;
	[sflag:s17] =	ssyncpa.u1 $0x1  }
0x1c2: {  	[tilespmem:$0x3648] =	vst v1  }
.LBB2_20:
0x1c3: {  	s0 =	sadd.s32 $0x1B0, s19  }
0x1c4: {  	s1 =	smov.u32 s6;
	p1 =	slt.s32 s0, s7  }
0x1c5: {  	s1 =	smov.u32 @p1 s0;
	p1 =	sne.s32 s20, s4  }
.Ltmp1:
0x1c6: {  	_ = 	snop;
	(pc) =	sbr.rel @!p1 .LBB2_21-.Ltmp1, $4  }
0x1c7: {  	_ = 	snop  }
0x1c8: {  	s21 =	smov.u32 s18  }
0x1c9: {  	s31 =	sadd.s32 $0x1, s20;
	s18 =	smov.u32 s19;
	p0 =	por !p0, !p0  }
0x1ca: {  	p4 =	por !p4, !p4;
	s20 =	smov.u32 s31;
	s19 =	smov.u32 s1  }
.LBB2_1:
0x1cb: {  	p2 =	sge.u32 s20, s12  }
0x1cc: {  	s0 =	smulhi.u32 @!p2 $0xAAAAAAAB, s20  }
0x1cd: {  	s1 =	smov.u32 s19;
	p3 =	sgt.s32 @!p2 s19, $0x136D0  }
0x1ce: {  	s2 =	sshra.s32 @!p2 s19, $0x1F;
	p3 =	por !p3, p2;
	s0 =	sshrl.u32 @!p2 s0, $0x1  }
0x1cf: {  	s2 =	sand.u32 @!p2 s2, s19;
	s1 =	simm.s32 @p3 $0x136D0;
	s0 =	smul.u32 @!p2 $0x3, s0  }
0x1d0: {  	s1 =	ssub.s32 @!p2 s1, s2  }
0x1d1: {  	s23 =	sadd.s32 $0xFFFFFFFF, s20;
	s1 =	sadd.s32 @!p2 $0xFFFEC930, s1;
	s0 =	ssub.s32 @!p2 s20, s0  }
0x1d2: {  	s2 =	sshll.u32 @!p2 s1, $0x2;
	p3 =	sgt.s32 @!p2 s1, $0x1AF;
	s0 =	smul.u32 @!p2 $0x6C0, s0  }
0x1d3: {  	s5 =	sand.u32 @!p2 $0x7, s19;
	s1 =	ssub.s32 @!p2 $0x6C0, s2;
	p3 =	por !p3, p2  }
0x1d4: {  	s2 =	sshrl.u32 @!p2 s19, $0x3;
	s1 =	sshrl.u32 @!p2 s1, $0x2;
	s0 =	sshrl.u32 @!p2 s0, $0x2  }
0x1d5: {  	s2 =	sadd.s32 @!p2 s2, s14;
	s1 =	simm.s32 @!p3 $0x0;
	s0 =	sadd.s32 @!p2 $0x3888, s0  }
0x1d6: {  	[tilespmem:s0], [sflag:$0xA] =	stream.linear.gather @!p2 [hbm4b:s2+s5], s1, $0x38;
	[tilespmem:$0x1F0F8] =	vst v63  }
0x1d7: {  	p2 =	sge.u32 s23, s12  }
0x1d8: {  	p3 =	sgt.s32 @!p2 s18, $0x136D0  }
0x1d9: {  	s0 =	smov.u32 s18;
	s1 =	sshra.s32 @!p2 s18, $0x1F;
	p3 =	por !p3, p2  }
0x1da: {  	s1 =	sand.u32 @!p2 s1, s18;
	s0 =	simm.s32 @p3 $0x136D0  }
0x1db: {  	s0 =	ssub.s32 @!p2 s0, s1  }
0x1dc: {  	s0 =	sadd.s32 @!p2 $0xFFFEC930, s0  }
0x1dd: {  	s1 =	sshll.u32 @!p2 s0, $0x2  }
0x1de: {  	p3 =	sgt.s32 @!p2 s0, $0x1AF;
	s0 =	ssub.s32 @!p2 $0x6C0, s1  }
0x1df: {  	s22 =	ssub.s32 @!p2 $0x13880, s18;
	p3 =	por !p3, p2;
	s0 =	sshrl.u32 @!p2 s0, $0x2  }
0x1e0: {  	s1 =	sand.u32 @!p2 $0x1, s23;
	s0 =	simm.s32 @!p3 $0x0;
	p3 =	slt.s32 @!p2 s22, $0x1  }
0x1e1: {  	s2 =	simm.s32 @!p2 $0xA;
	s1 =	smul.u32 @!p2 $0x6C0, s1;
	p3 =	por p2, p3  }
.Ltmp2:
0x1e2: {  	_ =	swait.ge @!p2 [sflag:s2], s0;
	(pc) =	sbr.rel @p3 .LBB2_7-.Ltmp2, $4  }
0x1e3: {  	s5 =	ssub.s32 @!p2 $0x0, s0;
	[sflag:s2] =	ssyncset.done @!p2 $0x0  }
0x1e4: {  	s1 =	sshrl.u32 @!p2 s1, $0x2;
	[sflag:s2] =	ssyncadd.s32 @!p2 s5;
	s2 =	sshrl.u32 @!p2 s18, $0x3  }
0x1e5: {  	s1 =	sadd.s32 @!p2 $0x3D98, s1;
	s5 =	sand.u32 @!p2 $0x7, s18;
	s2 =	sadd.s32 @!p2 s2, s15  }
0x1e6: {  	[tilespmem:s1], [sflag:$0xB] =	stream.linear.gather @!p2 [hbm4b:s2+s5], s0, $0x38;
	[tilespmem:$0x1F0F8] =	vst v63  }
0x1e7: {  	s0 =	smulhi.u32 $0xAAAAAAAB, s23;
	_ =	sdelay $0x1  }
0x1e8: {  	s0 =	sshrl.u32 s0, $0x1  }
0x1e9: {  	s0 =	smul.u32 $0x3, s0;
	_ =	sdelay $0x1  }
0x1ea: {  	s0 =	ssub.s32 s23, s0  }
0x1eb: {  	s1 =	simm.s32 $0x1;
	s0 =	smul.u32 $0x6C0, s0  }
.Ltmp3:
0x1ec: {  	s1 =	simm.s32 @!p0 $0x0;
	(pc) =	sbr.rel .LBB2_4-.Ltmp3, $4  }
0x1ed: {  	s1 =	smul.u32 $0x36000, s1  }
0x1ee: {  	p3 =	slt.s32 @!p2 s22, $0x1B0;
	s0 =	sshrl.u32 s0, $0x2  }
0x1ef: {  	p2 =	por !p3, p2;
	s1 =	sshrl.u32 s1, $0x2;
	s0 =	sadd.s32 $0x3888, s0  }
0x1f0: {  	s24 =	simm.s32 $0x0;
	s22 =	simm.s32 @p2 $0x1B0;
	s23 =	sadd.s32 $0x40F8, s1;
	v1 =	vmov s0  }
.LBB2_3:
0x1f1: {  	p2 =	sge.s32 s24, s22  }
.Ltmp4:
0x1f2: {  	_ = 	snop;
	(pc) =	sbr.rel @p2 .LBB2_7-.Ltmp4, $2  }
0x1f3: {  	_ =	sdelay $0x2  }
0x1f4: {  	s23 =	sadd.s32 $0x800, s23  }
.LBB2_4:
0x1f5: {  	p2 =	sle.s32 s22, s24  }
.Ltmp5:
0x1f6: {  	_ = 	snop;
	(pc) =	sbr.rel @p2 .LBB2_3-.Ltmp5, $2  }
0x1f7: {  	_ =	sdelay $0x2  }
0x1f8: {  	s0 =	smov.u32 s24;
	s24 =	sadd.s32 $0x10, s24  }
0x1f9: {  	s1 =	ssub.s32 s22, s0  }
0x1fa: {  	p2 =	slt.s32 s1, $0x10  }
0x1fb: {  	s1 =	simm.s32 @!p2 $0x10  }
0x1fc: {  	v2 =	vmov s1  }
0x1fd: {  	vm0 =	vgt.s32 v2, v0;
	_ =	sdelay $0x5  }
0x1fe: {  	v2 =	vld.idx.msk [tilespmem:v1+s0+$0x0 ss:$0x1], vm0;
	_ =	sdelay $0x2  }
0x1ff: {  	p2 =	slt.s32 s24, s22;
	s1 =	smov.u32 s22  }
0x200: {  	s2 =	smov.u32 s23;
	s25 =	simm.s32 $0x0;
	s1 =	smov.u32 @p2 s24  }
.LBB2_6:
0x201: {  	(v2sf) =	vpush v2, s25;
	_ =	sdelay $0xc  }
0x202: {  	s25 =	sadd.s32 $0x1, s25  }
0x203: {  	s31 =	sadd.s32 s25, s0  }
0x204: {  	p2 =	slt.s32 s31, s1;
	s5 =	spop (v2sf)  }
.Ltmp6:
0x205: {  	s5 =	sshll.u32 s5, $0x4;
	(pc) =	sbr.rel @p2 .LBB2_6-.Ltmp6, $4  }
0x206: {  	s5 =	sand.u32 $0x1FFFFFF0, s5  }
0x207: {  	s5 =	sadd.s32 s11, s5  }
0x208: {  	[tilespmem:s2], [sflag:$0x9] =	stream.linear.gather [hbm4b:s5+s16], $0x8, $0x38;
	[tilespmem:$0x1F0F8] =	vst v63  }
0x209: {  	s2 =	sadd.s32 $0x80, s2  }
.Ltmp7:
0x20a: {  	_ = 	snop;
	(pc) =	sbr.rel .LBB2_3-.Ltmp7, $1  }
0x20b: {  	_ =	sdelay $0x3  }
.LBB2_7:
0x20c: {  	p2 =	slt.u32 s20, $0x2  }
.Ltmp8:
0x20d: {  	_ = 	snop;
	(pc) =	sbr.rel @p2 .LBB2_20-.Ltmp8, $1  }
0x20e: {  	_ =	sdelay $0x3  }
0x20f: {  	p2 =	sgt.s32 s21, $0x136D0  }
0x210: {  	s0 =	smov.u32 s21;
	s1 =	sshra.s32 s21, $0x1F;
	s2 =	ssub.s32 $0x13880, s21  }
0x211: {  	s0 =	simm.s32 @!p2 $0x136D0;
	s1 =	sand.u32 s1, s21;
	p2 =	slt.s32 s2, $0x1B0  }
0x212: {  	s0 =	ssub.s32 s0, s1;
	s2 =	simm.s32 @!p2 $0x1B0  }
0x213: {  	s0 =	sadd.s32 $0xFFFEC930, s0;
	s24 =	sshll.u32 s2, $0x3  }
0x214: {  	s28 =	simm.s32 $0x9;
	s25 =	sshll.u32 s0, $0x2;
	s1 =	sand.u32 $0x3FFFFFF8, s24  }
0x215: {  	p2 =	sgt.s32 s0, $0x1AF;
	s26 =	ssub.s32 $0x6C0, s25;
	_ =	swait.ge [sflag:s28], s1  }
0x216: {  	s1 =	ssub.s32 $0x0, s1;
	[sflag:s28] =	ssyncset.done $0x0;
	s0 =	sshrl.u32 s26, $0x2  }
0x217: {  	s30 =	simm.s32 $0xB;
	[sflag:s28] =	ssyncadd.s32 s1;
	s0 =	simm.s32 @p2 $0x0  }
0x218: {  	_ =	swait.ge [sflag:s30], s0  }
0x219: {  	s0 =	ssub.s32 $0x0, s0;
	[sflag:s30] =	ssyncset.done $0x0  }
0x21a: {  	[sflag:s30] =	ssyncadd.s32 s0  }
0x21b: {  	v1 =	vld [tilespmem:$0x3648];
	_ =	sdelay $0x4  }
0x21c: {  	(v2sf) =	vpush v1, $0x0  }
0x21d: {  	(v2sf) =	vpush v1, $0x1  }
0x21e: {  	(v2sf) =	vpush v1, $0x2;
	_ =	sdelay $0x3  }
0x21f: {  	s0 =	sadd.s32 $0x1B0, s21  }
0x220: {  	s1 =	ssub.s32 $0x27100, s21;
	p2 =	slt.s32 s7, s0  }
0x221: {  	s0 =	smov.u32 @p2 s7;
	p2 =	sgt.s32 s1, $0x0  }
0x222: {  	s25 =	ssub.s32 s0, s21;
	s1 =	simm.s32 @!p2 $0x0  }
0x223: {  	p2 =	slt.s32 s1, s25  }
0x224: {  	s25 =	smov.u32 @p2 s1  }
0x225: {  	s24 =	simm.s32 $0x1;
	p2 =	slt.s32 s25, $0x1  }
.Ltmp9:
0x226: {  	s24 =	simm.s32 @!p4 $0x0;
	(pc) =	sbr.rel @p2 .LBB2_12-.Ltmp9, $4  }
0x227: {  	s31 =	smul.u32 $0x6C0, s24  }
0x228: {  	s26 =	spop (v2sf)  }
0x229: {  	s0 =	sshrl.u32 s31, $0x2;
	s29 =	spop (v2sf)  }
0x22a: {  	s22 =	sadd.s32 $0x3D98, s0;
	s21 =	spop (v2sf)  }
0x22b: {  	s0 =	smin.u32 s25, $0x10  }
0x22c: {  	v1 =	vmov s0  }
0x22d: {  	p3 =	sgt.s32 s25, $0x10;
	vm1 =	vgt.u32 v1, v0  }
.Ltmp10:
0x22e: {  	_ = 	snop;
	(pc) =	sbr.rel @!p3 .LBB2_11-.Ltmp10, $2  }
0x22f: {  	_ =	sdelay $0x2  }
0x230: {  	s23 =	simm.s32 $0x10;
	s28 =	sadd.s32 $0xFFFFFFF0, s25;
	s0 =	smov.u32 s22;
	vm0 =	vmmov vm1  }
.LBB2_10:
0x231: {  	s1 =	smin.u32 s28, $0x10;
	s23 =	sadd.s32 $0x10, s23;
	v1 =	vld.msk [tilespmem:s0+$0x0 ss:$0x1], vm1  }
0x232: {  	v2 =	vmov s1;
	p3 =	slt.s32 s23, s25  }
0x233: {  	vm1 =	vgt.u32 v2, v0  }
.Ltmp11:
0x234: {  	(pc) =	sbr.rel @p3 .LBB2_10-.Ltmp11, $3  }
0x235: {  	_ =	sdelay $0x1  }
0x236: {  	v1 =	vshll.u32 v1, $0x4  }
0x237: {  	s28 =	sadd.s32 $0xFFFFFFF0, s28;
	[tilespmem:s0+$0x0] =	vst.msk vm0, v1;
	s0 =	sadd.s32 $0x10, s0;
	vm0 =	vmmov vm1  }
.LBB2_11:
0x238: {  	_ =	sdelay $0x4  }
0x239: {  	v1 =	vld.msk [tilespmem:s0+$0x0 ss:$0x1], vm1;
	_ =	sdelay $0x4  }
0x23a: {  	v1 =	vshll.u32 v1, $0x4  }
0x23b: {  	[tilespmem:s0+$0x0] =	vst.msk vm0, v1  }
.LBB2_12:
0x23c: {  	s0 =	sand.u32 $0x1, s20  }
0x23d: {  	s0 =	smul.u32 $0x1B0, s0  }
0x23e: {  	p3 =	sne.s32 s29, $0xFFFFFFFF  }
0x23f: {  	v1 =	vld.msk @!p3 [tilespmem:s0+$0x3D98], $0x1;
	_ =	sdelay $0x4  }
0x240: {  	(v2sf) =	vpush @!p3 v1, $0x0;
	_ =	sdelay $0xc  }
.Ltmp12:
0x241: {  	_ = 	snop;
	(pc) =	sbr.rel @p2 .LBB2_18-.Ltmp12, $4  }
0x242: {  	_ = 	snop  }
0x243: {  	s28 =	spop @!p3 (v2sf)  }
0x244: {  	s21 =	simm.s32 @!p3 $0x0;
	s23 =	smov.u32 s28  }
0x245: {  	[sflag:s17] =	ssyncpa.u1 $0x0;
	s28 =	smov.u32 @p3 s26;
	s23 =	smov.u32 @p3 s29  }
0x246: {  	v1 =	vld.msk [tilespmem:s22+$0x0], $0x1;
	_ =	sdelay $0x4  }
0x247: {  	(v2sf) =	vpush v1, $0x0;
	_ =	sdelay $0xe  }
0x248: {  	s0 =	simm.s32 @!p4 $0x0;
	s26 =	smul.u32 $0x36000, s24;
	s31 =	spop (v2sf)  }
0x249: {  	s29 =	ssub.s32 $0x0, s25;
	s0 =	simm.s32 @p4 $0x1;
	p2 =	seq.s32 s28, s31  }
0x24a: {  	s1 =	smov.u32 s28;
	[smem:$0x7FD] =	sst s0;
	p3 =	sgt.s32 @!p2 s28, $0x0  }
0x24b: {  	s0 =	sshrl.u32 s26, $0x2;
	s26 =	sadd.s32 $0x1, s29;
	p3 =	por !p3, p2  }
0x24c: {  	s1 =	simm.s32 @p3 $0x0;
	p3 =	seq.s32 s26, $0x0  }
.Ltmp13:
0x24d: {  	_ = 	snop;
	(pc) =	sbr.rel @p3 .LBB2_15-.Ltmp13, $4  }
0x24e: {  	s6 =	smov.u32 s4;
	s25 =	simm.s32 $0x0  }
0x24f: {  	s24 =	sadd.s32 $0x40F8, s0;
	s0 =	simm.s32 @!p2 $0x1;
	s2 =	smin.u32 @!p2 s1, $0x270FF  }
0x250: {  	s30 =	sadd.s32 $0x1, s22;
	s0 =	smov.u32 @p2 s25;
	s5 =	sand.u32 @!p2 $0x3FFF8, s2  }
0x251: {  	s1 =	simm.s32 @!p2 $0x1B38;
	s2 =	sand.u32 @!p2 $0x7, s2;
	s5 =	sadd.s32 @!p2 s3, s5  }
.LBB2_14:
0x252: {  	s4 =	smov.u32 s0  }
0x253: {  	[tilespmem:s1], [sflag:$0x2] =	stream.linear.gather @!p2 [hbm4b:s5+s2], $0x8, $0x38;
	[tilespmem:$0x1F0F8] =	vst v63  }
0x254: {  	s26 =	sadd.s32 $0x1, s26;
	s2 =	smov.u32 s31;
	v1 =	vld.msk [tilespmem:s30+$0x0], $0x1  }
0x255: {  	p3 =	seq.s32 s26, $0x0;
	_ =	sdelay $0x3  }
0x256: {  	(v2sf) =	vpush v1, $0x0;
	_ =	sdelay $0xe  }
0x257: {  	s31 =	spop (v2sf)  }
0x258: {  	p2 =	seq.s32 s2, s31  }
0x259: {  	p4 =	sgt.s32 @!p2 s2, $0x0;
	s1 =	sshll.u32 @!p2 s0, $0x6;
	s0 =	sadd.s32 @!p2 $0x1, s0  }
.Ltmp14:
0x25a: {  	p4 =	por !p4, p2;
	s1 =	sshra.s32 @!p2 s1, $0x2;
	(pc) =	sbr.rel @!p3 .LBB2_14-.Ltmp14, $4  }
0x25b: {  	s0 =	smov.u32 @p2 s4;
	s2 =	simm.s32 @p4 $0x0;
	s1 =	sadd.s32 @!p2 $0x1B38, s1  }
0x25c: {  	s2 =	smin.u32 @!p2 s2, $0x270FF  }
0x25d: {  	s4 =	sand.u32 @!p2 $0x3FFF8, s2;
	s2 =	sand.u32 @!p2 $0x7, s2  }
0x25e: {  	s30 =	sadd.s32 $0x1, s30;
	s5 =	sadd.s32 @!p2 s3, s4  }
.LBB2_15:
0x25f: {  	[tilespmem:s1], [sflag:$0x2] =	stream.linear.gather @!p2 [hbm4b:s5+s2], $0x8, $0x38;
	[tilespmem:$0x1F0F8] =	vst v63  }
0x260: {  	s0 =	sshll.u32 s0, $0x3  }
0x261: {  	s31 =	simm.s32 $0x2;
	s0 =	sand.u32 $0x3FFFFFF8, s0  }
0x262: {  	_ =	swait.ge [sflag:s31], s0  }
0x263: {  	s0 =	ssub.s32 $0x0, s0;
	[sflag:s31] =	ssyncset.done $0x0  }
0x264: {  	[sflag:s31] =	ssyncadd.s32 s0  }
0x265: {  	v1 =	vld.msk [tilespmem:s22+$0x0], $0x1;
	_ =	sdelay $0x4  }
0x266: {  	(v2sf) =	vpush v1, $0x0;
	_ =	sdelay $0xe  }
0x267: {  	s26 =	spop (v2sf)  }
0x268: {  	p2 =	sne.s32 s28, s26  }
0x269: {  	p4 =	sne.s32 @p2 s28, s23  }
0x26a: {  	p3 =	por !p4, !p2  }
0x26b: {  	s0 =	simm.s32 @!p3 $0x0  }
0x26c: {  	v1 =	vld.msk @!p3 [tilespmem:s0+$0x1B38], $0xff  }
0x26d: {  	p5 =	sgt.u32 @!p3 s28, $0x270FF  }
0x26e: {  	s1 =	sshll.u32 @!p3 s21, $0x6;
	p6 =	por @p2 p5, !p4  }
0x26f: {  	s1 =	sshra.s32 @!p3 s1, $0x2;
	p1 =	por p6, !p2;
	p6 =	por p4, !p2  }
0x270: {  	s2 =	sadd.s32 @!p3 $0x28, s1;
	s4 =	sand.u32 @!p1 $0x3FFF8, s28;
	s5 =	sshll.u32 @!p6 s21, $0x6  }
0x271: {  	s28 =	sand.u32 @!p1 $0x7, s28;
	[tilespmem:s1+$0x28] =	vst.add.f32.msk @!p3 $0xff, v1;
	s1 =	sadd.s32 @!p1 s3, s4;
	s4 =	sshra.s32 @!p6 s5, $0x2  }
0x272: {  	[hbm4b:s1+s28] =	stream.linear.scatter @!p1 [tilespmem:s2], [sflag:$0xC], $0x8, $0x38;
	[tilespmem:$0x1F0F8] =	vst v63  }
0x273: {  	s0 =	rddreg [dreg:$0x4];
	s1 =	sadd.s32 @!p6 $0x28, s4;
	s2 =	simm.s32 @!p6 $0x1  }
0x274: {  	[spmem:s0] =	stream.linear.scatter @!p6 [tilespmem:s1], [sflag:$0x1], $0x8, $0x38;
	[tilespmem:$0x1F0F8] =	vst v63  }
0x275: {  	s0 =	sadd.s32 @p2 $0x1, s21;
	_ =	swait.ge @!p6 [sflag:s2], $0x8  }
0x276: {  	s1 =	sshrl.u32 @p2 s0, $0x4;
	[sflag:s2] =	ssyncset.done @!p6 $0x0  }
0x277: {  	s1 =	smulhi.u32 @p2 $0x97B425F, s1;
	[sflag:s2] =	ssyncadd.s32 @!p6 $0xFFFFFFF8  }
0x278: {  	s28 =	sadd.s32 $0x1, s29;
	v1 =	vld.msk @p2 [tilespmem:s24+$0x0], $0xff  }
0x279: {  	p1 =	por @p2 !p5, !p4;
	p4 =	seq.s32 s28, $0x0;
	s1 =	smul.u32 @p2 $0x1B0, s1  }
.Ltmp15:
0x27a: {  	p1 =	por !p1, !p2;
	s2 =	simm.s32 @!p3 $0x0;
	(pc) =	sbr.rel @p4 .LBB2_17-.Ltmp15, $4  }
0x27b: {  	s4 =	sshll.u32 @!p2 s21, $0x6;
	s2 =	simm.s32 @!p1 $0x20;
	s0 =	ssub.s32 @p2 s0, s1  }
0x27c: {  	s29 =	simm.s32 $0x0;
	s2 =	sadd.s32 @!p3 $0x0, s2;
	s5 =	sshll.u32 @p2 s0, $0x4  }
0x27d: {  	s30 =	sshra.s32 @!p2 s4, $0x2;
	s1 =	simm.s32 @p2 $0x1;
	s2 =	smov.u32 @p3 s25;
	[tilespmem:s5+$0x28] =	vst.msk @p2 $0xff, v1  }
0x27e: {  	s21 =	smov.u32 @p2 s0;
	s29 =	smov.u32 @p2 s2;
	s25 =	smov.u32 @p2 s1;
	v1 =	vld.msk @!p2 [tilespmem:s24+$0x0], $0xff  }
.LBB2_16:
0x27f: {  	_ =	sdelay $0x3  }
0x280: {  	s22 =	sadd.s32 $0x1, s22;
	[tilespmem:s30+$0x28] =	vst.add.f32.msk @!p2 $0xff, v1  }
0x281: {  	v1 =	vld.msk [tilespmem:s22+$0x0], $0x1;
	_ =	sdelay $0x4  }
0x282: {  	(v2sf) =	vpush v1, $0x0;
	_ =	sdelay $0xe  }
0x283: {  	s0 =	smov.u32 s26;
	s26 =	spop (v2sf)  }
0x284: {  	p2 =	sne.s32 s0, s26  }
0x285: {  	p5 =	sne.s32 @p2 s0, s23  }
0x286: {  	s4 =	sshll.u32 @!p2 s21, $0x6;
	p4 =	por !p5, !p2  }
0x287: {  	s30 =	sshra.s32 @!p2 s4, $0x2;
	s4 =	sshll.u32 @!p4 s25, $0x6  }
0x288: {  	s4 =	sshra.s32 @!p4 s4, $0x2  }
0x289: {  	p1 =	sgt.u32 @!p4 s0, $0x270FF;
	v1 =	vld.msk @!p4 [tilespmem:s4+$0x1B38], $0xff  }
0x28a: {  	s31 =	sshll.u32 @!p4 s21, $0x6;
	p6 =	por @p2 p1, !p5;
	p1 =	por @p2 !p1, !p5  }
0x28b: {  	s8 =	simm.s32 @!p4 $0x0;
	s31 =	sshra.s32 @!p4 s31, $0x2;
	p1 =	por !p1, !p2  }
0x28c: {  	p5 =	por p5, !p2;
	s8 =	simm.s32 @!p1 $0x20;
	p1 =	por p6, !p2  }
0x28d: {  	s4 =	sadd.s32 @!p4 $0x28, s31;
	s13 =	sshll.u32 @!p5 s21, $0x6;
	s10 =	sand.u32 @!p1 $0x3FFF8, s0  }
0x28e: {  	s13 =	sshra.s32 @!p5 s13, $0x2;
	s0 =	sand.u32 @!p1 $0x7, s0;
	s10 =	sadd.s32 @!p1 s3, s10;
	[tilespmem:s31+$0x28] =	vst.add.f32.msk @!p4 $0xff, v1  }
0x28f: {  	[hbm4b:s10+s0] =	stream.linear.scatter @!p1 [tilespmem:s4], [sflag:$0xC], $0x8, $0x38;
	[tilespmem:$0x1F0F8] =	vst v63  }
0x290: {  	s1 =	rddreg [dreg:$0x4];
	s0 =	sadd.s32 @!p5 $0x28, s13;
	s4 =	simm.s32 @!p5 $0x1  }
0x291: {  	[spmem:s1] =	stream.linear.scatter @!p5 [tilespmem:s0], [sflag:$0x1], $0x8, $0x38;
	[tilespmem:$0x1F0F8] =	vst v63  }
0x292: {  	s2 =	sadd.s32 @p2 $0x1, s21;
	_ =	swait.ge @!p5 [sflag:s4], $0x8  }
0x293: {  	s5 =	sshrl.u32 @p2 s2, $0x4;
	[sflag:s4] =	ssyncset.done @!p5 $0x0  }
0x294: {  	s24 =	sadd.s32 $0x80, s24;
	s5 =	smulhi.u32 @p2 $0x97B425F, s5;
	[sflag:s4] =	ssyncadd.s32 @!p5 $0xFFFFFFF8  }
0x295: {  	s28 =	sadd.s32 $0x1, s28;
	v1 =	vld.msk @p2 [tilespmem:s24+$0x0], $0xff  }
0x296: {  	p3 =	seq.s32 s28, $0x0;
	s5 =	smul.u32 @p2 $0x1B0, s5  }
.Ltmp16:
0x297: {  	_ = 	snop;
	(pc) =	sbr.rel @!p3 .LBB2_16-.Ltmp16, $4  }
0x298: {  	s2 =	ssub.s32 @p2 s2, s5  }
0x299: {  	s8 =	sadd.s32 @!p4 s8, s29;
	s5 =	sshll.u32 @p2 s2, $0x4  }
0x29a: {  	s9 =	sadd.s32 @p2 $0x1, s25;
	s8 =	smov.u32 @p4 s29;
	[tilespmem:s5+$0x28] =	vst.msk @p2 $0xff, v1  }
0x29b: {  	s25 =	smov.u32 @p2 s9;
	s21 =	smov.u32 @p2 s2;
	s29 =	smov.u32 @p2 s8;
	v1 =	vld.msk @!p2 [tilespmem:s24+$0x0], $0xff  }
.LBB2_17:
.Ltmp17:
0x29c: {  	_ = 	snop;
	(pc) =	sbr.rel .LBB2_19-.Ltmp17, $3  }
0x29d: {  	s1 =	sld [smem:$0x7FD];
	_ =	sdelay $0x1  }
0x29e: {  	s0 =	sshrl.u32 s29, $0x2;
	s28 =	smov.u32 s26  }
0x29f: {  	s4 =	smov.u32 s6;
	s6 =	rddreg [dreg:$0x6];
	p4 =	seq.s32 s1, $0x1;
	[tilespmem:s30+$0x28] =	vst.add.f32.msk @!p2 $0xff, v1  }
.LBB2_21:
0x2a0: {  	_ =	sfence.sel $0x180000  }
0x2a1: {  	s0 =	simm.s32 $0x9;
	[bflag:$0x0] =	sbarrier.arrive $0xFFFF  }
0x2a2: {  	s24 =	simm.s32 $0xA;
	[sflag:s0] =	ssyncpa.u1 $0x1  }
0x2a3: {  	s25 =	simm.s32 $0xB;
	[sflag:s24] =	ssyncpa.u1 $0x1  }
0x2a4: {  	s26 =	simm.s32 $0x2;
	[sflag:s25] =	ssyncpa.u1 $0x1  }
0x2a5: {  	[sflag:s26] =	ssyncpa.u1 $0x1  }
0x2a6: {  	v0 =	vld [tilespmem:$0x3648];
	_ =	sdelay $0x4  }
0x2a7: {  	(v2sf) =	vpush v0, $0x0  }
0x2a8: {  	(v2sf) =	vpush v0, $0x1;
	_ =	sdelay $0x1  }
0x2a9: {  	(v2sf) =	vpush v0, $0x2;
	_ =	sdelay $0xb  }
0x2aa: {  	s0 =	spop (v2sf)  }
0x2ab: {  	s1 =	spop (v2sf)  }
0x2ac: {  	s2 =	smov.u32 s0;
	p0 =	sne.s32 s0, s1  }
0x2ad: {  	s4 =	spop (v2sf);
	s2 =	simm.s32 @!p0 $0xFFFFFFFF  }
0x2ae: {  	v2 =	vimm.s32 $0x1;
	v3 =	vlaneseq.u32;
	p0 =	seq.s32 s4, $0xFFFFFFFF;
	v1 =	vmov s2  }
0x2af: {  	s16 =	stileid.u32;
	v0 =	vperm.xlane v0, v2;
	p1 =	sne.s32 @!p0 s0, s1;
	v1 =	vperm.xlane v1, v3  }
0x2b0: {  	vm0 =	vcmask $0x3F04;
	s6 =	simm.s32 $0x3648;
	s0 =	simm.s32 @!p0 $0x1;
	p1 =	por !p1, p0  }
0x2b1: {  	s2 =	sshll.u32 s16, $0x1;
	s1 =	sshll.u32 @!p0 s4, $0x6;
	s0 =	simm.s32 @p1 $0x0;
	v0 =	vsel vm0, v1, v0  }
0x2b2: {  	s5 =	sor.u32 $0x200, s2;
	s1 =	sshra.s32 @!p0 s1, $0x2;
	s0 =	sor.u32 @!p0 s0, s2;
	[tilespmem:$0x3648] =	vst v0  }
0x2b3: {  	[spmem:s5] =	stream.linear.scatter [tilespmem:s6], [sflag:$0x1], $0x2, $0x38;
	[tilespmem:$0x1F0F8] =	vst v63  }
0x2b4: {  	s1 =	sadd.s32 @!p0 $0x28, s1;
	s0 =	sshll.u32 @!p0 s0, $0x4  }
0x2b5: {  	[spmem:s0] =	stream.linear.scatter @!p0 [tilespmem:s1], [sflag:$0x1], $0x10, $0x38;
	[tilespmem:$0x1F0F8] =	vst v63  }
0x2b6: {  	s0 =	simm.s32 @!p0 $0x12  }
0x2b7: {  	s28 =	simm.s32 $0x1;
	s0 =	simm.s32 @p0 $0x2  }
0x2b8: {  	_ =	swait.ge [sflag:s28], s0  }
0x2b9: {  	s0 =	ssub.s32 $0x0, s0;
	[sflag:s28] =	ssyncset.done $0x0  }
0x2ba: {  	p0 =	sne.s32 s16, $0x0;
	[sflag:s28] =	ssyncadd.s32 s0  }
.Ltmp18:
0x2bb: {  	_ =	sfence.stream.spmem;
	(pc) =	sbr.rel @p0 .LBB2_38-.Ltmp18, $4  }
0x2bc: {  	s29 =	simm.s32 $0x3;
	[bflag:$0x0] =	sbarrier.arrive $0xFFFF  }
0x2bd: {  	s30 =	simm.s32 $0x4;
	[sflag:s29] =	ssyncpa.u1 $0x1  }
0x2be: {  	s31 =	simm.s32 $0x3C;
	[sflag:s30] =	ssyncpa.u1 $0x1  }
0x2bf: {  	s17 =	rddreg [dreg:$0x5];
	[sflag:s31] =	ssyncpa.u1 $0x1  }
0x2c0: {  	_ =	sfence.stream.spmem;
	s0 =	simm.s32 $0x5  }
0x2c1: {  	s1 =	simm.s32 $0x200;
	s2 =	simm.s32 $0x3658;
	[sflag:s0] =	ssyncpa.u1 $0x0  }
0x2c2: {  	[tilespmem:s2], [sflag:$0x5] =	stream.linear.gather [spmem:s1], $0x20, $0x38;
	[tilespmem:$0x1F0F8] =	vst v63  }
0x2c3: {  	s26 =	simm.s32 $0x0;
	s28 =	simm.s32 $0x3678  }
0x2c4: {  	[tilespmem:s28], [sflag:$0x5] =	stream.linear.gather [spmem:s26], $0x200, $0x38;
	[tilespmem:$0x1F0F8] =	vst v63  }
0x2c5: {  	_ =	swait.ge [sflag:s0], $0x220  }
0x2c6: {  	[sflag:s0] =	ssyncset.done $0x0  }
0x2c7: {  	s29 =	simm.s32 $0x0;
	[sflag:s0] =	ssyncadd.s32 $0xFFFFFDE0  }
0x2c8: {  	v0 =	vld.msk [tilespmem:s29+$0x3658], $0x1;
	_ =	sdelay $0x1  }
0x2c9: {  	s30 =	simm.s32 $0x1  }
0x2ca: {  	v1 =	vld.msk [tilespmem:s30+$0x3658], $0x1;
	_ =	sdelay $0x1  }
0x2cb: {  	(v2sf) =	vpush v0, $0x0;
	_ =	sdelay $0x2  }
0x2cc: {  	(v2sf) =	vpush v1, $0x0;
	_ =	sdelay $0x2  }
0x2cd: {  	s31 =	simm.s32 $0x2  }
0x2ce: {  	v0 =	vld.msk [tilespmem:s31+$0x3658], $0x1;
	_ =	sdelay $0x2  }
0x2cf: {  	s6 =	simm.s32 $0xFFFFFFFF;
	s1 =	simm.s32 $0xFFFFFFFF;
	s0 =	simm.s32 $0xC  }
.LBB2_23:
0x2d0: {  	s2 =	smov.u32 s6;
	s4 =	smov.u32 s1  }
0x2d1: {  	s1 =	sshra.s32 s0, $0x2;
	p1 =	sne.s32 s0, $0x7C;
	s0 =	sadd.s32 $0x4, s0;
	(v2sf) =	vpush v0, $0x0  }
0x2d2: {  	v0 =	vld.msk [tilespmem:s1+$0x3658], $0x1  }
.Ltmp19:
0x2d3: {  	(pc) =	sbr.rel @p1 .LBB2_23-.Ltmp19, $4  }
0x2d4: {  	s6 =	spop (v2sf)  }
0x2d5: {  	p2 =	sne.s32 s4, $0xFFFFFFFF;
	s1 =	smov.u32 s6  }
0x2d6: {  	p3 =	seq.s32 s6, $0xFFFFFFFF;
	s1 =	smov.u32 @p2 s4  }
0x2d7: {  	s6 =	smov.u32 @p3 s2;
	s1 =	smov.u32 @p3 s4  }
0x2d8: {  	(v2sf) =	vpush v0, $0x0;
	_ =	sdelay $0x8  }
0x2d9: {  	s0 =	spop (v2sf)  }
0x2da: {  	p1 =	sne.s32 s1, $0xFFFFFFFF;
	s2 =	smov.u32 s0  }
0x2db: {  	s9 =	simm.s32 $0x6;
	p2 =	seq.s32 s0, $0xFFFFFFFF;
	s2 =	smov.u32 @p1 s1  }
0x2dc: {  	s10 =	simm.s32 $0x3638;
	s2 =	smov.u32 @p2 s1;
	s1 =	spop (v2sf)  }
0x2dd: {  	s0 =	smov.u32 @p2 s6;
	p1 =	sne.s32 s2, $0xFFFFFFFF;
	s4 =	smov.u32 s1  }
.Ltmp20:
0x2de: {  	p2 =	seq.s32 s1, $0xFFFFFFFF;
	s4 =	smov.u32 @p1 s2;
	(pc) =	sbr.rel .LBB2_25-.Ltmp20, $4  }
0x2df: {  	s11 =	simm.s32 $0x0;
	s4 =	smov.u32 @p2 s2;
	s7 =	spop (v2sf)  }
0x2e0: {  	[sflag:s9] =	ssyncpa.u1 $0x0;
	p1 =	sne.s32 s4, $0xFFFFFFFF;
	s8 =	smov.u32 s7  }
0x2e1: {  	s1 =	smov.u32 @p2 s0;
	p2 =	seq.s32 s7, $0xFFFFFFFF;
	s8 =	smov.u32 @p1 s4  }
0x2e2: {  	s6 =	simm.s32 $0x0;
	s7 =	smov.u32 @p2 s1;
	s8 =	smov.u32 @p2 s4  }
.LBB2_30:
0x2e3: {  	p1 =	sgt.u32 s12, $0x270FF  }
0x2e4: {  	p2 =	seq.s32 @!p1 s12, s8  }
0x2e5: {  	p1 =	por p1, p2  }
0x2e6: {  	p2 =	sne.s32 @!p1 s12, s7  }
0x2e7: {  	p1 =	por p1, !p2  }
0x2e8: {  	s0 =	sshll.u32 @p1 s11, $0x6  }
0x2e9: {  	s0 =	sand.u32 @!p1 $0x3FFF8, s12  }
0x2ea: {  	s1 =	sand.u32 @!p1 $0x7, s12;
	s0 =	sadd.s32 @!p1 s3, s0  }
0x2eb: {  	[tilespmem:s10], [sflag:$0x6] =	stream.linear.gather @!p1 [hbm4b:s0+s1], $0x8, $0x38;
	[tilespmem:$0x1F0F8] =	vst v63  }
0x2ec: {  	_ =	swait.ge @!p1 [sflag:s9], $0x8  }
0x2ed: {  	[sflag:s9] =	ssyncset.done @!p1 $0x0  }
0x2ee: {  	[sflag:s9] =	ssyncadd.s32 @!p1 $0xFFFFFFF8  }
0x2ef: {  	v1 =	vld @!p1 [tilespmem:$0x3638];
	_ =	sdelay $0x2  }
0x2f0: {  	s0 =	sshll.u32 @!p1 s11, $0x6  }
0x2f1: {  	s1 =	sshrl.u32 @!p1 s0, $0x2  }
0x2f2: {  	[tilespmem:s1+$0x3678] =	vst.add.f32.msk @!p1 $0xffff, v1  }
0x2f3: {  	s0 =	sshrl.u32 s0, $0x2;
	[tilespmem:s6+$0x3658] =	vst.msk $0x1, v0  }
0x2f4: {  	v0 =	vld [tilespmem:s0+$0x3678];
	_ =	sdelay $0x2  }
0x2f5: {  	s31 =	sshll.u32 s6, $0x6  }
0x2f6: {  	s0 =	sshra.s32 s31, $0x2  }
0x2f7: {  	s6 =	sadd.s32 $0x1, s6;
	[tilespmem:s0+$0x3678] =	vst v0  }
.LBB2_32:
0x2f8: {  	s11 =	sadd.s32 $0x1, s11  }
0x2f9: {  	p1 =	sne.s32 s11, $0x20  }
.Ltmp21:
0x2fa: {  	_ = 	snop;
	(pc) =	sbr.rel @!p1 .LBB2_33-.Ltmp21, $1  }
0x2fb: {  	_ =	sdelay $0x3  }
.LBB2_25:
0x2fc: {  	v0 =	vld.msk [tilespmem:s11+$0x3658], $0x1;
	_ =	sdelay $0x4  }
0x2fd: {  	(v2sf) =	vpush v0, $0x0;
	_ =	sdelay $0xe  }
0x2fe: {  	s12 =	spop (v2sf)  }
0x2ff: {  	p1 =	seq.s32 s12, $0xFFFFFFFF  }
.Ltmp22:
0x300: {  	_ = 	snop;
	(pc) =	sbr.rel @p1 .LBB2_32-.Ltmp22, $1  }
0x301: {  	_ =	sdelay $0x3  }
0x302: {  	p1 =	slt.s32 s6, $0x1  }
.Ltmp23:
0x303: {  	_ = 	snop;
	(pc) =	sbr.rel @p1 .LBB2_30-.Ltmp23, $1  }
0x304: {  	_ =	sdelay $0x3  }
0x305: {  	s13 =	simm.s32 $0x3658;
	p1 =	por $0x0, $0x0  }
0x306: {  	v1 =	vld.msk @!p1 [tilespmem:s13+$0x0], $0x1;
	_ =	sdelay $0x4  }
0x307: {  	(v2sf) =	vpush @!p1 v1, $0x0;
	_ =	sdelay $0xd  }
0x308: {  	p3 =	sne.s32 s6, $0x1  }
.Ltmp24:
0x309: {  	s0 =	spop @!p1 (v2sf);
	(pc) =	sbr.rel @!p3 .LBB2_29-.Ltmp24, $4  }
0x30a: {  	p2 =	seq.s32 @!p1 s12, s0  }
0x30b: {  	s14 =	simm.s32 $0x0;
	p2 =	por !p2, p1  }
0x30c: {  	s0 =	simm.s32 $0xFFFFFFFF;
	s14 =	simm.s32 @p2 $0xFFFFFFFF  }
0x30d: {  	s15 =	simm.s32 $0x1;
	s14 =	smov.u32 @p1 s0  }
.LBB2_28:
0x30e: {  	s0 =	smov.u32 s14;
	p1 =	sne.s32 s14, $0xFFFFFFFF  }
0x30f: {  	s13 =	sadd.s32 $0x1, s13;
	s14 =	smov.u32 s15;
	s15 =	sadd.s32 $0x1, s15  }
0x310: {  	p2 =	sne.s32 s6, s15;
	v1 =	vld.msk @!p1 [tilespmem:s13+$0x0], $0x1;
	_ =	sdelay $0x4  }
0x311: {  	(v2sf) =	vpush @!p1 v1, $0x0;
	_ =	sdelay $0xe  }
.Ltmp25:
0x312: {  	s1 =	spop @!p1 (v2sf);
	(pc) =	sbr.rel @p2 .LBB2_28-.Ltmp25, $4  }
0x313: {  	p3 =	seq.s32 @!p1 s12, s1  }
0x314: {  	p3 =	por !p3, p1  }
0x315: {  	s14 =	simm.s32 @p3 $0xFFFFFFFF  }
0x316: {  	s14 =	smov.u32 @p1 s0  }
.LBB2_29:
0x317: {  	p1 =	sne.s32 s14, $0xFFFFFFFF  }
.Ltmp26:
0x318: {  	_ = 	snop;
	(pc) =	sbr.rel @!p1 .LBB2_30-.Ltmp26, $1  }
0x319: {  	_ =	sdelay $0x3  }
0x31a: {  	s0 =	sshll.u32 s11, $0x4  }
0x31b: {  	s0 =	sand.u32 $0x3FFFFFF0, s0  }
0x31c: {  	v0 =	vld [tilespmem:s0+$0x3678]  }
.Ltmp27:
0x31d: {  	_ = 	snop;
	(pc) =	sbr.rel .LBB2_32-.Ltmp27, $4  }
0x31e: {  	_ = 	snop  }
0x31f: {  	s31 =	sshll.u32 s14, $0x6  }
0x320: {  	s0 =	sshra.s32 s31, $0x2  }
0x321: {  	[tilespmem:s0+$0x3678] =	vst.add.f32.msk $0xffff, v0  }
.LBB2_33:
0x322: {  	s0 =	simm.s32 $0x6;
	p1 =	seq.s32 s6, $0x0  }
0x323: {  	[sflag:s0] =	ssyncpa.u1 $0x1;
	v0 =	vimm.s32 @p1 $0xFFFFFFFF  }
0x324: {  	s9 =	sadd.s32 $0xFFFFFFFF, s6;
	[tilespmem:$0x3878] =	vst @p1 v0  }
0x325: {  	v0 =	vld.msk @!p1 [tilespmem:s9+$0x3658], $0x1;
	_ =	sdelay $0x1  }
0x326: {  	v1 =	vld.msk @!p1 [tilespmem:$0x3658], $0x1;
	_ =	sdelay $0x2  }
0x327: {  	p2 =	seq.s32 @!p1 s9, $0x0;
	v0 =	vbroadcast @!p1 v0, $0x0  }
0x328: {  	vm0 =	vmmov @!p1 $0x1;
	p2 =	por !p2, p1  }
0x329: {  	v1 =	vnsel @!p1 vm0, $0xFFFFFFFF, v1;
	vm0 =	vcmask @!p1 $0x308;
	v0 =	vpsel !p2, $0xFFFFFFFF, v0  }
0x32a: {  	p2 =	sne.s32 @!p1 s8, s7;
	v0 =	vsel @!p1 vm0, v1, v0  }
0x32b: {  	s0 =	simm.s32 @!p1 $0x3678;
	s1 =	simm.s32 @!p1 $0x0;
	p3 =	por !p2, p1;
	[tilespmem:$0x3878] =	vst @!p1 v0  }
0x32c: {  	[spmem:s1] =	stream.linear.scatter @!p1 [tilespmem:s0], [sflag:$0x1], $0x10, $0x38;
	[tilespmem:$0x1F0F8] =	vst v63  }
0x32d: {  	s0 =	sshll.u32 @!p3 s9, $0x6  }
0x32e: {  	s0 =	sshra.s32 @!p3 s0, $0x2  }
0x32f: {  	s1 =	simm.s32 @!p3 $0x10;
	s0 =	sadd.s32 @!p3 $0x3678, s0  }
0x330: {  	[spmem:s1] =	stream.linear.scatter @!p3 [tilespmem:s0], [sflag:$0x1], $0x10, $0x38;
	[tilespmem:$0x1F0F8] =	vst v63  }
0x331: {  	s0 =	simm.s32 @!p3 $0x1  }
0x332: {  	_ =	swait.ge @!p3 [sflag:s0], $0x20  }
0x333: {  	p1 =	por p2, p1;
	[sflag:s0] =	ssyncset.done @!p3 $0x0  }
0x334: {  	[sflag:s0] =	ssyncadd.s32 @!p3 $0xFFFFFFE0;
	s0 =	simm.s32 @!p1 $0x1  }
0x335: {  	_ =	swait.ge @!p1 [sflag:s0], $0x10  }
0x336: {  	s29 =	simm.s32 $0x3878;
	[sflag:s0] =	ssyncset.done @!p1 $0x0  }
0x337: {  	s30 =	simm.s32 $0x200;
	s31 =	simm.s32 $0x1;
	[sflag:s0] =	ssyncadd.s32 @!p1 $0xFFFFFFF0  }
0x338: {  	[spmem:s30] =	stream.linear.scatter [tilespmem:s29], [sflag:$0x1], $0x10, $0x38;
	[tilespmem:$0x1F0F8] =	vst v63  }
0x339: {  	_ =	swait.ge [sflag:s31], $0x10  }
0x33a: {  	[sflag:s31] =	ssyncset.done $0x0  }
0x33b: {  	p1 =	seq.s32 s17, $0x0;
	s8 =	rddreg [dreg:$0x1];
	[sflag:s31] =	ssyncadd.s32 $0xFFFFFFF0  }
0x33c: {  	s1 =	sshll.u32 @p1 s8, $0xE;
	s7 =	rddreg [dreg:$0x2]  }
0x33d: {  	s0 =	sadd.s32 @p1 $0x15C3C, s1;
	s1 =	sshll.u32 @p1 s7, $0x11  }
0x33e: {  	_ =	sfence.stream.spmem;
	s0 =	sor.u32 @p1 s1, s0  }
0x33f: {  	[sflag:s0] =	ssyncadd.remote.s32 @p1 $0x1;
	s0 =	simm.s32 @p1 $0x4  }
0x340: {  	s2 =	simm.s32 @!p1 $0x3C;
	s1 =	sand.u32 $0xFFFFFFFE, s8;
	_ =	swait.ge @p1 [sflag:s0], $0x6  }
0x341: {  	s4 =	simm.s32 @!p1 $0x0;
	s1 =	sadd.s32 @!p1 $0x4, s1;
	[sflag:s0] =	ssyncset.done @p1 $0x0  }
0x342: {  	s5 =	simm.s32 @!p1 $0x20;
	[sflag:s0] =	ssyncadd.s32 @p1 $0xFFFFFFFA;
	s0 =	sshll.u32 @!p1 s1, $0x1A  }
0x343: {  	s1 =	sshll.u32 @!p1 s1, $0xD;
	s0 =	sor.u32 @!p1 s0, s7;
	_ =	swait.eq @!p1 [sflag:s2], $0x1  }
0x344: {  	s1 =	sor.u32 @!p1 $0x1C04, s1;
	s2 =	simm.s32 @!p1 $0x1C03;
	s0 =	sor.u32 @!p1 $0x80004000, s0  }
0x345: {  	[spmem:s5], [sflag:s1] =	dma.general @!p1 [spmem:s4], [sflag:s2], length:$0x4, [dreg:$0x0], stride_count:$0x0, ici_dest:s0, dma_misc:DstOpCode:WRITE  }
0x346: {  	p2 =	slt.s32 s9, $0x2;
	s4 =	simm.s32 @!p1 $0x40;
	s5 =	simm.s32 @!p1 $0x42  }
0x347: {  	[spmem:s5], [sflag:s1] =	dma.general @!p1 [spmem:s4], [sflag:s2], length:$0x2, [dreg:$0x0], stride_count:$0x0, ici_dest:s0, dma_misc:DstOpCode:WRITE  }
.Ltmp28:
0x348: {  	s0 =	simm.s32 @!p1 $0x3;
	(pc) =	sbr.rel @p2 .LBB2_37-.Ltmp28, $4  }
0x349: {  	s1 =	sshll.u32 @!p1 s8, $0xE;
	_ =	swait.ge @!p1 [sflag:s0], $0x6  }
0x34a: {  	s2 =	sshll.u32 @!p1 s7, $0x11;
	s1 =	sadd.s32 @!p1 $0x11C3C, s1;
	[sflag:s0] =	ssyncset.done @!p1 $0x0  }
0x34b: {  	[sflag:s0] =	ssyncadd.s32 @!p1 $0xFFFFFFFA;
	s0 =	sor.u32 @!p1 s2, s1  }
0x34c: {  	[sflag:s0] =	ssyncadd.remote.s32 @!p1 $0xFFFFFFFF;
	s0 =	simm.s32 $0x0  }
0x34d: {  	s0 =	simm.s32 $0x3659  }
0x34e: {  	v0 =	vld.msk [tilespmem:s0+$0x0], $0x1;
	_ =	sdelay $0x4  }
0x34f: {  	(v2sf) =	vpush v0, $0x0;
	_ =	sdelay $0xd  }
0x350: {  	s2 =	sadd.s32 $0xFFFFFFFE, s6  }
0x351: {  	s2 =	sadd.s32 $0xFFFFFFFF, s2;
	s0 =	spop (v2sf)  }
0x352: {  	p2 =	sne.s32 s2, $0x0;
	p1 =	sgt.u32 s0, $0x270FF  }
.Ltmp29:
0x353: {  	s4 =	sand.u32 @!p1 $0x3FFF8, s0;
	(pc) =	sbr.rel @!p2 .LBB2_36-.Ltmp29, $4  }
0x354: {  	s1 =	simm.s32 $0x3688;
	s0 =	sand.u32 @!p1 $0x7, s0;
	s4 =	sadd.s32 @!p1 s3, s4  }
0x355: {  	[hbm4b:s4+s0] =	stream.linear.scatter @!p1 [tilespmem:s1], [sflag:$0x5], $0x8, $0x38;
	[tilespmem:$0x1F0F8] =	vst v63  }
0x356: {  	s0 =	simm.s32 $0x0  }
0x357: {  	s6 =	simm.s32 $0x0;
	s7 =	simm.s32 $0x365A;
	s0 =	simm.s32 @!p1 $0x20  }
.LBB2_35:
0x358: {  	v0 =	vld.msk [tilespmem:s7+$0x0], $0x1;
	s2 =	sadd.s32 $0xFFFFFFFF, s2;
	s6 =	sadd.s32 s6, s0  }
0x359: {  	p1 =	sne.s32 s2, $0x0;
	_ =	sdelay $0x3  }
0x35a: {  	(v2sf) =	vpush v0, $0x0;
	_ =	sdelay $0xe  }
.Ltmp30:
0x35b: {  	s4 =	spop (v2sf);
	(pc) =	sbr.rel @p1 .LBB2_35-.Ltmp30, $4  }
0x35c: {  	s0 =	simm.s32 $0x0;
	p2 =	sgt.u32 s4, $0x270FF  }
0x35d: {  	s1 =	sadd.s32 $0x10, s1;
	s0 =	simm.s32 @!p2 $0x20;
	s5 =	sand.u32 @!p2 $0x3FFF8, s4  }
0x35e: {  	s7 =	sadd.s32 $0x1, s7;
	s4 =	sand.u32 @!p2 $0x7, s4;
	s5 =	sadd.s32 @!p2 s3, s5  }
0x35f: {  	[hbm4b:s5+s4] =	stream.linear.scatter @!p2 [tilespmem:s1], [sflag:$0x5], $0x8, $0x38;
	[tilespmem:$0x1F0F8] =	vst v63  }
.LBB2_36:
0x360: {  	s0 =	sadd.s32 s6, s0  }
0x361: {  	s0 =	sshrl.u32 s0, $0x2  }
.LBB2_37:
0x362: {  	s1 =	simm.s32 $0x5  }
0x363: {  	_ =	swait.ge [sflag:s1], s0  }
0x364: {  	s31 =	ssub.s32 $0x0, s0;
	[sflag:s1] =	ssyncset.done $0x0  }
0x365: {  	[sflag:s1] =	ssyncadd.s32 s31  }
0x366: {  	[sflag:s1] =	ssyncpa.u1 $0x1  }
.LBB2_38:
0x367: {  	s0 =	sor.u32 s17, s16  }
0x368: {  	p1 =	sne.s32 s0, $0x0  }
.Ltmp31:
0x369: {  	_ = 	snop;
	(pc) =	sbr.rel @p1 .LBB2_53-.Ltmp31, $3  }
0x36a: {  	_ =	sdelay $0x1  }
0x36b: {  	[bflag:$0x0] =	sbarrier.arrive $0xFFFF  }
0x36c: {  	_ =	sfence  }
0x36d: {  	s0 =	simm.s32 $0x7  }
0x36e: {  	s1 =	simm.s32 $0x200;
	s2 =	simm.s32 $0x3658;
	[sflag:s0] =	ssyncpa.u1 $0x0  }
0x36f: {  	[tilespmem:s2], [sflag:$0x7] =	stream.linear.gather [spmem:s1], $0x20, $0x38;
	[tilespmem:$0x1F0F8] =	vst v63  }
0x370: {  	s30 =	simm.s32 $0x3678;
	s1 =	simm.s32 $0x0  }
0x371: {  	[tilespmem:s30], [sflag:$0x7] =	stream.linear.gather [spmem:s1], $0x200, $0x38;
	[tilespmem:$0x1F0F8] =	vst v63  }
.Ltmp32:
0x372: {  	_ = 	snop;
	(pc) =	sbr.rel .LBB2_40-.Ltmp32, $4  }
0x373: {  	_ =	swait.ge [sflag:s0], $0x220  }
0x374: {  	[sflag:s0] =	ssyncset.done $0x0  }
0x375: {  	s31 =	simm.s32 $0x8;
	[sflag:s0] =	ssyncadd.s32 $0xFFFFFDE0  }
0x376: {  	s2 =	simm.s32 $0x0;
	[sflag:s31] =	ssyncpa.u1 $0x0  }
.LBB2_45:
0x377: {  	p1 =	slt.u32 s4, $0x27100  }
0x378: {  	s0 =	sand.u32 @p1 $0x3FFF8, s4  }
0x379: {  	s4 =	sand.u32 @p1 $0x7, s4;
	s5 =	simm.s32 @p1 $0x3638;
	s0 =	sadd.s32 @p1 s3, s0  }
0x37a: {  	[tilespmem:s5], [sflag:$0x8] =	stream.linear.gather @p1 [hbm4b:s0+s4], $0x8, $0x38;
	[tilespmem:$0x1F0F8] =	vst v63  }
0x37b: {  	s0 =	simm.s32 @p1 $0x8  }
0x37c: {  	_ =	swait.ge @p1 [sflag:s0], $0x8  }
0x37d: {  	[sflag:s0] =	ssyncset.done @p1 $0x0  }
0x37e: {  	[sflag:s0] =	ssyncadd.s32 @p1 $0xFFFFFFF8  }
0x37f: {  	v1 =	vld @p1 [tilespmem:$0x3638];
	_ =	sdelay $0x2  }
0x380: {  	s0 =	sshll.u32 @p1 s2, $0x6  }
0x381: {  	s5 =	sshll.u32 @!p1 s2, $0x6;
	s4 =	sshrl.u32 @p1 s0, $0x2  }
0x382: {  	s5 =	smov.u32 @p1 s0;
	[tilespmem:s4+$0x3678] =	vst.add.f32.msk @p1 $0xffff, v1  }
0x383: {  	s0 =	sshrl.u32 s5, $0x2;
	[tilespmem:s1+$0x3658] =	vst.msk $0x1, v0  }
0x384: {  	v0 =	vld [tilespmem:s0+$0x3678];
	_ =	sdelay $0x2  }
0x385: {  	s31 =	sshll.u32 s1, $0x6  }
0x386: {  	s0 =	sshra.s32 s31, $0x2  }
0x387: {  	s1 =	sadd.s32 $0x1, s1;
	[tilespmem:s0+$0x3678] =	vst v0  }
.LBB2_47:
0x388: {  	s2 =	sadd.s32 $0x1, s2  }
0x389: {  	p1 =	sne.s32 s2, $0x20  }
.Ltmp33:
0x38a: {  	_ = 	snop;
	(pc) =	sbr.rel @!p1 .LBB2_48-.Ltmp33, $1  }
0x38b: {  	_ =	sdelay $0x3  }
.LBB2_40:
0x38c: {  	v0 =	vld.msk [tilespmem:s2+$0x3658], $0x1;
	_ =	sdelay $0x4  }
0x38d: {  	(v2sf) =	vpush v0, $0x0;
	_ =	sdelay $0xe  }
0x38e: {  	s4 =	spop (v2sf)  }
0x38f: {  	p1 =	seq.s32 s4, $0xFFFFFFFF  }
.Ltmp34:
0x390: {  	_ = 	snop;
	(pc) =	sbr.rel @p1 .LBB2_47-.Ltmp34, $1  }
0x391: {  	_ =	sdelay $0x3  }
0x392: {  	p1 =	slt.s32 s1, $0x1  }
.Ltmp35:
0x393: {  	_ = 	snop;
	(pc) =	sbr.rel @p1 .LBB2_45-.Ltmp35, $1  }
0x394: {  	_ =	sdelay $0x3  }
0x395: {  	s5 =	simm.s32 $0x3658;
	p1 =	por $0x0, $0x0  }
0x396: {  	v1 =	vld.msk @!p1 [tilespmem:s5+$0x0], $0x1;
	_ =	sdelay $0x4  }
0x397: {  	(v2sf) =	vpush @!p1 v1, $0x0;
	_ =	sdelay $0xd  }
0x398: {  	p3 =	sne.s32 s1, $0x1  }
.Ltmp36:
0x399: {  	s0 =	spop @!p1 (v2sf);
	(pc) =	sbr.rel @!p3 .LBB2_44-.Ltmp36, $4  }
0x39a: {  	p2 =	seq.s32 @!p1 s4, s0  }
0x39b: {  	s6 =	simm.s32 $0x0;
	p2 =	por !p2, p1  }
0x39c: {  	s0 =	simm.s32 $0xFFFFFFFF;
	s6 =	simm.s32 @p2 $0xFFFFFFFF  }
0x39d: {  	s7 =	simm.s32 $0x1;
	s6 =	smov.u32 @p1 s0  }
.LBB2_43:
0x39e: {  	s0 =	smov.u32 s6;
	p1 =	sne.s32 s6, $0xFFFFFFFF  }
0x39f: {  	s5 =	sadd.s32 $0x1, s5;
	s6 =	smov.u32 s7;
	s7 =	sadd.s32 $0x1, s7  }
0x3a0: {  	p2 =	sne.s32 s1, s7;
	v1 =	vld.msk @!p1 [tilespmem:s5+$0x0], $0x1;
	_ =	sdelay $0x4  }
0x3a1: {  	(v2sf) =	vpush @!p1 v1, $0x0;
	_ =	sdelay $0xe  }
.Ltmp37:
0x3a2: {  	s8 =	spop @!p1 (v2sf);
	(pc) =	sbr.rel @p2 .LBB2_43-.Ltmp37, $4  }
0x3a3: {  	p3 =	seq.s32 @!p1 s4, s8  }
0x3a4: {  	p3 =	por !p3, p1  }
0x3a5: {  	s6 =	simm.s32 @p3 $0xFFFFFFFF  }
0x3a6: {  	s6 =	smov.u32 @p1 s0  }
.LBB2_44:
0x3a7: {  	p1 =	sne.s32 s6, $0xFFFFFFFF  }
.Ltmp38:
0x3a8: {  	_ = 	snop;
	(pc) =	sbr.rel @!p1 .LBB2_45-.Ltmp38, $1  }
0x3a9: {  	_ =	sdelay $0x3  }
0x3aa: {  	s0 =	sshll.u32 s2, $0x4  }
0x3ab: {  	s0 =	sand.u32 $0x3FFFFFF0, s0  }
0x3ac: {  	v0 =	vld [tilespmem:s0+$0x3678]  }
.Ltmp39:
0x3ad: {  	_ = 	snop;
	(pc) =	sbr.rel .LBB2_47-.Ltmp39, $4  }
0x3ae: {  	_ = 	snop  }
0x3af: {  	s31 =	sshll.u32 s6, $0x6  }
0x3b0: {  	s0 =	sshra.s32 s31, $0x2  }
0x3b1: {  	[tilespmem:s0+$0x3678] =	vst.add.f32.msk $0xffff, v0  }
.LBB2_48:
0x3b2: {  	p1 =	slt.s32 s1, $0x1  }
.Ltmp40:
0x3b3: {  	_ = 	snop;
	(pc) =	sbr.rel @p1 .LBB2_52-.Ltmp40, $3  }
0x3b4: {  	_ =	sdelay $0x1  }
0x3b5: {  	s0 =	simm.s32 $0x8  }
0x3b6: {  	s2 =	simm.s32 $0x0;
	[sflag:s0] =	ssyncpa.u1 $0x1  }
0x3b7: {  	s0 =	simm.s32 $0x3658  }
0x3b8: {  	v0 =	vld.msk [tilespmem:s0+$0x0], $0x1;
	_ =	sdelay $0x4  }
0x3b9: {  	(v2sf) =	vpush v0, $0x0;
	_ =	sdelay $0xe  }
0x3ba: {  	s1 =	sadd.s32 $0xFFFFFFFF, s1;
	s0 =	spop (v2sf)  }
0x3bb: {  	p2 =	sne.s32 s1, $0x0;
	p1 =	sgt.u32 s0, $0x270FF  }
.Ltmp41:
0x3bc: {  	s5 =	sand.u32 @!p1 $0x3FFF8, s0;
	(pc) =	sbr.rel @!p2 .LBB2_51-.Ltmp41, $4  }
0x3bd: {  	s4 =	simm.s32 $0x3678;
	s0 =	sand.u32 @!p1 $0x7, s0;
	s5 =	sadd.s32 @!p1 s3, s5  }
0x3be: {  	[hbm4b:s5+s0] =	stream.linear.scatter @!p1 [tilespmem:s4], [sflag:$0x7], $0x8, $0x38;
	[tilespmem:$0x1F0F8] =	vst v63  }
0x3bf: {  	s0 =	simm.s32 $0x0  }
0x3c0: {  	s5 =	simm.s32 $0x3659;
	s0 =	simm.s32 @!p1 $0x20  }
.LBB2_50:
0x3c1: {  	v0 =	vld.msk [tilespmem:s5+$0x0], $0x1;
	s1 =	sadd.s32 $0xFFFFFFFF, s1;
	s2 =	sadd.s32 s2, s0  }
0x3c2: {  	p1 =	sne.s32 s1, $0x0;
	_ =	sdelay $0x3  }
0x3c3: {  	(v2sf) =	vpush v0, $0x0;
	_ =	sdelay $0xe  }
.Ltmp42:
0x3c4: {  	s6 =	spop (v2sf);
	(pc) =	sbr.rel @p1 .LBB2_50-.Ltmp42, $4  }
0x3c5: {  	s0 =	simm.s32 $0x0;
	p2 =	sgt.u32 s6, $0x270FF  }
0x3c6: {  	s4 =	sadd.s32 $0x10, s4;
	s0 =	simm.s32 @!p2 $0x20;
	s7 =	sand.u32 @!p2 $0x3FFF8, s6  }
0x3c7: {  	s5 =	sadd.s32 $0x1, s5;
	s6 =	sand.u32 @!p2 $0x7, s6;
	s7 =	sadd.s32 @!p2 s3, s7  }
0x3c8: {  	[hbm4b:s7+s6] =	stream.linear.scatter @!p2 [tilespmem:s4], [sflag:$0x7], $0x8, $0x38;
	[tilespmem:$0x1F0F8] =	vst v63  }
.LBB2_51:
0x3c9: {  	s0 =	sadd.s32 s2, s0  }
0x3ca: {  	s2 =	sshrl.u32 s0, $0x2  }
.LBB2_52:
0x3cb: {  	s0 =	simm.s32 $0x7  }
0x3cc: {  	_ =	swait.ge [sflag:s0], s2  }
0x3cd: {  	s1 =	ssub.s32 $0x0, s2;
	[sflag:s0] =	ssyncset.done $0x0  }
0x3ce: {  	[sflag:s0] =	ssyncadd.s32 s1  }
0x3cf: {  	[sflag:s0] =	ssyncpa.u1 $0x1  }
.LBB2_53:
0x3d0: {  	_ =	sfence;
	s0 =	simm.s32 $0x1  }
0x3d1: {  	[sflag:s0] =	ssyncpa.u1 $0x1  }
0x3d2: {  	_ =	strace $0x9000004D  }
0x3d3: {  	[bflag:$0x2] =	sbarrier.arrive $0xFFFF  }
0x3d4: {  	s0 =	rddreg [dreg:$0x3]  }
0x3d5: {  	s0 =	sadd.s32 @!p0 $0x100000, s0  }
0x3d6: {  	[sflag:s0] =	ssyncadd.tile.s32 @!p0 $0x1;
	_ =	shalt  }
.Lfunc_end2:
_tile_overlayer_lowered:
.L_overlay_start_2:
0x3d7: {  	(tag) =	ssettag $0x2  }
0x3d8: {  	s0 =	rddreg [dreg:$0x0];
	s2 =	stileid.u32  }
0x3d9: {  	s1 =	rddreg [dreg:$0x1];
	p0 =	sne.s32 s2, $0x0  }
0x3da: {  	s3 =	rddreg [dreg:$0x2];
	[bflag:$0x3] =	sbarrier.arrive $0xFFFF;
	s2 =	simm.s32 @!p0 $0x1C01  }
0x3db: {  	[timem:s3], [sflag:s2] =	dma.local @!p0 [hbm:s0], s1  }
0x3dc: {  	s0 =	simm.s32 @!p0 $0x1  }
0x3dd: {  	_ =	swait.ge @!p0 [sflag:s0], s1  }
0x3de: {  	s1 =	ssub.s32 @!p0 $0x0, s1;
	[sflag:s0] =	ssyncset.done @!p0 $0x0  }
0x3df: {  	[sflag:s0] =	ssyncadd.s32 @!p0 s1  }
0x3e0: {  	[bflag:$0x3] =	sbarrier.arrive $0xFFFF  }
0x3e1: {  	_ =	shalt  }

// kernel: scatter_offload_async_start
scs
__scs_entry_jumppad:
0x0: {  	(pc) =	sbr.rel $0x88, $3  }
0x1: {  	(tag) =	ssettag $0x0;
	lr =	simm.s32 $0x1  }
0x2: {  	[smem:$0x3F97] =	sst lr;
	_ =	strace $0xD0000000  }
0x3: {  	_ = 	snop  }
0x4: {  	_ = 	snop  }
0x5: {  	_ = 	snop  }
0x6: {  	_ = 	snop  }
0x7: {  	_ = 	snop  }
__scs_overlays_trampoline_lowered:
0x8: {  	[smem:$0x3FA6] =	sst s0  }
0x9: {  	[smem:$0x3FA7] =	sst s1  }
0xa: {  	[smem:$0x3FA8] =	sst s2  }
0xb: {  	[smem:$0x3FA9] =	sst s3  }
0xc: {  	[smem:$0x3FAA] =	sst s4  }
0xd: {  	[smem:$0x3FAB] =	sst s5  }
0xe: {  	[smem:$0x3FAC] =	sst s6  }
0xf: {  	[smem:$0x3FAD] =	sst s7  }
0x10: {  	[smem:$0x3FAE] =	sst s8  }
0x11: {  	[smem:$0x3FAF] =	sst s9;
	s0 =	simm.s32 @!p0 $0x0  }
0x12: {  	s1 =	sld [smem:$0x3F95];
	s0 =	simm.s32 @p0 $0x1  }
0x13: {  	[smem:$0x3FB0] =	sst s0;
	s0 =	simm.s32 @!p1 $0x0  }
0x14: {  	s2 =	sld [smem:$0x3F94];
	s0 =	simm.s32 @p1 $0x1  }
0x15: {  	[smem:$0x3FB1] =	sst s0;
	s0 =	simm.s32 @!p2 $0x0  }
0x16: {  	s3 =	sld [smem:$0x3FDB];
	s0 =	simm.s32 @p2 $0x1  }
0x17: {  	s4 =	simm.s32 $0x1BF5;
	[smem:$0x3FB3] =	sst s0  }
0x18: {  	s0 =	sld [smem:$0x3F96];
	_ =	swait.ge [sflag:s4], $0x0  }
0x19: {  	s7 =	sld [smem:$0x3F97]  }
0x1a: {  	s8 =	sadd.s32 $0xFFFFE003, lr  }
0x1b: {  	s9 =	sadd.s32 $0xFFFFFEF7, lr;
	s5 =	simm.s32 $0xFFFFFFFF;
	p2 =	slt.u32 s8, $0xFFFFF086  }
0x1c: {  	p1 =	slt.u32 s9, $0xF7A;
	s5 =	simm.s32 @!p2 $0x0  }
0x1d: {  	s5 =	simm.s32 @p1 $0x1;
	p0 =	seq.s32 s7, s2  }
0x1e: {  	s7 =	smul.u32 @!p0 $0xF7A, s2;
	p2 =	seq.s32 @!p0 s5, $0x0  }
0x1f: {  	s9 =	smul.u32 $0xF7A, s1;
	s8 =	simm.s32 @!p0 $0x1BF5;
	p2 =	por !p2, p0  }
0x20: {  	[sflag:s8] =	ssyncset.s32 @!p0 $0xFFFFF086;
	s6 =	sadd.s32 @!p0 s3, s7;
	s7 =	simm.s32 @!p0 $0x108  }
0x21: {  	s3 =	sadd.s32 s3, s9;
	s6 =	sadd.s32 @!p0 $0x88, s6;
	s7 =	simm.s32 @p2 $0x1082  }
0x22: {  	[simem:s7], [sflag:s8] =	dma.local @!p0 [hbm:s6], $0xF7A  }
0x23: {  	s9 =	sor.u32 $0xD0000000, s2;
	s6 =	simm.s32 $0x108;
	_ =	swait.ge @!p0 [sflag:s8], $0x0  }
0x24: {  	s3 =	sadd.s32 $0x88, s3;
	s6 =	simm.s32 @!p1 $0x1082;
	[sflag:s4] =	ssyncset.s32 $0xFFFFF086  }
0x25: {  	[simem:s6], [sflag:s4] =	dma.local [hbm:s3], $0xF7A  }
0x26: {  	[smem:$0x3F97] =	sst s1;
	(tag) =	ssettag s2;
	_ =	strace s9  }
0x27: {  	s1 =	sld [smem:$0x3FA7]  }
0x28: {  	s2 =	sld [smem:$0x3FA8]  }
0x29: {  	s4 =	sld [smem:$0x3FAA]  }
0x2a: {  	p0 =	seq.s32 s5, $0x0;
	s5 =	sld [smem:$0x3FAB]  }
0x2b: {  	s6 =	sld [smem:$0x3FAC]  }
0x2c: {  	s7 =	sld [smem:$0x3FAD]  }
0x2d: {  	s3 =	simm.s32 $0x108;
	s8 =	sld [smem:$0x3FAE]  }
0x2e: {  	s3 =	simm.s32 @!p0 $0x1082;
	s9 =	sld [smem:$0x3FAF]  }
0x2f: {  	lr =	sadd.s32 s0, s3;
	s0 =	sld [smem:$0x3FA6]  }
0x30: {  	s3 =	sld [smem:$0x3FA9]  }
0x31: {  	[smem:$0x3FB2] =	sst s10  }
0x32: {  	s10 =	sld [smem:$0x3FB0];
	_ =	sdelay $0x3  }
0x33: {  	p0 =	seq.s32 s10, $0x1;
	s10 =	sld [smem:$0x3FB2];
	_ =	sdelay $0x3  }
0x34: {  	[smem:$0x3FB2] =	sst s10  }
0x35: {  	s10 =	sld [smem:$0x3FB1];
	_ =	sdelay $0x3  }
0x36: {  	p1 =	seq.s32 s10, $0x1;
	s10 =	sld [smem:$0x3FB2];
	_ =	sdelay $0x3  }
0x37: {  	[smem:$0x3FB2] =	sst s10  }
0x38: {  	s10 =	sld [smem:$0x3FB3]  }
0x39: {  	_ = 	snop;
	(pc) =	sbr.ind lr, $3  }
0x3a: {  	_ = 	snop  }
0x3b: {  	_ = 	snop  }
0x3c: {  	p2 =	seq.s32 s10, $0x1;
	s10 =	sld [smem:$0x3FB2]  }
0x3d: {  	_ =	shalt  }
0x3e: {  	_ =	shalt  }
0x3f: {  	_ =	shalt  }
0x40: {  	_ =	shalt  }
0x41: {  	_ =	shalt  }
0x42: {  	_ =	shalt  }
0x43: {  	_ =	shalt  }
0x44: {  	_ =	shalt  }
0x45: {  	_ =	shalt  }
0x46: {  	_ =	shalt  }
0x47: {  	_ =	shalt  }
0x48: {  	_ =	shalt  }
0x49: {  	_ =	shalt  }
0x4a: {  	_ =	shalt  }
0x4b: {  	_ =	shalt  }
0x4c: {  	_ =	shalt  }
0x4d: {  	_ =	shalt  }
0x4e: {  	_ =	shalt  }
0x4f: {  	_ =	shalt  }
0x50: {  	_ =	shalt  }
0x51: {  	_ =	shalt  }
0x52: {  	_ =	shalt  }
0x53: {  	_ =	shalt  }
0x54: {  	_ =	shalt  }
0x55: {  	_ =	shalt  }
0x56: {  	_ =	shalt  }
0x57: {  	_ =	shalt  }
0x58: {  	_ =	shalt  }
0x59: {  	_ =	shalt  }
0x5a: {  	_ =	shalt  }
0x5b: {  	_ =	shalt  }
0x5c: {  	_ =	shalt  }
0x5d: {  	_ =	shalt  }
0x5e: {  	_ =	shalt  }
0x5f: {  	_ =	shalt  }
0x60: {  	_ =	shalt  }
0x61: {  	_ =	shalt  }
0x62: {  	_ =	shalt  }
0x63: {  	_ =	shalt  }
0x64: {  	_ =	shalt  }
0x65: {  	_ =	shalt  }
0x66: {  	_ =	shalt  }
0x67: {  	_ =	shalt  }
0x68: {  	_ =	shalt  }
0x69: {  	_ =	shalt  }
0x6a: {  	_ =	shalt  }
0x6b: {  	_ =	shalt  }
0x6c: {  	_ =	shalt  }
0x6d: {  	_ =	shalt  }
0x6e: {  	_ =	shalt  }
0x6f: {  	_ =	shalt  }
0x70: {  	_ =	shalt  }
0x71: {  	_ =	shalt  }
0x72: {  	_ =	shalt  }
0x73: {  	_ =	shalt  }
0x74: {  	_ =	shalt  }
0x75: {  	_ =	shalt  }
0x76: {  	_ =	shalt  }
0x77: {  	_ =	shalt  }
0x78: {  	_ =	shalt  }
0x79: {  	_ =	shalt  }
0x7a: {  	_ =	shalt  }
0x7b: {  	_ =	shalt  }
0x7c: {  	_ =	shalt  }
0x7d: {  	_ =	shalt  }
0x7e: {  	_ =	shalt  }
0x7f: {  	_ =	shalt  }
0x80: {  	_ =	shalt  }
0x81: {  	_ =	shalt  }
0x82: {  	_ =	shalt  }
0x83: {  	_ =	shalt  }
0x84: {  	_ =	shalt  }
0x85: {  	_ =	shalt  }
0x86: {  	_ =	shalt  }
0x87: {  	_ =	shalt  }
.Lfunc_end0:
.L_simem_size_0:
called_computation_lowered:
.L_overlay_start_0:
0x88: {  	s2 =	sld [smem:$0x3FD9]  }
0x89: {  	s3 =	sld [smem:$0x3FFE];
	_ =	sdelay $0x1  }
0x8a: {  	s1 =	srdreg.scid  }
0x8b: {  	s0 =	sand.u32 $0x1, s1  }
0x8c: {  	s17 =	sshll.u32 s0, $0xA;
	s2 =	sadd.s32 s3, s2  }
0x8d: {  	s2 =	sadd.s32 s2, s17  }
0x8e: {  	[smem:$0x3FBE] =	sst s2  }
0x8f: {  	_ = 	snop  }
0x90: {  	s18 =	sld [smem:$0x3FD0];
	(tm) =	ssettm $0x1  }
0x91: {  	s19 =	sld [smem:$0x3FFB];
	_ =	sdelay $0x3  }
0x92: {  	_ =	strace s19  }
0x93: {  	s2 =	sld [smem:$0x3FFC];
	_ =	sdelay $0x3  }
0x94: {  	_ =	strace s2  }
0x95: {  	s2 =	sld [smem:$0x3FFD];
	_ =	sdelay $0x3  }
0x96: {  	_ =	strace s2  }
0x97: {  	_ =	strace $0x8FFFFFFF  }
0x98: {  	s20 =	sld [smem:$0x3FDB];
	_ =	sdelay $0x1  }
0x99: {  	s4 =	simm.s32 $_scs_section_size  }
0x9a: {  	s5 =	simm.s32 $_size__tile_overlayer_lowered;
	s6 =	simm.s32 $_tile_overlayer_lowered  }
0x9b: {  	s7 =	simm.s32 $0x1BFF;
	s21 =	sshll.u32 s6, $0x1;
	s4 =	sadd.s32 s4, s20  }
0x9c: {  	s22 =	simm.s32 $0x0;
	s5 =	sshll.u32 s5, $0x1;
	s6 =	sadd.s32 s21, s4  }
0x9d: {  	[timem:s22], [sflag:s7] =	dma.local [hbm:s6], s5  }
0x9e: {  	_ =	swait.ge [sflag:s7], s5  }
0x9f: {  	s5 =	ssub.s32 $0x0, s5;
	[sflag:s7] =	ssyncset.done $0x0  }
0xa0: {  	[sflag:s7] =	ssyncadd.s32 s5;
	_ =	sdelay $0x1  }
0xa1: {  	s23 =	simm.s32 $0x1B8B  }
0xa2: {  	_ =	swait.ge [sflag:s23], $0x1  }
0xa3: {  	[sflag:s23] =	ssyncset.done $0x0  }
0xa4: {  	[sflag:s23] =	ssyncadd.s32 $0xFFFFFFFF  }
0xa5: {  	s5 =	sld [smem:$0x0]  }
0xa6: {  	s6 =	sand.u32 $0xFFFFFFFE, s1  }
0xa7: {  	p0 =	sne.s32 s1, s6  }
0xa8: {  	s6 =	sshll.u32 @p0 s6, $0xE  }
0xa9: {  	s6 =	sadd.s32 @p0 $0x11B8D, s6;
	s7 =	sshll.u32 @p0 s5, $0x11  }
0xaa: {  	s6 =	sor.u32 @p0 s7, s6  }
0xab: {  	[sflag:s6] =	ssyncadd.remote.s32 @p0 $0x1;
	_ =	sdelay $0x1  }
0xac: {  	s6 =	simm.s32 @p0 $0x1B8D  }
0xad: {  	_ =	swait.eq @p0 [sflag:s6], $0x1  }
0xae: {  	[sflag:s6] =	ssyncadd.s32 @p0 $0xFFFFFFFF  }
0xaf: {  	s7 =	sshll.u32 @!p0 s1, $0xE  }
0xb0: {  	s7 =	sor.u32 @!p0 $0x4000, s7;
	s6 =	simm.s32 @!p0 $0x1B8D  }
0xb1: {  	s8 =	sshll.u32 @!p0 s5, $0x11;
	s7 =	sadd.s32 @!p0 $0x11B8D, s7;
	_ =	swait.eq @!p0 [sflag:s6], $0x1  }
0xb2: {  	[sflag:s6] =	ssyncadd.s32 @!p0 $0xFFFFFFFF;
	s6 =	sor.u32 @!p0 s8, s7  }
0xb3: {  	s25 =	simm.s32 $0x1B8E;
	s24 =	sld [smem:$0x3FFE];
	[sflag:s6] =	ssyncadd.remote.s32 @!p0 $0x1  }
0xb4: {  	s26 =	simm.s32 $execute0_lowered;
	[smem:$0x3FD2] =	sst s25  }
0xb5: {  	s7 =	sshll.u32 s26, $0x1;
	_ =	strace $0x8000004F;
	[dreg:$0x1] =	wrdreg $0xFFFFFFFF  }
0xb6: {  	s28 =	simm.s32 $_size_execute0_lowered;
	s4 =	sadd.s32 s4, s7;
	[dreg:$0x0] =	wrdreg $0x0  }
0xb7: {  	s7 =	sshll.u32 s28, $0x1;
	[dreg:$0x2] =	wrdreg s4  }
0xb8: {  	[dreg:$0x3] =	wrdreg s7  }
0xb9: {  	[dreg:$0x4] =	wrdreg $0xC0  }
0xba: {  	_ =	task [dreg:s22], $0x5FFFF  }
0xbb: {  	[dreg:$0x1] =	wrdreg $0xFFFFFFFF  }
0xbc: {  	[dreg:$0x0] =	wrdreg $0x60  }
0xbd: {  	[dreg:$0x2] =	wrdreg s18  }
0xbe: {  	[dreg:$0x3] =	wrdreg s24  }
0xbf: {  	[dreg:$0x4] =	wrdreg s1  }
0xc0: {  	[dreg:$0x5] =	wrdreg s5  }
0xc1: {  	[dreg:$0x6] =	wrdreg $0xA  }
0xc2: {  	_ =	task.clear_ibuf [dreg:s22], $0x7FFFF;
	_ =	strace $0x9000004F  }
0xc3: {  	s29 =	simm.s32 $0xA;
	_ =	strace $0x80000051  }
0xc4: {  	_ =	swait.ge [sflag:s29], $0x1  }
0xc5: {  	[sflag:s29] =	ssyncadd.s32 $0xFFFFFFFF  }
0xc6: {  	_ =	strace $0x90000051  }
0xc7: {  	_ =	sfence  }
0xc8: {  	s30 =	sld [smem:$0x0];
	_ =	sdelay $0x2  }
0xc9: {  	s31 =	sshll.u32 s1, $0xD;
	s1 =	sshrl.u32 s1, $0x2  }
0xca: {  	s4 =	sand.u32 $0x4000, s31;
	s1 =	sadd.s32 s1, s30  }
0xcb: {  	s0 =	sor.u32 s4, s0;
	s1 =	sshll.u32 s1, $0x11  }
0xcc: {  	s0 =	sor.u32 s1, s0  }
0xcd: {  	s0 =	sadd.s32 $0x8F2B, s0  }
0xce: {  	[sflag:s0] =	ssyncadd.remote.s32 $0x1  }
0xcf: {  	_ =	sfence.sel $0xFFFF  }
0xd0: {  	[dreg:$0x0] =	wrdreg $0xFFFFFFFF;
	(pc) =	sbr.abs _section_cstart, $3  }
0xd1: {  	[dreg:$0x1] =	wrdreg $0xFFFFFFFF  }
0xd2: {  	_ =	task.clear_ibuf [dreg:s22], $0x2FFFF;
	_ =	strace $0x9FFFFFFF  }
0xd3: {  	(tm) =	ssettm $0x7FFFFFFF  }
tec
execute0_lowered:
.L_overlay_start_1:
0x0: {  	(tag) =	ssettag $0x1  }
0x1: {  	s1 =	rddreg [dreg:$0x0]  }
0x2: {  	s2 =	rddreg [dreg:$0x1]  }
0x3: {  	s3 =	rddreg [dreg:$0x2];
	_ =	strace $0x80000050;
	s0 =	simm.s32 $0x1  }
0x4: {  	s5 =	simm.s32 $0x208;
	v0 =	vimm.s32 $0x0;
	[sflag:s0] =	ssyncpa.u1 $0x0  }
0x5: {  	[tilespmem:s5+$0x70] =	vst v0  }
0x6: {  	[tilespmem:s5+$0x60] =	vst v0  }
0x7: {  	[tilespmem:s5+$0x50] =	vst v0  }
0x8: {  	[tilespmem:s5+$0x40] =	vst v0  }
0x9: {  	[tilespmem:s5+$0x30] =	vst v0  }
0xa: {  	s0 =	sadd.s32 $0x800, s2;
	s6 =	sadd.s32 $0xF30000, s2;
	[tilespmem:s5+$0x20] =	vst v0  }
0xb: {  	s4 =	sadd.s32 $0x5800, s2;
	s10 =	sand.u32 $0x1, s3;
	s2 =	simm.s32 $0x40;
	[tilespmem:s5+$0x10] =	vst v0  }
.LBB2_1:
0xc: {  	s2 =	sadd.s32 $0x40, s2;
	[tilespmem:s5+$0x0] =	vst v0;
	s5 =	sadd.s32 $0x80, s5  }
0xd: {  	p0 =	slt.u32 s2, $0x3880;
	[tilespmem:s5+$0x70] =	vst v0  }
0xe: {  	[tilespmem:s5+$0x60] =	vst v0  }
.Ltmp0:
0xf: {  	[tilespmem:s5+$0x50] =	vst v0;
	(pc) =	sbr.rel @p0 .LBB2_1-.Ltmp0, $4  }
0x10: {  	[tilespmem:s5+$0x40] =	vst v0  }
0x11: {  	[tilespmem:s5+$0x30] =	vst v0  }
0x12: {  	[tilespmem:s5+$0x20] =	vst v0  }
0x13: {  	[tilespmem:s5+$0x10] =	vst v0  }
0x14: {  	s11 =	stileid.u32  }
0x15: {  	s2 =	smul.u32 $0x2C, s11  }
0x16: {  	s3 =	smin.u32 s11, $0xB  }
0x17: {  	s2 =	sadd.s32 s3, s2  }
0x18: {  	p0 =	slt.u32 s11, $0xB;
	s20 =	smul.u32 $0x70, s2;
	s2 =	simm.s32 $0x13B0  }
0x19: {  	s2 =	simm.s32 @!p0 $0x1340  }
0x1a: {  	s2 =	sadd.s32 s2, s20  }
0x1b: {  	s8 =	smin.u32 s2, $0x13880  }
0x1c: {  	s26 =	simm.s32 $0x2;
	s2 =	ssub.s32 s8, s20  }
0x1d: {  	s9 =	simm.s32 $0x9;
	s29 =	simm.s32 $0xA;
	p0 =	sgt.s32 s2, $0x0  }
0x1e: {  	s30 =	simm.s32 $0xB;
	s31 =	smul.u32 $0x2710, s10;
	s2 =	simm.s32 @!p0 $0x0  }
0x1f: {  	[dreg:$0x5] =	wrdreg s10;
	s12 =	simm.s32 $0x1;
	s25 =	smulhi.u32 $0x92492493, s2  }
0x20: {  	s24 =	simm.s32 $0x0;
	p1 =	por $0x0, $0x0;
	s18 =	simm.s32 $0x80  }
0x21: {  	s19 =	simm.s32 $0x400;
	s17 =	simm.s32 $0xC;
	s3 =	sshrl.u32 s25, $0x6  }
0x22: {  	s21 =	simm.s32 $0x0;
	s23 =	simm.s32 $0x0;
	s28 =	smul.u32 $0x70, s3  }
.Ltmp1:
0x23: {  	[tilespmem:s5+$0x0] =	vst v0;
	v0 =	vimm.s32 $0xFFFFFFFF;
	[sflag:s26] =	ssyncpa.u1 $0x0;
	s16 =	sshll.u32 s11, $0x9;
	(pc) =	sbr.rel .LBB2_3-.Ltmp1, $4  }
0x24: {  	[tilespmem:$0xE408] =	vst v0;
	[sflag:s9] =	ssyncpa.u1 $0x0;
	p0 =	sne.s32 s2, s28;
	s2 =	simm.s32 $0x1  }
0x25: {  	s14 =	sadd.s32 s31, s4;
	[sflag:s29] =	ssyncpa.u1 $0x0;
	s2 =	simm.s32 @!p0 $0x0  }
0x26: {  	s15 =	sadd.s32 s31, s0;
	[sflag:s30] =	ssyncpa.u1 $0x0;
	s13 =	sadd.s32 s2, s3  }
0x27: {  	v0 =	vlaneseq.u32;
	s22 =	smov.u32 s20;
	p0 =	por $0x1, $0x1;
	s11 =	sadd.s32 $0x1, s13  }
.LBB2_24:
0x28: {  	s2 =	sshrl.u32 s4, $0x2  }
.LBB2_26:
0x29: {  	_ =	swait.ge [sflag:s17], s2  }
0x2a: {  	s31 =	ssub.s32 $0x0, s2;
	v1 =	vmov s26;
	vm0 =	veq.s32 v0, $0x0;
	[sflag:s17] =	ssyncset.done $0x0  }
0x2b: {  	vm15 =	veq.s32 v0, $0x2;
	v1 =	vsel vm0, s0, v1;
	[sflag:s17] =	ssyncadd.s32 s31  }
0x2c: {  	v1 =	vsel vm15, s24, v1;
	[sflag:s17] =	ssyncpa.u1 $0x1  }
0x2d: {  	[tilespmem:$0xE408] =	vst v1  }
.LBB2_27:
0x2e: {  	s0 =	sadd.s32 $0x70, s22  }
0x2f: {  	s2 =	smov.u32 s20;
	p2 =	slt.s32 s0, s8  }
0x30: {  	s2 =	smov.u32 @p2 s0;
	p2 =	sne.s32 s23, s11  }
.Ltmp2:
0x31: {  	_ = 	snop;
	(pc) =	sbr.rel @!p2 .LBB2_28-.Ltmp2, $4  }
0x32: {  	_ = 	snop  }
0x33: {  	s24 =	smov.u32 s21  }
0x34: {  	s31 =	sadd.s32 $0x1, s23;
	s21 =	smov.u32 s22;
	p0 =	por !p0, !p0  }
0x35: {  	p1 =	por !p1, !p1;
	s23 =	smov.u32 s31;
	s22 =	smov.u32 s2  }
.LBB2_3:
0x36: {  	p2 =	sge.u32 s23, s13  }
0x37: {  	s0 =	smulhi.u32 @!p2 $0xAAAAAAAB, s23  }
0x38: {  	s2 =	smov.u32 s22;
	p3 =	sgt.s32 @!p2 s22, $0x13810  }
0x39: {  	s3 =	sshra.s32 @!p2 s22, $0x1F;
	p3 =	por !p3, p2;
	s0 =	sshrl.u32 @!p2 s0, $0x1  }
0x3a: {  	s3 =	sand.u32 @!p2 s3, s22;
	s2 =	simm.s32 @p3 $0x13810;
	s0 =	smul.u32 @!p2 $0x3, s0  }
0x3b: {  	s2 =	ssub.s32 @!p2 s2, s3  }
0x3c: {  	s2 =	sadd.s32 @!p2 $0xFFFEC7F0, s2;
	s0 =	ssub.s32 @!p2 s23, s0  }
0x3d: {  	s3 =	sshll.u32 @!p2 s2, $0x2;
	p3 =	sgt.s32 @!p2 s2, $0x6F;
	s0 =	smul.u32 @!p2 $0x1C0, s0  }
0x3e: {  	s4 =	sand.u32 @!p2 $0x7, s22;
	s2 =	ssub.s32 @!p2 $0x1C0, s3;
	p3 =	por !p3, p2  }
0x3f: {  	s3 =	sshrl.u32 @!p2 s22, $0x3;
	s2 =	sshrl.u32 @!p2 s2, $0x2;
	s0 =	sshrl.u32 @!p2 s0, $0x2  }
0x40: {  	s3 =	sadd.s32 @!p2 s3, s14;
	s2 =	simm.s32 @!p3 $0x0;
	s0 =	sadd.s32 @!p2 $0x10448, s0  }
0x41: {  	[tilespmem:s0], [sflag:$0xA] =	stream.linear.gather @!p2 [hbm4b:s3+s4], s2, $0x38;
	[tilespmem:$0x1E678] =	vst v63  }
0x42: {  	s2 =	sadd.s32 $0xFFFFFFFF, s23  }
0x43: {  	p2 =	sge.u32 s2, s13  }
0x44: {  	p3 =	sgt.s32 @!p2 s21, $0x13810  }
0x45: {  	s0 =	smov.u32 s21;
	s3 =	sshra.s32 @!p2 s21, $0x1F;
	p3 =	por !p3, p2  }
0x46: {  	s3 =	sand.u32 @!p2 s3, s21;
	s0 =	simm.s32 @p3 $0x13810  }
0x47: {  	s0 =	ssub.s32 @!p2 s0, s3  }
0x48: {  	s0 =	sadd.s32 @!p2 $0xFFFEC7F0, s0  }
0x49: {  	s3 =	sshll.u32 @!p2 s0, $0x2  }
0x4a: {  	p3 =	sgt.s32 @!p2 s0, $0x6F;
	s0 =	ssub.s32 @!p2 $0x1C0, s3  }
0x4b: {  	p3 =	por !p3, p2;
	s0 =	sshrl.u32 @!p2 s0, $0x2  }
0x4c: {  	s4 =	simm.s32 @!p2 $0xA;
	s3 =	sand.u32 @!p2 $0x1, s2;
	s0 =	simm.s32 @!p3 $0x0  }
0x4d: {  	s3 =	smul.u32 @!p2 $0x1C0, s3;
	_ =	swait.ge @!p2 [sflag:s4], s0  }
0x4e: {  	s5 =	ssub.s32 @!p2 $0x0, s0;
	[sflag:s4] =	ssyncset.done @!p2 $0x0  }
0x4f: {  	s3 =	sshrl.u32 @!p2 s3, $0x2;
	[sflag:s4] =	ssyncadd.s32 @!p2 s5;
	s4 =	sshrl.u32 @!p2 s21, $0x3  }
0x50: {  	s3 =	sadd.s32 @!p2 $0x10598, s3;
	s5 =	sand.u32 @!p2 $0x7, s21;
	s4 =	sadd.s32 @!p2 s4, s15  }
0x51: {  	[tilespmem:s3], [sflag:$0xB] =	stream.linear.gather @!p2 [hbm4b:s4+s5], s0, $0x38;
	[tilespmem:$0x1E678] =	vst v63  }
0x52: {  	s0 =	ssub.s32 @!p2 $0x13880, s21  }
0x53: {  	p3 =	slt.s32 @!p2 s0, $0x1  }
0x54: {  	p3 =	por p2, p3  }
.Ltmp3:
0x55: {  	_ = 	snop;
	(pc) =	sbr.rel @p3 .LBB2_9-.Ltmp3, $1  }
0x56: {  	_ =	sdelay $0x3  }
0x57: {  	s3 =	smulhi.u32 $0xAAAAAAAB, s2;
	_ =	sdelay $0x1  }
0x58: {  	s3 =	sshrl.u32 s3, $0x1  }
0x59: {  	s3 =	smul.u32 $0x3, s3;
	_ =	sdelay $0x1  }
0x5a: {  	s30 =	ssub.s32 s2, s3  }
0x5b: {  	s4 =	simm.s32 $0x1;
	s2 =	smul.u32 $0x1C0, s30  }
.Ltmp4:
0x5c: {  	s4 =	simm.s32 @!p0 $0x0;
	(pc) =	sbr.rel .LBB2_6-.Ltmp4, $4  }
0x5d: {  	s31 =	smul.u32 $0x1C000, s4  }
0x5e: {  	p3 =	slt.s32 @!p2 s0, $0x70;
	s2 =	sshrl.u32 s2, $0x2  }
0x5f: {  	p2 =	por !p3, p2;
	s3 =	sshrl.u32 s31, $0x2;
	s5 =	sadd.s32 $0x10448, s2  }
0x60: {  	s0 =	simm.s32 @p2 $0x70;
	s4 =	sor.u32 $0x10678, s3;
	s2 =	simm.s32 $0x0;
	v1 =	vmov s5  }
.LBB2_5:
0x61: {  	p2 =	sge.s32 s2, s0  }
.Ltmp5:
0x62: {  	_ = 	snop;
	(pc) =	sbr.rel @p2 .LBB2_9-.Ltmp5, $2  }
0x63: {  	_ =	sdelay $0x2  }
0x64: {  	s4 =	sadd.s32 $0x1000, s4  }
.LBB2_6:
0x65: {  	p2 =	sle.s32 s0, s2  }
.Ltmp6:
0x66: {  	_ = 	snop;
	(pc) =	sbr.rel @p2 .LBB2_5-.Ltmp6, $2  }
0x67: {  	_ =	sdelay $0x2  }
0x68: {  	s5 =	smov.u32 s2;
	s2 =	sadd.s32 $0x10, s2  }
0x69: {  	s3 =	ssub.s32 s0, s5  }
0x6a: {  	p2 =	slt.s32 s3, $0x10  }
0x6b: {  	s3 =	simm.s32 @!p2 $0x10  }
0x6c: {  	v2 =	vmov s3  }
0x6d: {  	vm0 =	vgt.s32 v2, v0;
	_ =	sdelay $0x5  }
0x6e: {  	v2 =	vld.idx.msk [tilespmem:v1+s5+$0x0 ss:$0x1], vm0;
	_ =	sdelay $0x2  }
0x6f: {  	p2 =	slt.s32 s2, s0;
	s3 =	smov.u32 s0  }
0x70: {  	s9 =	smov.u32 s4;
	s25 =	simm.s32 $0x0;
	s3 =	smov.u32 @p2 s2  }
.LBB2_8:
0x71: {  	(v2sf) =	vpush v2, s25;
	_ =	sdelay $0xe  }
0x72: {  	s25 =	sadd.s32 $0x1, s25;
	s10 =	spop (v2sf)  }
0x73: {  	s31 =	sadd.s32 s25, s5;
	s26 =	sshll.u32 s10, $0x8;
	s10 =	sshll.u32 s10, $0x7  }
0x74: {  	p2 =	slt.s32 s31, s3;
	s26 =	sand.u32 $0xFFFFF800, s26;
	s10 =	sand.u32 $0x380, s10  }
.Ltmp7:
0x75: {  	s10 =	sor.u32 s10, s26;
	(pc) =	sbr.rel @p2 .LBB2_8-.Ltmp7, $4  }
0x76: {  	s10 =	sshrl.u32 s10, $0x3  }
0x77: {  	s10 =	sadd.s32 s6, s10  }
0x78: {  	[tilespmem:s9], [sflag:$0x9] =	stream.strided.gather [hbm4b:s10+s18], $0x100, s19, s18, $0x38;
	[tilespmem:$0x1E678] =	vst v63  }
0x79: {  	s9 =	sadd.s32 $0x100, s9  }
.Ltmp8:
0x7a: {  	_ = 	snop;
	(pc) =	sbr.rel .LBB2_5-.Ltmp8, $1  }
0x7b: {  	_ =	sdelay $0x3  }
.LBB2_9:
0x7c: {  	p2 =	slt.u32 s23, $0x2  }
.Ltmp9:
0x7d: {  	_ = 	snop;
	(pc) =	sbr.rel @p2 .LBB2_27-.Ltmp9, $1  }
0x7e: {  	_ =	sdelay $0x3  }
0x7f: {  	p2 =	sgt.s32 s24, $0x13810  }
0x80: {  	s0 =	smov.u32 s24;
	s2 =	sshra.s32 s24, $0x1F;
	s3 =	ssub.s32 $0x13880, s24  }
0x81: {  	s0 =	simm.s32 @!p2 $0x13810;
	s2 =	sand.u32 s2, s24;
	p2 =	slt.s32 s3, $0x70  }
0x82: {  	s0 =	ssub.s32 s0, s2;
	s3 =	simm.s32 @!p2 $0x70  }
0x83: {  	s0 =	sadd.s32 $0xFFFEC7F0, s0;
	s9 =	sshll.u32 s3, $0x8  }
0x84: {  	s26 =	simm.s32 $0x9;
	s10 =	sshll.u32 s0, $0x2;
	s2 =	sand.u32 $0x3FFFFF00, s9  }
0x85: {  	p2 =	sgt.s32 s0, $0x6F;
	s25 =	ssub.s32 $0x1C0, s10;
	_ =	swait.ge [sflag:s26], s2  }
0x86: {  	s2 =	ssub.s32 $0x0, s2;
	[sflag:s26] =	ssyncset.done $0x0;
	s0 =	sshrl.u32 s25, $0x2  }
0x87: {  	s29 =	simm.s32 $0xB;
	[sflag:s26] =	ssyncadd.s32 s2;
	s0 =	simm.s32 @p2 $0x0  }
0x88: {  	_ =	swait.ge [sflag:s29], s0  }
0x89: {  	s0 =	ssub.s32 $0x0, s0;
	[sflag:s29] =	ssyncset.done $0x0  }
0x8a: {  	[sflag:s29] =	ssyncadd.s32 s0  }
0x8b: {  	v1 =	vld [tilespmem:$0xE408];
	_ =	sdelay $0x4  }
0x8c: {  	(v2sf) =	vpush v1, $0x0  }
0x8d: {  	(v2sf) =	vpush v1, $0x1  }
0x8e: {  	(v2sf) =	vpush v1, $0x2;
	_ =	sdelay $0x3  }
0x8f: {  	s0 =	sadd.s32 $0x70, s24  }
0x90: {  	s2 =	ssub.s32 $0x27100, s24;
	p2 =	slt.s32 s8, s0  }
0x91: {  	s0 =	smov.u32 @p2 s8;
	p2 =	sgt.s32 s2, $0x0  }
0x92: {  	s0 =	ssub.s32 s0, s24;
	s2 =	simm.s32 @!p2 $0x0  }
0x93: {  	p2 =	slt.s32 s2, s0  }
0x94: {  	s0 =	smov.u32 @p2 s2  }
0x95: {  	s4 =	simm.s32 $0x1;
	p2 =	slt.s32 s0, $0x1  }
.Ltmp10:
0x96: {  	s4 =	simm.s32 @!p1 $0x0;
	(pc) =	sbr.rel @p2 .LBB2_14-.Ltmp10, $4  }
0x97: {  	s30 =	smul.u32 $0x1C0, s4  }
0x98: {  	s5 =	spop (v2sf)  }
0x99: {  	s31 =	sshrl.u32 s30, $0x2;
	s28 =	spop (v2sf)  }
0x9a: {  	s25 =	sadd.s32 $0x10598, s31;
	s24 =	spop (v2sf)  }
0x9b: {  	s2 =	smin.u32 s0, $0x10  }
0x9c: {  	v1 =	vmov s2  }
0x9d: {  	vm1 =	vgt.u32 v1, v0  }
0x9e: {  	p3 =	sgt.s32 s0, $0x10  }
.Ltmp11:
0x9f: {  	_ = 	snop;
	(pc) =	sbr.rel @!p3 .LBB2_13-.Ltmp11, $2  }
0xa0: {  	_ =	sdelay $0x2  }
0xa1: {  	s26 =	simm.s32 $0x10;
	s29 =	sadd.s32 $0xFFFFFFF0, s0;
	s2 =	smov.u32 s25;
	vm0 =	vmmov vm1;
	v1 =	vld.msk [tilespmem:s25+$0x0 ss:$0x1], vm1  }
.LBB2_12:
0xa2: {  	s3 =	smin.u32 s29, $0x10;
	s26 =	sadd.s32 $0x10, s26  }
0xa3: {  	v2 =	vmov s3;
	p3 =	slt.s32 s26, s0  }
0xa4: {  	vm1 =	vgt.u32 v2, v0;
	_ =	sdelay $0x1  }
0xa5: {  	v2 =	vshll.u32 v1, $0x5;
	v1 =	vshll.u32 v1, $0x4  }
.Ltmp12:
0xa6: {  	v2 =	vand.u32 $0xFFFFFF00, v2;
	v1 =	vand.u32 $0x70, v1;
	(pc) =	sbr.rel @p3 .LBB2_12-.Ltmp12, $4  }
0xa7: {  	v1 =	vor.u32 v1, v2  }
0xa8: {  	[tilespmem:s2+$0x0] =	vst.msk vm0, v1;
	s2 =	sadd.s32 $0x10, s2;
	vm0 =	vmmov vm1  }
0xa9: {  	v1 =	vld.msk [tilespmem:s2+$0x0 ss:$0x1], vm1  }
0xaa: {  	s29 =	sadd.s32 $0xFFFFFFF0, s29  }
.LBB2_13:
0xab: {  	_ =	sdelay $0x3  }
0xac: {  	v2 =	vshll.u32 v1, $0x5;
	v1 =	vshll.u32 v1, $0x4  }
0xad: {  	v2 =	vand.u32 $0xFFFFFF00, v2;
	v1 =	vand.u32 $0x70, v1  }
0xae: {  	v1 =	vor.u32 v1, v2  }
0xaf: {  	[tilespmem:s2+$0x0] =	vst.msk vm0, v1  }
.LBB2_14:
0xb0: {  	s2 =	sand.u32 $0x1, s23  }
0xb1: {  	s2 =	smul.u32 $0x70, s2  }
0xb2: {  	p3 =	sne.s32 s28, $0xFFFFFFFF  }
0xb3: {  	v1 =	vld.msk @!p3 [tilespmem:s2+$0x10598], $0x1;
	_ =	sdelay $0x4  }
0xb4: {  	(v2sf) =	vpush @!p3 v1, $0x0;
	_ =	sdelay $0xc  }
.Ltmp13:
0xb5: {  	_ = 	snop;
	(pc) =	sbr.rel @p2 .LBB2_25-.Ltmp13, $4  }
0xb6: {  	_ = 	snop  }
0xb7: {  	s31 =	spop @!p3 (v2sf)  }
0xb8: {  	s24 =	simm.s32 @!p3 $0x0;
	s26 =	smov.u32 s31  }
0xb9: {  	[sflag:s17] =	ssyncpa.u1 $0x0;
	s31 =	smov.u32 @p3 s5;
	s26 =	smov.u32 @p3 s28  }
0xba: {  	v1 =	vld.msk [tilespmem:s25+$0x0], $0x1;
	_ =	sdelay $0x4  }
0xbb: {  	(v2sf) =	vpush v1, $0x0;
	_ =	sdelay $0xe  }
0xbc: {  	s7 =	smov.u32 s11;
	s5 =	spop (v2sf)  }
0xbd: {  	s17 =	smov.u32 s15;
	s2 =	smul.u32 $0x1C000, s4;
	p2 =	seq.s32 s31, s5  }
0xbe: {  	s3 =	smov.u32 s31;
	s29 =	ssub.s32 $0x0, s0;
	p3 =	sgt.s32 @!p2 s31, $0x0  }
0xbf: {  	s30 =	simm.s32 $0x0;
	s2 =	sshrl.u32 s2, $0x2;
	p3 =	por !p3, p2  }
0xc0: {  	s0 =	sadd.s32 $0x1, s29;
	s28 =	sor.u32 $0x106F8, s2;
	s3 =	simm.s32 @p3 $0x0  }
0xc1: {  	s2 =	simm.s32 @!p2 $0x1;
	p3 =	seq.s32 s0, $0x0;
	s3 =	smin.u32 @!p2 s3, $0x4E170  }
.Ltmp14:
0xc2: {  	s4 =	simm.s32 @!p2 $0x7308;
	s9 =	sand.u32 @!p2 $0x7FFF8, s3;
	(pc) =	sbr.rel @p3 .LBB2_17-.Ltmp14, $4  }
0xc3: {  	s10 =	sadd.s32 @!p2 $0x80, s3;
	s11 =	sadd.s32 @!p2 s1, s9;
	s9 =	sand.u32 @!p2 $0x7, s3  }
0xc4: {  	[tilespmem:s4], [sflag:$0x2] =	stream.linear.gather @!p2 [hbm4b:s11+s9], $0x80, $0x38;
	[tilespmem:$0x1E678] =	vst v63  }
0xc5: {  	s15 =	smov.u32 s14;
	s2 =	smov.u32 @p2 s30;
	s4 =	sand.u32 @!p2 $0xFFFF8, s10  }
0xc6: {  	s3 =	simm.s32 @!p2 $0x7388;
	s10 =	sadd.s32 @!p2 s1, s4;
	s4 =	sadd.s32 $0x1, s25  }
.LBB2_16:
0xc7: {  	s11 =	smov.u32 s2  }
0xc8: {  	[tilespmem:s3], [sflag:$0x2] =	stream.linear.gather @!p2 [hbm4b:s10+s9], $0x80, $0x38;
	[tilespmem:$0x1E678] =	vst v63  }
0xc9: {  	s0 =	sadd.s32 $0x1, s0;
	s9 =	smov.u32 s5;
	v1 =	vld.msk [tilespmem:s4+$0x0], $0x1  }
0xca: {  	p3 =	seq.s32 s0, $0x0;
	_ =	sdelay $0x3  }
0xcb: {  	(v2sf) =	vpush v1, $0x0;
	_ =	sdelay $0xe  }
0xcc: {  	s5 =	spop (v2sf)  }
0xcd: {  	p2 =	seq.s32 s9, s5  }
0xce: {  	p4 =	sgt.s32 @!p2 s9, $0x0;
	s3 =	sshll.u32 @!p2 s2, $0xA;
	s2 =	sadd.s32 @!p2 $0x1, s2  }
0xcf: {  	p4 =	por !p4, p2;
	s3 =	sshra.s32 @!p2 s3, $0x2;
	s2 =	smov.u32 @p2 s11  }
0xd0: {  	s9 =	simm.s32 @p4 $0x0;
	s10 =	sadd.s32 @!p2 $0x7308, s3;
	s3 =	sadd.s32 @!p2 $0x7388, s3  }
.Ltmp15:
0xd1: {  	s9 =	smin.u32 @!p2 s9, $0x4E170;
	(pc) =	sbr.rel @!p3 .LBB2_16-.Ltmp15, $4  }
0xd2: {  	s11 =	sand.u32 @!p2 $0x7FFF8, s9;
	s14 =	sadd.s32 @!p2 $0x80, s9  }
0xd3: {  	s9 =	sand.u32 @!p2 $0x7, s9;
	s11 =	sadd.s32 @!p2 s1, s11;
	s14 =	sand.u32 @!p2 $0xFFFF8, s14  }
0xd4: {  	[tilespmem:s10], [sflag:$0x2] =	stream.linear.gather @!p2 [hbm4b:s11+s9], $0x80, $0x38;
	[tilespmem:$0x1E678] =	vst v63  }
0xd5: {  	s4 =	sadd.s32 $0x1, s4;
	s10 =	sadd.s32 @!p2 s1, s14  }
.LBB2_17:
0xd6: {  	[tilespmem:s3], [sflag:$0x2] =	stream.linear.gather @!p2 [hbm4b:s10+s9], $0x80, $0x38;
	[tilespmem:$0x1E678] =	vst v63  }
0xd7: {  	s0 =	sshll.u32 s2, $0x8  }
.Ltmp16:
0xd8: {  	s14 =	simm.s32 $0x2;
	s0 =	sand.u32 $0x3FFFFF00, s0;
	(pc) =	sbr.rel .LBB2_18-.Ltmp16, $4  }
0xd9: {  	_ =	swait.ge [sflag:s14], s0  }
0xda: {  	s0 =	ssub.s32 $0x0, s0;
	[sflag:s14] =	ssyncset.done $0x0  }
0xdb: {  	s4 =	simm.s32 $0x0;
	s11 =	smov.u32 s7;
	[sflag:s14] =	ssyncadd.s32 s0  }
0xdc: {  	s14 =	smov.u32 s15;
	s15 =	smov.u32 s17;
	s17 =	simm.s32 $0xC  }
.LBB2_19:
0xdd: {  	v1 =	vld [tilespmem:s28+$0xFFFFFF80];
	_ =	sdelay $0x4  }
0xde: {  	[tilespmem:s5+$0x208] =	vst.add.f32.msk $0xffff, v1  }
0xdf: {  	v1 =	vld [tilespmem:s28+$0xFFFFFF90];
	_ =	sdelay $0x4  }
0xe0: {  	[tilespmem:s5+$0x218] =	vst.add.f32.msk $0xffff, v1  }
0xe1: {  	v1 =	vld [tilespmem:s28+$0xFFFFFFA0];
	_ =	sdelay $0x4  }
0xe2: {  	[tilespmem:s5+$0x228] =	vst.add.f32.msk $0xffff, v1  }
0xe3: {  	v1 =	vld [tilespmem:s28+$0xFFFFFFB0];
	_ =	sdelay $0x4  }
0xe4: {  	[tilespmem:s5+$0x238] =	vst.add.f32.msk $0xffff, v1  }
0xe5: {  	v1 =	vld [tilespmem:s28+$0xFFFFFFC0];
	_ =	sdelay $0x4  }
0xe6: {  	[tilespmem:s5+$0x248] =	vst.add.f32.msk $0xffff, v1  }
0xe7: {  	v1 =	vld [tilespmem:s28+$0xFFFFFFD0];
	_ =	sdelay $0x4  }
0xe8: {  	[tilespmem:s5+$0x258] =	vst.add.f32.msk $0xffff, v1  }
0xe9: {  	v1 =	vld [tilespmem:s28+$0xFFFFFFE0];
	_ =	sdelay $0x4  }
0xea: {  	[tilespmem:s5+$0x268] =	vst.add.f32.msk $0xffff, v1  }
0xeb: {  	v1 =	vld [tilespmem:s28+$0xFFFFFFF0];
	_ =	sdelay $0x4  }
0xec: {  	[tilespmem:s5+$0x278] =	vst.add.f32.msk $0xffff, v1  }
0xed: {  	v1 =	vld [tilespmem:s28+$0x0];
	_ =	sdelay $0x4  }
0xee: {  	[tilespmem:s5+$0x288] =	vst.add.f32.msk $0xffff, v1  }
0xef: {  	v1 =	vld [tilespmem:s28+$0x10];
	_ =	sdelay $0x4  }
0xf0: {  	[tilespmem:s5+$0x298] =	vst.add.f32.msk $0xffff, v1  }
0xf1: {  	v1 =	vld [tilespmem:s28+$0x20];
	_ =	sdelay $0x4  }
0xf2: {  	[tilespmem:s5+$0x2A8] =	vst.add.f32.msk $0xffff, v1  }
0xf3: {  	v1 =	vld [tilespmem:s28+$0x30];
	_ =	sdelay $0x4  }
0xf4: {  	[tilespmem:s5+$0x2B8] =	vst.add.f32.msk $0xffff, v1  }
0xf5: {  	v1 =	vld [tilespmem:s28+$0x40];
	_ =	sdelay $0x4  }
0xf6: {  	[tilespmem:s5+$0x2C8] =	vst.add.f32.msk $0xffff, v1  }
0xf7: {  	v1 =	vld [tilespmem:s28+$0x50];
	_ =	sdelay $0x4  }
0xf8: {  	[tilespmem:s5+$0x2D8] =	vst.add.f32.msk $0xffff, v1  }
0xf9: {  	v1 =	vld [tilespmem:s28+$0x60];
	_ =	sdelay $0x4  }
0xfa: {  	[tilespmem:s5+$0x2E8] =	vst.add.f32.msk $0xffff, v1  }
0xfb: {  	v1 =	vld [tilespmem:s28+$0x70];
	_ =	sdelay $0x4  }
0xfc: {  	[tilespmem:s5+$0x2F8] =	vst.add.f32.msk $0xffff, v1  }
.LBB2_23:
0xfd: {  	s29 =	sadd.s32 $0x1, s29  }
0xfe: {  	p2 =	seq.s32 s29, $0x0  }
.Ltmp17:
0xff: {  	_ = 	snop;
	(pc) =	sbr.rel @p2 .LBB2_24-.Ltmp17, $2  }
0x100: {  	_ =	sdelay $0x2  }
0x101: {  	s25 =	sadd.s32 $0x1, s25;
	s28 =	sadd.s32 $0x100, s28;
	s31 =	smov.u32 s0  }
.LBB2_18:
0x102: {  	v1 =	vld.msk [tilespmem:s25+$0x0], $0x1;
	_ =	sdelay $0x4  }
0x103: {  	(v2sf) =	vpush v1, $0x0;
	_ =	sdelay $0xe  }
0x104: {  	s0 =	spop (v2sf)  }
0x105: {  	p2 =	sne.s32 s31, s0  }
.Ltmp18:
0x106: {  	_ = 	snop;
	(pc) =	sbr.rel @!p2 .LBB2_19-.Ltmp18, $3  }
0x107: {  	_ =	sdelay $0x1  }
0x108: {  	s2 =	sshll.u32 s24, $0xA  }
0x109: {  	s5 =	sshra.s32 s2, $0x2  }
0x10a: {  	p2 =	seq.s32 s31, s26  }
.Ltmp19:
0x10b: {  	_ = 	snop;
	(pc) =	sbr.rel @!p2 .LBB2_21-.Ltmp19, $1  }
0x10c: {  	_ =	sdelay $0x3  }
.Ltmp20:
0x10d: {  	s2 =	sadd.s32 $0x208, s5;
	(pc) =	sbr.rel .LBB2_22-.Ltmp20, $4  }
0x10e: {  	[spmem:s16] =	stream.linear.scatter [tilespmem:s2], [sflag:$0x1], $0x100, $0x38;
	[tilespmem:$0x1E678] =	vst v63  }
0x10f: {  	_ =	swait.ge [sflag:s12], $0x100  }
0x110: {  	[sflag:s12] =	ssyncset.done $0x0  }
0x111: {  	[sflag:s12] =	ssyncadd.s32 $0xFFFFFF00  }
.LBB2_21:
0x112: {  	s2 =	sshll.u32 s30, $0xA  }
0x113: {  	s2 =	sshra.s32 s2, $0x2  }
0x114: {  	v1 =	vld [tilespmem:s2+$0x7308];
	_ =	sdelay $0x4  }
0x115: {  	[tilespmem:s5+$0x208] =	vst.add.f32.msk $0xffff, v1  }
0x116: {  	v1 =	vld [tilespmem:s2+$0x7318];
	_ =	sdelay $0x4  }
0x117: {  	[tilespmem:s5+$0x218] =	vst.add.f32.msk $0xffff, v1  }
0x118: {  	v1 =	vld [tilespmem:s2+$0x7328];
	_ =	sdelay $0x4  }
0x119: {  	[tilespmem:s5+$0x228] =	vst.add.f32.msk $0xffff, v1  }
0x11a: {  	v1 =	vld [tilespmem:s2+$0x7338];
	_ =	sdelay $0x4  }
0x11b: {  	[tilespmem:s5+$0x238] =	vst.add.f32.msk $0xffff, v1  }
0x11c: {  	v1 =	vld [tilespmem:s2+$0x7348];
	_ =	sdelay $0x4  }
0x11d: {  	[tilespmem:s5+$0x248] =	vst.add.f32.msk $0xffff, v1  }
0x11e: {  	v1 =	vld [tilespmem:s2+$0x7358];
	_ =	sdelay $0x4  }
0x11f: {  	[tilespmem:s5+$0x258] =	vst.add.f32.msk $0xffff, v1  }
0x120: {  	v1 =	vld [tilespmem:s2+$0x7368];
	_ =	sdelay $0x4  }
0x121: {  	[tilespmem:s5+$0x268] =	vst.add.f32.msk $0xffff, v1  }
0x122: {  	v1 =	vld [tilespmem:s2+$0x7378];
	_ =	sdelay $0x4  }
0x123: {  	[tilespmem:s5+$0x278] =	vst.add.f32.msk $0xffff, v1  }
0x124: {  	v1 =	vld [tilespmem:s2+$0x7388];
	_ =	sdelay $0x4  }
0x125: {  	[tilespmem:s5+$0x288] =	vst.add.f32.msk $0xffff, v1  }
0x126: {  	v1 =	vld [tilespmem:s2+$0x7398];
	_ =	sdelay $0x4  }
0x127: {  	[tilespmem:s5+$0x298] =	vst.add.f32.msk $0xffff, v1  }
0x128: {  	v1 =	vld [tilespmem:s2+$0x73A8];
	_ =	sdelay $0x4  }
0x129: {  	[tilespmem:s5+$0x2A8] =	vst.add.f32.msk $0xffff, v1  }
0x12a: {  	v1 =	vld [tilespmem:s2+$0x73B8];
	_ =	sdelay $0x4  }
0x12b: {  	[tilespmem:s5+$0x2B8] =	vst.add.f32.msk $0xffff, v1  }
0x12c: {  	v1 =	vld [tilespmem:s2+$0x73C8];
	_ =	sdelay $0x4  }
0x12d: {  	[tilespmem:s5+$0x2C8] =	vst.add.f32.msk $0xffff, v1  }
0x12e: {  	v1 =	vld [tilespmem:s2+$0x73D8];
	_ =	sdelay $0x4  }
0x12f: {  	[tilespmem:s5+$0x2D8] =	vst.add.f32.msk $0xffff, v1  }
0x130: {  	v1 =	vld [tilespmem:s2+$0x73E8];
	_ =	sdelay $0x4  }
0x131: {  	[tilespmem:s5+$0x2E8] =	vst.add.f32.msk $0xffff, v1  }
0x132: {  	v1 =	vld [tilespmem:s2+$0x73F8];
	_ =	sdelay $0x2  }
0x133: {  	p2 =	sgt.u32 s31, $0x4E170  }
0x134: {  	s2 =	sand.u32 @!p2 $0x7FFF8, s31  }
0x135: {  	s3 =	sadd.s32 $0x208, s5;
	s9 =	sand.u32 @!p2 $0x7, s31;
	s2 =	sadd.s32 @!p2 s1, s2;
	[tilespmem:s5+$0x2F8] =	vst.add.f32.msk $0xffff, v1  }
0x136: {  	[hbm4b:s2+s9] =	stream.linear.scatter @!p2 [tilespmem:s3], [sflag:$0xC], $0x80, $0x38;
	[tilespmem:$0x1E678] =	vst v63  }
0x137: {  	s2 =	sadd.s32 @!p2 $0x80, s31  }
0x138: {  	s2 =	sand.u32 @!p2 $0xFFFF8, s2  }
0x139: {  	s3 =	sadd.s32 $0x288, s5;
	s2 =	sadd.s32 @!p2 s1, s2  }
0x13a: {  	[hbm4b:s2+s9] =	stream.linear.scatter @!p2 [tilespmem:s3], [sflag:$0xC], $0x80, $0x38;
	[tilespmem:$0x1E678] =	vst v63  }
0x13b: {  	s2 =	simm.s32 $0x0  }
0x13c: {  	s2 =	simm.s32 @!p2 $0x400  }
0x13d: {  	s4 =	sadd.s32 s2, s4  }
.LBB2_22:
0x13e: {  	s2 =	sadd.s32 $0x1, s24  }
0x13f: {  	s3 =	sshrl.u32 s2, $0x4  }
0x140: {  	s3 =	smulhi.u32 $0x24924925, s3  }
0x141: {  	v1 =	vld [tilespmem:s28+$0xFFFFFF80]  }
0x142: {  	s3 =	smul.u32 $0x70, s3;
	_ =	sdelay $0x1  }
0x143: {  	s24 =	ssub.s32 s2, s3  }
0x144: {  	s2 =	sshll.u32 s24, $0x8  }
0x145: {  	[tilespmem:s2+$0x208] =	vst v1  }
0x146: {  	v1 =	vld [tilespmem:s28+$0xFFFFFF90];
	_ =	sdelay $0x4  }
0x147: {  	[tilespmem:s2+$0x218] =	vst v1  }
0x148: {  	v1 =	vld [tilespmem:s28+$0xFFFFFFA0];
	_ =	sdelay $0x4  }
0x149: {  	[tilespmem:s2+$0x228] =	vst v1  }
0x14a: {  	v1 =	vld [tilespmem:s28+$0xFFFFFFB0];
	_ =	sdelay $0x4  }
0x14b: {  	[tilespmem:s2+$0x238] =	vst v1  }
0x14c: {  	v1 =	vld [tilespmem:s28+$0xFFFFFFC0];
	_ =	sdelay $0x4  }
0x14d: {  	[tilespmem:s2+$0x248] =	vst v1  }
0x14e: {  	v1 =	vld [tilespmem:s28+$0xFFFFFFD0];
	_ =	sdelay $0x4  }
0x14f: {  	[tilespmem:s2+$0x258] =	vst v1  }
0x150: {  	v1 =	vld [tilespmem:s28+$0xFFFFFFE0];
	_ =	sdelay $0x4  }
0x151: {  	[tilespmem:s2+$0x268] =	vst v1  }
0x152: {  	v1 =	vld [tilespmem:s28+$0xFFFFFFF0];
	_ =	sdelay $0x4  }
0x153: {  	[tilespmem:s2+$0x278] =	vst v1  }
0x154: {  	v1 =	vld [tilespmem:s28+$0x0];
	_ =	sdelay $0x4  }
0x155: {  	[tilespmem:s2+$0x288] =	vst v1  }
0x156: {  	v1 =	vld [tilespmem:s28+$0x10];
	_ =	sdelay $0x4  }
0x157: {  	[tilespmem:s2+$0x298] =	vst v1  }
0x158: {  	v1 =	vld [tilespmem:s28+$0x20];
	_ =	sdelay $0x4  }
0x159: {  	[tilespmem:s2+$0x2A8] =	vst v1  }
0x15a: {  	v1 =	vld [tilespmem:s28+$0x30];
	_ =	sdelay $0x4  }
0x15b: {  	[tilespmem:s2+$0x2B8] =	vst v1  }
0x15c: {  	v1 =	vld [tilespmem:s28+$0x40];
	_ =	sdelay $0x4  }
0x15d: {  	[tilespmem:s2+$0x2C8] =	vst v1  }
0x15e: {  	v1 =	vld [tilespmem:s28+$0x50];
	_ =	sdelay $0x4  }
0x15f: {  	[tilespmem:s2+$0x2D8] =	vst v1  }
0x160: {  	v1 =	vld [tilespmem:s28+$0x60];
	_ =	sdelay $0x4  }
0x161: {  	[tilespmem:s2+$0x2E8] =	vst v1  }
0x162: {  	v1 =	vld [tilespmem:s28+$0x70]  }
.Ltmp21:
0x163: {  	_ = 	snop;
	(pc) =	sbr.rel .LBB2_23-.Ltmp21, $2  }
0x164: {  	_ =	sdelay $0x2  }
0x165: {  	s30 =	sadd.s32 $0x1, s30;
	[tilespmem:s2+$0x2F8] =	vst v1  }
.LBB2_25:
.Ltmp22:
0x166: {  	(pc) =	sbr.rel .LBB2_26-.Ltmp22, $4  }
0x167: {  	_ = 	snop  }
0x168: {  	s0 =	simm.s32 $0x2  }
0x169: {  	_ =	swait.ge [sflag:s0], $0x0  }
0x16a: {  	s2 =	simm.s32 $0x0;
	[sflag:s0] =	ssyncset.done $0x0;
	s0 =	smov.u32 s31  }
.LBB2_28:
0x16b: {  	_ =	sfence.sel $0x180000  }
0x16c: {  	s0 =	simm.s32 $0x9;
	[bflag:$0x0] =	sbarrier.arrive $0xFFFF  }
0x16d: {  	s24 =	simm.s32 $0xA;
	[sflag:s0] =	ssyncpa.u1 $0x1  }
0x16e: {  	s25 =	simm.s32 $0xB;
	[sflag:s24] =	ssyncpa.u1 $0x1  }
0x16f: {  	s26 =	simm.s32 $0x2;
	[sflag:s25] =	ssyncpa.u1 $0x1  }
0x170: {  	[sflag:s26] =	ssyncpa.u1 $0x1  }
0x171: {  	v0 =	vld [tilespmem:$0xE408];
	_ =	sdelay $0x4  }
0x172: {  	(v2sf) =	vpush v0, $0x0  }
0x173: {  	(v2sf) =	vpush v0, $0x1;
	_ =	sdelay $0x1  }
0x174: {  	(v2sf) =	vpush v0, $0x2;
	_ =	sdelay $0xb  }
0x175: {  	s0 =	spop (v2sf)  }
0x176: {  	s2 =	spop (v2sf)  }
0x177: {  	s3 =	smov.u32 s0;
	p0 =	sne.s32 s0, s2  }
0x178: {  	s4 =	spop (v2sf);
	s3 =	simm.s32 @!p0 $0xFFFFFFFF  }
0x179: {  	v2 =	vimm.s32 $0x1;
	v3 =	vlaneseq.u32;
	p0 =	seq.s32 s4, $0xFFFFFFFF;
	v1 =	vmov s3  }
0x17a: {  	s15 =	stileid.u32;
	v0 =	vperm.xlane v0, v2;
	p1 =	sne.s32 @!p0 s0, s2;
	v1 =	vperm.xlane v1, v3  }
0x17b: {  	vm0 =	vcmask $0x3F04;
	s6 =	simm.s32 $0xE408;
	s0 =	simm.s32 @!p0 $0x1;
	p1 =	por !p1, p0  }
0x17c: {  	s3 =	sshll.u32 s15, $0x1;
	s2 =	sshll.u32 @!p0 s4, $0xA;
	s0 =	simm.s32 @p1 $0x0;
	v0 =	vsel vm0, v1, v0  }
0x17d: {  	s5 =	sor.u32 $0x2000, s3;
	s2 =	sshra.s32 @!p0 s2, $0x2;
	s0 =	sor.u32 @!p0 s0, s3;
	[tilespmem:$0xE408] =	vst v0  }
0x17e: {  	[spmem:s5] =	stream.linear.scatter [tilespmem:s6], [sflag:$0x1], $0x2, $0x38;
	[tilespmem:$0x1E678] =	vst v63  }
0x17f: {  	s2 =	sadd.s32 @!p0 $0x208, s2;
	s0 =	sshll.u32 @!p0 s0, $0x8  }
0x180: {  	[spmem:s0] =	stream.linear.scatter @!p0 [tilespmem:s2], [sflag:$0x1], $0x100, $0x38;
	[tilespmem:$0x1E678] =	vst v63  }
0x181: {  	s0 =	simm.s32 @!p0 $0x102  }
0x182: {  	s28 =	simm.s32 $0x1;
	s0 =	simm.s32 @p0 $0x2  }
0x183: {  	_ =	swait.ge [sflag:s28], s0  }
0x184: {  	s0 =	ssub.s32 $0x0, s0;
	[sflag:s28] =	ssyncset.done $0x0  }
0x185: {  	p0 =	sne.s32 s15, $0x0;
	[sflag:s28] =	ssyncadd.s32 s0  }
.Ltmp23:
0x186: {  	_ =	sfence.stream.spmem;
	(pc) =	sbr.rel @p0 .LBB2_45-.Ltmp23, $4  }
0x187: {  	s29 =	simm.s32 $0x3;
	[bflag:$0x0] =	sbarrier.arrive $0xFFFF  }
0x188: {  	s30 =	simm.s32 $0x4;
	[sflag:s29] =	ssyncpa.u1 $0x1  }
0x189: {  	s31 =	simm.s32 $0x3C;
	[sflag:s30] =	ssyncpa.u1 $0x1  }
0x18a: {  	s14 =	rddreg [dreg:$0x5];
	[sflag:s31] =	ssyncpa.u1 $0x1  }
0x18b: {  	_ =	sfence.stream.spmem;
	s0 =	simm.s32 $0x5  }
0x18c: {  	s2 =	simm.s32 $0x2000;
	s3 =	simm.s32 $0xE418;
	[sflag:s0] =	ssyncpa.u1 $0x0  }
0x18d: {  	[tilespmem:s3], [sflag:$0x5] =	stream.linear.gather [spmem:s2], $0x20, $0x38;
	[tilespmem:$0x1E678] =	vst v63  }
0x18e: {  	s26 =	simm.s32 $0x0;
	s28 =	simm.s32 $0xE438  }
0x18f: {  	[tilespmem:s28], [sflag:$0x5] =	stream.linear.gather [spmem:s26], $0x2000, $0x38;
	[tilespmem:$0x1E678] =	vst v63  }
0x190: {  	_ =	swait.ge [sflag:s0], $0x2020  }
0x191: {  	[sflag:s0] =	ssyncset.done $0x0  }
0x192: {  	s29 =	simm.s32 $0x0;
	[sflag:s0] =	ssyncadd.s32 $0xFFFFDFE0  }
0x193: {  	v0 =	vld.msk [tilespmem:s29+$0xE418], $0x1;
	_ =	sdelay $0x1  }
0x194: {  	s30 =	simm.s32 $0x1  }
0x195: {  	v1 =	vld.msk [tilespmem:s30+$0xE418], $0x1;
	_ =	sdelay $0x1  }
0x196: {  	(v2sf) =	vpush v0, $0x0;
	_ =	sdelay $0x2  }
0x197: {  	(v2sf) =	vpush v1, $0x0;
	_ =	sdelay $0x2  }
0x198: {  	s31 =	simm.s32 $0x2  }
0x199: {  	v0 =	vld.msk [tilespmem:s31+$0xE418], $0x1;
	_ =	sdelay $0x2  }
0x19a: {  	s2 =	simm.s32 $0xFFFFFFFF;
	s3 =	simm.s32 $0xFFFFFFFF;
	s0 =	simm.s32 $0xC  }
.LBB2_30:
0x19b: {  	s4 =	smov.u32 s3;
	s5 =	smov.u32 s2  }
0x19c: {  	s2 =	sshra.s32 s0, $0x2;
	p1 =	sne.s32 s0, $0x7C;
	s0 =	sadd.s32 $0x4, s0;
	(v2sf) =	vpush v0, $0x0  }
0x19d: {  	v0 =	vld.msk [tilespmem:s2+$0xE418], $0x1  }
.Ltmp24:
0x19e: {  	(pc) =	sbr.rel @p1 .LBB2_30-.Ltmp24, $4  }
0x19f: {  	s3 =	spop (v2sf)  }
0x1a0: {  	p2 =	sne.s32 s5, $0xFFFFFFFF;
	s2 =	smov.u32 s3  }
0x1a1: {  	p3 =	seq.s32 s3, $0xFFFFFFFF;
	s2 =	smov.u32 @p2 s5  }
0x1a2: {  	s3 =	smov.u32 @p3 s4;
	s2 =	smov.u32 @p3 s5  }
0x1a3: {  	(v2sf) =	vpush v0, $0x0;
	_ =	sdelay $0x8  }
0x1a4: {  	s0 =	spop (v2sf)  }
0x1a5: {  	p1 =	sne.s32 s2, $0xFFFFFFFF;
	s9 =	simm.s32 $0x6;
	s4 =	smov.u32 s0  }
0x1a6: {  	s6 =	simm.s32 $0x0;
	p2 =	seq.s32 s0, $0xFFFFFFFF;
	s4 =	smov.u32 @p1 s2  }
0x1a7: {  	s10 =	simm.s32 $0xE308;
	s4 =	smov.u32 @p2 s2;
	s2 =	spop (v2sf)  }
0x1a8: {  	s0 =	smov.u32 @p2 s3;
	p1 =	sne.s32 s4, $0xFFFFFFFF;
	s5 =	smov.u32 s2  }
.Ltmp25:
0x1a9: {  	p2 =	seq.s32 s2, $0xFFFFFFFF;
	s5 =	smov.u32 @p1 s4;
	(pc) =	sbr.rel .LBB2_32-.Ltmp25, $4  }
0x1aa: {  	s11 =	simm.s32 $0xE388;
	s5 =	smov.u32 @p2 s4;
	s7 =	spop (v2sf)  }
0x1ab: {  	s12 =	simm.s32 $0x0;
	p1 =	sne.s32 s5, $0xFFFFFFFF;
	s8 =	smov.u32 s7  }
0x1ac: {  	s2 =	smov.u32 @p2 s0;
	p2 =	seq.s32 s7, $0xFFFFFFFF;
	s8 =	smov.u32 @p1 s5  }
0x1ad: {  	[sflag:s9] =	ssyncpa.u1 $0x0;
	s7 =	smov.u32 @p2 s2;
	s8 =	smov.u32 @p2 s5  }
.LBB2_38:
0x1ae: {  	p1 =	sgt.u32 s0, $0x4E170  }
0x1af: {  	p2 =	seq.s32 @!p1 s0, s8  }
0x1b0: {  	p1 =	por p1, p2  }
0x1b1: {  	p2 =	sne.s32 @!p1 s0, s7  }
0x1b2: {  	p1 =	por p1, !p2  }
0x1b3: {  	s0 =	sshll.u32 @p1 s12, $0xA  }
0x1b4: {  	s2 =	sand.u32 @!p1 $0x7FFF8, s0;
	s3 =	sand.u32 @!p1 $0x7, s0;
	s0 =	sadd.s32 @!p1 $0x80, s0  }
0x1b5: {  	s2 =	sadd.s32 @!p1 s1, s2;
	s0 =	sand.u32 @!p1 $0xFFFF8, s0  }
0x1b6: {  	[tilespmem:s10], [sflag:$0x6] =	stream.linear.gather @!p1 [hbm4b:s2+s3], $0x80, $0x38;
	[tilespmem:$0x1E678] =	vst v63  }
0x1b7: {  	s0 =	sadd.s32 @!p1 s1, s0  }
0x1b8: {  	[tilespmem:s11], [sflag:$0x6] =	stream.linear.gather @!p1 [hbm4b:s0+s3], $0x80, $0x38;
	[tilespmem:$0x1E678] =	vst v63  }
0x1b9: {  	_ =	swait.ge @!p1 [sflag:s9], $0x100  }
0x1ba: {  	[sflag:s9] =	ssyncset.done @!p1 $0x0  }
0x1bb: {  	[sflag:s9] =	ssyncadd.s32 @!p1 $0xFFFFFF00  }
0x1bc: {  	v1 =	vld @!p1 [tilespmem:$0xE308];
	_ =	sdelay $0x2  }
0x1bd: {  	s0 =	sshll.u32 @!p1 s12, $0xA  }
0x1be: {  	s2 =	sshrl.u32 @!p1 s0, $0x2  }
0x1bf: {  	[tilespmem:s2+$0xE438] =	vst.add.f32.msk @!p1 $0xffff, v1  }
0x1c0: {  	v1 =	vld @!p1 [tilespmem:$0xE318];
	_ =	sdelay $0x4  }
0x1c1: {  	[tilespmem:s2+$0xE448] =	vst.add.f32.msk @!p1 $0xffff, v1  }
0x1c2: {  	v1 =	vld @!p1 [tilespmem:$0xE328];
	_ =	sdelay $0x4  }
0x1c3: {  	[tilespmem:s2+$0xE458] =	vst.add.f32.msk @!p1 $0xffff, v1  }
0x1c4: {  	v1 =	vld @!p1 [tilespmem:$0xE338];
	_ =	sdelay $0x4  }
0x1c5: {  	[tilespmem:s2+$0xE468] =	vst.add.f32.msk @!p1 $0xffff, v1  }
0x1c6: {  	v1 =	vld @!p1 [tilespmem:$0xE348];
	_ =	sdelay $0x4  }
0x1c7: {  	[tilespmem:s2+$0xE478] =	vst.add.f32.msk @!p1 $0xffff, v1  }
0x1c8: {  	v1 =	vld @!p1 [tilespmem:$0xE358];
	_ =	sdelay $0x4  }
0x1c9: {  	[tilespmem:s2+$0xE488] =	vst.add.f32.msk @!p1 $0xffff, v1  }
0x1ca: {  	v1 =	vld @!p1 [tilespmem:$0xE368];
	_ =	sdelay $0x4  }
0x1cb: {  	[tilespmem:s2+$0xE498] =	vst.add.f32.msk @!p1 $0xffff, v1  }
0x1cc: {  	v1 =	vld @!p1 [tilespmem:$0xE378];
	_ =	sdelay $0x4  }
0x1cd: {  	[tilespmem:s2+$0xE4A8] =	vst.add.f32.msk @!p1 $0xffff, v1  }
0x1ce: {  	v1 =	vld @!p1 [tilespmem:$0xE388];
	_ =	sdelay $0x4  }
0x1cf: {  	[tilespmem:s2+$0xE4B8] =	vst.add.f32.msk @!p1 $0xffff, v1  }
0x1d0: {  	v1 =	vld @!p1 [tilespmem:$0xE398];
	_ =	sdelay $0x4  }
0x1d1: {  	[tilespmem:s2+$0xE4C8] =	vst.add.f32.msk @!p1 $0xffff, v1  }
0x1d2: {  	v1 =	vld @!p1 [tilespmem:$0xE3A8];
	_ =	sdelay $0x4  }
0x1d3: {  	[tilespmem:s2+$0xE4D8] =	vst.add.f32.msk @!p1 $0xffff, v1  }
0x1d4: {  	v1 =	vld @!p1 [tilespmem:$0xE3B8];
	_ =	sdelay $0x4  }
0x1d5: {  	[tilespmem:s2+$0xE4E8] =	vst.add.f32.msk @!p1 $0xffff, v1  }
0x1d6: {  	v1 =	vld @!p1 [tilespmem:$0xE3C8];
	_ =	sdelay $0x4  }
0x1d7: {  	[tilespmem:s2+$0xE4F8] =	vst.add.f32.msk @!p1 $0xffff, v1  }
0x1d8: {  	v1 =	vld @!p1 [tilespmem:$0xE3D8];
	_ =	sdelay $0x4  }
0x1d9: {  	[tilespmem:s2+$0xE508] =	vst.add.f32.msk @!p1 $0xffff, v1  }
0x1da: {  	v1 =	vld @!p1 [tilespmem:$0xE3E8];
	_ =	sdelay $0x4  }
0x1db: {  	[tilespmem:s2+$0xE518] =	vst.add.f32.msk @!p1 $0xffff, v1  }
0x1dc: {  	v1 =	vld @!p1 [tilespmem:$0xE3F8];
	_ =	sdelay $0x4  }
0x1dd: {  	[tilespmem:s2+$0xE528] =	vst.add.f32.msk @!p1 $0xffff, v1  }
0x1de: {  	s0 =	sshrl.u32 s0, $0x2;
	[tilespmem:s6+$0xE418] =	vst.msk $0x1, v0  }
0x1df: {  	v0 =	vld [tilespmem:s0+$0xE438];
	_ =	sdelay $0x2  }
0x1e0: {  	s31 =	sshll.u32 s6, $0xA  }
0x1e1: {  	s2 =	sshra.s32 s31, $0x2  }
0x1e2: {  	[tilespmem:s2+$0xE438] =	vst v0  }
0x1e3: {  	v0 =	vld [tilespmem:s0+$0xE448];
	_ =	sdelay $0x4  }
0x1e4: {  	[tilespmem:s2+$0xE448] =	vst v0  }
0x1e5: {  	v0 =	vld [tilespmem:s0+$0xE458];
	_ =	sdelay $0x4  }
0x1e6: {  	[tilespmem:s2+$0xE458] =	vst v0  }
0x1e7: {  	v0 =	vld [tilespmem:s0+$0xE468];
	_ =	sdelay $0x4  }
0x1e8: {  	[tilespmem:s2+$0xE468] =	vst v0  }
0x1e9: {  	v0 =	vld [tilespmem:s0+$0xE478];
	_ =	sdelay $0x4  }
0x1ea: {  	[tilespmem:s2+$0xE478] =	vst v0  }
0x1eb: {  	v0 =	vld [tilespmem:s0+$0xE488];
	_ =	sdelay $0x4  }
0x1ec: {  	[tilespmem:s2+$0xE488] =	vst v0  }
0x1ed: {  	v0 =	vld [tilespmem:s0+$0xE498];
	_ =	sdelay $0x4  }
0x1ee: {  	[tilespmem:s2+$0xE498] =	vst v0  }
0x1ef: {  	v0 =	vld [tilespmem:s0+$0xE4A8];
	_ =	sdelay $0x4  }
0x1f0: {  	[tilespmem:s2+$0xE4A8] =	vst v0  }
0x1f1: {  	v0 =	vld [tilespmem:s0+$0xE4B8];
	_ =	sdelay $0x4  }
0x1f2: {  	[tilespmem:s2+$0xE4B8] =	vst v0  }
0x1f3: {  	v0 =	vld [tilespmem:s0+$0xE4C8];
	_ =	sdelay $0x4  }
0x1f4: {  	[tilespmem:s2+$0xE4C8] =	vst v0  }
0x1f5: {  	v0 =	vld [tilespmem:s0+$0xE4D8];
	_ =	sdelay $0x4  }
0x1f6: {  	[tilespmem:s2+$0xE4D8] =	vst v0  }
0x1f7: {  	v0 =	vld [tilespmem:s0+$0xE4E8];
	_ =	sdelay $0x4  }
0x1f8: {  	[tilespmem:s2+$0xE4E8] =	vst v0  }
0x1f9: {  	v0 =	vld [tilespmem:s0+$0xE4F8];
	_ =	sdelay $0x4  }
0x1fa: {  	[tilespmem:s2+$0xE4F8] =	vst v0  }
0x1fb: {  	v0 =	vld [tilespmem:s0+$0xE508];
	_ =	sdelay $0x4  }
0x1fc: {  	[tilespmem:s2+$0xE508] =	vst v0  }
0x1fd: {  	v0 =	vld [tilespmem:s0+$0xE518];
	_ =	sdelay $0x4  }
0x1fe: {  	[tilespmem:s2+$0xE518] =	vst v0  }
0x1ff: {  	v0 =	vld [tilespmem:s0+$0xE528];
	_ =	sdelay $0x4  }
0x200: {  	s6 =	sadd.s32 $0x1, s6;
	[tilespmem:s2+$0xE528] =	vst v0  }
.LBB2_39:
0x201: {  	s12 =	sadd.s32 $0x1, s12  }
0x202: {  	p1 =	sne.s32 s12, $0x20  }
.Ltmp26:
0x203: {  	_ = 	snop;
	(pc) =	sbr.rel @!p1 .LBB2_40-.Ltmp26, $1  }
0x204: {  	_ =	sdelay $0x3  }
.LBB2_32:
0x205: {  	v0 =	vld.msk [tilespmem:s12+$0xE418], $0x1;
	_ =	sdelay $0x4  }
0x206: {  	(v2sf) =	vpush v0, $0x0;
	_ =	sdelay $0xe  }
0x207: {  	s0 =	spop (v2sf)  }
0x208: {  	p1 =	seq.s32 s0, $0xFFFFFFFF  }
.Ltmp27:
0x209: {  	_ = 	snop;
	(pc) =	sbr.rel @p1 .LBB2_39-.Ltmp27, $1  }
0x20a: {  	_ =	sdelay $0x3  }
0x20b: {  	p1 =	slt.s32 s6, $0x1  }
.Ltmp28:
0x20c: {  	_ = 	snop;
	(pc) =	sbr.rel @p1 .LBB2_38-.Ltmp28, $1  }
0x20d: {  	_ =	sdelay $0x3  }
0x20e: {  	s4 =	simm.s32 $0xE418;
	p1 =	por $0x0, $0x0  }
0x20f: {  	v1 =	vld.msk @!p1 [tilespmem:s4+$0x0], $0x1;
	_ =	sdelay $0x4  }
0x210: {  	(v2sf) =	vpush @!p1 v1, $0x0;
	_ =	sdelay $0xd  }
0x211: {  	p3 =	sne.s32 s6, $0x1  }
.Ltmp29:
0x212: {  	s2 =	spop @!p1 (v2sf);
	(pc) =	sbr.rel @!p3 .LBB2_36-.Ltmp29, $4  }
0x213: {  	p2 =	seq.s32 @!p1 s0, s2  }
0x214: {  	s5 =	simm.s32 $0x0;
	p2 =	por !p2, p1  }
0x215: {  	s2 =	simm.s32 $0xFFFFFFFF;
	s5 =	simm.s32 @p2 $0xFFFFFFFF  }
0x216: {  	s13 =	simm.s32 $0x1;
	s5 =	smov.u32 @p1 s2  }
.LBB2_35:
0x217: {  	s2 =	smov.u32 s5;
	p1 =	sne.s32 s5, $0xFFFFFFFF  }
0x218: {  	s4 =	sadd.s32 $0x1, s4;
	s5 =	smov.u32 s13;
	s13 =	sadd.s32 $0x1, s13  }
0x219: {  	p2 =	sne.s32 s6, s13;
	v1 =	vld.msk @!p1 [tilespmem:s4+$0x0], $0x1;
	_ =	sdelay $0x4  }
0x21a: {  	(v2sf) =	vpush @!p1 v1, $0x0;
	_ =	sdelay $0xe  }
.Ltmp30:
0x21b: {  	s3 =	spop @!p1 (v2sf);
	(pc) =	sbr.rel @p2 .LBB2_35-.Ltmp30, $4  }
0x21c: {  	p3 =	seq.s32 @!p1 s0, s3  }
0x21d: {  	p3 =	por !p3, p1  }
0x21e: {  	s5 =	simm.s32 @p3 $0xFFFFFFFF  }
0x21f: {  	s5 =	smov.u32 @p1 s2  }
.LBB2_36:
0x220: {  	p1 =	seq.s32 s5, $0xFFFFFFFF  }
.Ltmp31:
0x221: {  	_ = 	snop;
	(pc) =	sbr.rel @p1 .LBB2_38-.Ltmp31, $1  }
0x222: {  	_ =	sdelay $0x3  }
0x223: {  	s0 =	sshll.u32 s12, $0x8  }
0x224: {  	s0 =	sand.u32 $0x3FFFFF00, s0  }
0x225: {  	v0 =	vld [tilespmem:s0+$0xE438];
	_ =	sdelay $0x2  }
0x226: {  	s2 =	sshll.u32 s5, $0xA  }
0x227: {  	s2 =	sshra.s32 s2, $0x2  }
0x228: {  	[tilespmem:s2+$0xE438] =	vst.add.f32.msk $0xffff, v0  }
0x229: {  	v0 =	vld [tilespmem:s0+$0xE448];
	_ =	sdelay $0x4  }
0x22a: {  	[tilespmem:s2+$0xE448] =	vst.add.f32.msk $0xffff, v0  }
0x22b: {  	v0 =	vld [tilespmem:s0+$0xE458];
	_ =	sdelay $0x4  }
0x22c: {  	[tilespmem:s2+$0xE458] =	vst.add.f32.msk $0xffff, v0  }
0x22d: {  	v0 =	vld [tilespmem:s0+$0xE468];
	_ =	sdelay $0x4  }
0x22e: {  	[tilespmem:s2+$0xE468] =	vst.add.f32.msk $0xffff, v0  }
0x22f: {  	v0 =	vld [tilespmem:s0+$0xE478];
	_ =	sdelay $0x4  }
0x230: {  	[tilespmem:s2+$0xE478] =	vst.add.f32.msk $0xffff, v0  }
0x231: {  	v0 =	vld [tilespmem:s0+$0xE488];
	_ =	sdelay $0x4  }
0x232: {  	[tilespmem:s2+$0xE488] =	vst.add.f32.msk $0xffff, v0  }
0x233: {  	v0 =	vld [tilespmem:s0+$0xE498];
	_ =	sdelay $0x4  }
0x234: {  	[tilespmem:s2+$0xE498] =	vst.add.f32.msk $0xffff, v0  }
0x235: {  	v0 =	vld [tilespmem:s0+$0xE4A8];
	_ =	sdelay $0x4  }
0x236: {  	[tilespmem:s2+$0xE4A8] =	vst.add.f32.msk $0xffff, v0  }
0x237: {  	v0 =	vld [tilespmem:s0+$0xE4B8];
	_ =	sdelay $0x4  }
0x238: {  	[tilespmem:s2+$0xE4B8] =	vst.add.f32.msk $0xffff, v0  }
0x239: {  	v0 =	vld [tilespmem:s0+$0xE4C8];
	_ =	sdelay $0x4  }
0x23a: {  	[tilespmem:s2+$0xE4C8] =	vst.add.f32.msk $0xffff, v0  }
0x23b: {  	v0 =	vld [tilespmem:s0+$0xE4D8];
	_ =	sdelay $0x4  }
0x23c: {  	[tilespmem:s2+$0xE4D8] =	vst.add.f32.msk $0xffff, v0  }
0x23d: {  	v0 =	vld [tilespmem:s0+$0xE4E8];
	_ =	sdelay $0x4  }
0x23e: {  	[tilespmem:s2+$0xE4E8] =	vst.add.f32.msk $0xffff, v0  }
0x23f: {  	v0 =	vld [tilespmem:s0+$0xE4F8];
	_ =	sdelay $0x4  }
0x240: {  	[tilespmem:s2+$0xE4F8] =	vst.add.f32.msk $0xffff, v0  }
0x241: {  	v0 =	vld [tilespmem:s0+$0xE508];
	_ =	sdelay $0x4  }
0x242: {  	[tilespmem:s2+$0xE508] =	vst.add.f32.msk $0xffff, v0  }
0x243: {  	v0 =	vld [tilespmem:s0+$0xE518];
	_ =	sdelay $0x4  }
0x244: {  	[tilespmem:s2+$0xE518] =	vst.add.f32.msk $0xffff, v0  }
0x245: {  	v0 =	vld [tilespmem:s0+$0xE528]  }
.Ltmp32:
0x246: {  	_ = 	snop;
	(pc) =	sbr.rel .LBB2_39-.Ltmp32, $2  }
0x247: {  	_ =	sdelay $0x2  }
0x248: {  	[tilespmem:s2+$0xE528] =	vst.add.f32.msk $0xffff, v0  }
.LBB2_40:
0x249: {  	s0 =	simm.s32 $0x6;
	p1 =	seq.s32 s6, $0x0  }
0x24a: {  	[sflag:s0] =	ssyncpa.u1 $0x1;
	v0 =	vimm.s32 @p1 $0xFFFFFFFF  }
0x24b: {  	s0 =	sadd.s32 $0xFFFFFFFF, s6;
	[tilespmem:$0x10438] =	vst @p1 v0  }
0x24c: {  	v0 =	vld.msk @!p1 [tilespmem:s0+$0xE418], $0x1;
	_ =	sdelay $0x1  }
0x24d: {  	v1 =	vld.msk @!p1 [tilespmem:$0xE418], $0x1;
	_ =	sdelay $0x2  }
0x24e: {  	p2 =	seq.s32 @!p1 s0, $0x0;
	v0 =	vbroadcast @!p1 v0, $0x0  }
0x24f: {  	vm0 =	vmmov @!p1 $0x1;
	p2 =	por !p2, p1  }
0x250: {  	v1 =	vnsel @!p1 vm0, $0xFFFFFFFF, v1;
	vm0 =	vcmask @!p1 $0x308;
	v0 =	vpsel !p2, $0xFFFFFFFF, v0  }
0x251: {  	p2 =	sne.s32 @!p1 s8, s7;
	v0 =	vsel @!p1 vm0, v1, v0  }
0x252: {  	s2 =	simm.s32 @!p1 $0xE438;
	s3 =	simm.s32 @!p1 $0x0;
	p3 =	por !p2, p1;
	[tilespmem:$0x10438] =	vst @!p1 v0  }
0x253: {  	[spmem:s3] =	stream.linear.scatter @!p1 [tilespmem:s2], [sflag:$0x1], $0x100, $0x38;
	[tilespmem:$0x1E678] =	vst v63  }
0x254: {  	s2 =	sshll.u32 @!p3 s0, $0xA  }
0x255: {  	s2 =	sshra.s32 @!p3 s2, $0x2  }
0x256: {  	s3 =	simm.s32 @!p3 $0x100;
	s2 =	sadd.s32 @!p3 $0xE438, s2  }
0x257: {  	[spmem:s3] =	stream.linear.scatter @!p3 [tilespmem:s2], [sflag:$0x1], $0x100, $0x38;
	[tilespmem:$0x1E678] =	vst v63  }
0x258: {  	s2 =	simm.s32 @!p3 $0x1  }
0x259: {  	_ =	swait.ge @!p3 [sflag:s2], $0x200  }
0x25a: {  	p1 =	por p2, p1;
	[sflag:s2] =	ssyncset.done @!p3 $0x0  }
0x25b: {  	[sflag:s2] =	ssyncadd.s32 @!p3 $0xFFFFFE00;
	s2 =	simm.s32 @!p1 $0x1  }
0x25c: {  	_ =	swait.ge @!p1 [sflag:s2], $0x100  }
0x25d: {  	s29 =	simm.s32 $0x10438;
	[sflag:s2] =	ssyncset.done @!p1 $0x0  }
0x25e: {  	s30 =	simm.s32 $0x2000;
	s31 =	simm.s32 $0x1;
	[sflag:s2] =	ssyncadd.s32 @!p1 $0xFFFFFF00  }
0x25f: {  	[spmem:s30] =	stream.linear.scatter [tilespmem:s29], [sflag:$0x1], $0x10, $0x38;
	[tilespmem:$0x1E678] =	vst v63  }
0x260: {  	_ =	swait.ge [sflag:s31], $0x10  }
0x261: {  	[sflag:s31] =	ssyncset.done $0x0  }
0x262: {  	p1 =	seq.s32 s14, $0x0;
	s9 =	rddreg [dreg:$0x2];
	[sflag:s31] =	ssyncadd.s32 $0xFFFFFFF0  }
0x263: {  	s3 =	sshll.u32 @p1 s9, $0xE;
	s8 =	rddreg [dreg:$0x3]  }
0x264: {  	s2 =	sadd.s32 @p1 $0x15C3C, s3;
	s3 =	sshll.u32 @p1 s8, $0x11  }
0x265: {  	_ =	sfence.stream.spmem;
	s2 =	sor.u32 @p1 s3, s2  }
0x266: {  	[sflag:s2] =	ssyncadd.remote.s32 @p1 $0x1;
	s2 =	simm.s32 @p1 $0x4  }
0x267: {  	s4 =	simm.s32 @!p1 $0x3C;
	s3 =	sand.u32 $0xFFFFFFFE, s9;
	_ =	swait.ge @p1 [sflag:s2], $0x42  }
0x268: {  	s5 =	simm.s32 @!p1 $0x0;
	s3 =	sadd.s32 @!p1 $0x4, s3;
	[sflag:s2] =	ssyncset.done @p1 $0x0  }
0x269: {  	s7 =	simm.s32 @!p1 $0x200;
	[sflag:s2] =	ssyncadd.s32 @p1 $0xFFFFFFBE;
	s2 =	sshll.u32 @!p1 s3, $0x1A  }
0x26a: {  	s3 =	sshll.u32 @!p1 s3, $0xD;
	s2 =	sor.u32 @!p1 s2, s8;
	_ =	swait.eq @!p1 [sflag:s4], $0x1  }
0x26b: {  	s3 =	sor.u32 @!p1 $0x1C04, s3;
	s4 =	simm.s32 @!p1 $0x1C03;
	s2 =	sor.u32 @!p1 $0x80004000, s2  }
0x26c: {  	[spmem:s7], [sflag:s3] =	dma.general @!p1 [spmem:s5], [sflag:s4], length:$0x40, [dreg:$0x0], stride_count:$0x0, ici_dest:s2, dma_misc:DstOpCode:WRITE  }
0x26d: {  	p2 =	slt.s32 s0, $0x2;
	s5 =	simm.s32 @!p1 $0x400;
	s7 =	simm.s32 @!p1 $0x402  }
0x26e: {  	[spmem:s7], [sflag:s3] =	dma.general @!p1 [spmem:s5], [sflag:s4], length:$0x2, [dreg:$0x0], stride_count:$0x0, ici_dest:s2, dma_misc:DstOpCode:WRITE  }
.Ltmp33:
0x26f: {  	s2 =	simm.s32 @!p1 $0x3;
	(pc) =	sbr.rel @p2 .LBB2_44-.Ltmp33, $4  }
0x270: {  	s3 =	sshll.u32 @!p1 s9, $0xE;
	_ =	swait.ge @!p1 [sflag:s2], $0x42  }
0x271: {  	s4 =	sshll.u32 @!p1 s8, $0x11;
	s3 =	sadd.s32 @!p1 $0x11C3C, s3;
	[sflag:s2] =	ssyncset.done @!p1 $0x0  }
0x272: {  	[sflag:s2] =	ssyncadd.s32 @!p1 $0xFFFFFFBE;
	s2 =	sor.u32 @!p1 s4, s3  }
0x273: {  	s0 =	simm.s32 $0x0;
	[sflag:s2] =	ssyncadd.remote.s32 @!p1 $0xFFFFFFFF  }
0x274: {  	s0 =	simm.s32 $0xE419  }
0x275: {  	v0 =	vld.msk [tilespmem:s0+$0x0], $0x1;
	_ =	sdelay $0x4  }
0x276: {  	(v2sf) =	vpush v0, $0x0;
	_ =	sdelay $0xd  }
0x277: {  	s31 =	sadd.s32 $0xFFFFFFFE, s6  }
0x278: {  	s6 =	simm.s32 $0x0;
	s0 =	sadd.s32 $0xFFFFFFFF, s31;
	s2 =	spop (v2sf)  }
0x279: {  	s3 =	simm.s32 $0xE538;
	p1 =	sne.s32 s0, $0x0;
	p2 =	sgt.u32 s2, $0x4E170  }
.Ltmp34:
0x27a: {  	s4 =	simm.s32 $0xE638;
	s5 =	sand.u32 @!p2 $0x7FFF8, s2;
	(pc) =	sbr.rel @!p1 .LBB2_43-.Ltmp34, $4  }
0x27b: {  	s7 =	sadd.s32 @!p2 $0x80, s2;
	s2 =	sand.u32 @!p2 $0x7, s2;
	s6 =	simm.s32 @!p2 $0x400  }
0x27c: {  	s5 =	sadd.s32 @!p2 s1, s5;
	s7 =	sand.u32 @!p2 $0xFFFF8, s7;
	s6 =	sadd.s32 $0x0, s6  }
0x27d: {  	[hbm4b:s5+s2] =	stream.linear.scatter @!p2 [tilespmem:s3], [sflag:$0x5], $0x80, $0x38;
	[tilespmem:$0x1E678] =	vst v63  }
0x27e: {  	s5 =	simm.s32 $0xE41A;
	s3 =	simm.s32 @!p2 $0xE5B8;
	s7 =	sadd.s32 @!p2 s1, s7  }
.LBB2_42:
0x27f: {  	[hbm4b:s7+s2] =	stream.linear.scatter @!p2 [tilespmem:s3], [sflag:$0x5], $0x80, $0x38;
	[tilespmem:$0x1E678] =	vst v63  }
0x280: {  	s0 =	sadd.s32 $0xFFFFFFFF, s0;
	s3 =	smov.u32 s4;
	v0 =	vld.msk [tilespmem:s5+$0x0], $0x1  }
0x281: {  	p1 =	sne.s32 s0, $0x0;
	_ =	sdelay $0x3  }
0x282: {  	(v2sf) =	vpush v0, $0x0;
	_ =	sdelay $0xe  }
0x283: {  	s4 =	sadd.s32 $0x100, s4;
	s8 =	simm.s32 $0x0;
	s2 =	spop (v2sf)  }
.Ltmp35:
0x284: {  	s5 =	sadd.s32 $0x1, s5;
	p2 =	sgt.u32 s2, $0x4E170;
	(pc) =	sbr.rel @p1 .LBB2_42-.Ltmp35, $4  }
0x285: {  	s8 =	simm.s32 @!p2 $0x400;
	s7 =	sand.u32 @!p2 $0x7FFF8, s2;
	s9 =	sadd.s32 @!p2 $0x80, s2  }
0x286: {  	s2 =	sand.u32 @!p2 $0x7, s2;
	s7 =	sadd.s32 @!p2 s1, s7;
	s9 =	sand.u32 @!p2 $0xFFFF8, s9  }
0x287: {  	[hbm4b:s7+s2] =	stream.linear.scatter @!p2 [tilespmem:s3], [sflag:$0x5], $0x80, $0x38;
	[tilespmem:$0x1E678] =	vst v63  }
0x288: {  	s6 =	sadd.s32 s6, s8;
	s3 =	sadd.s32 @!p2 $0x80, s3;
	s7 =	sadd.s32 @!p2 s1, s9  }
.LBB2_43:
0x289: {  	[hbm4b:s7+s2] =	stream.linear.scatter @!p2 [tilespmem:s3], [sflag:$0x5], $0x80, $0x38;
	[tilespmem:$0x1E678] =	vst v63  }
0x28a: {  	s0 =	sshrl.u32 s6, $0x2  }
.LBB2_44:
0x28b: {  	s2 =	simm.s32 $0x5  }
0x28c: {  	_ =	swait.ge [sflag:s2], s0  }
0x28d: {  	s31 =	ssub.s32 $0x0, s0;
	[sflag:s2] =	ssyncset.done $0x0  }
0x28e: {  	[sflag:s2] =	ssyncadd.s32 s31  }
0x28f: {  	[sflag:s2] =	ssyncpa.u1 $0x1  }
.LBB2_45:
0x290: {  	s0 =	sor.u32 s14, s15  }
0x291: {  	p1 =	sne.s32 s0, $0x0  }
.Ltmp36:
0x292: {  	_ = 	snop;
	(pc) =	sbr.rel @p1 .LBB2_60-.Ltmp36, $3  }
0x293: {  	_ =	sdelay $0x1  }
0x294: {  	[bflag:$0x0] =	sbarrier.arrive $0xFFFF  }
0x295: {  	_ =	sfence  }
0x296: {  	s0 =	simm.s32 $0x7  }
0x297: {  	s2 =	simm.s32 $0x2000;
	s3 =	simm.s32 $0xE418;
	[sflag:s0] =	ssyncpa.u1 $0x0  }
0x298: {  	[tilespmem:s3], [sflag:$0x7] =	stream.linear.gather [spmem:s2], $0x20, $0x38;
	[tilespmem:$0x1E678] =	vst v63  }
0x299: {  	s30 =	simm.s32 $0xE438;
	s2 =	simm.s32 $0x0  }
0x29a: {  	[tilespmem:s30], [sflag:$0x7] =	stream.linear.gather [spmem:s2], $0x2000, $0x38;
	[tilespmem:$0x1E678] =	vst v63  }
.Ltmp37:
0x29b: {  	_ = 	snop;
	(pc) =	sbr.rel .LBB2_47-.Ltmp37, $4  }
0x29c: {  	_ =	swait.ge [sflag:s0], $0x2020  }
0x29d: {  	[sflag:s0] =	ssyncset.done $0x0  }
0x29e: {  	s31 =	simm.s32 $0x8;
	[sflag:s0] =	ssyncadd.s32 $0xFFFFDFE0  }
0x29f: {  	s3 =	simm.s32 $0x0;
	[sflag:s31] =	ssyncpa.u1 $0x0  }
.LBB2_53:
0x2a0: {  	p1 =	slt.u32 s0, $0x4E171  }
0x2a1: {  	s4 =	sand.u32 @p1 $0x7FFF8, s0;
	s5 =	sand.u32 @p1 $0x7, s0;
	s0 =	sadd.s32 @p1 $0x80, s0  }
0x2a2: {  	s6 =	simm.s32 @p1 $0xE308;
	s4 =	sadd.s32 @p1 s1, s4;
	s0 =	sand.u32 @p1 $0xFFFF8, s0  }
0x2a3: {  	[tilespmem:s6], [sflag:$0x8] =	stream.linear.gather @p1 [hbm4b:s4+s5], $0x80, $0x38;
	[tilespmem:$0x1E678] =	vst v63  }
0x2a4: {  	s0 =	sadd.s32 @p1 s1, s0;
	s4 =	simm.s32 @p1 $0xE388  }
0x2a5: {  	[tilespmem:s4], [sflag:$0x8] =	stream.linear.gather @p1 [hbm4b:s0+s5], $0x80, $0x38;
	[tilespmem:$0x1E678] =	vst v63  }
0x2a6: {  	s0 =	simm.s32 @p1 $0x8  }
0x2a7: {  	_ =	swait.ge @p1 [sflag:s0], $0x100  }
0x2a8: {  	[sflag:s0] =	ssyncset.done @p1 $0x0  }
0x2a9: {  	[sflag:s0] =	ssyncadd.s32 @p1 $0xFFFFFF00  }
0x2aa: {  	v1 =	vld @p1 [tilespmem:$0xE308];
	_ =	sdelay $0x2  }
0x2ab: {  	s0 =	sshll.u32 @p1 s3, $0xA  }
0x2ac: {  	s4 =	sshrl.u32 @p1 s0, $0x2  }
0x2ad: {  	[tilespmem:s4+$0xE438] =	vst.add.f32.msk @p1 $0xffff, v1  }
0x2ae: {  	v1 =	vld @p1 [tilespmem:$0xE318];
	_ =	sdelay $0x4  }
0x2af: {  	[tilespmem:s4+$0xE448] =	vst.add.f32.msk @p1 $0xffff, v1  }
0x2b0: {  	v1 =	vld @p1 [tilespmem:$0xE328];
	_ =	sdelay $0x4  }
0x2b1: {  	[tilespmem:s4+$0xE458] =	vst.add.f32.msk @p1 $0xffff, v1  }
0x2b2: {  	v1 =	vld @p1 [tilespmem:$0xE338];
	_ =	sdelay $0x4  }
0x2b3: {  	[tilespmem:s4+$0xE468] =	vst.add.f32.msk @p1 $0xffff, v1  }
0x2b4: {  	v1 =	vld @p1 [tilespmem:$0xE348];
	_ =	sdelay $0x4  }
0x2b5: {  	[tilespmem:s4+$0xE478] =	vst.add.f32.msk @p1 $0xffff, v1  }
0x2b6: {  	v1 =	vld @p1 [tilespmem:$0xE358];
	_ =	sdelay $0x4  }
0x2b7: {  	[tilespmem:s4+$0xE488] =	vst.add.f32.msk @p1 $0xffff, v1  }
0x2b8: {  	v1 =	vld @p1 [tilespmem:$0xE368];
	_ =	sdelay $0x4  }
0x2b9: {  	[tilespmem:s4+$0xE498] =	vst.add.f32.msk @p1 $0xffff, v1  }
0x2ba: {  	v1 =	vld @p1 [tilespmem:$0xE378];
	_ =	sdelay $0x4  }
0x2bb: {  	[tilespmem:s4+$0xE4A8] =	vst.add.f32.msk @p1 $0xffff, v1  }
0x2bc: {  	v1 =	vld @p1 [tilespmem:$0xE388];
	_ =	sdelay $0x4  }
0x2bd: {  	[tilespmem:s4+$0xE4B8] =	vst.add.f32.msk @p1 $0xffff, v1  }
0x2be: {  	v1 =	vld @p1 [tilespmem:$0xE398];
	_ =	sdelay $0x4  }
0x2bf: {  	[tilespmem:s4+$0xE4C8] =	vst.add.f32.msk @p1 $0xffff, v1  }
0x2c0: {  	v1 =	vld @p1 [tilespmem:$0xE3A8];
	_ =	sdelay $0x4  }
0x2c1: {  	[tilespmem:s4+$0xE4D8] =	vst.add.f32.msk @p1 $0xffff, v1  }
0x2c2: {  	v1 =	vld @p1 [tilespmem:$0xE3B8];
	_ =	sdelay $0x4  }
0x2c3: {  	[tilespmem:s4+$0xE4E8] =	vst.add.f32.msk @p1 $0xffff, v1  }
0x2c4: {  	v1 =	vld @p1 [tilespmem:$0xE3C8];
	_ =	sdelay $0x4  }
0x2c5: {  	[tilespmem:s4+$0xE4F8] =	vst.add.f32.msk @p1 $0xffff, v1  }
0x2c6: {  	v1 =	vld @p1 [tilespmem:$0xE3D8];
	_ =	sdelay $0x4  }
0x2c7: {  	[tilespmem:s4+$0xE508] =	vst.add.f32.msk @p1 $0xffff, v1  }
0x2c8: {  	v1 =	vld @p1 [tilespmem:$0xE3E8];
	_ =	sdelay $0x4  }
0x2c9: {  	[tilespmem:s4+$0xE518] =	vst.add.f32.msk @p1 $0xffff, v1  }
0x2ca: {  	v1 =	vld @p1 [tilespmem:$0xE3F8];
	_ =	sdelay $0x3  }
0x2cb: {  	s5 =	sshll.u32 @!p1 s3, $0xA  }
0x2cc: {  	s5 =	smov.u32 @p1 s0;
	[tilespmem:s4+$0xE528] =	vst.add.f32.msk @p1 $0xffff, v1  }
0x2cd: {  	s0 =	sshrl.u32 s5, $0x2;
	[tilespmem:s2+$0xE418] =	vst.msk $0x1, v0  }
0x2ce: {  	v0 =	vld [tilespmem:s0+$0xE438];
	_ =	sdelay $0x2  }
0x2cf: {  	s31 =	sshll.u32 s2, $0xA  }
0x2d0: {  	s4 =	sshra.s32 s31, $0x2  }
0x2d1: {  	[tilespmem:s4+$0xE438] =	vst v0  }
0x2d2: {  	v0 =	vld [tilespmem:s0+$0xE448];
	_ =	sdelay $0x4  }
0x2d3: {  	[tilespmem:s4+$0xE448] =	vst v0  }
0x2d4: {  	v0 =	vld [tilespmem:s0+$0xE458];
	_ =	sdelay $0x4  }
0x2d5: {  	[tilespmem:s4+$0xE458] =	vst v0  }
0x2d6: {  	v0 =	vld [tilespmem:s0+$0xE468];
	_ =	sdelay $0x4  }
0x2d7: {  	[tilespmem:s4+$0xE468] =	vst v0  }
0x2d8: {  	v0 =	vld [tilespmem:s0+$0xE478];
	_ =	sdelay $0x4  }
0x2d9: {  	[tilespmem:s4+$0xE478] =	vst v0  }
0x2da: {  	v0 =	vld [tilespmem:s0+$0xE488];
	_ =	sdelay $0x4  }
0x2db: {  	[tilespmem:s4+$0xE488] =	vst v0  }
0x2dc: {  	v0 =	vld [tilespmem:s0+$0xE498];
	_ =	sdelay $0x4  }
0x2dd: {  	[tilespmem:s4+$0xE498] =	vst v0  }
0x2de: {  	v0 =	vld [tilespmem:s0+$0xE4A8];
	_ =	sdelay $0x4  }
0x2df: {  	[tilespmem:s4+$0xE4A8] =	vst v0  }
0x2e0: {  	v0 =	vld [tilespmem:s0+$0xE4B8];
	_ =	sdelay $0x4  }
0x2e1: {  	[tilespmem:s4+$0xE4B8] =	vst v0  }
0x2e2: {  	v0 =	vld [tilespmem:s0+$0xE4C8];
	_ =	sdelay $0x4  }
0x2e3: {  	[tilespmem:s4+$0xE4C8] =	vst v0  }
0x2e4: {  	v0 =	vld [tilespmem:s0+$0xE4D8];
	_ =	sdelay $0x4  }
0x2e5: {  	[tilespmem:s4+$0xE4D8] =	vst v0  }
0x2e6: {  	v0 =	vld [tilespmem:s0+$0xE4E8];
	_ =	sdelay $0x4  }
0x2e7: {  	[tilespmem:s4+$0xE4E8] =	vst v0  }
0x2e8: {  	v0 =	vld [tilespmem:s0+$0xE4F8];
	_ =	sdelay $0x4  }
0x2e9: {  	[tilespmem:s4+$0xE4F8] =	vst v0  }
0x2ea: {  	v0 =	vld [tilespmem:s0+$0xE508];
	_ =	sdelay $0x4  }
0x2eb: {  	[tilespmem:s4+$0xE508] =	vst v0  }
0x2ec: {  	v0 =	vld [tilespmem:s0+$0xE518];
	_ =	sdelay $0x4  }
0x2ed: {  	[tilespmem:s4+$0xE518] =	vst v0  }
0x2ee: {  	v0 =	vld [tilespmem:s0+$0xE528];
	_ =	sdelay $0x4  }
0x2ef: {  	s2 =	sadd.s32 $0x1, s2;
	[tilespmem:s4+$0xE528] =	vst v0  }
.LBB2_54:
0x2f0: {  	s3 =	sadd.s32 $0x1, s3  }
0x2f1: {  	p1 =	sne.s32 s3, $0x20  }
.Ltmp38:
0x2f2: {  	_ = 	snop;
	(pc) =	sbr.rel @!p1 .LBB2_55-.Ltmp38, $1  }
0x2f3: {  	_ =	sdelay $0x3  }
.LBB2_47:
0x2f4: {  	v0 =	vld.msk [tilespmem:s3+$0xE418], $0x1;
	_ =	sdelay $0x4  }
0x2f5: {  	(v2sf) =	vpush v0, $0x0;
	_ =	sdelay $0xe  }
0x2f6: {  	s0 =	spop (v2sf)  }
0x2f7: {  	p1 =	seq.s32 s0, $0xFFFFFFFF  }
.Ltmp39:
0x2f8: {  	_ = 	snop;
	(pc) =	sbr.rel @p1 .LBB2_54-.Ltmp39, $1  }
0x2f9: {  	_ =	sdelay $0x3  }
0x2fa: {  	p1 =	slt.s32 s2, $0x1  }
.Ltmp40:
0x2fb: {  	_ = 	snop;
	(pc) =	sbr.rel @p1 .LBB2_53-.Ltmp40, $1  }
0x2fc: {  	_ =	sdelay $0x3  }
0x2fd: {  	s4 =	simm.s32 $0xE418;
	p1 =	por $0x0, $0x0  }
0x2fe: {  	v1 =	vld.msk @!p1 [tilespmem:s4+$0x0], $0x1;
	_ =	sdelay $0x4  }
0x2ff: {  	(v2sf) =	vpush @!p1 v1, $0x0;
	_ =	sdelay $0xd  }
0x300: {  	p3 =	sne.s32 s2, $0x1  }
.Ltmp41:
0x301: {  	s5 =	spop @!p1 (v2sf);
	(pc) =	sbr.rel @!p3 .LBB2_51-.Ltmp41, $4  }
0x302: {  	p2 =	seq.s32 @!p1 s0, s5  }
0x303: {  	s5 =	simm.s32 $0x0;
	p2 =	por !p2, p1  }
0x304: {  	s7 =	simm.s32 $0xFFFFFFFF;
	s5 =	simm.s32 @p2 $0xFFFFFFFF  }
0x305: {  	s6 =	simm.s32 $0x1;
	s5 =	smov.u32 @p1 s7  }
.LBB2_50:
0x306: {  	s7 =	smov.u32 s5;
	p1 =	sne.s32 s5, $0xFFFFFFFF  }
0x307: {  	s4 =	sadd.s32 $0x1, s4;
	s5 =	smov.u32 s6;
	s6 =	sadd.s32 $0x1, s6  }
0x308: {  	p2 =	sne.s32 s2, s6;
	v1 =	vld.msk @!p1 [tilespmem:s4+$0x0], $0x1;
	_ =	sdelay $0x4  }
0x309: {  	(v2sf) =	vpush @!p1 v1, $0x0;
	_ =	sdelay $0xe  }
.Ltmp42:
0x30a: {  	s8 =	spop @!p1 (v2sf);
	(pc) =	sbr.rel @p2 .LBB2_50-.Ltmp42, $4  }
0x30b: {  	p3 =	seq.s32 @!p1 s0, s8  }
0x30c: {  	p3 =	por !p3, p1  }
0x30d: {  	s5 =	simm.s32 @p3 $0xFFFFFFFF  }
0x30e: {  	s5 =	smov.u32 @p1 s7  }
.LBB2_51:
0x30f: {  	p1 =	seq.s32 s5, $0xFFFFFFFF  }
.Ltmp43:
0x310: {  	_ = 	snop;
	(pc) =	sbr.rel @p1 .LBB2_53-.Ltmp43, $1  }
0x311: {  	_ =	sdelay $0x3  }
0x312: {  	s0 =	sshll.u32 s3, $0x8  }
0x313: {  	s0 =	sand.u32 $0x3FFFFF00, s0  }
0x314: {  	v0 =	vld [tilespmem:s0+$0xE438];
	_ =	sdelay $0x2  }
0x315: {  	s4 =	sshll.u32 s5, $0xA  }
0x316: {  	s4 =	sshra.s32 s4, $0x2  }
0x317: {  	[tilespmem:s4+$0xE438] =	vst.add.f32.msk $0xffff, v0  }
0x318: {  	v0 =	vld [tilespmem:s0+$0xE448];
	_ =	sdelay $0x4  }
0x319: {  	[tilespmem:s4+$0xE448] =	vst.add.f32.msk $0xffff, v0  }
0x31a: {  	v0 =	vld [tilespmem:s0+$0xE458];
	_ =	sdelay $0x4  }
0x31b: {  	[tilespmem:s4+$0xE458] =	vst.add.f32.msk $0xffff, v0  }
0x31c: {  	v0 =	vld [tilespmem:s0+$0xE468];
	_ =	sdelay $0x4  }
0x31d: {  	[tilespmem:s4+$0xE468] =	vst.add.f32.msk $0xffff, v0  }
0x31e: {  	v0 =	vld [tilespmem:s0+$0xE478];
	_ =	sdelay $0x4  }
0x31f: {  	[tilespmem:s4+$0xE478] =	vst.add.f32.msk $0xffff, v0  }
0x320: {  	v0 =	vld [tilespmem:s0+$0xE488];
	_ =	sdelay $0x4  }
0x321: {  	[tilespmem:s4+$0xE488] =	vst.add.f32.msk $0xffff, v0  }
0x322: {  	v0 =	vld [tilespmem:s0+$0xE498];
	_ =	sdelay $0x4  }
0x323: {  	[tilespmem:s4+$0xE498] =	vst.add.f32.msk $0xffff, v0  }
0x324: {  	v0 =	vld [tilespmem:s0+$0xE4A8];
	_ =	sdelay $0x4  }
0x325: {  	[tilespmem:s4+$0xE4A8] =	vst.add.f32.msk $0xffff, v0  }
0x326: {  	v0 =	vld [tilespmem:s0+$0xE4B8];
	_ =	sdelay $0x4  }
0x327: {  	[tilespmem:s4+$0xE4B8] =	vst.add.f32.msk $0xffff, v0  }
0x328: {  	v0 =	vld [tilespmem:s0+$0xE4C8];
	_ =	sdelay $0x4  }
0x329: {  	[tilespmem:s4+$0xE4C8] =	vst.add.f32.msk $0xffff, v0  }
0x32a: {  	v0 =	vld [tilespmem:s0+$0xE4D8];
	_ =	sdelay $0x4  }
0x32b: {  	[tilespmem:s4+$0xE4D8] =	vst.add.f32.msk $0xffff, v0  }
0x32c: {  	v0 =	vld [tilespmem:s0+$0xE4E8];
	_ =	sdelay $0x4  }
0x32d: {  	[tilespmem:s4+$0xE4E8] =	vst.add.f32.msk $0xffff, v0  }
0x32e: {  	v0 =	vld [tilespmem:s0+$0xE4F8];
	_ =	sdelay $0x4  }
0x32f: {  	[tilespmem:s4+$0xE4F8] =	vst.add.f32.msk $0xffff, v0  }
0x330: {  	v0 =	vld [tilespmem:s0+$0xE508];
	_ =	sdelay $0x4  }
0x331: {  	[tilespmem:s4+$0xE508] =	vst.add.f32.msk $0xffff, v0  }
0x332: {  	v0 =	vld [tilespmem:s0+$0xE518];
	_ =	sdelay $0x4  }
0x333: {  	[tilespmem:s4+$0xE518] =	vst.add.f32.msk $0xffff, v0  }
0x334: {  	v0 =	vld [tilespmem:s0+$0xE528]  }
.Ltmp44:
0x335: {  	_ = 	snop;
	(pc) =	sbr.rel .LBB2_54-.Ltmp44, $2  }
0x336: {  	_ =	sdelay $0x2  }
0x337: {  	[tilespmem:s4+$0xE528] =	vst.add.f32.msk $0xffff, v0  }
.LBB2_55:
0x338: {  	p1 =	slt.s32 s2, $0x1  }
.Ltmp45:
0x339: {  	_ = 	snop;
	(pc) =	sbr.rel @p1 .LBB2_59-.Ltmp45, $3  }
0x33a: {  	_ =	sdelay $0x1  }
0x33b: {  	s0 =	simm.s32 $0x8  }
0x33c: {  	s4 =	simm.s32 $0x0;
	[sflag:s0] =	ssyncpa.u1 $0x1  }
0x33d: {  	s0 =	simm.s32 $0xE418  }
0x33e: {  	v0 =	vld.msk [tilespmem:s0+$0x0], $0x1;
	_ =	sdelay $0x4  }
0x33f: {  	(v2sf) =	vpush v0, $0x0;
	_ =	sdelay $0xe  }
0x340: {  	s0 =	sadd.s32 $0xFFFFFFFF, s2;
	s3 =	spop (v2sf)  }
0x341: {  	s6 =	simm.s32 $0xE438;
	p1 =	sne.s32 s0, $0x0;
	p2 =	sgt.u32 s3, $0x4E170  }
.Ltmp46:
0x342: {  	s2 =	simm.s32 $0xE538;
	s5 =	sand.u32 @!p2 $0x7FFF8, s3;
	(pc) =	sbr.rel @!p1 .LBB2_58-.Ltmp46, $4  }
0x343: {  	s7 =	sadd.s32 @!p2 $0x80, s3;
	s4 =	simm.s32 @!p2 $0x400;
	s8 =	sadd.s32 @!p2 s1, s5  }
0x344: {  	s5 =	sand.u32 @!p2 $0x7, s3;
	s3 =	simm.s32 $0xE419;
	s7 =	sand.u32 @!p2 $0xFFFF8, s7  }
0x345: {  	[hbm4b:s8+s5] =	stream.linear.scatter @!p2 [tilespmem:s6], [sflag:$0x7], $0x80, $0x38;
	[tilespmem:$0x1E678] =	vst v63  }
0x346: {  	s4 =	sadd.s32 $0x0, s4;
	s6 =	simm.s32 @!p2 $0xE4B8;
	s7 =	sadd.s32 @!p2 s1, s7  }
.LBB2_57:
0x347: {  	[hbm4b:s7+s5] =	stream.linear.scatter @!p2 [tilespmem:s6], [sflag:$0x7], $0x80, $0x38;
	[tilespmem:$0x1E678] =	vst v63  }
0x348: {  	s0 =	sadd.s32 $0xFFFFFFFF, s0;
	s6 =	smov.u32 s2;
	v0 =	vld.msk [tilespmem:s3+$0x0], $0x1  }
0x349: {  	p1 =	sne.s32 s0, $0x0;
	_ =	sdelay $0x3  }
0x34a: {  	(v2sf) =	vpush v0, $0x0;
	_ =	sdelay $0xe  }
0x34b: {  	s2 =	sadd.s32 $0x100, s2;
	s8 =	simm.s32 $0x0;
	s5 =	spop (v2sf)  }
.Ltmp47:
0x34c: {  	s3 =	sadd.s32 $0x1, s3;
	p2 =	sgt.u32 s5, $0x4E170;
	(pc) =	sbr.rel @p1 .LBB2_57-.Ltmp47, $4  }
0x34d: {  	s8 =	simm.s32 @!p2 $0x400;
	s7 =	sand.u32 @!p2 $0x7FFF8, s5;
	s9 =	sadd.s32 @!p2 $0x80, s5  }
0x34e: {  	s5 =	sand.u32 @!p2 $0x7, s5;
	s7 =	sadd.s32 @!p2 s1, s7;
	s9 =	sand.u32 @!p2 $0xFFFF8, s9  }
0x34f: {  	[hbm4b:s7+s5] =	stream.linear.scatter @!p2 [tilespmem:s6], [sflag:$0x7], $0x80, $0x38;
	[tilespmem:$0x1E678] =	vst v63  }
0x350: {  	s4 =	sadd.s32 s4, s8;
	s6 =	sadd.s32 @!p2 $0x80, s6;
	s7 =	sadd.s32 @!p2 s1, s9  }
.LBB2_58:
0x351: {  	[hbm4b:s7+s5] =	stream.linear.scatter @!p2 [tilespmem:s6], [sflag:$0x7], $0x80, $0x38;
	[tilespmem:$0x1E678] =	vst v63  }
0x352: {  	s4 =	sshrl.u32 s4, $0x2  }
.LBB2_59:
0x353: {  	s0 =	simm.s32 $0x7  }
0x354: {  	_ =	swait.ge [sflag:s0], s4  }
0x355: {  	s1 =	ssub.s32 $0x0, s4;
	[sflag:s0] =	ssyncset.done $0x0  }
0x356: {  	[sflag:s0] =	ssyncadd.s32 s1  }
0x357: {  	[sflag:s0] =	ssyncpa.u1 $0x1  }
.LBB2_60:
0x358: {  	_ =	sfence;
	s0 =	simm.s32 $0x1  }
0x359: {  	[sflag:s0] =	ssyncpa.u1 $0x1  }
0x35a: {  	_ =	strace $0x90000050  }
0x35b: {  	[bflag:$0x2] =	sbarrier.arrive $0xFFFF  }
0x35c: {  	s0 =	rddreg [dreg:$0x4]  }
0x35d: {  	s0 =	sadd.s32 @!p0 $0x100000, s0  }
0x35e: {  	[sflag:s0] =	ssyncadd.tile.s32 @!p0 $0x1;
	_ =	shalt  }
.Lfunc_end2:
_tile_overlayer_lowered:
.L_overlay_start_2:
0x35f: {  	(tag) =	ssettag $0x2  }
0x360: {  	s0 =	rddreg [dreg:$0x0];
	s2 =	stileid.u32  }
0x361: {  	s1 =	rddreg [dreg:$0x1];
	p0 =	sne.s32 s2, $0x0  }
0x362: {  	s3 =	rddreg [dreg:$0x2];
	[bflag:$0x3] =	sbarrier.arrive $0xFFFF;
	s2 =	simm.s32 @!p0 $0x1C01  }
0x363: {  	[timem:s3], [sflag:s2] =	dma.local @!p0 [hbm:s0], s1  }
0x364: {  	s0 =	simm.s32 @!p0 $0x1  }
0x365: {  	_ =	swait.ge @!p0 [sflag:s0], s1  }
0x366: {  	s1 =	ssub.s32 @!p0 $0x0, s1;
	[sflag:s0] =	ssyncset.done @!p0 $0x0  }
0x367: {  	[sflag:s0] =	ssyncadd.s32 @!p0 s1  }
0x368: {  	[bflag:$0x3] =	sbarrier.arrive $0xFFFF  }
0x369: {  	_ =	shalt  }

// kernel: sparse-core-data-format-call.cloned.1.call-start
scs
called_computation.2_lowered:
.L_overlay_start_0:
0x0: {  	s1 =	sld [smem:$0x3FD9]  }
0x1: {  	s2 =	sld [smem:$0x3FFE];
	_ =	sdelay $0x1  }
0x2: {  	s3 =	srdreg.scid  }
0x3: {  	s0 =	sand.u32 $0x1, s3  }
0x4: {  	s17 =	sshll.u32 s0, $0xA;
	s1 =	sadd.s32 s2, s1  }
0x5: {  	s1 =	sadd.s32 s1, s17  }
0x6: {  	[smem:$0x3FBE] =	sst s1  }
0x7: {  	_ = 	snop  }
0x8: {  	(tm) =	ssettm $0x1  }
0x9: {  	s18 =	sld [smem:$0x3FFB];
	_ =	sdelay $0x3  }
0xa: {  	_ =	strace s18  }
0xb: {  	s1 =	sld [smem:$0x3FFC];
	_ =	sdelay $0x3  }
0xc: {  	_ =	strace s1  }
0xd: {  	s1 =	sld [smem:$0x3FFD];
	_ =	sdelay $0x3  }
0xe: {  	_ =	strace s1  }
0xf: {  	_ =	strace $0x8FFFFFFF  }
0x10: {  	s19 =	sld [smem:$0x3FDB];
	_ =	sdelay $0x1  }
0x11: {  	s20 =	simm.s32 $_scs_section_size  }
0x12: {  	s4 =	simm.s32 $_size__tile_overlayer_lowered;
	s5 =	simm.s32 $_tile_overlayer_lowered  }
0x13: {  	s23 =	simm.s32 $0x1BFF;
	s22 =	sshll.u32 s5, $0x1;
	s1 =	sadd.s32 s20, s19  }
0x14: {  	s6 =	simm.s32 $0x0;
	s21 =	sshll.u32 s4, $0x1;
	s4 =	sadd.s32 s22, s1  }
0x15: {  	[timem:s6], [sflag:s23] =	dma.local [hbm:s4], s21  }
0x16: {  	_ =	swait.ge [sflag:s23], s21  }
0x17: {  	s2 =	ssub.s32 $0x0, s21;
	[sflag:s23] =	ssyncset.done $0x0  }
0x18: {  	[sflag:s23] =	ssyncadd.s32 s2;
	_ =	sdelay $0x1  }
0x19: {  	s24 =	simm.s32 $0x1B8B  }
0x1a: {  	_ =	swait.ge [sflag:s24], $0x1  }
0x1b: {  	[sflag:s24] =	ssyncset.done $0x0  }
0x1c: {  	s26 =	simm.s32 $0x1B8E;
	s25 =	sld [smem:$0x3FFE];
	[sflag:s24] =	ssyncadd.s32 $0xFFFFFFFF  }
0x1d: {  	s27 =	simm.s32 $execute0_lowered;
	[smem:$0x3FD2] =	sst s26  }
0x1e: {  	s4 =	sshll.u32 s27, $0x1;
	_ =	strace $0x80000049;
	[dreg:$0x1] =	wrdreg $0xFFFFFFFF  }
0x1f: {  	s28 =	simm.s32 $_size_execute0_lowered;
	s1 =	sadd.s32 s1, s4;
	[dreg:$0x0] =	wrdreg $0x0  }
0x20: {  	s4 =	sshll.u32 s28, $0x1;
	[dreg:$0x2] =	wrdreg s1  }
0x21: {  	[dreg:$0x3] =	wrdreg s4  }
0x22: {  	[dreg:$0x4] =	wrdreg $0xC0  }
0x23: {  	_ =	task [dreg:s6], $0x5FFFF  }
0x24: {  	[dreg:$0x1] =	wrdreg $0xFFFFFFFF  }
0x25: {  	[dreg:$0x0] =	wrdreg $0x60  }
0x26: {  	[dreg:$0x2] =	wrdreg s25  }
0x27: {  	[dreg:$0x3] =	wrdreg $0xA  }
0x28: {  	_ =	task.clear_ibuf [dreg:s6], $0x4FFFF;
	_ =	strace $0x90000049  }
0x29: {  	s29 =	simm.s32 $0xA;
	_ =	strace $0x8000004B  }
0x2a: {  	_ =	swait.ge [sflag:s29], $0x1  }
0x2b: {  	[sflag:s29] =	ssyncadd.s32 $0xFFFFFFFF  }
0x2c: {  	_ =	strace $0x9000004B  }
0x2d: {  	_ =	sfence  }
0x2e: {  	s30 =	sld [smem:$0x0];
	_ =	sdelay $0x2  }
0x2f: {  	s31 =	sshll.u32 s3, $0xD;
	s3 =	sshrl.u32 s3, $0x2  }
0x30: {  	s2 =	sand.u32 $0x4000, s31;
	s1 =	sadd.s32 s3, s30  }
0x31: {  	s0 =	sor.u32 s2, s0;
	s1 =	sshll.u32 s1, $0x11  }
0x32: {  	s0 =	sor.u32 s1, s0  }
0x33: {  	s0 =	sadd.s32 $0x8F2B, s0  }
0x34: {  	[sflag:s0] =	ssyncadd.remote.s32 $0x1  }
0x35: {  	_ =	sfence.sel $0xFFFF  }
0x36: {  	[dreg:$0x0] =	wrdreg $0xFFFFFFFF;
	(pc) =	sbr.abs _section_cstart, $3  }
0x37: {  	[dreg:$0x1] =	wrdreg $0xFFFFFFFF  }
0x38: {  	_ =	task.clear_ibuf [dreg:s6], $0x2FFFF;
	_ =	strace $0x9FFFFFFF  }
0x39: {  	(tm) =	ssettm $0x7FFFFFFF  }
tec
execute0_lowered:
.L_overlay_start_1:
0x0: {  	(tag) =	ssettag $0x1  }
0x1: {  	s0 =	stileid.u32  }
0x2: {  	s1 =	srdreg.scid;
	s7 =	rddreg [dreg:$0x0]  }
0x3: {  	s31 =	simm.s32 $0x2;
	s14 =	simm.s32 $0x0;
	s13 =	simm.s32 $0x0  }
0x4: {  	s2 =	sshll.u32 s0, $0x6;
	s1 =	sshll.u32 s1, $0xA;
	s3 =	sshll.u32 s0, $0x7  }
0x5: {  	s12 =	simm.s32 $0x0;
	s1 =	sor.u32 s2, s1;
	s2 =	sand.u32 $0x80, s3  }
0x6: {  	s3 =	sand.u32 $0x780, s1;
	s1 =	rddreg [dreg:$0x1];
	s4 =	ssub.s32 $0x100, s2  }
0x7: {  	_ =	strace $0x8000004A;
	s11 =	smov.u32 s2;
	s5 =	ssub.s32 $0x27100, s3  }
0x8: {  	s6 =	sshrl.u32 s4, $0x8;
	s4 =	sshrl.u32 s4, $0x7;
	s8 =	sand.u32 $0x780, s5  }
0x9: {  	s9 =	sand.u32 $0x1, s4;
	p0 =	sne.s32 s8, $0x0;
	s8 =	simm.s32 $0x1  }
.Ltmp0:
0xa: {  	s5 =	sshrl.u32 s5, $0xB;
	s8 =	simm.s32 @!p0 $0x0;
	(pc) =	sbr.rel .LBB1_1-.Ltmp0, $4  }
0xb: {  	s4 =	simm.s32 $0x1;
	s6 =	sadd.s32 s6, s9;
	s5 =	sadd.s32 s8, s5  }
0xc: {  	s10 =	smov.u32 s3;
	[sflag:s4] =	ssyncpa.u1 $0x0;
	s5 =	smul.u32 s6, s5  }
0xd: {  	s9 =	simm.s32 $0x800;
	[sflag:s31] =	ssyncpa.u1 $0x0;
	p0 =	por $0x0, $0x0  }
0xe: {  	s6 =	sadd.s32 $0x56C000, s7;
	s7 =	sadd.s32 $0xA4E000, s7;
	s8 =	sadd.s32 $0x1, s5  }
.LBB1_4:
0xf: {  	s20 =	sshll.u32 s14, $0x8;
	s21 =	sshll.u32 s13, $0x3  }
0x10: {  	v5 =	vld [tilespmem:s18+$0xFFFFFFD0];
	[tilespmem:s17+$0x2040 ss:$0x81] =	vst.msk $0xffff, v4;
	s25 =	sshll.u32 s14, $0x7;
	s20 =	sand.u32 $0xFFFFF800, s20;
	s21 =	sand.u32 $0xFFFFFC00, s21  }
0x11: {  	v58 =	vld [tilespmem:s18+$0xFFFFFFE0];
	[tilespmem:s17+$0x2850 ss:$0x81] =	vst.msk $0xffff, v3;
	s26 =	sand.u32 $0x300, s25;
	s20 =	sadd.s32 s21, s20  }
0x12: {  	s19 =	sshra.s32 s19, $0x2;
	v59 =	vld [tilespmem:s18+$0xFFFFFFF0];
	[tilespmem:s17+$0x3060 ss:$0x81] =	vst.msk $0xffff, v2;
	s20 =	sor.u32 s26, s20  }
0x13: {  	v60 =	vld [tilespmem:s18+$0x0];
	[tilespmem:s17+$0x0 ss:$0x81] =	vst.msk $0xffff, v0;
	s16 =	sadd.s32 s19, s16;
	s27 =	sshrl.u32 s20, $0x8  }
0x14: {  	v61 =	vld [tilespmem:s18+$0x10];
	[tilespmem:s16+$0x3870 ss:$0x81] =	vst.msk $0xffff, v1;
	s28 =	smulhi.u32 $0x1A36E3, s27  }
0x15: {  	v62 =	vld [tilespmem:s18+$0x20];
	[tilespmem:s16+$0x810 ss:$0x81] =	vst.msk $0xffff, v5  }
0x16: {  	v63 =	vld [tilespmem:s18+$0xFFFFFFC0];
	[tilespmem:s16+$0x1020 ss:$0x81] =	vst.msk $0xffff, v58;
	s29 =	sshrl.u32 s28, $0x6  }
0x17: {  	s30 =	sand.u32 $0x78, s13;
	s14 =	sand.u32 $0x80, s25;
	[tilespmem:s16+$0x1830 ss:$0x81] =	vst.msk $0xffff, v59;
	s18 =	smul.u32 $0x27100, s29  }
0x18: {  	s14 =	sor.u32 s30, s14;
	[tilespmem:s16+$0x2040 ss:$0x81] =	vst.msk $0xffff, v60  }
0x19: {  	s31 =	sand.u32 $0x7, s13;
	s14 =	sshrl.u32 s14, $0x3;
	[tilespmem:s16+$0x2850 ss:$0x81] =	vst.msk $0xffff, v61;
	s17 =	ssub.s32 s27, s18  }
0x1a: {  	s13 =	sshll.u32 s31, $0x12;
	s14 =	sadd.s32 s7, s14;
	[tilespmem:s16+$0x3060 ss:$0x81] =	vst.msk $0xffff, v62;
	s17 =	sshll.u32 s17, $0x5  }
0x1b: {  	s13 =	sor.u32 $0x400, s13;
	[tilespmem:s16+$0x0 ss:$0x81] =	vst.msk $0xffff, v63;
	s14 =	sadd.s32 s17, s14  }
0x1c: {  	[hbm4b:s14+s13] =	stream.strided.scatter [tilespmem:s15], [sflag:$0x2], $0x4000, s9, s13, $0x20;
	[tilespmem:$0x10100] =	vst v63  }
.LBB1_5:
0x1d: {  	s15 =	sadd.s32 $0x800, s10  }
0x1e: {  	s13 =	sadd.s32 $0x100, s11;
	s17 =	smov.u32 s11;
	p2 =	sgt.s32 s15, $0x270FF  }
0x1f: {  	s17 =	smov.u32 @p2 s13  }
0x20: {  	s15 =	smov.u32 @p2 s3;
	p2 =	sgt.s32 s17, $0xFF  }
0x21: {  	s17 =	smov.u32 @p2 s2;
	p2 =	sne.s32 s12, s8  }
.Ltmp1:
0x22: {  	p1 =	slt.u32 s12, $0x2;
	(pc) =	sbr.rel @!p2 .LBB1_6-.Ltmp1, $4  }
0x23: {  	s16 =	simm.s32 @!p1 $0x2  }
0x24: {  	s14 =	smov.u32 s10;
	p0 =	por !p0, !p0;
	_ =	swait.ge @!p1 [sflag:s16], $0x4000  }
0x25: {  	s13 =	smov.u32 s11;
	[sflag:s16] =	ssyncset.done @!p1 $0x0;
	s10 =	smov.u32 s15  }
0x26: {  	s12 =	sadd.s32 $0x1, s12;
	[sflag:s16] =	ssyncadd.s32 @!p1 $0xFFFFC000;
	s11 =	smov.u32 s17  }
.LBB1_1:
0x27: {  	p1 =	sge.u32 s12, s5  }
0x28: {  	s15 =	sshrl.u32 @!p1 s11, $0x3  }
0x29: {  	s16 =	sshll.u32 @!p1 s10, $0x3;
	s15 =	smul.u32 @!p1 $0x138800, s15  }
0x2a: {  	s17 =	sshll.u32 @!p1 s11, $0x7;
	s16 =	sand.u32 @!p1 $0xFFFFFC00, s16  }
0x2b: {  	s15 =	sadd.s32 @!p1 s15, s16;
	s16 =	sand.u32 @!p1 $0x380, s17  }
0x2c: {  	s17 =	sand.u32 @!p1 $0x7F, s10;
	s15 =	sor.u32 @!p1 s16, s15  }
0x2d: {  	s16 =	sor.u32 @!p1 s17, s15  }
0x2e: {  	s17 =	smulhi.u32 @!p1 $0xD1B71759, s16;
	_ =	sdelay $0x1  }
0x2f: {  	s15 =	smulhi.u32 @!p1 $0xD1B71759, s15;
	s17 =	sshrl.u32 @!p1 s17, $0x11  }
0x30: {  	s17 =	smul.u32 @!p1 $0x27100, s17  }
0x31: {  	s31 =	sadd.s32 $0xFFFFFFFF, s12;
	s18 =	sxor.u32 @!p1 $0xFFFFFFFF, s12;
	s15 =	sshrl.u32 @!p1 s15, $0x11  }
0x32: {  	s18 =	sshll.u32 @!p1 s18, $0xE;
	s15 =	sand.u32 @!p1 $0xFF, s15;
	s16 =	ssub.s32 @!p1 s16, s17  }
0x33: {  	s15 =	smul.u32 @!p1 $0x4E20, s15;
	s17 =	sshrl.u32 @!p1 s16, $0x3;
	s16 =	sand.u32 @!p1 $0x7, s16  }
0x34: {  	s18 =	sand.u32 @!p1 $0x4000, s18;
	s17 =	sadd.s32 @!p1 s6, s17;
	s16 =	sshll.u32 @!p1 s16, $0x12  }
0x35: {  	s15 =	sadd.s32 @!p1 s15, s17;
	s16 =	sor.u32 @!p1 $0x400, s16;
	s17 =	simm.s32 @!p1 $0x138800  }
0x36: {  	[tilespmem:s18], [sflag:$0x1] =	stream.strided.gather @!p1 [hbm4b:s15+s16], $0x4000, s17, s16, $0x38;
	[tilespmem:$0x10100] =	vst v63  }
0x37: {  	p1 =	sge.u32 s31, s5  }
.Ltmp2:
0x38: {  	_ = 	snop;
	(pc) =	sbr.rel @p1 .LBB1_5-.Ltmp2, $1  }
0x39: {  	_ =	sdelay $0x3  }
0x3a: {  	s15 =	simm.s32 $0x1  }
0x3b: {  	_ =	swait.ge [sflag:s4], $0x4000;
	s15 =	simm.s32 @!p0 $0x0  }
0x3c: {  	[sflag:s4] =	ssyncset.done $0x0;
	s16 =	sshll.u32 s15, $0xE  }
0x3d: {  	[sflag:s4] =	ssyncadd.s32 $0xFFFFC000;
	s18 =	sor.u32 $0x40, s16  }
0x3e: {  	s15 =	smul.u32 $0x10200, s15;
	v0 =	vld [tilespmem:s18+$0x30]  }
0x3f: {  	v1 =	vld [tilespmem:s18+$0xFFFFFFD0]  }
0x40: {  	s15 =	sshrl.u32 s15, $0x2;
	v5 =	vld [tilespmem:s18+$0xFFFFFFE0]  }
0x41: {  	v6 =	vld [tilespmem:s18+$0xFFFFFFF0];
	s16 =	sor.u32 $0x8000, s15  }
0x42: {  	s31 =	sand.u32 $0x1, s12;
	v4 =	vld [tilespmem:s18+$0x0];
	s17 =	sadd.s32 $0x0, s16  }
0x43: {  	v3 =	vld [tilespmem:s18+$0x10];
	s15 =	smul.u32 $0x10200, s31;
	[tilespmem:s17+$0x3870 ss:$0x81] =	vst.msk $0xffff, v0  }
0x44: {  	v2 =	vld [tilespmem:s18+$0x20];
	[tilespmem:s17+$0x810 ss:$0x81] =	vst.msk $0xffff, v1  }
0x45: {  	s15 =	sshrl.u32 s15, $0x2;
	v0 =	vld [tilespmem:s18+$0xFFFFFFC0];
	[tilespmem:s17+$0x1020 ss:$0x81] =	vst.msk $0xffff, v5;
	s18 =	sadd.s32 $0x80, s18  }
0x46: {  	s19 =	simm.s32 $0x4;
	s20 =	simm.s32 $0x8;
	s15 =	sor.u32 $0x8000, s15;
	[tilespmem:s17+$0x1830 ss:$0x81] =	vst.msk $0xffff, v6;
	v1 =	vld [tilespmem:s18+$0x30]  }
.LBB1_3:
0x47: {  	p1 =	sne.s32 s20, $0x1FC;
	v5 =	vld [tilespmem:s18+$0xFFFFFFD0];
	[tilespmem:s17+$0x2040 ss:$0x81] =	vst.msk $0xffff, v4  }
0x48: {  	v6 =	vld [tilespmem:s18+$0xFFFFFFE0];
	[tilespmem:s17+$0x2850 ss:$0x81] =	vst.msk $0xffff, v3  }
0x49: {  	s21 =	sshra.s32 s19, $0x2;
	s19 =	smov.u32 s20;
	v7 =	vld [tilespmem:s18+$0xFFFFFFF0];
	[tilespmem:s17+$0x3060 ss:$0x81] =	vst.msk $0xffff, v2  }
.Ltmp3:
0x4a: {  	v4 =	vld [tilespmem:s18+$0x0];
	[tilespmem:s17+$0x0 ss:$0x81] =	vst.msk $0xffff, v0;
	s17 =	sadd.s32 s21, s16;
	(pc) =	sbr.rel @p1 .LBB1_3-.Ltmp3, $4  }
0x4b: {  	v3 =	vld [tilespmem:s18+$0x10];
	[tilespmem:s17+$0x3870 ss:$0x81] =	vst.msk $0xffff, v1  }
0x4c: {  	[tilespmem:s17+$0x810 ss:$0x81] =	vst.msk $0xffff, v5;
	v2 =	vld [tilespmem:s18+$0x20]  }
0x4d: {  	v0 =	vld [tilespmem:s18+$0xFFFFFFC0];
	[tilespmem:s17+$0x1020 ss:$0x81] =	vst.msk $0xffff, v6;
	s18 =	sadd.s32 $0x80, s18  }
0x4e: {  	s20 =	sadd.s32 $0x4, s20;
	v1 =	vld [tilespmem:s18+$0x30];
	[tilespmem:s17+$0x1830 ss:$0x81] =	vst.msk $0xffff, v7  }
.Ltmp4:
0x4f: {  	_ = 	snop;
	(pc) =	sbr.rel .LBB1_4-.Ltmp4, $1  }
0x50: {  	_ =	sdelay $0x3  }
.LBB1_6:
0x51: {  	_ =	sfence.sel $0x180000  }
0x52: {  	s2 =	simm.s32 $0x1;
	[bflag:$0x0] =	sbarrier.arrive $0xFFFF  }
0x53: {  	s31 =	simm.s32 $0x2;
	[sflag:s2] =	ssyncpa.u1 $0x1  }
0x54: {  	[sflag:s31] =	ssyncpa.u1 $0x1  }
0x55: {  	p0 =	sne.s32 s0, $0x0;
	_ =	strace $0x9000004A  }
0x56: {  	s0 =	sadd.s32 @!p0 $0x100000, s1;
	[bflag:$0x2] =	sbarrier.arrive $0xFFFF  }
0x57: {  	[sflag:s0] =	ssyncadd.tile.s32 @!p0 $0x1;
	_ =	shalt  }
.Lfunc_end1:
_tile_overlayer_lowered:
.L_overlay_start_2:
0x58: {  	(tag) =	ssettag $0x2  }
0x59: {  	s0 =	rddreg [dreg:$0x0];
	s2 =	stileid.u32  }
0x5a: {  	s1 =	rddreg [dreg:$0x1];
	p0 =	sne.s32 s2, $0x0  }
0x5b: {  	s3 =	rddreg [dreg:$0x2];
	[bflag:$0x3] =	sbarrier.arrive $0xFFFF;
	s2 =	simm.s32 @!p0 $0x1C01  }
0x5c: {  	[timem:s3], [sflag:s2] =	dma.local @!p0 [hbm:s0], s1  }
0x5d: {  	s0 =	simm.s32 @!p0 $0x1  }
0x5e: {  	_ =	swait.ge @!p0 [sflag:s0], s1  }
0x5f: {  	s1 =	ssub.s32 @!p0 $0x0, s1;
	[sflag:s0] =	ssyncset.done @!p0 $0x0  }
0x60: {  	[sflag:s0] =	ssyncadd.s32 @!p0 s1  }
0x61: {  	[bflag:$0x3] =	sbarrier.arrive $0xFFFF  }
0x62: {  	_ =	shalt  }

</sc_bundles>
